<compile_context>
chip_gen: v7x
topology: tpu7x:2x2x1
jax: 0.10.2.dev20260603
libtpu: 0.0.44.dev20260713+nightly
codegen_flags: <defaults>
</compile_context>

<pallas_src>
import functools

import jax
import jax.numpy as jnp
from jax import lax
from jax.experimental import pallas as pl
from jax.experimental.pallas import tpu as pltpu
from jax.experimental.pallas import tpu_sc as plsc

_NUM_CODES = 8192
_D = 1024
_ROWS = 16384
_MT = 16
_TM = _ROWS // _MT

_NW = 32
_BPW = _ROWS // _NW
_CH = 32
_NCH = _BPW // _CH


def _sc_gather_body(w_hbm, idx_hbm, x_hbm, q_hbm, cnt_hbm, mse_hbm,
                    idx_v, rows0_v, rows1_v, x_v, cnt_v, mse_v,
                    sem0, sem1, semx):
    wid = lax.axis_index("s") * 2 + lax.axis_index("c")
    base = wid * _BPW
    pltpu.sync_copy(idx_hbm.at[pl.ds(base, _BPW)], idx_v)

    rows = (rows0_v, rows1_v)
    sems = (sem0, sem1)

    def _start(ci, b):
        return pltpu.async_copy(
            w_hbm.at[idx_v.at[pl.ds(ci * _CH, _CH)]], rows[b], sems[b])

    cp0 = _start(0, 0)
    cpx = pltpu.async_copy(x_hbm.at[pl.ds(base, _CH)], x_v, semx)

    def zbody(i, c):
        cnt_v[pl.ds(i * 16, 16)] = jnp.zeros((16,), jnp.float32)
        return c
    lax.fori_loop(0, _NUM_CODES // 16, zbody, 0)

    ones = jnp.ones((16,), jnp.float32)

    def cbody(i, c):
        iv = idx_v[pl.ds(i * 16, 16)]
        plsc.addupdate_scatter(cnt_v, [iv], ones)
        return c
    lax.fori_loop(0, _BPW // 16, cbody, 0)

    cp0.wait()
    acc = jnp.zeros((16,), jnp.float32)
    for ci in range(_NCH):
        b = ci % 2
        if ci + 1 < _NCH:
            nxt = _start(ci + 1, 1 - b)
        pltpu.sync_copy(rows[b], q_hbm.at[pl.ds(base + ci * _CH, _CH)])
        cpx.wait()

        def mbody(r, a):
            def ibody(i, a2):
                dv = (rows[b][r, pl.ds(i * 128, 16)]
                      - x_v[r, pl.ds(i * 128, 16)])
                a3 = a2 + dv * dv
                for u in range(1, 8):
                    dv2 = (rows[b][r, pl.ds(i * 128 + u * 16, 16)]
                           - x_v[r, pl.ds(i * 128 + u * 16, 16)])
                    a3 = a3 + dv2 * dv2
                return a3
            return lax.fori_loop(0, _D // 128, ibody, a)
        acc = lax.fori_loop(0, _CH, mbody, acc)
        if ci + 1 < _NCH:
            cpx = pltpu.async_copy(
                x_hbm.at[pl.ds(base + (ci + 1) * _CH, _CH)], x_v, semx)
            nxt.wait()

    mse_v[...] = acc
    pltpu.sync_copy(mse_v, mse_hbm.at[wid])
    pltpu.sync_copy(cnt_v, cnt_hbm.at[wid])


def _gather_counts(W, idx, x):
    mesh = plsc.VectorSubcoreMesh(core_axis_name="c", subcore_axis_name="s")
    fn = functools.partial(
        pl.kernel,
        mesh=mesh,
        out_type=[
            jax.ShapeDtypeStruct((_ROWS, _D), jnp.float32),
            jax.ShapeDtypeStruct((_NW, _NUM_CODES), jnp.float32),
            jax.ShapeDtypeStruct((_NW, 16), jnp.float32),
        ],
        scratch_types=[
            pltpu.VMEM((_BPW,), jnp.int32),
            pltpu.VMEM((_CH, _D), jnp.float32),
            pltpu.VMEM((_CH, _D), jnp.float32),
            pltpu.VMEM((_CH, _D), jnp.float32),
            pltpu.VMEM((_NUM_CODES,), jnp.float32),
            pltpu.VMEM((16,), jnp.float32),
            pltpu.SemaphoreType.DMA,
            pltpu.SemaphoreType.DMA,
            pltpu.SemaphoreType.DMA,
        ],
        compiler_params=pltpu.CompilerParams(needs_layout_passes=False),
    )(_sc_gather_body)
    return fn(W, idx, x)


def _losses_body(mse_ref, cnt_ref, vq_ref, perp_ref):
    cnt = jnp.sum(cnt_ref[...], axis=0, keepdims=True)
    p = cnt / float(_ROWS)
    ent = -jnp.sum(p * jnp.log(p + 1e-10))
    perp_ref[0, 0] = jnp.exp(ent)
    mse = jnp.sum(mse_ref[...]) / float(_ROWS * _D)
    vq_ref[0, 0] = mse + 0.25 * mse


def _losses(mse_parts, counts):
    return pl.pallas_call(
        _losses_body,
        in_specs=[
            pl.BlockSpec(memory_space=pltpu.VMEM),
            pl.BlockSpec(memory_space=pltpu.VMEM),
        ],
        out_specs=[
            pl.BlockSpec(memory_space=pltpu.SMEM),
            pl.BlockSpec(memory_space=pltpu.SMEM),
        ],
        out_shape=[
            jax.ShapeDtypeStruct((1, 1), jnp.float32),
            jax.ShapeDtypeStruct((1, 1), jnp.float32),
        ],
    )(mse_parts, counts)


def _l2_normalize(x, axis):
    n = jnp.linalg.norm(x, axis=axis, keepdims=True)
    return x / jnp.maximum(n, 1e-12)


def kernel(inputs, W):
    B, N, D = inputs.shape
    x = inputs.reshape(-1, D)
    flat_input_norm = _l2_normalize(x, axis=1)
    codebook_norm = _l2_normalize(W, axis=1)
    distances = -jnp.matmul(flat_input_norm, codebook_norm.T)
    idx = jnp.argmin(distances, axis=1)
    q, counts, mse_parts = _gather_counts(W, idx, x)
    vq, perp = _losses(mse_parts, counts)
    return (q.reshape(B, N, D), vq[0, 0], perp[0, 0])

# --- scband reference (transcript-rebuilt; emitter-appended) ---
"""Pipeline reference for scband-semantic-spatial-vq-7335804141733 (READ-ONLY COPY).

The authoritative reference and input builder live on the scoring server;
editing this copy changes nothing except your own understanding.
"""

import jax, jax.numpy as jnp
import numpy as np

NUM_CODES = 8192
EMBED_DIM = 1024
COMMITMENT_COST = 0.25

def setup_inputs(seed: int = 0) -> dict:
    key = jax.random.key(seed)
    k1, k2 = jax.random.split(key)
    inputs = jax.random.normal(k1, (16, 1024, EMBED_DIM), dtype=jnp.float32)
    W = jax.random.normal(k2, (NUM_CODES, EMBED_DIM), dtype=jnp.float32)
    return {"inputs": inputs, "W": W}

def _l2_normalize(x, axis):
    n = jnp.linalg.norm(x, axis=axis, keepdims=True)
    return x / jnp.maximum(n, 1e-12)

def reference(inputs, W):
    B, N, D = inputs.shape
    flat_input = inputs.reshape(-1, D)
    flat_input_norm = _l2_normalize(flat_input, axis=1)
    codebook_norm = _l2_normalize(W, axis=1)
    distances = -jnp.matmul(flat_input_norm, codebook_norm.T)
    encoding_indices = jnp.argmin(distances, axis=1)
    encodings = jax.nn.one_hot(encoding_indices, NUM_CODES, dtype=inputs.dtype)
    quantized = jnp.matmul(encodings, W).reshape(B, N, D)
    e_latent_loss = jnp.mean((jax.lax.stop_gradient(quantized) - inputs) ** 2)
    q_latent_loss = jnp.mean((quantized - jax.lax.stop_gradient(inputs)) ** 2)
    vq_loss = q_latent_loss + COMMITMENT_COST * e_latent_loss
    quantized_st = inputs + jax.lax.stop_gradient(quantized - inputs)
    avg_probs = jnp.mean(encodings, axis=0)
    perplexity = jnp.exp(-jnp.sum(avg_probs * jnp.log(avg_probs + 1e-10)))
    return (quantized_st, vq_loss, perplexity)

if __name__ == "__main__":
    import jax
    _d = setup_inputs()
    print(jax.jit(kernel)(*tuple(_d.values())))

</pallas_src>

<mosaic_0001>
#map = affine_map<(d0, d1) -> (0, 0)>
#map1 = affine_map<(d0, d1) -> (0)>
module attributes {stable_mosaic.version = 14 : i64} {
  func.func @_sc_gather_body(%arg0: i32, %arg1: i32, %arg2: memref<8192x1024xf32, #tpu.memory_space<hbm>>, %arg3: memref<16384xi32, #tpu.memory_space<hbm>>, %arg4: memref<16384x1024xf32, #tpu.memory_space<hbm>>, %arg5: memref<16384x1024xf32, #tpu.memory_space<hbm>>, %arg6: memref<32x8192xf32, #tpu.memory_space<hbm>>, %arg7: memref<32x16xf32, #tpu.memory_space<hbm>>, %arg8: memref<512xi32, #tpu.memory_space<vmem>>, %arg9: memref<32x1024xf32, #tpu.memory_space<vmem>>, %arg10: memref<32x1024xf32, #tpu.memory_space<vmem>>, %arg11: memref<32x1024xf32, #tpu.memory_space<vmem>>, %arg12: memref<8192xf32, #tpu.memory_space<vmem>>, %arg13: memref<16xf32, #tpu.memory_space<vmem>>, %arg14: memref<!tpu.dma_semaphore, #tpu.memory_space<semaphore_mem>>, %arg15: memref<!tpu.dma_semaphore, #tpu.memory_space<semaphore_mem>>, %arg16: memref<!tpu.dma_semaphore, #tpu.memory_space<semaphore_mem>>) attributes {dimension_semantics = [#tpu.dimension_semantics<core_parallel>, #tpu.dimension_semantics<subcore_parallel>], iteration_bounds = array<i64: 2, 16>, scalar_prefetch = 0 : i64, scratch_operands = 9 : i64, tpu.core_type = #tpu.core_type<sc_vector_subcore>, window_params = [{transform_indices = #map}, {transform_indices = #map1}, {transform_indices = #map}, {transform_indices = #map}, {transform_indices = #map}, {transform_indices = #map}]} {
    %mul3A = arith.constant 2 : i32
    %mul3A_0 = arith.muli %arg1, %mul3A : i32
    %add3A = arith.addi %mul3A_0, %arg0 : i32
    %mul3A_1 = arith.constant 512 : i32
    %mul3A_2 = arith.muli %add3A, %mul3A_1 : i32
    "tpu.region"() ({
      %run_scoped3A = tpu.sem_alloc : memref<!tpu.dma_semaphore, #tpu.memory_space<semaphore_mem>>
      %dma_start3A_462 = tpu.memref_slice %arg3[%mul3A_2] : memref<16384xi32, #tpu.memory_space<hbm>> -> memref<512xi32, #tpu.memory_space<hbm>>
      %dma_start3A_463 = tpu.memref_slice %arg3[%mul3A_2] : memref<16384xi32, #tpu.memory_space<hbm>> -> memref<512xi32, #tpu.memory_space<hbm>>
      tpu.enqueue_dma source(%dma_start3A_463 : memref<512xi32, #tpu.memory_space<hbm>>) target(%arg8 : memref<512xi32, #tpu.memory_space<vmem>>) target_semaphore(%run_scoped3A : memref<!tpu.dma_semaphore, #tpu.memory_space<semaphore_mem>>)
      %dma_wait3A_464 = tpu.memref_slice %arg3[%mul3A_2] : memref<16384xi32, #tpu.memory_space<hbm>> -> memref<512xi32, #tpu.memory_space<hbm>>
      %dma_wait3A_465 = tpu.memref_slice %arg3[%mul3A_2] : memref<16384xi32, #tpu.memory_space<hbm>> -> memref<512xi32, #tpu.memory_space<hbm>>
      tpu.wait_dma2 semaphore(%run_scoped3A : memref<!tpu.dma_semaphore, #tpu.memory_space<semaphore_mem>>) src(%dma_wait3A_465 : memref<512xi32, #tpu.memory_space<hbm>>) dst(%arg8 : memref<512xi32, #tpu.memory_space<vmem>>)
      tpu.yield
    }) : () -> ()
    %dma_start3A = arith.constant 0 : i32
    %dma_start3A_3 = tpu.memref_slice %arg8[%dma_start3A] : memref<512xi32, #tpu.memory_space<vmem>> -> memref<32xi32, #tpu.memory_space<vmem>>
    %dma_start3A_4 = arith.constant 0 : i32
    %dma_start3A_5 = arith.constant 0 : i32
    %dma_start3A_6 = tpu.memref_slice %arg2[%dma_start3A_4, %dma_start3A_5] : memref<8192x1024xf32, #tpu.memory_space<hbm>> -> memref<8192x1024xf32, #tpu.memory_space<hbm>>
    tpu.enqueue_indirect_dma source(%dma_start3A_6 : memref<8192x1024xf32, #tpu.memory_space<hbm>>) target(%arg9 : memref<32x1024xf32, #tpu.memory_space<vmem>>) offsets(%dma_start3A_3 : memref<32xi32, #tpu.memory_space<vmem>>) semaphore(%arg14 : memref<!tpu.dma_semaphore, #tpu.memory_space<semaphore_mem>>)
    %dma_start3A_7 = arith.constant 0 : i32
    %dma_start3A_8 = tpu.memref_slice %arg4[%mul3A_2, %dma_start3A_7] : memref<16384x1024xf32, #tpu.memory_space<hbm>> -> memref<32x1024xf32, #tpu.memory_space<hbm>>
    %dma_start3A_9 = arith.constant 0 : i32
    %dma_start3A_10 = tpu.memref_slice %arg4[%mul3A_2, %dma_start3A_9] : memref<16384x1024xf32, #tpu.memory_space<hbm>> -> memref<32x1024xf32, #tpu.memory_space<hbm>>
    tpu.enqueue_dma source(%dma_start3A_10 : memref<32x1024xf32, #tpu.memory_space<hbm>>) target(%arg11 : memref<32x1024xf32, #tpu.memory_space<vmem>>) target_semaphore(%arg16 : memref<!tpu.dma_semaphore, #tpu.memory_space<semaphore_mem>>)
    %scan3A = arith.constant 0 : i32
    %scan3A_11 = arith.constant 0 : i32
    %scan3A_12 = arith.constant 512 : i32
    %scan3A_13 = arith.addi %scan3A_11, %scan3A_12 : i32
    %scan3A_14 = arith.constant 1 : i32
    scf.for %scan3A_462 = %scan3A_11 to %scan3A_13 step %scan3A_14  : i32 {
      %broadcast_in_dim3A_463 = arith.constant 0.000000e+00 : f32
      %broadcast_in_dim3A_464 = vector.broadcast %broadcast_in_dim3A_463 : f32 to vector<16xf32>
      %mul3A_465 = arith.constant 16 : i32
      %mul3A_466 = arith.muli %scan3A_462, %mul3A_465 : i32
      %swap3A_467 = arith.index_cast %mul3A_466 : i32 to index
      %swap3A_468 = tpu.vector_load %arg12[%swap3A_467] {strides = array<i32>} : memref<8192xf32, #tpu.memory_space<vmem>>, vector<16xf32>,
      tpu.vector_store %arg12[%swap3A_467], %broadcast_in_dim3A_464 {strides = array<i32>} : memref<8192xf32, #tpu.memory_space<vmem>>, vector<16xf32>,
    }
    %scan3A_15 = arith.constant 512 : i32
    %broadcast_in_dim3A = arith.constant 1.000000e+00 : f32
    %broadcast_in_dim3A_16 = vector.broadcast %broadcast_in_dim3A : f32 to vector<16xf32>
    %scan3A_17 = arith.constant 0 : i32
    %scan3A_18 = arith.constant 0 : i32
    %scan3A_19 = arith.constant 32 : i32
    %scan3A_20 = arith.addi %scan3A_18, %scan3A_19 : i32
    %scan3A_21 = arith.constant 1 : i32
    scf.for %scan3A_462 = %scan3A_18 to %scan3A_20 step %scan3A_21  : i32 {
      %mul3A_463 = arith.constant 16 : i32
      %mul3A_464 = arith.muli %scan3A_462, %mul3A_463 : i32
      %get3A = arith.index_cast %mul3A_464 : i32 to index
      %get3A_465 = tpu.vector_load %arg8[%get3A] {strides = array<i32>} : memref<512xi32, #tpu.memory_space<vmem>>, vector<16xi32>,
      tpu.vector_store_idx %arg12[%get3A_465], %broadcast_in_dim3A_16 {add = true} : memref<8192xf32, #tpu.memory_space<vmem>>[vector<16xi32>], vector<16xf32>,
    }
    %scan3A_22 = arith.constant 32 : i32
    %dma_wait3A = arith.constant 0 : i32
    %dma_wait3A_23 = tpu.memref_slice %arg8[%dma_wait3A] : memref<512xi32, #tpu.memory_space<vmem>> -> memref<32xi32, #tpu.memory_space<vmem>>
    %dma_wait3A_24 = arith.constant 0 : i32
    %dma_wait3A_25 = arith.constant 0 : i32
    %dma_wait3A_26 = tpu.memref_slice %arg2[%dma_wait3A_24, %dma_wait3A_25] : memref<8192x1024xf32, #tpu.memory_space<hbm>> -> memref<8192x1024xf32, #tpu.memory_space<hbm>>
    tpu.wait_indirect_dma semaphore(%arg14 : memref<!tpu.dma_semaphore, #tpu.memory_space<semaphore_mem>>) src(%dma_wait3A_26 : memref<8192x1024xf32, #tpu.memory_space<hbm>>) dst(%arg9 : memref<32x1024xf32, #tpu.memory_space<vmem>>)
    %broadcast_in_dim3A_27 = arith.constant 0.000000e+00 : f32
    %broadcast_in_dim3A_28 = vector.broadcast %broadcast_in_dim3A_27 : f32 to vector<16xf32>
    %dma_start3A_29 = arith.constant 32 : i32
    %dma_start3A_30 = tpu.memref_slice %arg8[%dma_start3A_29] : memref<512xi32, #tpu.memory_space<vmem>> -> memref<32xi32, #tpu.memory_space<vmem>>
    %dma_start3A_31 = arith.constant 0 : i32
    %dma_start3A_32 = arith.constant 0 : i32
    %dma_start3A_33 = tpu.memref_slice %arg2[%dma_start3A_31, %dma_start3A_32] : memref<8192x1024xf32, #tpu.memory_space<hbm>> -> memref<8192x1024xf32, #tpu.memory_space<hbm>>
    tpu.enqueue_indirect_dma source(%dma_start3A_33 : memref<8192x1024xf32, #tpu.memory_space<hbm>>) target(%arg10 : memref<32x1024xf32, #tpu.memory_space<vmem>>) offsets(%dma_start3A_30 : memref<32xi32, #tpu.memory_space<vmem>>) semaphore(%arg15 : memref<!tpu.dma_semaphore, #tpu.memory_space<semaphore_mem>>)
    %add3A_34 = arith.constant 0 : i32
    %add3A_35 = arith.addi %mul3A_2, %add3A_34 : i32
    "tpu.region"() ({
      %run_scoped3A = tpu.sem_alloc : memref<!tpu.dma_semaphore, #tpu.memory_space<semaphore_mem>>
      %dma_start3A_462 = arith.constant 0 : i32
      %dma_start3A_463 = tpu.memref_slice %arg5[%add3A_35, %dma_start3A_462] : memref<16384x1024xf32, #tpu.memory_space<hbm>> -> memref<32x1024xf32, #tpu.memory_space<hbm>>
      %dma_start3A_464 = arith.constant 0 : i32
      %dma_start3A_465 = tpu.memref_slice %arg5[%add3A_35, %dma_start3A_464] : memref<16384x1024xf32, #tpu.memory_space<hbm>> -> memref<32x1024xf32, #tpu.memory_space<hbm>>
      tpu.enqueue_dma source(%arg9 : memref<32x1024xf32, #tpu.memory_space<vmem>>) target(%dma_start3A_465 : memref<32x1024xf32, #tpu.memory_space<hbm>>) target_semaphore(%run_scoped3A : memref<!tpu.dma_semaphore, #tpu.memory_space<semaphore_mem>>)
      %dma_wait3A_466 = arith.constant 0 : i32
      %dma_wait3A_467 = tpu.memref_slice %arg5[%add3A_35, %dma_wait3A_466] : memref<16384x1024xf32, #tpu.memory_space<hbm>> -> memref<32x1024xf32, #tpu.memory_space<hbm>>
      %dma_wait3A_468 = arith.constant 0 : i32
      %dma_wait3A_469 = tpu.memref_slice %arg5[%add3A_35, %dma_wait3A_468] : memref<16384x1024xf32, #tpu.memory_space<hbm>> -> memref<32x1024xf32, #tpu.memory_space<hbm>>
      tpu.wait_dma2 semaphore(%run_scoped3A : memref<!tpu.dma_semaphore, #tpu.memory_space<semaphore_mem>>) src(%arg9 : memref<32x1024xf32, #tpu.memory_space<vmem>>) dst(%dma_wait3A_469 : memref<32x1024xf32, #tpu.memory_space<hbm>>)
      tpu.yield
    }) : () -> ()
    %dma_wait3A_36 = arith.constant 0 : i32
    %dma_wait3A_37 = tpu.memref_slice %arg4[%mul3A_2, %dma_wait3A_36] : memref<16384x1024xf32, #tpu.memory_space<hbm>> -> memref<32x1024xf32, #tpu.memory_space<hbm>>
    %dma_wait3A_38 = arith.constant 0 : i32
    %dma_wait3A_39 = tpu.memref_slice %arg4[%mul3A_2, %dma_wait3A_38] : memref<16384x1024xf32, #tpu.memory_space<hbm>> -> memref<32x1024xf32, #tpu.memory_space<hbm>>
    tpu.wait_dma2 semaphore(%arg16 : memref<!tpu.dma_semaphore, #tpu.memory_space<semaphore_mem>>) src(%dma_wait3A_39 : memref<32x1024xf32, #tpu.memory_space<hbm>>) dst(%arg11 : memref<32x1024xf32, #tpu.memory_space<vmem>>)
    %scan3A_40 = arith.constant 0 : i32
    %scan3A_41 = arith.constant 32 : i32
    %scan3A_42 = arith.addi %scan3A_40, %scan3A_41 : i32
    %scan3A_43 = arith.constant 1 : i32
    %scan3A_44 = scf.for %scan3A_462 = %scan3A_40 to %scan3A_42 step %scan3A_43 iter_args(%scan3A_463 = %broadcast_in_dim3A_28) -> (vector<16xf32>)  : i32 {
      %scan3A_464 = arith.constant 0 : i32
      %scan3A_465 = arith.constant 8 : i32
      %scan3A_466 = arith.addi %scan3A_464, %scan3A_465 : i32
      %scan3A_467 = arith.constant 1 : i32
      %scan3A_468 = scf.for %scan3A_470 = %scan3A_464 to %scan3A_466 step %scan3A_467 iter_args(%scan3A_471 = %scan3A_463) -> (vector<16xf32>)  : i32 {
        %mul3A_472 = arith.constant 128 : i32
        %mul3A_473 = arith.muli %scan3A_470, %mul3A_472 : i32
        %get3A = arith.index_cast %scan3A_462 : i32 to index
        %get3A_474 = arith.index_cast %mul3A_473 : i32 to index
        %get3A_475 = tpu.vector_load %arg9[%get3A, %get3A_474] {strides = array<i32>} : memref<32x1024xf32, #tpu.memory_space<vmem>>, vector<16xf32>,
        %mul3A_476 = arith.constant 128 : i32
        %mul3A_477 = arith.muli %scan3A_470, %mul3A_476 : i32
        %get3A_478 = arith.index_cast %scan3A_462 : i32 to index
        %get3A_479 = arith.index_cast %mul3A_477 : i32 to index
        %get3A_480 = tpu.vector_load %arg11[%get3A_478, %get3A_479] {strides = array<i32>} : memref<32x1024xf32, #tpu.memory_space<vmem>>, vector<16xf32>,
        %sub3A = arith.subf %get3A_475, %get3A_480 : vector<16xf32>
        %mul3A_481 = arith.mulf %sub3A, %sub3A : vector<16xf32>
        %add3A_482 = arith.addf %scan3A_471, %mul3A_481 : vector<16xf32>
        %mul3A_483 = arith.constant 128 : i32
        %mul3A_484 = arith.muli %scan3A_470, %mul3A_483 : i32
        %add3A_485 = arith.constant 16 : i32
        %add3A_486 = arith.addi %mul3A_484, %add3A_485 : i32
        %get3A_487 = arith.index_cast %scan3A_462 : i32 to index
        %get3A_488 = arith.index_cast %add3A_486 : i32 to index
        %get3A_489 = tpu.vector_load %arg9[%get3A_487, %get3A_488] {strides = array<i32>} : memref<32x1024xf32, #tpu.memory_space<vmem>>, vector<16xf32>,
        %mul3A_490 = arith.constant 128 : i32
        %mul3A_491 = arith.muli %scan3A_470, %mul3A_490 : i32
        %add3A_492 = arith.constant 16 : i32
        %add3A_493 = arith.addi %mul3A_491, %add3A_492 : i32
        %get3A_494 = arith.index_cast %scan3A_462 : i32 to index
        %get3A_495 = arith.index_cast %add3A_493 : i32 to index
        %get3A_496 = tpu.vector_load %arg11[%get3A_494, %get3A_495] {strides = array<i32>} : memref<32x1024xf32, #tpu.memory_space<vmem>>, vector<16xf32>,
        %sub3A_497 = arith.subf %get3A_489, %get3A_496 : vector<16xf32>
        %mul3A_498 = arith.mulf %sub3A_497, %sub3A_497 : vector<16xf32>
        %add3A_499 = arith.addf %add3A_482, %mul3A_498 : vector<16xf32>
        %mul3A_500 = arith.constant 128 : i32
        %mul3A_501 = arith.muli %scan3A_470, %mul3A_500 : i32
        %add3A_502 = arith.constant 32 : i32
        %add3A_503 = arith.addi %mul3A_501, %add3A_502 : i32
        %get3A_504 = arith.index_cast %scan3A_462 : i32 to index
        %get3A_505 = arith.index_cast %add3A_503 : i32 to index
        %get3A_506 = tpu.vector_load %arg9[%get3A_504, %get3A_505] {strides = array<i32>} : memref<32x1024xf32, #tpu.memory_space<vmem>>, vector<16xf32>,
        %mul3A_507 = arith.constant 128 : i32
        %mul3A_508 = arith.muli %scan3A_470, %mul3A_507 : i32
        %add3A_509 = arith.constant 32 : i32
        %add3A_510 = arith.addi %mul3A_508, %add3A_509 : i32
        %get3A_511 = arith.index_cast %scan3A_462 : i32 to index
        %get3A_512 = arith.index_cast %add3A_510 : i32 to index
        %get3A_513 = tpu.vector_load %arg11[%get3A_511, %get3A_512] {strides = array<i32>} : memref<32x1024xf32, #tpu.memory_space<vmem>>, vector<16xf32>,
        %sub3A_514 = arith.subf %get3A_506, %get3A_513 : vector<16xf32>
        %mul3A_515 = arith.mulf %sub3A_514, %sub3A_514 : vector<16xf32>
        %add3A_516 = arith.addf %add3A_499, %mul3A_515 : vector<16xf32>
        %mul3A_517 = arith.constant 128 : i32
        %mul3A_518 = arith.muli %scan3A_470, %mul3A_517 : i32
        %add3A_519 = arith.constant 48 : i32
        %add3A_520 = arith.addi %mul3A_518, %add3A_519 : i32
        %get3A_521 = arith.index_cast %scan3A_462 : i32 to index
        %get3A_522 = arith.index_cast %add3A_520 : i32 to index
        %get3A_523 = tpu.vector_load %arg9[%get3A_521, %get3A_522] {strides = array<i32>} : memref<32x1024xf32, #tpu.memory_space<vmem>>, vector<16xf32>,
        %mul3A_524 = arith.constant 128 : i32
        %mul3A_525 = arith.muli %scan3A_470, %mul3A_524 : i32
        %add3A_526 = arith.constant 48 : i32
        %add3A_527 = arith.addi %mul3A_525, %add3A_526 : i32
        %get3A_528 = arith.index_cast %scan3A_462 : i32 to index
        %get3A_529 = arith.index_cast %add3A_527 : i32 to index
        %get3A_530 = tpu.vector_load %arg11[%get3A_528, %get3A_529] {strides = array<i32>} : memref<32x1024xf32, #tpu.memory_space<vmem>>, vector<16xf32>,
        %sub3A_531 = arith.subf %get3A_523, %get3A_530 : vector<16xf32>
        %mul3A_532 = arith.mulf %sub3A_531, %sub3A_531 : vector<16xf32>
        %add3A_533 = arith.addf %add3A_516, %mul3A_532 : vector<16xf32>
        %mul3A_534 = arith.constant 128 : i32
        %mul3A_535 = arith.muli %scan3A_470, %mul3A_534 : i32
        %add3A_536 = arith.constant 64 : i32
        %add3A_537 = arith.addi %mul3A_535, %add3A_536 : i32
        %get3A_538 = arith.index_cast %scan3A_462 : i32 to index
        %get3A_539 = arith.index_cast %add3A_537 : i32 to index
        %get3A_540 = tpu.vector_load %arg9[%get3A_538, %get3A_539] {strides = array<i32>} : memref<32x1024xf32, #tpu.memory_space<vmem>>, vector<16xf32>,
        %mul3A_541 = arith.constant 128 : i32
        %mul3A_542 = arith.muli %scan3A_470, %mul3A_541 : i32
        %add3A_543 = arith.constant 64 : i32
        %add3A_544 = arith.addi %mul3A_542, %add3A_543 : i32
        %get3A_545 = arith.index_cast %scan3A_462 : i32 to index
        %get3A_546 = arith.index_cast %add3A_544 : i32 to index
        %get3A_547 = tpu.vector_load %arg11[%get3A_545, %get3A_546] {strides = array<i32>} : memref<32x1024xf32, #tpu.memory_space<vmem>>, vector<16xf32>,
        %sub3A_548 = arith.subf %get3A_540, %get3A_547 : vector<16xf32>
        %mul3A_549 = arith.mulf %sub3A_548, %sub3A_548 : vector<16xf32>
        %add3A_550 = arith.addf %add3A_533, %mul3A_549 : vector<16xf32>
        %mul3A_551 = arith.constant 128 : i32
        %mul3A_552 = arith.muli %scan3A_470, %mul3A_551 : i32
        %add3A_553 = arith.constant 80 : i32
        %add3A_554 = arith.addi %mul3A_552, %add3A_553 : i32
        %get3A_555 = arith.index_cast %scan3A_462 : i32 to index
        %get3A_556 = arith.index_cast %add3A_554 : i32 to index
        %get3A_557 = tpu.vector_load %arg9[%get3A_555, %get3A_556] {strides = array<i32>} : memref<32x1024xf32, #tpu.memory_space<vmem>>, vector<16xf32>,
        %mul3A_558 = arith.constant 128 : i32
        %mul3A_559 = arith.muli %scan3A_470, %mul3A_558 : i32
        %add3A_560 = arith.constant 80 : i32
        %add3A_561 = arith.addi %mul3A_559, %add3A_560 : i32
        %get3A_562 = arith.index_cast %scan3A_462 : i32 to index
        %get3A_563 = arith.index_cast %add3A_561 : i32 to index
        %get3A_564 = tpu.vector_load %arg11[%get3A_562, %get3A_563] {strides = array<i32>} : memref<32x1024xf32, #tpu.memory_space<vmem>>, vector<16xf32>,
        %sub3A_565 = arith.subf %get3A_557, %get3A_564 : vector<16xf32>
        %mul3A_566 = arith.mulf %sub3A_565, %sub3A_565 : vector<16xf32>
        %add3A_567 = arith.addf %add3A_550, %mul3A_566 : vector<16xf32>
        %mul3A_568 = arith.constant 128 : i32
        %mul3A_569 = arith.muli %scan3A_470, %mul3A_568 : i32
        %add3A_570 = arith.constant 96 : i32
        %add3A_571 = arith.addi %mul3A_569, %add3A_570 : i32
        %get3A_572 = arith.index_cast %scan3A_462 : i32 to index
        %get3A_573 = arith.index_cast %add3A_571 : i32 to index
        %get3A_574 = tpu.vector_load %arg9[%get3A_572, %get3A_573] {strides = array<i32>} : memref<32x1024xf32, #tpu.memory_space<vmem>>, vector<16xf32>,
        %mul3A_575 = arith.constant 128 : i32
        %mul3A_576 = arith.muli %scan3A_470, %mul3A_575 : i32
        %add3A_577 = arith.constant 96 : i32
        %add3A_578 = arith.addi %mul3A_576, %add3A_577 : i32
        %get3A_579 = arith.index_cast %scan3A_462 : i32 to index
        %get3A_580 = arith.index_cast %add3A_578 : i32 to index
        %get3A_581 = tpu.vector_load %arg11[%get3A_579, %get3A_580] {strides = array<i32>} : memref<32x1024xf32, #tpu.memory_space<vmem>>, vector<16xf32>,
        %sub3A_582 = arith.subf %get3A_574, %get3A_581 : vector<16xf32>
        %mul3A_583 = arith.mulf %sub3A_582, %sub3A_582 : vector<16xf32>
        %add3A_584 = arith.addf %add3A_567, %mul3A_583 : vector<16xf32>
        %mul3A_585 = arith.constant 128 : i32
        %mul3A_586 = arith.muli %scan3A_470, %mul3A_585 : i32
        %add3A_587 = arith.constant 112 : i32
        %add3A_588 = arith.addi %mul3A_586, %add3A_587 : i32
        %get3A_589 = arith.index_cast %scan3A_462 : i32 to index
        %get3A_590 = arith.index_cast %add3A_588 : i32 to index
        %get3A_591 = tpu.vector_load %arg9[%get3A_589, %get3A_590] {strides = array<i32>} : memref<32x1024xf32, #tpu.memory_space<vmem>>, vector<16xf32>,
        %mul3A_592 = arith.constant 128 : i32
        %mul3A_593 = arith.muli %scan3A_470, %mul3A_592 : i32
        %add3A_594 = arith.constant 112 : i32
        %add3A_595 = arith.addi %mul3A_593, %add3A_594 : i32
        %get3A_596 = arith.index_cast %scan3A_462 : i32 to index
        %get3A_597 = arith.index_cast %add3A_595 : i32 to index
        %get3A_598 = tpu.vector_load %arg11[%get3A_596, %get3A_597] {strides = array<i32>} : memref<32x1024xf32, #tpu.memory_space<vmem>>, vector<16xf32>,
        %sub3A_599 = arith.subf %get3A_591, %get3A_598 : vector<16xf32>
        %mul3A_600 = arith.mulf %sub3A_599, %sub3A_599 : vector<16xf32>
        %add3A_601 = arith.addf %add3A_584, %mul3A_600 : vector<16xf32>
        scf.yield %add3A_601 : vector<16xf32>
      }
      %scan3A_469 = arith.constant 8 : i32
      scf.yield %scan3A_468 : vector<16xf32>
    }
    %scan3A_45 = arith.constant 32 : i32
    %add3A_46 = arith.constant 32 : i32
    %add3A_47 = arith.addi %mul3A_2, %add3A_46 : i32
    %dma_start3A_48 = arith.constant 0 : i32
    %dma_start3A_49 = tpu.memref_slice %arg4[%add3A_47, %dma_start3A_48] : memref<16384x1024xf32, #tpu.memory_space<hbm>> -> memref<32x1024xf32, #tpu.memory_space<hbm>>
    %dma_start3A_50 = arith.constant 0 : i32
    %dma_start3A_51 = tpu.memref_slice %arg4[%add3A_47, %dma_start3A_50] : memref<16384x1024xf32, #tpu.memory_space<hbm>> -> memref<32x1024xf32, #tpu.memory_space<hbm>>
    tpu.enqueue_dma source(%dma_start3A_51 : memref<32x1024xf32, #tpu.memory_space<hbm>>) target(%arg11 : memref<32x1024xf32, #tpu.memory_space<vmem>>) target_semaphore(%arg16 : memref<!tpu.dma_semaphore, #tpu.memory_space<semaphore_mem>>)
    %dma_wait3A_52 = arith.constant 32 : i32
    %dma_wait3A_53 = tpu.memref_slice %arg8[%dma_wait3A_52] : memref<512xi32, #tpu.memory_space<vmem>> -> memref<32xi32, #tpu.memory_space<vmem>>
    %dma_wait3A_54 = arith.constant 0 : i32
    %dma_wait3A_55 = arith.constant 0 : i32
    %dma_wait3A_56 = tpu.memref_slice %arg2[%dma_wait3A_54, %dma_wait3A_55] : memref<8192x1024xf32, #tpu.memory_space<hbm>> -> memref<8192x1024xf32, #tpu.memory_space<hbm>>
    tpu.wait_indirect_dma semaphore(%arg15 : memref<!tpu.dma_semaphore, #tpu.memory_space<semaphore_mem>>) src(%dma_wait3A_56 : memref<8192x1024xf32, #tpu.memory_space<hbm>>) dst(%arg10 : memref<32x1024xf32, #tpu.memory_space<vmem>>)
    %dma_start3A_57 = arith.constant 64 : i32
    %dma_start3A_58 = tpu.memref_slice %arg8[%dma_start3A_57] : memref<512xi32, #tpu.memory_space<vmem>> -> memref<32xi32, #tpu.memory_space<vmem>>
    %dma_start3A_59 = arith.constant 0 : i32
    %dma_start3A_60 = arith.constant 0 : i32
    %dma_start3A_61 = tpu.memref_slice %arg2[%dma_start3A_59, %dma_start3A_60] : memref<8192x1024xf32, #tpu.memory_space<hbm>> -> memref<8192x1024xf32, #tpu.memory_space<hbm>>
    tpu.enqueue_indirect_dma source(%dma_start3A_61 : memref<8192x1024xf32, #tpu.memory_space<hbm>>) target(%arg9 : memref<32x1024xf32, #tpu.memory_space<vmem>>) offsets(%dma_start3A_58 : memref<32xi32, #tpu.memory_space<vmem>>) semaphore(%arg14 : memref<!tpu.dma_semaphore, #tpu.memory_space<semaphore_mem>>)
    %add3A_62 = arith.constant 32 : i32
    %add3A_63 = arith.addi %mul3A_2, %add3A_62 : i32
    "tpu.region"() ({
      %run_scoped3A = tpu.sem_alloc : memref<!tpu.dma_semaphore, #tpu.memory_space<semaphore_mem>>
      %dma_start3A_462 = arith.constant 0 : i32
      %dma_start3A_463 = tpu.memref_slice %arg5[%add3A_63, %dma_start3A_462] : memref<16384x1024xf32, #tpu.memory_space<hbm>> -> memref<32x1024xf32, #tpu.memory_space<hbm>>
      %dma_start3A_464 = arith.constant 0 : i32
      %dma_start3A_465 = tpu.memref_slice %arg5[%add3A_63, %dma_start3A_464] : memref<16384x1024xf32, #tpu.memory_space<hbm>> -> memref<32x1024xf32, #tpu.memory_space<hbm>>
      tpu.enqueue_dma source(%arg10 : memref<32x1024xf32, #tpu.memory_space<vmem>>) target(%dma_start3A_465 : memref<32x1024xf32, #tpu.memory_space<hbm>>) target_semaphore(%run_scoped3A : memref<!tpu.dma_semaphore, #tpu.memory_space<semaphore_mem>>)
      %dma_wait3A_466 = arith.constant 0 : i32
      %dma_wait3A_467 = tpu.memref_slice %arg5[%add3A_63, %dma_wait3A_466] : memref<16384x1024xf32, #tpu.memory_space<hbm>> -> memref<32x1024xf32, #tpu.memory_space<hbm>>
      %dma_wait3A_468 = arith.constant 0 : i32
      %dma_wait3A_469 = tpu.memref_slice %arg5[%add3A_63, %dma_wait3A_468] : memref<16384x1024xf32, #tpu.memory_space<hbm>> -> memref<32x1024xf32, #tpu.memory_space<hbm>>
      tpu.wait_dma2 semaphore(%run_scoped3A : memref<!tpu.dma_semaphore, #tpu.memory_space<semaphore_mem>>) src(%arg10 : memref<32x1024xf32, #tpu.memory_space<vmem>>) dst(%dma_wait3A_469 : memref<32x1024xf32, #tpu.memory_space<hbm>>)
      tpu.yield
    }) : () -> ()
    %dma_wait3A_64 = arith.constant 0 : i32
    %dma_wait3A_65 = tpu.memref_slice %arg4[%add3A_47, %dma_wait3A_64] : memref<16384x1024xf32, #tpu.memory_space<hbm>> -> memref<32x1024xf32, #tpu.memory_space<hbm>>
    %dma_wait3A_66 = arith.constant 0 : i32
    %dma_wait3A_67 = tpu.memref_slice %arg4[%add3A_47, %dma_wait3A_66] : memref<16384x1024xf32, #tpu.memory_space<hbm>> -> memref<32x1024xf32, #tpu.memory_space<hbm>>
    tpu.wait_dma2 semaphore(%arg16 : memref<!tpu.dma_semaphore, #tpu.memory_space<semaphore_mem>>) src(%dma_wait3A_67 : memref<32x1024xf32, #tpu.memory_space<hbm>>) dst(%arg11 : memref<32x1024xf32, #tpu.memory_space<vmem>>)
    %scan3A_68 = arith.constant 0 : i32
    %scan3A_69 = arith.constant 32 : i32
    %scan3A_70 = arith.addi %scan3A_68, %scan3A_69 : i32
    %scan3A_71 = arith.constant 1 : i32
    %scan3A_72 = scf.for %scan3A_462 = %scan3A_68 to %scan3A_70 step %scan3A_71 iter_args(%scan3A_463 = %scan3A_44) -> (vector<16xf32>)  : i32 {
      %scan3A_464 = arith.constant 0 : i32
      %scan3A_465 = arith.constant 8 : i32
      %scan3A_466 = arith.addi %scan3A_464, %scan3A_465 : i32
      %scan3A_467 = arith.constant 1 : i32
      %scan3A_468 = scf.for %scan3A_470 = %scan3A_464 to %scan3A_466 step %scan3A_467 iter_args(%scan3A_471 = %scan3A_463) -> (vector<16xf32>)  : i32 {
        %mul3A_472 = arith.constant 128 : i32
        %mul3A_473 = arith.muli %scan3A_470, %mul3A_472 : i32
        %get3A = arith.index_cast %scan3A_462 : i32 to index
        %get3A_474 = arith.index_cast %mul3A_473 : i32 to index
        %get3A_475 = tpu.vector_load %arg10[%get3A, %get3A_474] {strides = array<i32>} : memref<32x1024xf32, #tpu.memory_space<vmem>>, vector<16xf32>,
        %mul3A_476 = arith.constant 128 : i32
        %mul3A_477 = arith.muli %scan3A_470, %mul3A_476 : i32
        %get3A_478 = arith.index_cast %scan3A_462 : i32 to index
        %get3A_479 = arith.index_cast %mul3A_477 : i32 to index
        %get3A_480 = tpu.vector_load %arg11[%get3A_478, %get3A_479] {strides = array<i32>} : memref<32x1024xf32, #tpu.memory_space<vmem>>, vector<16xf32>,
        %sub3A = arith.subf %get3A_475, %get3A_480 : vector<16xf32>
        %mul3A_481 = arith.mulf %sub3A, %sub3A : vector<16xf32>
        %add3A_482 = arith.addf %scan3A_471, %mul3A_481 : vector<16xf32>
        %mul3A_483 = arith.constant 128 : i32
        %mul3A_484 = arith.muli %scan3A_470, %mul3A_483 : i32
        %add3A_485 = arith.constant 16 : i32
        %add3A_486 = arith.addi %mul3A_484, %add3A_485 : i32
        %get3A_487 = arith.index_cast %scan3A_462 : i32 to index
        %get3A_488 = arith.index_cast %add3A_486 : i32 to index
        %get3A_489 = tpu.vector_load %arg10[%get3A_487, %get3A_488] {strides = array<i32>} : memref<32x1024xf32, #tpu.memory_space<vmem>>, vector<16xf32>,
        %mul3A_490 = arith.constant 128 : i32
        %mul3A_491 = arith.muli %scan3A_470, %mul3A_490 : i32
        %add3A_492 = arith.constant 16 : i32
        %add3A_493 = arith.addi %mul3A_491, %add3A_492 : i32
        %get3A_494 = arith.index_cast %scan3A_462 : i32 to index
        %get3A_495 = arith.index_cast %add3A_493 : i32 to index
        %get3A_496 = tpu.vector_load %arg11[%get3A_494, %get3A_495] {strides = array<i32>} : memref<32x1024xf32, #tpu.memory_space<vmem>>, vector<16xf32>,
        %sub3A_497 = arith.subf %get3A_489, %get3A_496 : vector<16xf32>
        %mul3A_498 = arith.mulf %sub3A_497, %sub3A_497 : vector<16xf32>
        %add3A_499 = arith.addf %add3A_482, %mul3A_498 : vector<16xf32>
        %mul3A_500 = arith.constant 128 : i32
        %mul3A_501 = arith.muli %scan3A_470, %mul3A_500 : i32
        %add3A_502 = arith.constant 32 : i32
        %add3A_503 = arith.addi %mul3A_501, %add3A_502 : i32
        %get3A_504 = arith.index_cast %scan3A_462 : i32 to index
        %get3A_505 = arith.index_cast %add3A_503 : i32 to index
        %get3A_506 = tpu.vector_load %arg10[%get3A_504, %get3A_505] {strides = array<i32>} : memref<32x1024xf32, #tpu.memory_space<vmem>>, vector<16xf32>,
        %mul3A_507 = arith.constant 128 : i32
        %mul3A_508 = arith.muli %scan3A_470, %mul3A_507 : i32
        %add3A_509 = arith.constant 32 : i32
        %add3A_510 = arith.addi %mul3A_508, %add3A_509 : i32
        %get3A_511 = arith.index_cast %scan3A_462 : i32 to index
        %get3A_512 = arith.index_cast %add3A_510 : i32 to index
        %get3A_513 = tpu.vector_load %arg11[%get3A_511, %get3A_512] {strides = array<i32>} : memref<32x1024xf32, #tpu.memory_space<vmem>>, vector<16xf32>,
        %sub3A_514 = arith.subf %get3A_506, %get3A_513 : vector<16xf32>
        %mul3A_515 = arith.mulf %sub3A_514, %sub3A_514 : vector<16xf32>
        %add3A_516 = arith.addf %add3A_499, %mul3A_515 : vector<16xf32>
        %mul3A_517 = arith.constant 128 : i32
        %mul3A_518 = arith.muli %scan3A_470, %mul3A_517 : i32
        %add3A_519 = arith.constant 48 : i32
        %add3A_520 = arith.addi %mul3A_518, %add3A_519 : i32
        %get3A_521 = arith.index_cast %scan3A_462 : i32 to index
        %get3A_522 = arith.index_cast %add3A_520 : i32 to index
        %get3A_523 = tpu.vector_load %arg10[%get3A_521, %get3A_522] {strides = array<i32>} : memref<32x1024xf32, #tpu.memory_space<vmem>>, vector<16xf32>,
        %mul3A_524 = arith.constant 128 : i32
        %mul3A_525 = arith.muli %scan3A_470, %mul3A_524 : i32
        %add3A_526 = arith.constant 48 : i32
        %add3A_527 = arith.addi %mul3A_525, %add3A_526 : i32
        %get3A_528 = arith.index_cast %scan3A_462 : i32 to index
        %get3A_529 = arith.index_cast %add3A_527 : i32 to index
        %get3A_530 = tpu.vector_load %arg11[%get3A_528, %get3A_529] {strides = array<i32>} : memref<32x1024xf32, #tpu.memory_space<vmem>>, vector<16xf32>,
        %sub3A_531 = arith.subf %get3A_523, %get3A_530 : vector<16xf32>
        %mul3A_532 = arith.mulf %sub3A_531, %sub3A_531 : vector<16xf32>
        %add3A_533 = arith.addf %add3A_516, %mul3A_532 : vector<16xf32>
        %mul3A_534 = arith.constant 128 : i32
        %mul3A_535 = arith.muli %scan3A_470, %mul3A_534 : i32
        %add3A_536 = arith.constant 64 : i32
        %add3A_537 = arith.addi %mul3A_535, %add3A_536 : i32
        %get3A_538 = arith.index_cast %scan3A_462 : i32 to index
        %get3A_539 = arith.index_cast %add3A_537 : i32 to index
        %get3A_540 = tpu.vector_load %arg10[%get3A_538, %get3A_539] {strides = array<i32>} : memref<32x1024xf32, #tpu.memory_space<vmem>>, vector<16xf32>,
        %mul3A_541 = arith.constant 128 : i32
        %mul3A_542 = arith.muli %scan3A_470, %mul3A_541 : i32
        %add3A_543 = arith.constant 64 : i32
        %add3A_544 = arith.addi %mul3A_542, %add3A_543 : i32
        %get3A_545 = arith.index_cast %scan3A_462 : i32 to index
        %get3A_546 = arith.index_cast %add3A_544 : i32 to index
        %get3A_547 = tpu.vector_load %arg11[%get3A_545, %get3A_546] {strides = array<i32>} : memref<32x1024xf32, #tpu.memory_space<vmem>>, vector<16xf32>,
        %sub3A_548 = arith.subf %get3A_540, %get3A_547 : vector<16xf32>
        %mul3A_549 = arith.mulf %sub3A_548, %sub3A_548 : vector<16xf32>
        %add3A_550 = arith.addf %add3A_533, %mul3A_549 : vector<16xf32>
        %mul3A_551 = arith.constant 128 : i32
        %mul3A_552 = arith.muli %scan3A_470, %mul3A_551 : i32
        %add3A_553 = arith.constant 80 : i32
        %add3A_554 = arith.addi %mul3A_552, %add3A_553 : i32
        %get3A_555 = arith.index_cast %scan3A_462 : i32 to index
        %get3A_556 = arith.index_cast %add3A_554 : i32 to index
        %get3A_557 = tpu.vector_load %arg10[%get3A_555, %get3A_556] {strides = array<i32>} : memref<32x1024xf32, #tpu.memory_space<vmem>>, vector<16xf32>,
        %mul3A_558 = arith.constant 128 : i32
        %mul3A_559 = arith.muli %scan3A_470, %mul3A_558 : i32
        %add3A_560 = arith.constant 80 : i32
        %add3A_561 = arith.addi %mul3A_559, %add3A_560 : i32
        %get3A_562 = arith.index_cast %scan3A_462 : i32 to index
        %get3A_563 = arith.index_cast %add3A_561 : i32 to index
        %get3A_564 = tpu.vector_load %arg11[%get3A_562, %get3A_563] {strides = array<i32>} : memref<32x1024xf32, #tpu.memory_space<vmem>>, vector<16xf32>,
        %sub3A_565 = arith.subf %get3A_557, %get3A_564 : vector<16xf32>
        %mul3A_566 = arith.mulf %sub3A_565, %sub3A_565 : vector<16xf32>
        %add3A_567 = arith.addf %add3A_550, %mul3A_566 : vector<16xf32>
        %mul3A_568 = arith.constant 128 : i32
        %mul3A_569 = arith.muli %scan3A_470, %mul3A_568 : i32
        %add3A_570 = arith.constant 96 : i32
        %add3A_571 = arith.addi %mul3A_569, %add3A_570 : i32
        %get3A_572 = arith.index_cast %scan3A_462 : i32 to index
        %get3A_573 = arith.index_cast %add3A_571 : i32 to index
        %get3A_574 = tpu.vector_load %arg10[%get3A_572, %get3A_573] {strides = array<i32>} : memref<32x1024xf32, #tpu.memory_space<vmem>>, vector<16xf32>,
        %mul3A_575 = arith.constant 128 : i32
        %mul3A_576 = arith.muli %scan3A_470, %mul3A_575 : i32
        %add3A_577 = arith.constant 96 : i32
        %add3A_578 = arith.addi %mul3A_576, %add3A_577 : i32
        %get3A_579 = arith.index_cast %scan3A_462 : i32 to index
        %get3A_580 = arith.index_cast %add3A_578 : i32 to index
        %get3A_581 = tpu.vector_load %arg11[%get3A_579, %get3A_580] {strides = array<i32>} : memref<32x1024xf32, #tpu.memory_space<vmem>>, vector<16xf32>,
        %sub3A_582 = arith.subf %get3A_574, %get3A_581 : vector<16xf32>
        %mul3A_583 = arith.mulf %sub3A_582, %sub3A_582 : vector<16xf32>
        %add3A_584 = arith.addf %add3A_567, %mul3A_583 : vector<16xf32>
        %mul3A_585 = arith.constant 128 : i32
        %mul3A_586 = arith.muli %scan3A_470, %mul3A_585 : i32
        %add3A_587 = arith.constant 112 : i32
        %add3A_588 = arith.addi %mul3A_586, %add3A_587 : i32
        %get3A_589 = arith.index_cast %scan3A_462 : i32 to index
        %get3A_590 = arith.index_cast %add3A_588 : i32 to index
        %get3A_591 = tpu.vector_load %arg10[%get3A_589, %get3A_590] {strides = array<i32>} : memref<32x1024xf32, #tpu.memory_space<vmem>>, vector<16xf32>,
        %mul3A_592 = arith.constant 128 : i32
        %mul3A_593 = arith.muli %scan3A_470, %mul3A_592 : i32
        %add3A_594 = arith.constant 112 : i32
        %add3A_595 = arith.addi %mul3A_593, %add3A_594 : i32
        %get3A_596 = arith.index_cast %scan3A_462 : i32 to index
        %get3A_597 = arith.index_cast %add3A_595 : i32 to index
        %get3A_598 = tpu.vector_load %arg11[%get3A_596, %get3A_597] {strides = array<i32>} : memref<32x1024xf32, #tpu.memory_space<vmem>>, vector<16xf32>,
        %sub3A_599 = arith.subf %get3A_591, %get3A_598 : vector<16xf32>
        %mul3A_600 = arith.mulf %sub3A_599, %sub3A_599 : vector<16xf32>
        %add3A_601 = arith.addf %add3A_584, %mul3A_600 : vector<16xf32>
        scf.yield %add3A_601 : vector<16xf32>
      }
      %scan3A_469 = arith.constant 8 : i32
      scf.yield %scan3A_468 : vector<16xf32>
    }
    %scan3A_73 = arith.constant 32 : i32
    %add3A_74 = arith.constant 64 : i32
    %add3A_75 = arith.addi %mul3A_2, %add3A_74 : i32
    %dma_start3A_76 = arith.constant 0 : i32
    %dma_start3A_77 = tpu.memref_slice %arg4[%add3A_75, %dma_start3A_76] : memref<16384x1024xf32, #tpu.memory_space<hbm>> -> memref<32x1024xf32, #tpu.memory_space<hbm>>
    %dma_start3A_78 = arith.constant 0 : i32
    %dma_start3A_79 = tpu.memref_slice %arg4[%add3A_75, %dma_start3A_78] : memref<16384x1024xf32, #tpu.memory_space<hbm>> -> memref<32x1024xf32, #tpu.memory_space<hbm>>
    tpu.enqueue_dma source(%dma_start3A_79 : memref<32x1024xf32, #tpu.memory_space<hbm>>) target(%arg11 : memref<32x1024xf32, #tpu.memory_space<vmem>>) target_semaphore(%arg16 : memref<!tpu.dma_semaphore, #tpu.memory_space<semaphore_mem>>)
    %dma_wait3A_80 = arith.constant 64 : i32
    %dma_wait3A_81 = tpu.memref_slice %arg8[%dma_wait3A_80] : memref<512xi32, #tpu.memory_space<vmem>> -> memref<32xi32, #tpu.memory_space<vmem>>
    %dma_wait3A_82 = arith.constant 0 : i32
    %dma_wait3A_83 = arith.constant 0 : i32
    %dma_wait3A_84 = tpu.memref_slice %arg2[%dma_wait3A_82, %dma_wait3A_83] : memref<8192x1024xf32, #tpu.memory_space<hbm>> -> memref<8192x1024xf32, #tpu.memory_space<hbm>>
    tpu.wait_indirect_dma semaphore(%arg14 : memref<!tpu.dma_semaphore, #tpu.memory_space<semaphore_mem>>) src(%dma_wait3A_84 : memref<8192x1024xf32, #tpu.memory_space<hbm>>) dst(%arg9 : memref<32x1024xf32, #tpu.memory_space<vmem>>)
    %dma_start3A_85 = arith.constant 96 : i32
    %dma_start3A_86 = tpu.memref_slice %arg8[%dma_start3A_85] : memref<512xi32, #tpu.memory_space<vmem>> -> memref<32xi32, #tpu.memory_space<vmem>>
    %dma_start3A_87 = arith.constant 0 : i32
    %dma_start3A_88 = arith.constant 0 : i32
    %dma_start3A_89 = tpu.memref_slice %arg2[%dma_start3A_87, %dma_start3A_88] : memref<8192x1024xf32, #tpu.memory_space<hbm>> -> memref<8192x1024xf32, #tpu.memory_space<hbm>>
    tpu.enqueue_indirect_dma source(%dma_start3A_89 : memref<8192x1024xf32, #tpu.memory_space<hbm>>) target(%arg10 : memref<32x1024xf32, #tpu.memory_space<vmem>>) offsets(%dma_start3A_86 : memref<32xi32, #tpu.memory_space<vmem>>) semaphore(%arg15 : memref<!tpu.dma_semaphore, #tpu.memory_space<semaphore_mem>>)
    %add3A_90 = arith.constant 64 : i32
    %add3A_91 = arith.addi %mul3A_2, %add3A_90 : i32
    "tpu.region"() ({
      %run_scoped3A = tpu.sem_alloc : memref<!tpu.dma_semaphore, #tpu.memory_space<semaphore_mem>>
      %dma_start3A_462 = arith.constant 0 : i32
      %dma_start3A_463 = tpu.memref_slice %arg5[%add3A_91, %dma_start3A_462] : memref<16384x1024xf32, #tpu.memory_space<hbm>> -> memref<32x1024xf32, #tpu.memory_space<hbm>>
      %dma_start3A_464 = arith.constant 0 : i32
      %dma_start3A_465 = tpu.memref_slice %arg5[%add3A_91, %dma_start3A_464] : memref<16384x1024xf32, #tpu.memory_space<hbm>> -> memref<32x1024xf32, #tpu.memory_space<hbm>>
      tpu.enqueue_dma source(%arg9 : memref<32x1024xf32, #tpu.memory_space<vmem>>) target(%dma_start3A_465 : memref<32x1024xf32, #tpu.memory_space<hbm>>) target_semaphore(%run_scoped3A : memref<!tpu.dma_semaphore, #tpu.memory_space<semaphore_mem>>)
      %dma_wait3A_466 = arith.constant 0 : i32
      %dma_wait3A_467 = tpu.memref_slice %arg5[%add3A_91, %dma_wait3A_466] : memref<16384x1024xf32, #tpu.memory_space<hbm>> -> memref<32x1024xf32, #tpu.memory_space<hbm>>
      %dma_wait3A_468 = arith.constant 0 : i32
      %dma_wait3A_469 = tpu.memref_slice %arg5[%add3A_91, %dma_wait3A_468] : memref<16384x1024xf32, #tpu.memory_space<hbm>> -> memref<32x1024xf32, #tpu.memory_space<hbm>>
      tpu.wait_dma2 semaphore(%run_scoped3A : memref<!tpu.dma_semaphore, #tpu.memory_space<semaphore_mem>>) src(%arg9 : memref<32x1024xf32, #tpu.memory_space<vmem>>) dst(%dma_wait3A_469 : memref<32x1024xf32, #tpu.memory_space<hbm>>)
      tpu.yield
    }) : () -> ()
    %dma_wait3A_92 = arith.constant 0 : i32
    %dma_wait3A_93 = tpu.memref_slice %arg4[%add3A_75, %dma_wait3A_92] : memref<16384x1024xf32, #tpu.memory_space<hbm>> -> memref<32x1024xf32, #tpu.memory_space<hbm>>
    %dma_wait3A_94 = arith.constant 0 : i32
    %dma_wait3A_95 = tpu.memref_slice %arg4[%add3A_75, %dma_wait3A_94] : memref<16384x1024xf32, #tpu.memory_space<hbm>> -> memref<32x1024xf32, #tpu.memory_space<hbm>>
    tpu.wait_dma2 semaphore(%arg16 : memref<!tpu.dma_semaphore, #tpu.memory_space<semaphore_mem>>) src(%dma_wait3A_95 : memref<32x1024xf32, #tpu.memory_space<hbm>>) dst(%arg11 : memref<32x1024xf32, #tpu.memory_space<vmem>>)
    %scan3A_96 = arith.constant 0 : i32
    %scan3A_97 = arith.constant 32 : i32
    %scan3A_98 = arith.addi %scan3A_96, %scan3A_97 : i32
    %scan3A_99 = arith.constant 1 : i32
    %scan3A_100 = scf.for %scan3A_462 = %scan3A_96 to %scan3A_98 step %scan3A_99 iter_args(%scan3A_463 = %scan3A_72) -> (vector<16xf32>)  : i32 {
      %scan3A_464 = arith.constant 0 : i32
      %scan3A_465 = arith.constant 8 : i32
      %scan3A_466 = arith.addi %scan3A_464, %scan3A_465 : i32
      %scan3A_467 = arith.constant 1 : i32
      %scan3A_468 = scf.for %scan3A_470 = %scan3A_464 to %scan3A_466 step %scan3A_467 iter_args(%scan3A_471 = %scan3A_463) -> (vector<16xf32>)  : i32 {
        %mul3A_472 = arith.constant 128 : i32
        %mul3A_473 = arith.muli %scan3A_470, %mul3A_472 : i32
        %get3A = arith.index_cast %scan3A_462 : i32 to index
        %get3A_474 = arith.index_cast %mul3A_473 : i32 to index
        %get3A_475 = tpu.vector_load %arg9[%get3A, %get3A_474] {strides = array<i32>} : memref<32x1024xf32, #tpu.memory_space<vmem>>, vector<16xf32>,
        %mul3A_476 = arith.constant 128 : i32
        %mul3A_477 = arith.muli %scan3A_470, %mul3A_476 : i32
        %get3A_478 = arith.index_cast %scan3A_462 : i32 to index
        %get3A_479 = arith.index_cast %mul3A_477 : i32 to index
        %get3A_480 = tpu.vector_load %arg11[%get3A_478, %get3A_479] {strides = array<i32>} : memref<32x1024xf32, #tpu.memory_space<vmem>>, vector<16xf32>,
        %sub3A = arith.subf %get3A_475, %get3A_480 : vector<16xf32>
        %mul3A_481 = arith.mulf %sub3A, %sub3A : vector<16xf32>
        %add3A_482 = arith.addf %scan3A_471, %mul3A_481 : vector<16xf32>
        %mul3A_483 = arith.constant 128 : i32
        %mul3A_484 = arith.muli %scan3A_470, %mul3A_483 : i32
        %add3A_485 = arith.constant 16 : i32
        %add3A_486 = arith.addi %mul3A_484, %add3A_485 : i32
        %get3A_487 = arith.index_cast %scan3A_462 : i32 to index
        %get3A_488 = arith.index_cast %add3A_486 : i32 to index
        %get3A_489 = tpu.vector_load %arg9[%get3A_487, %get3A_488] {strides = array<i32>} : memref<32x1024xf32, #tpu.memory_space<vmem>>, vector<16xf32>,
        %mul3A_490 = arith.constant 128 : i32
        %mul3A_491 = arith.muli %scan3A_470, %mul3A_490 : i32
        %add3A_492 = arith.constant 16 : i32
        %add3A_493 = arith.addi %mul3A_491, %add3A_492 : i32
        %get3A_494 = arith.index_cast %scan3A_462 : i32 to index
        %get3A_495 = arith.index_cast %add3A_493 : i32 to index
        %get3A_496 = tpu.vector_load %arg11[%get3A_494, %get3A_495] {strides = array<i32>} : memref<32x1024xf32, #tpu.memory_space<vmem>>, vector<16xf32>,
        %sub3A_497 = arith.subf %get3A_489, %get3A_496 : vector<16xf32>
        %mul3A_498 = arith.mulf %sub3A_497, %sub3A_497 : vector<16xf32>
        %add3A_499 = arith.addf %add3A_482, %mul3A_498 : vector<16xf32>
        %mul3A_500 = arith.constant 128 : i32
        %mul3A_501 = arith.muli %scan3A_470, %mul3A_500 : i32
        %add3A_502 = arith.constant 32 : i32
        %add3A_503 = arith.addi %mul3A_501, %add3A_502 : i32
        %get3A_504 = arith.index_cast %scan3A_462 : i32 to index
        %get3A_505 = arith.index_cast %add3A_503 : i32 to index
        %get3A_506 = tpu.vector_load %arg9[%get3A_504, %get3A_505] {strides = array<i32>} : memref<32x1024xf32, #tpu.memory_space<vmem>>, vector<16xf32>,
        %mul3A_507 = arith.constant 128 : i32
        %mul3A_508 = arith.muli %scan3A_470, %mul3A_507 : i32
        %add3A_509 = arith.constant 32 : i32
        %add3A_510 = arith.addi %mul3A_508, %add3A_509 : i32
        %get3A_511 = arith.index_cast %scan3A_462 : i32 to index
        %get3A_512 = arith.index_cast %add3A_510 : i32 to index
        %get3A_513 = tpu.vector_load %arg11[%get3A_511, %get3A_512] {strides = array<i32>} : memref<32x1024xf32, #tpu.memory_space<vmem>>, vector<16xf32>,
        %sub3A_514 = arith.subf %get3A_506, %get3A_513 : vector<16xf32>
        %mul3A_515 = arith.mulf %sub3A_514, %sub3A_514 : vector<16xf32>
        %add3A_516 = arith.addf %add3A_499, %mul3A_515 : vector<16xf32>
        %mul3A_517 = arith.constant 128 : i32
        %mul3A_518 = arith.muli %scan3A_470, %mul3A_517 : i32
        %add3A_519 = arith.constant 48 : i32
        %add3A_520 = arith.addi %mul3A_518, %add3A_519 : i32
        %get3A_521 = arith.index_cast %scan3A_462 : i32 to index
        %get3A_522 = arith.index_cast %add3A_520 : i32 to index
        %get3A_523 = tpu.vector_load %arg9[%get3A_521, %get3A_522] {strides = array<i32>} : memref<32x1024xf32, #tpu.memory_space<vmem>>, vector<16xf32>,
        %mul3A_524 = arith.constant 128 : i32
        %mul3A_525 = arith.muli %scan3A_470, %mul3A_524 : i32
        %add3A_526 = arith.constant 48 : i32
        %add3A_527 = arith.addi %mul3A_525, %add3A_526 : i32
        %get3A_528 = arith.index_cast %scan3A_462 : i32 to index
        %get3A_529 = arith.index_cast %add3A_527 : i32 to index
        %get3A_530 = tpu.vector_load %arg11[%get3A_528, %get3A_529] {strides = array<i32>} : memref<32x1024xf32, #tpu.memory_space<vmem>>, vector<16xf32>,
        %sub3A_531 = arith.subf %get3A_523, %get3A_530 : vector<16xf32>
        %mul3A_532 = arith.mulf %sub3A_531, %sub3A_531 : vector<16xf32>
        %add3A_533 = arith.addf %add3A_516, %mul3A_532 : vector<16xf32>
        %mul3A_534 = arith.constant 128 : i32
        %mul3A_535 = arith.muli %scan3A_470, %mul3A_534 : i32
        %add3A_536 = arith.constant 64 : i32
        %add3A_537 = arith.addi %mul3A_535, %add3A_536 : i32
        %get3A_538 = arith.index_cast %scan3A_462 : i32 to index
        %get3A_539 = arith.index_cast %add3A_537 : i32 to index
        %get3A_540 = tpu.vector_load %arg9[%get3A_538, %get3A_539] {strides = array<i32>} : memref<32x1024xf32, #tpu.memory_space<vmem>>, vector<16xf32>,
        %mul3A_541 = arith.constant 128 : i32
        %mul3A_542 = arith.muli %scan3A_470, %mul3A_541 : i32
        %add3A_543 = arith.constant 64 : i32
        %add3A_544 = arith.addi %mul3A_542, %add3A_543 : i32
        %get3A_545 = arith.index_cast %scan3A_462 : i32 to index
        %get3A_546 = arith.index_cast %add3A_544 : i32 to index
        %get3A_547 = tpu.vector_load %arg11[%get3A_545, %get3A_546] {strides = array<i32>} : memref<32x1024xf32, #tpu.memory_space<vmem>>, vector<16xf32>,
        %sub3A_548 = arith.subf %get3A_540, %get3A_547 : vector<16xf32>
        %mul3A_549 = arith.mulf %sub3A_548, %sub3A_548 : vector<16xf32>
        %add3A_550 = arith.addf %add3A_533, %mul3A_549 : vector<16xf32>
        %mul3A_551 = arith.constant 128 : i32
        %mul3A_552 = arith.muli %scan3A_470, %mul3A_551 : i32
        %add3A_553 = arith.constant 80 : i32
        %add3A_554 = arith.addi %mul3A_552, %add3A_553 : i32
        %get3A_555 = arith.index_cast %scan3A_462 : i32 to index
        %get3A_556 = arith.index_cast %add3A_554 : i32 to index
        %get3A_557 = tpu.vector_load %arg9[%get3A_555, %get3A_556] {strides = array<i32>} : memref<32x1024xf32, #tpu.memory_space<vmem>>, vector<16xf32>,
        %mul3A_558 = arith.constant 128 : i32
        %mul3A_559 = arith.muli %scan3A_470, %mul3A_558 : i32
        %add3A_560 = arith.constant 80 : i32
        %add3A_561 = arith.addi %mul3A_559, %add3A_560 : i32
        %get3A_562 = arith.index_cast %scan3A_462 : i32 to index
        %get3A_563 = arith.index_cast %add3A_561 : i32 to index
        %get3A_564 = tpu.vector_load %arg11[%get3A_562, %get3A_563] {strides = array<i32>} : memref<32x1024xf32, #tpu.memory_space<vmem>>, vector<16xf32>,
        %sub3A_565 = arith.subf %get3A_557, %get3A_564 : vector<16xf32>
        %mul3A_566 = arith.mulf %sub3A_565, %sub3A_565 : vector<16xf32>
        %add3A_567 = arith.addf %add3A_550, %mul3A_566 : vector<16xf32>
        %mul3A_568 = arith.constant 128 : i32
        %mul3A_569 = arith.muli %scan3A_470, %mul3A_568 : i32
        %add3A_570 = arith.constant 96 : i32
        %add3A_571 = arith.addi %mul3A_569, %add3A_570 : i32
        %get3A_572 = arith.index_cast %scan3A_462 : i32 to index
        %get3A_573 = arith.index_cast %add3A_571 : i32 to index
        %get3A_574 = tpu.vector_load %arg9[%get3A_572, %get3A_573] {strides = array<i32>} : memref<32x1024xf32, #tpu.memory_space<vmem>>, vector<16xf32>,
        %mul3A_575 = arith.constant 128 : i32
        %mul3A_576 = arith.muli %scan3A_470, %mul3A_575 : i32
        %add3A_577 = arith.constant 96 : i32
        %add3A_578 = arith.addi %mul3A_576, %add3A_577 : i32
        %get3A_579 = arith.index_cast %scan3A_462 : i32 to index
        %get3A_580 = arith.index_cast %add3A_578 : i32 to index
        %get3A_581 = tpu.vector_load %arg11[%get3A_579, %get3A_580] {strides = array<i32>} : memref<32x1024xf32, #tpu.memory_space<vmem>>, vector<16xf32>,
        %sub3A_582 = arith.subf %get3A_574, %get3A_581 : vector<16xf32>
        %mul3A_583 = arith.mulf %sub3A_582, %sub3A_582 : vector<16xf32>
        %add3A_584 = arith.addf %add3A_567, %mul3A_583 : vector<16xf32>
        %mul3A_585 = arith.constant 128 : i32
        %mul3A_586 = arith.muli %scan3A_470, %mul3A_585 : i32
        %add3A_587 = arith.constant 112 : i32
        %add3A_588 = arith.addi %mul3A_586, %add3A_587 : i32
        %get3A_589 = arith.index_cast %scan3A_462 : i32 to index
        %get3A_590 = arith.index_cast %add3A_588 : i32 to index
        %get3A_591 = tpu.vector_load %arg9[%get3A_589, %get3A_590] {strides = array<i32>} : memref<32x1024xf32, #tpu.memory_space<vmem>>, vector<16xf32>,
        %mul3A_592 = arith.constant 128 : i32
        %mul3A_593 = arith.muli %scan3A_470, %mul3A_592 : i32
        %add3A_594 = arith.constant 112 : i32
        %add3A_595 = arith.addi %mul3A_593, %add3A_594 : i32
        %get3A_596 = arith.index_cast %scan3A_462 : i32 to index
        %get3A_597 = arith.index_cast %add3A_595 : i32 to index
        %get3A_598 = tpu.vector_load %arg11[%get3A_596, %get3A_597] {strides = array<i32>} : memref<32x1024xf32, #tpu.memory_space<vmem>>, vector<16xf32>,
        %sub3A_599 = arith.subf %get3A_591, %get3A_598 : vector<16xf32>
        %mul3A_600 = arith.mulf %sub3A_599, %sub3A_599 : vector<16xf32>
        %add3A_601 = arith.addf %add3A_584, %mul3A_600 : vector<16xf32>
        scf.yield %add3A_601 : vector<16xf32>
      }
      %scan3A_469 = arith.constant 8 : i32
      scf.yield %scan3A_468 : vector<16xf32>
    }
    %scan3A_101 = arith.constant 32 : i32
    %add3A_102 = arith.constant 96 : i32
    %add3A_103 = arith.addi %mul3A_2, %add3A_102 : i32
    %dma_start3A_104 = arith.constant 0 : i32
    %dma_start3A_105 = tpu.memref_slice %arg4[%add3A_103, %dma_start3A_104] : memref<16384x1024xf32, #tpu.memory_space<hbm>> -> memref<32x1024xf32, #tpu.memory_space<hbm>>
    %dma_start3A_106 = arith.constant 0 : i32
    %dma_start3A_107 = tpu.memref_slice %arg4[%add3A_103, %dma_start3A_106] : memref<16384x1024xf32, #tpu.memory_space<hbm>> -> memref<32x1024xf32, #tpu.memory_space<hbm>>
    tpu.enqueue_dma source(%dma_start3A_107 : memref<32x1024xf32, #tpu.memory_space<hbm>>) target(%arg11 : memref<32x1024xf32, #tpu.memory_space<vmem>>) target_semaphore(%arg16 : memref<!tpu.dma_semaphore, #tpu.memory_space<semaphore_mem>>)
    %dma_wait3A_108 = arith.constant 96 : i32
    %dma_wait3A_109 = tpu.memref_slice %arg8[%dma_wait3A_108] : memref<512xi32, #tpu.memory_space<vmem>> -> memref<32xi32, #tpu.memory_space<vmem>>
    %dma_wait3A_110 = arith.constant 0 : i32
    %dma_wait3A_111 = arith.constant 0 : i32
    %dma_wait3A_112 = tpu.memref_slice %arg2[%dma_wait3A_110, %dma_wait3A_111] : memref<8192x1024xf32, #tpu.memory_space<hbm>> -> memref<8192x1024xf32, #tpu.memory_space<hbm>>
    tpu.wait_indirect_dma semaphore(%arg15 : memref<!tpu.dma_semaphore, #tpu.memory_space<semaphore_mem>>) src(%dma_wait3A_112 : memref<8192x1024xf32, #tpu.memory_space<hbm>>) dst(%arg10 : memref<32x1024xf32, #tpu.memory_space<vmem>>)
    %dma_start3A_113 = arith.constant 128 : i32
    %dma_start3A_114 = tpu.memref_slice %arg8[%dma_start3A_113] : memref<512xi32, #tpu.memory_space<vmem>> -> memref<32xi32, #tpu.memory_space<vmem>>
    %dma_start3A_115 = arith.constant 0 : i32
    %dma_start3A_116 = arith.constant 0 : i32
    %dma_start3A_117 = tpu.memref_slice %arg2[%dma_start3A_115, %dma_start3A_116] : memref<8192x1024xf32, #tpu.memory_space<hbm>> -> memref<8192x1024xf32, #tpu.memory_space<hbm>>
    tpu.enqueue_indirect_dma source(%dma_start3A_117 : memref<8192x1024xf32, #tpu.memory_space<hbm>>) target(%arg9 : memref<32x1024xf32, #tpu.memory_space<vmem>>) offsets(%dma_start3A_114 : memref<32xi32, #tpu.memory_space<vmem>>) semaphore(%arg14 : memref<!tpu.dma_semaphore, #tpu.memory_space<semaphore_mem>>)
    %add3A_118 = arith.constant 96 : i32
    %add3A_119 = arith.addi %mul3A_2, %add3A_118 : i32
    "tpu.region"() ({
      %run_scoped3A = tpu.sem_alloc : memref<!tpu.dma_semaphore, #tpu.memory_space<semaphore_mem>>
      %dma_start3A_462 = arith.constant 0 : i32
      %dma_start3A_463 = tpu.memref_slice %arg5[%add3A_119, %dma_start3A_462] : memref<16384x1024xf32, #tpu.memory_space<hbm>> -> memref<32x1024xf32, #tpu.memory_space<hbm>>
      %dma_start3A_464 = arith.constant 0 : i32
      %dma_start3A_465 = tpu.memref_slice %arg5[%add3A_119, %dma_start3A_464] : memref<16384x1024xf32, #tpu.memory_space<hbm>> -> memref<32x1024xf32, #tpu.memory_space<hbm>>
      tpu.enqueue_dma source(%arg10 : memref<32x1024xf32, #tpu.memory_space<vmem>>) target(%dma_start3A_465 : memref<32x1024xf32, #tpu.memory_space<hbm>>) target_semaphore(%run_scoped3A : memref<!tpu.dma_semaphore, #tpu.memory_space<semaphore_mem>>)
      %dma_wait3A_466 = arith.constant 0 : i32
      %dma_wait3A_467 = tpu.memref_slice %arg5[%add3A_119, %dma_wait3A_466] : memref<16384x1024xf32, #tpu.memory_space<hbm>> -> memref<32x1024xf32, #tpu.memory_space<hbm>>
      %dma_wait3A_468 = arith.constant 0 : i32
      %dma_wait3A_469 = tpu.memref_slice %arg5[%add3A_119, %dma_wait3A_468] : memref<16384x1024xf32, #tpu.memory_space<hbm>> -> memref<32x1024xf32, #tpu.memory_space<hbm>>
      tpu.wait_dma2 semaphore(%run_scoped3A : memref<!tpu.dma_semaphore, #tpu.memory_space<semaphore_mem>>) src(%arg10 : memref<32x1024xf32, #tpu.memory_space<vmem>>) dst(%dma_wait3A_469 : memref<32x1024xf32, #tpu.memory_space<hbm>>)
      tpu.yield
    }) : () -> ()
    %dma_wait3A_120 = arith.constant 0 : i32
    %dma_wait3A_121 = tpu.memref_slice %arg4[%add3A_103, %dma_wait3A_120] : memref<16384x1024xf32, #tpu.memory_space<hbm>> -> memref<32x1024xf32, #tpu.memory_space<hbm>>
    %dma_wait3A_122 = arith.constant 0 : i32
    %dma_wait3A_123 = tpu.memref_slice %arg4[%add3A_103, %dma_wait3A_122] : memref<16384x1024xf32, #tpu.memory_space<hbm>> -> memref<32x1024xf32, #tpu.memory_space<hbm>>
    tpu.wait_dma2 semaphore(%arg16 : memref<!tpu.dma_semaphore, #tpu.memory_space<semaphore_mem>>) src(%dma_wait3A_123 : memref<32x1024xf32, #tpu.memory_space<hbm>>) dst(%arg11 : memref<32x1024xf32, #tpu.memory_space<vmem>>)
    %scan3A_124 = arith.constant 0 : i32
    %scan3A_125 = arith.constant 32 : i32
    %scan3A_126 = arith.addi %scan3A_124, %scan3A_125 : i32
    %scan3A_127 = arith.constant 1 : i32
    %scan3A_128 = scf.for %scan3A_462 = %scan3A_124 to %scan3A_126 step %scan3A_127 iter_args(%scan3A_463 = %scan3A_100) -> (vector<16xf32>)  : i32 {
      %scan3A_464 = arith.constant 0 : i32
      %scan3A_465 = arith.constant 8 : i32
      %scan3A_466 = arith.addi %scan3A_464, %scan3A_465 : i32
      %scan3A_467 = arith.constant 1 : i32
      %scan3A_468 = scf.for %scan3A_470 = %scan3A_464 to %scan3A_466 step %scan3A_467 iter_args(%scan3A_471 = %scan3A_463) -> (vector<16xf32>)  : i32 {
        %mul3A_472 = arith.constant 128 : i32
        %mul3A_473 = arith.muli %scan3A_470, %mul3A_472 : i32
        %get3A = arith.index_cast %scan3A_462 : i32 to index
        %get3A_474 = arith.index_cast %mul3A_473 : i32 to index
        %get3A_475 = tpu.vector_load %arg10[%get3A, %get3A_474] {strides = array<i32>} : memref<32x1024xf32, #tpu.memory_space<vmem>>, vector<16xf32>,
        %mul3A_476 = arith.constant 128 : i32
        %mul3A_477 = arith.muli %scan3A_470, %mul3A_476 : i32
        %get3A_478 = arith.index_cast %scan3A_462 : i32 to index
        %get3A_479 = arith.index_cast %mul3A_477 : i32 to index
        %get3A_480 = tpu.vector_load %arg11[%get3A_478, %get3A_479] {strides = array<i32>} : memref<32x1024xf32, #tpu.memory_space<vmem>>, vector<16xf32>,
        %sub3A = arith.subf %get3A_475, %get3A_480 : vector<16xf32>
        %mul3A_481 = arith.mulf %sub3A, %sub3A : vector<16xf32>
        %add3A_482 = arith.addf %scan3A_471, %mul3A_481 : vector<16xf32>
        %mul3A_483 = arith.constant 128 : i32
        %mul3A_484 = arith.muli %scan3A_470, %mul3A_483 : i32
        %add3A_485 = arith.constant 16 : i32
        %add3A_486 = arith.addi %mul3A_484, %add3A_485 : i32
        %get3A_487 = arith.index_cast %scan3A_462 : i32 to index
        %get3A_488 = arith.index_cast %add3A_486 : i32 to index
        %get3A_489 = tpu.vector_load %arg10[%get3A_487, %get3A_488] {strides = array<i32>} : memref<32x1024xf32, #tpu.memory_space<vmem>>, vector<16xf32>,
        %mul3A_490 = arith.constant 128 : i32
        %mul3A_491 = arith.muli %scan3A_470, %mul3A_490 : i32
        %add3A_492 = arith.constant 16 : i32
        %add3A_493 = arith.addi %mul3A_491, %add3A_492 : i32
        %get3A_494 = arith.index_cast %scan3A_462 : i32 to index
        %get3A_495 = arith.index_cast %add3A_493 : i32 to index
        %get3A_496 = tpu.vector_load %arg11[%get3A_494, %get3A_495] {strides = array<i32>} : memref<32x1024xf32, #tpu.memory_space<vmem>>, vector<16xf32>,
        %sub3A_497 = arith.subf %get3A_489, %get3A_496 : vector<16xf32>
        %mul3A_498 = arith.mulf %sub3A_497, %sub3A_497 : vector<16xf32>
        %add3A_499 = arith.addf %add3A_482, %mul3A_498 : vector<16xf32>
        %mul3A_500 = arith.constant 128 : i32
        %mul3A_501 = arith.muli %scan3A_470, %mul3A_500 : i32
        %add3A_502 = arith.constant 32 : i32
        %add3A_503 = arith.addi %mul3A_501, %add3A_502 : i32
        %get3A_504 = arith.index_cast %scan3A_462 : i32 to index
        %get3A_505 = arith.index_cast %add3A_503 : i32 to index
        %get3A_506 = tpu.vector_load %arg10[%get3A_504, %get3A_505] {strides = array<i32>} : memref<32x1024xf32, #tpu.memory_space<vmem>>, vector<16xf32>,
        %mul3A_507 = arith.constant 128 : i32
        %mul3A_508 = arith.muli %scan3A_470, %mul3A_507 : i32
        %add3A_509 = arith.constant 32 : i32
        %add3A_510 = arith.addi %mul3A_508, %add3A_509 : i32
        %get3A_511 = arith.index_cast %scan3A_462 : i32 to index
        %get3A_512 = arith.index_cast %add3A_510 : i32 to index
        %get3A_513 = tpu.vector_load %arg11[%get3A_511, %get3A_512] {strides = array<i32>} : memref<32x1024xf32, #tpu.memory_space<vmem>>, vector<16xf32>,
        %sub3A_514 = arith.subf %get3A_506, %get3A_513 : vector<16xf32>
        %mul3A_515 = arith.mulf %sub3A_514, %sub3A_514 : vector<16xf32>
        %add3A_516 = arith.addf %add3A_499, %mul3A_515 : vector<16xf32>
        %mul3A_517 = arith.constant 128 : i32
        %mul3A_518 = arith.muli %scan3A_470, %mul3A_517 : i32
        %add3A_519 = arith.constant 48 : i32
        %add3A_520 = arith.addi %mul3A_518, %add3A_519 : i32
        %get3A_521 = arith.index_cast %scan3A_462 : i32 to index
        %get3A_522 = arith.index_cast %add3A_520 : i32 to index
        %get3A_523 = tpu.vector_load %arg10[%get3A_521, %get3A_522] {strides = array<i32>} : memref<32x1024xf32, #tpu.memory_space<vmem>>, vector<16xf32>,
        %mul3A_524 = arith.constant 128 : i32
        %mul3A_525 = arith.muli %scan3A_470, %mul3A_524 : i32
        %add3A_526 = arith.constant 48 : i32
        %add3A_527 = arith.addi %mul3A_525, %add3A_526 : i32
        %get3A_528 = arith.index_cast %scan3A_462 : i32 to index
        %get3A_529 = arith.index_cast %add3A_527 : i32 to index
        %get3A_530 = tpu.vector_load %arg11[%get3A_528, %get3A_529] {strides = array<i32>} : memref<32x1024xf32, #tpu.memory_space<vmem>>, vector<16xf32>,
        %sub3A_531 = arith.subf %get3A_523, %get3A_530 : vector<16xf32>
        %mul3A_532 = arith.mulf %sub3A_531, %sub3A_531 : vector<16xf32>
        %add3A_533 = arith.addf %add3A_516, %mul3A_532 : vector<16xf32>
        %mul3A_534 = arith.constant 128 : i32
        %mul3A_535 = arith.muli %scan3A_470, %mul3A_534 : i32
        %add3A_536 = arith.constant 64 : i32
        %add3A_537 = arith.addi %mul3A_535, %add3A_536 : i32
        %get3A_538 = arith.index_cast %scan3A_462 : i32 to index
        %get3A_539 = arith.index_cast %add3A_537 : i32 to index
        %get3A_540 = tpu.vector_load %arg10[%get3A_538, %get3A_539] {strides = array<i32>} : memref<32x1024xf32, #tpu.memory_space<vmem>>, vector<16xf32>,
        %mul3A_541 = arith.constant 128 : i32
        %mul3A_542 = arith.muli %scan3A_470, %mul3A_541 : i32
        %add3A_543 = arith.constant 64 : i32
        %add3A_544 = arith.addi %mul3A_542, %add3A_543 : i32
        %get3A_545 = arith.index_cast %scan3A_462 : i32 to index
        %get3A_546 = arith.index_cast %add3A_544 : i32 to index
        %get3A_547 = tpu.vector_load %arg11[%get3A_545, %get3A_546] {strides = array<i32>} : memref<32x1024xf32, #tpu.memory_space<vmem>>, vector<16xf32>,
        %sub3A_548 = arith.subf %get3A_540, %get3A_547 : vector<16xf32>
        %mul3A_549 = arith.mulf %sub3A_548, %sub3A_548 : vector<16xf32>
        %add3A_550 = arith.addf %add3A_533, %mul3A_549 : vector<16xf32>
        %mul3A_551 = arith.constant 128 : i32
        %mul3A_552 = arith.muli %scan3A_470, %mul3A_551 : i32
        %add3A_553 = arith.constant 80 : i32
        %add3A_554 = arith.addi %mul3A_552, %add3A_553 : i32
        %get3A_555 = arith.index_cast %scan3A_462 : i32 to index
        %get3A_556 = arith.index_cast %add3A_554 : i32 to index
        %get3A_557 = tpu.vector_load %arg10[%get3A_555, %get3A_556] {strides = array<i32>} : memref<32x1024xf32, #tpu.memory_space<vmem>>, vector<16xf32>,
        %mul3A_558 = arith.constant 128 : i32
        %mul3A_559 = arith.muli %scan3A_470, %mul3A_558 : i32
        %add3A_560 = arith.constant 80 : i32
        %add3A_561 = arith.addi %mul3A_559, %add3A_560 : i32
        %get3A_562 = arith.index_cast %scan3A_462 : i32 to index
        %get3A_563 = arith.index_cast %add3A_561 : i32 to index
        %get3A_564 = tpu.vector_load %arg11[%get3A_562, %get3A_563] {strides = array<i32>} : memref<32x1024xf32, #tpu.memory_space<vmem>>, vector<16xf32>,
        %sub3A_565 = arith.subf %get3A_557, %get3A_564 : vector<16xf32>
        %mul3A_566 = arith.mulf %sub3A_565, %sub3A_565 : vector<16xf32>
        %add3A_567 = arith.addf %add3A_550, %mul3A_566 : vector<16xf32>
        %mul3A_568 = arith.constant 128 : i32
        %mul3A_569 = arith.muli %scan3A_470, %mul3A_568 : i32
        %add3A_570 = arith.constant 96 : i32
        %add3A_571 = arith.addi %mul3A_569, %add3A_570 : i32
        %get3A_572 = arith.index_cast %scan3A_462 : i32 to index
        %get3A_573 = arith.index_cast %add3A_571 : i32 to index
        %get3A_574 = tpu.vector_load %arg10[%get3A_572, %get3A_573] {strides = array<i32>} : memref<32x1024xf32, #tpu.memory_space<vmem>>, vector<16xf32>,
        %mul3A_575 = arith.constant 128 : i32
        %mul3A_576 = arith.muli %scan3A_470, %mul3A_575 : i32
        %add3A_577 = arith.constant 96 : i32
        %add3A_578 = arith.addi %mul3A_576, %add3A_577 : i32
        %get3A_579 = arith.index_cast %scan3A_462 : i32 to index
        %get3A_580 = arith.index_cast %add3A_578 : i32 to index
        %get3A_581 = tpu.vector_load %arg11[%get3A_579, %get3A_580] {strides = array<i32>} : memref<32x1024xf32, #tpu.memory_space<vmem>>, vector<16xf32>,
        %sub3A_582 = arith.subf %get3A_574, %get3A_581 : vector<16xf32>
        %mul3A_583 = arith.mulf %sub3A_582, %sub3A_582 : vector<16xf32>
        %add3A_584 = arith.addf %add3A_567, %mul3A_583 : vector<16xf32>
        %mul3A_585 = arith.constant 128 : i32
        %mul3A_586 = arith.muli %scan3A_470, %mul3A_585 : i32
        %add3A_587 = arith.constant 112 : i32
        %add3A_588 = arith.addi %mul3A_586, %add3A_587 : i32
        %get3A_589 = arith.index_cast %scan3A_462 : i32 to index
        %get3A_590 = arith.index_cast %add3A_588 : i32 to index
        %get3A_591 = tpu.vector_load %arg10[%get3A_589, %get3A_590] {strides = array<i32>} : memref<32x1024xf32, #tpu.memory_space<vmem>>, vector<16xf32>,
        %mul3A_592 = arith.constant 128 : i32
        %mul3A_593 = arith.muli %scan3A_470, %mul3A_592 : i32
        %add3A_594 = arith.constant 112 : i32
        %add3A_595 = arith.addi %mul3A_593, %add3A_594 : i32
        %get3A_596 = arith.index_cast %scan3A_462 : i32 to index
        %get3A_597 = arith.index_cast %add3A_595 : i32 to index
        %get3A_598 = tpu.vector_load %arg11[%get3A_596, %get3A_597] {strides = array<i32>} : memref<32x1024xf32, #tpu.memory_space<vmem>>, vector<16xf32>,
        %sub3A_599 = arith.subf %get3A_591, %get3A_598 : vector<16xf32>
        %mul3A_600 = arith.mulf %sub3A_599, %sub3A_599 : vector<16xf32>
        %add3A_601 = arith.addf %add3A_584, %mul3A_600 : vector<16xf32>
        scf.yield %add3A_601 : vector<16xf32>
      }
      %scan3A_469 = arith.constant 8 : i32
      scf.yield %scan3A_468 : vector<16xf32>
    }
    %scan3A_129 = arith.constant 32 : i32
    %add3A_130 = arith.constant 128 : i32
    %add3A_131 = arith.addi %mul3A_2, %add3A_130 : i32
    %dma_start3A_132 = arith.constant 0 : i32
    %dma_start3A_133 = tpu.memref_slice %arg4[%add3A_131, %dma_start3A_132] : memref<16384x1024xf32, #tpu.memory_space<hbm>> -> memref<32x1024xf32, #tpu.memory_space<hbm>>
    %dma_start3A_134 = arith.constant 0 : i32
    %dma_start3A_135 = tpu.memref_slice %arg4[%add3A_131, %dma_start3A_134] : memref<16384x1024xf32, #tpu.memory_space<hbm>> -> memref<32x1024xf32, #tpu.memory_space<hbm>>
    tpu.enqueue_dma source(%dma_start3A_135 : memref<32x1024xf32, #tpu.memory_space<hbm>>) target(%arg11 : memref<32x1024xf32, #tpu.memory_space<vmem>>) target_semaphore(%arg16 : memref<!tpu.dma_semaphore, #tpu.memory_space<semaphore_mem>>)
    %dma_wait3A_136 = arith.constant 128 : i32
    %dma_wait3A_137 = tpu.memref_slice %arg8[%dma_wait3A_136] : memref<512xi32, #tpu.memory_space<vmem>> -> memref<32xi32, #tpu.memory_space<vmem>>
    %dma_wait3A_138 = arith.constant 0 : i32
    %dma_wait3A_139 = arith.constant 0 : i32
    %dma_wait3A_140 = tpu.memref_slice %arg2[%dma_wait3A_138, %dma_wait3A_139] : memref<8192x1024xf32, #tpu.memory_space<hbm>> -> memref<8192x1024xf32, #tpu.memory_space<hbm>>
    tpu.wait_indirect_dma semaphore(%arg14 : memref<!tpu.dma_semaphore, #tpu.memory_space<semaphore_mem>>) src(%dma_wait3A_140 : memref<8192x1024xf32, #tpu.memory_space<hbm>>) dst(%arg9 : memref<32x1024xf32, #tpu.memory_space<vmem>>)
    %dma_start3A_141 = arith.constant 160 : i32
    %dma_start3A_142 = tpu.memref_slice %arg8[%dma_start3A_141] : memref<512xi32, #tpu.memory_space<vmem>> -> memref<32xi32, #tpu.memory_space<vmem>>
    %dma_start3A_143 = arith.constant 0 : i32
    %dma_start3A_144 = arith.constant 0 : i32
    %dma_start3A_145 = tpu.memref_slice %arg2[%dma_start3A_143, %dma_start3A_144] : memref<8192x1024xf32, #tpu.memory_space<hbm>> -> memref<8192x1024xf32, #tpu.memory_space<hbm>>
    tpu.enqueue_indirect_dma source(%dma_start3A_145 : memref<8192x1024xf32, #tpu.memory_space<hbm>>) target(%arg10 : memref<32x1024xf32, #tpu.memory_space<vmem>>) offsets(%dma_start3A_142 : memref<32xi32, #tpu.memory_space<vmem>>) semaphore(%arg15 : memref<!tpu.dma_semaphore, #tpu.memory_space<semaphore_mem>>)
    %add3A_146 = arith.constant 128 : i32
    %add3A_147 = arith.addi %mul3A_2, %add3A_146 : i32
    "tpu.region"() ({
      %run_scoped3A = tpu.sem_alloc : memref<!tpu.dma_semaphore, #tpu.memory_space<semaphore_mem>>
      %dma_start3A_462 = arith.constant 0 : i32
      %dma_start3A_463 = tpu.memref_slice %arg5[%add3A_147, %dma_start3A_462] : memref<16384x1024xf32, #tpu.memory_space<hbm>> -> memref<32x1024xf32, #tpu.memory_space<hbm>>
      %dma_start3A_464 = arith.constant 0 : i32
      %dma_start3A_465 = tpu.memref_slice %arg5[%add3A_147, %dma_start3A_464] : memref<16384x1024xf32, #tpu.memory_space<hbm>> -> memref<32x1024xf32, #tpu.memory_space<hbm>>
      tpu.enqueue_dma source(%arg9 : memref<32x1024xf32, #tpu.memory_space<vmem>>) target(%dma_start3A_465 : memref<32x1024xf32, #tpu.memory_space<hbm>>) target_semaphore(%run_scoped3A : memref<!tpu.dma_semaphore, #tpu.memory_space<semaphore_mem>>)
      %dma_wait3A_466 = arith.constant 0 : i32
      %dma_wait3A_467 = tpu.memref_slice %arg5[%add3A_147, %dma_wait3A_466] : memref<16384x1024xf32, #tpu.memory_space<hbm>> -> memref<32x1024xf32, #tpu.memory_space<hbm>>
      %dma_wait3A_468 = arith.constant 0 : i32
      %dma_wait3A_469 = tpu.memref_slice %arg5[%add3A_147, %dma_wait3A_468] : memref<16384x1024xf32, #tpu.memory_space<hbm>> -> memref<32x1024xf32, #tpu.memory_space<hbm>>
      tpu.wait_dma2 semaphore(%run_scoped3A : memref<!tpu.dma_semaphore, #tpu.memory_space<semaphore_mem>>) src(%arg9 : memref<32x1024xf32, #tpu.memory_space<vmem>>) dst(%dma_wait3A_469 : memref<32x1024xf32, #tpu.memory_space<hbm>>)
      tpu.yield
    }) : () -> ()
    %dma_wait3A_148 = arith.constant 0 : i32
    %dma_wait3A_149 = tpu.memref_slice %arg4[%add3A_131, %dma_wait3A_148] : memref<16384x1024xf32, #tpu.memory_space<hbm>> -> memref<32x1024xf32, #tpu.memory_space<hbm>>
    %dma_wait3A_150 = arith.constant 0 : i32
    %dma_wait3A_151 = tpu.memref_slice %arg4[%add3A_131, %dma_wait3A_150] : memref<16384x1024xf32, #tpu.memory_space<hbm>> -> memref<32x1024xf32, #tpu.memory_space<hbm>>
    tpu.wait_dma2 semaphore(%arg16 : memref<!tpu.dma_semaphore, #tpu.memory_space<semaphore_mem>>) src(%dma_wait3A_151 : memref<32x1024xf32, #tpu.memory_space<hbm>>) dst(%arg11 : memref<32x1024xf32, #tpu.memory_space<vmem>>)
    %scan3A_152 = arith.constant 0 : i32
    %scan3A_153 = arith.constant 32 : i32
    %scan3A_154 = arith.addi %scan3A_152, %scan3A_153 : i32
    %scan3A_155 = arith.constant 1 : i32
    %scan3A_156 = scf.for %scan3A_462 = %scan3A_152 to %scan3A_154 step %scan3A_155 iter_args(%scan3A_463 = %scan3A_128) -> (vector<16xf32>)  : i32 {
      %scan3A_464 = arith.constant 0 : i32
      %scan3A_465 = arith.constant 8 : i32
      %scan3A_466 = arith.addi %scan3A_464, %scan3A_465 : i32
      %scan3A_467 = arith.constant 1 : i32
      %scan3A_468 = scf.for %scan3A_470 = %scan3A_464 to %scan3A_466 step %scan3A_467 iter_args(%scan3A_471 = %scan3A_463) -> (vector<16xf32>)  : i32 {
        %mul3A_472 = arith.constant 128 : i32
        %mul3A_473 = arith.muli %scan3A_470, %mul3A_472 : i32
        %get3A = arith.index_cast %scan3A_462 : i32 to index
        %get3A_474 = arith.index_cast %mul3A_473 : i32 to index
        %get3A_475 = tpu.vector_load %arg9[%get3A, %get3A_474] {strides = array<i32>} : memref<32x1024xf32, #tpu.memory_space<vmem>>, vector<16xf32>,
        %mul3A_476 = arith.constant 128 : i32
        %mul3A_477 = arith.muli %scan3A_470, %mul3A_476 : i32
        %get3A_478 = arith.index_cast %scan3A_462 : i32 to index
        %get3A_479 = arith.index_cast %mul3A_477 : i32 to index
        %get3A_480 = tpu.vector_load %arg11[%get3A_478, %get3A_479] {strides = array<i32>} : memref<32x1024xf32, #tpu.memory_space<vmem>>, vector<16xf32>,
        %sub3A = arith.subf %get3A_475, %get3A_480 : vector<16xf32>
        %mul3A_481 = arith.mulf %sub3A, %sub3A : vector<16xf32>
        %add3A_482 = arith.addf %scan3A_471, %mul3A_481 : vector<16xf32>
        %mul3A_483 = arith.constant 128 : i32
        %mul3A_484 = arith.muli %scan3A_470, %mul3A_483 : i32
        %add3A_485 = arith.constant 16 : i32
        %add3A_486 = arith.addi %mul3A_484, %add3A_485 : i32
        %get3A_487 = arith.index_cast %scan3A_462 : i32 to index
        %get3A_488 = arith.index_cast %add3A_486 : i32 to index
        %get3A_489 = tpu.vector_load %arg9[%get3A_487, %get3A_488] {strides = array<i32>} : memref<32x1024xf32, #tpu.memory_space<vmem>>, vector<16xf32>,
        %mul3A_490 = arith.constant 128 : i32
        %mul3A_491 = arith.muli %scan3A_470, %mul3A_490 : i32
        %add3A_492 = arith.constant 16 : i32
        %add3A_493 = arith.addi %mul3A_491, %add3A_492 : i32
        %get3A_494 = arith.index_cast %scan3A_462 : i32 to index
        %get3A_495 = arith.index_cast %add3A_493 : i32 to index
        %get3A_496 = tpu.vector_load %arg11[%get3A_494, %get3A_495] {strides = array<i32>} : memref<32x1024xf32, #tpu.memory_space<vmem>>, vector<16xf32>,
        %sub3A_497 = arith.subf %get3A_489, %get3A_496 : vector<16xf32>
        %mul3A_498 = arith.mulf %sub3A_497, %sub3A_497 : vector<16xf32>
        %add3A_499 = arith.addf %add3A_482, %mul3A_498 : vector<16xf32>
        %mul3A_500 = arith.constant 128 : i32
        %mul3A_501 = arith.muli %scan3A_470, %mul3A_500 : i32
        %add3A_502 = arith.constant 32 : i32
        %add3A_503 = arith.addi %mul3A_501, %add3A_502 : i32
        %get3A_504 = arith.index_cast %scan3A_462 : i32 to index
        %get3A_505 = arith.index_cast %add3A_503 : i32 to index
        %get3A_506 = tpu.vector_load %arg9[%get3A_504, %get3A_505] {strides = array<i32>} : memref<32x1024xf32, #tpu.memory_space<vmem>>, vector<16xf32>,
        %mul3A_507 = arith.constant 128 : i32
        %mul3A_508 = arith.muli %scan3A_470, %mul3A_507 : i32
        %add3A_509 = arith.constant 32 : i32
        %add3A_510 = arith.addi %mul3A_508, %add3A_509 : i32
        %get3A_511 = arith.index_cast %scan3A_462 : i32 to index
        %get3A_512 = arith.index_cast %add3A_510 : i32 to index
        %get3A_513 = tpu.vector_load %arg11[%get3A_511, %get3A_512] {strides = array<i32>} : memref<32x1024xf32, #tpu.memory_space<vmem>>, vector<16xf32>,
        %sub3A_514 = arith.subf %get3A_506, %get3A_513 : vector<16xf32>
        %mul3A_515 = arith.mulf %sub3A_514, %sub3A_514 : vector<16xf32>
        %add3A_516 = arith.addf %add3A_499, %mul3A_515 : vector<16xf32>
        %mul3A_517 = arith.constant 128 : i32
        %mul3A_518 = arith.muli %scan3A_470, %mul3A_517 : i32
        %add3A_519 = arith.constant 48 : i32
        %add3A_520 = arith.addi %mul3A_518, %add3A_519 : i32
        %get3A_521 = arith.index_cast %scan3A_462 : i32 to index
        %get3A_522 = arith.index_cast %add3A_520 : i32 to index
        %get3A_523 = tpu.vector_load %arg9[%get3A_521, %get3A_522] {strides = array<i32>} : memref<32x1024xf32, #tpu.memory_space<vmem>>, vector<16xf32>,
        %mul3A_524 = arith.constant 128 : i32
        %mul3A_525 = arith.muli %scan3A_470, %mul3A_524 : i32
        %add3A_526 = arith.constant 48 : i32
        %add3A_527 = arith.addi %mul3A_525, %add3A_526 : i32
        %get3A_528 = arith.index_cast %scan3A_462 : i32 to index
        %get3A_529 = arith.index_cast %add3A_527 : i32 to index
        %get3A_530 = tpu.vector_load %arg11[%get3A_528, %get3A_529] {strides = array<i32>} : memref<32x1024xf32, #tpu.memory_space<vmem>>, vector<16xf32>,
        %sub3A_531 = arith.subf %get3A_523, %get3A_530 : vector<16xf32>
        %mul3A_532 = arith.mulf %sub3A_531, %sub3A_531 : vector<16xf32>
        %add3A_533 = arith.addf %add3A_516, %mul3A_532 : vector<16xf32>
        %mul3A_534 = arith.constant 128 : i32
        %mul3A_535 = arith.muli %scan3A_470, %mul3A_534 : i32
        %add3A_536 = arith.constant 64 : i32
        %add3A_537 = arith.addi %mul3A_535, %add3A_536 : i32
        %get3A_538 = arith.index_cast %scan3A_462 : i32 to index
        %get3A_539 = arith.index_cast %add3A_537 : i32 to index
        %get3A_540 = tpu.vector_load %arg9[%get3A_538, %get3A_539] {strides = array<i32>} : memref<32x1024xf32, #tpu.memory_space<vmem>>, vector<16xf32>,
        %mul3A_541 = arith.constant 128 : i32
        %mul3A_542 = arith.muli %scan3A_470, %mul3A_541 : i32
        %add3A_543 = arith.constant 64 : i32
        %add3A_544 = arith.addi %mul3A_542, %add3A_543 : i32
        %get3A_545 = arith.index_cast %scan3A_462 : i32 to index
        %get3A_546 = arith.index_cast %add3A_544 : i32 to index
        %get3A_547 = tpu.vector_load %arg11[%get3A_545, %get3A_546] {strides = array<i32>} : memref<32x1024xf32, #tpu.memory_space<vmem>>, vector<16xf32>,
        %sub3A_548 = arith.subf %get3A_540, %get3A_547 : vector<16xf32>
        %mul3A_549 = arith.mulf %sub3A_548, %sub3A_548 : vector<16xf32>
        %add3A_550 = arith.addf %add3A_533, %mul3A_549 : vector<16xf32>
        %mul3A_551 = arith.constant 128 : i32
        %mul3A_552 = arith.muli %scan3A_470, %mul3A_551 : i32
        %add3A_553 = arith.constant 80 : i32
        %add3A_554 = arith.addi %mul3A_552, %add3A_553 : i32
        %get3A_555 = arith.index_cast %scan3A_462 : i32 to index
        %get3A_556 = arith.index_cast %add3A_554 : i32 to index
        %get3A_557 = tpu.vector_load %arg9[%get3A_555, %get3A_556] {strides = array<i32>} : memref<32x1024xf32, #tpu.memory_space<vmem>>, vector<16xf32>,
        %mul3A_558 = arith.constant 128 : i32
        %mul3A_559 = arith.muli %scan3A_470, %mul3A_558 : i32
        %add3A_560 = arith.constant 80 : i32
        %add3A_561 = arith.addi %mul3A_559, %add3A_560 : i32
        %get3A_562 = arith.index_cast %scan3A_462 : i32 to index
        %get3A_563 = arith.index_cast %add3A_561 : i32 to index
        %get3A_564 = tpu.vector_load %arg11[%get3A_562, %get3A_563] {strides = array<i32>} : memref<32x1024xf32, #tpu.memory_space<vmem>>, vector<16xf32>,
        %sub3A_565 = arith.subf %get3A_557, %get3A_564 : vector<16xf32>
        %mul3A_566 = arith.mulf %sub3A_565, %sub3A_565 : vector<16xf32>
        %add3A_567 = arith.addf %add3A_550, %mul3A_566 : vector<16xf32>
        %mul3A_568 = arith.constant 128 : i32
        %mul3A_569 = arith.muli %scan3A_470, %mul3A_568 : i32
        %add3A_570 = arith.constant 96 : i32
        %add3A_571 = arith.addi %mul3A_569, %add3A_570 : i32
        %get3A_572 = arith.index_cast %scan3A_462 : i32 to index
        %get3A_573 = arith.index_cast %add3A_571 : i32 to index
        %get3A_574 = tpu.vector_load %arg9[%get3A_572, %get3A_573] {strides = array<i32>} : memref<32x1024xf32, #tpu.memory_space<vmem>>, vector<16xf32>,
        %mul3A_575 = arith.constant 128 : i32
        %mul3A_576 = arith.muli %scan3A_470, %mul3A_575 : i32
        %add3A_577 = arith.constant 96 : i32
        %add3A_578 = arith.addi %mul3A_576, %add3A_577 : i32
        %get3A_579 = arith.index_cast %scan3A_462 : i32 to index
        %get3A_580 = arith.index_cast %add3A_578 : i32 to index
        %get3A_581 = tpu.vector_load %arg11[%get3A_579, %get3A_580] {strides = array<i32>} : memref<32x1024xf32, #tpu.memory_space<vmem>>, vector<16xf32>,
        %sub3A_582 = arith.subf %get3A_574, %get3A_581 : vector<16xf32>
        %mul3A_583 = arith.mulf %sub3A_582, %sub3A_582 : vector<16xf32>
        %add3A_584 = arith.addf %add3A_567, %mul3A_583 : vector<16xf32>
        %mul3A_585 = arith.constant 128 : i32
        %mul3A_586 = arith.muli %scan3A_470, %mul3A_585 : i32
        %add3A_587 = arith.constant 112 : i32
        %add3A_588 = arith.addi %mul3A_586, %add3A_587 : i32
        %get3A_589 = arith.index_cast %scan3A_462 : i32 to index
        %get3A_590 = arith.index_cast %add3A_588 : i32 to index
        %get3A_591 = tpu.vector_load %arg9[%get3A_589, %get3A_590] {strides = array<i32>} : memref<32x1024xf32, #tpu.memory_space<vmem>>, vector<16xf32>,
        %mul3A_592 = arith.constant 128 : i32
        %mul3A_593 = arith.muli %scan3A_470, %mul3A_592 : i32
        %add3A_594 = arith.constant 112 : i32
        %add3A_595 = arith.addi %mul3A_593, %add3A_594 : i32
        %get3A_596 = arith.index_cast %scan3A_462 : i32 to index
        %get3A_597 = arith.index_cast %add3A_595 : i32 to index
        %get3A_598 = tpu.vector_load %arg11[%get3A_596, %get3A_597] {strides = array<i32>} : memref<32x1024xf32, #tpu.memory_space<vmem>>, vector<16xf32>,
        %sub3A_599 = arith.subf %get3A_591, %get3A_598 : vector<16xf32>
        %mul3A_600 = arith.mulf %sub3A_599, %sub3A_599 : vector<16xf32>
        %add3A_601 = arith.addf %add3A_584, %mul3A_600 : vector<16xf32>
        scf.yield %add3A_601 : vector<16xf32>
      }
      %scan3A_469 = arith.constant 8 : i32
      scf.yield %scan3A_468 : vector<16xf32>
    }
    %scan3A_157 = arith.constant 32 : i32
    %add3A_158 = arith.constant 160 : i32
    %add3A_159 = arith.addi %mul3A_2, %add3A_158 : i32
    %dma_start3A_160 = arith.constant 0 : i32
    %dma_start3A_161 = tpu.memref_slice %arg4[%add3A_159, %dma_start3A_160] : memref<16384x1024xf32, #tpu.memory_space<hbm>> -> memref<32x1024xf32, #tpu.memory_space<hbm>>
    %dma_start3A_162 = arith.constant 0 : i32
    %dma_start3A_163 = tpu.memref_slice %arg4[%add3A_159, %dma_start3A_162] : memref<16384x1024xf32, #tpu.memory_space<hbm>> -> memref<32x1024xf32, #tpu.memory_space<hbm>>
    tpu.enqueue_dma source(%dma_start3A_163 : memref<32x1024xf32, #tpu.memory_space<hbm>>) target(%arg11 : memref<32x1024xf32, #tpu.memory_space<vmem>>) target_semaphore(%arg16 : memref<!tpu.dma_semaphore, #tpu.memory_space<semaphore_mem>>)
    %dma_wait3A_164 = arith.constant 160 : i32
    %dma_wait3A_165 = tpu.memref_slice %arg8[%dma_wait3A_164] : memref<512xi32, #tpu.memory_space<vmem>> -> memref<32xi32, #tpu.memory_space<vmem>>
    %dma_wait3A_166 = arith.constant 0 : i32
    %dma_wait3A_167 = arith.constant 0 : i32
    %dma_wait3A_168 = tpu.memref_slice %arg2[%dma_wait3A_166, %dma_wait3A_167] : memref<8192x1024xf32, #tpu.memory_space<hbm>> -> memref<8192x1024xf32, #tpu.memory_space<hbm>>
    tpu.wait_indirect_dma semaphore(%arg15 : memref<!tpu.dma_semaphore, #tpu.memory_space<semaphore_mem>>) src(%dma_wait3A_168 : memref<8192x1024xf32, #tpu.memory_space<hbm>>) dst(%arg10 : memref<32x1024xf32, #tpu.memory_space<vmem>>)
    %dma_start3A_169 = arith.constant 192 : i32
    %dma_start3A_170 = tpu.memref_slice %arg8[%dma_start3A_169] : memref<512xi32, #tpu.memory_space<vmem>> -> memref<32xi32, #tpu.memory_space<vmem>>
    %dma_start3A_171 = arith.constant 0 : i32
    %dma_start3A_172 = arith.constant 0 : i32
    %dma_start3A_173 = tpu.memref_slice %arg2[%dma_start3A_171, %dma_start3A_172] : memref<8192x1024xf32, #tpu.memory_space<hbm>> -> memref<8192x1024xf32, #tpu.memory_space<hbm>>
    tpu.enqueue_indirect_dma source(%dma_start3A_173 : memref<8192x1024xf32, #tpu.memory_space<hbm>>) target(%arg9 : memref<32x1024xf32, #tpu.memory_space<vmem>>) offsets(%dma_start3A_170 : memref<32xi32, #tpu.memory_space<vmem>>) semaphore(%arg14 : memref<!tpu.dma_semaphore, #tpu.memory_space<semaphore_mem>>)
    %add3A_174 = arith.constant 160 : i32
    %add3A_175 = arith.addi %mul3A_2, %add3A_174 : i32
    "tpu.region"() ({
      %run_scoped3A = tpu.sem_alloc : memref<!tpu.dma_semaphore, #tpu.memory_space<semaphore_mem>>
      %dma_start3A_462 = arith.constant 0 : i32
      %dma_start3A_463 = tpu.memref_slice %arg5[%add3A_175, %dma_start3A_462] : memref<16384x1024xf32, #tpu.memory_space<hbm>> -> memref<32x1024xf32, #tpu.memory_space<hbm>>
      %dma_start3A_464 = arith.constant 0 : i32
      %dma_start3A_465 = tpu.memref_slice %arg5[%add3A_175, %dma_start3A_464] : memref<16384x1024xf32, #tpu.memory_space<hbm>> -> memref<32x1024xf32, #tpu.memory_space<hbm>>
      tpu.enqueue_dma source(%arg10 : memref<32x1024xf32, #tpu.memory_space<vmem>>) target(%dma_start3A_465 : memref<32x1024xf32, #tpu.memory_space<hbm>>) target_semaphore(%run_scoped3A : memref<!tpu.dma_semaphore, #tpu.memory_space<semaphore_mem>>)
      %dma_wait3A_466 = arith.constant 0 : i32
      %dma_wait3A_467 = tpu.memref_slice %arg5[%add3A_175, %dma_wait3A_466] : memref<16384x1024xf32, #tpu.memory_space<hbm>> -> memref<32x1024xf32, #tpu.memory_space<hbm>>
      %dma_wait3A_468 = arith.constant 0 : i32
      %dma_wait3A_469 = tpu.memref_slice %arg5[%add3A_175, %dma_wait3A_468] : memref<16384x1024xf32, #tpu.memory_space<hbm>> -> memref<32x1024xf32, #tpu.memory_space<hbm>>
      tpu.wait_dma2 semaphore(%run_scoped3A : memref<!tpu.dma_semaphore, #tpu.memory_space<semaphore_mem>>) src(%arg10 : memref<32x1024xf32, #tpu.memory_space<vmem>>) dst(%dma_wait3A_469 : memref<32x1024xf32, #tpu.memory_space<hbm>>)
      tpu.yield
    }) : () -> ()
    %dma_wait3A_176 = arith.constant 0 : i32
    %dma_wait3A_177 = tpu.memref_slice %arg4[%add3A_159, %dma_wait3A_176] : memref<16384x1024xf32, #tpu.memory_space<hbm>> -> memref<32x1024xf32, #tpu.memory_space<hbm>>
    %dma_wait3A_178 = arith.constant 0 : i32
    %dma_wait3A_179 = tpu.memref_slice %arg4[%add3A_159, %dma_wait3A_178] : memref<16384x1024xf32, #tpu.memory_space<hbm>> -> memref<32x1024xf32, #tpu.memory_space<hbm>>
    tpu.wait_dma2 semaphore(%arg16 : memref<!tpu.dma_semaphore, #tpu.memory_space<semaphore_mem>>) src(%dma_wait3A_179 : memref<32x1024xf32, #tpu.memory_space<hbm>>) dst(%arg11 : memref<32x1024xf32, #tpu.memory_space<vmem>>)
    %scan3A_180 = arith.constant 0 : i32
    %scan3A_181 = arith.constant 32 : i32
    %scan3A_182 = arith.addi %scan3A_180, %scan3A_181 : i32
    %scan3A_183 = arith.constant 1 : i32
    %scan3A_184 = scf.for %scan3A_462 = %scan3A_180 to %scan3A_182 step %scan3A_183 iter_args(%scan3A_463 = %scan3A_156) -> (vector<16xf32>)  : i32 {
      %scan3A_464 = arith.constant 0 : i32
      %scan3A_465 = arith.constant 8 : i32
      %scan3A_466 = arith.addi %scan3A_464, %scan3A_465 : i32
      %scan3A_467 = arith.constant 1 : i32
      %scan3A_468 = scf.for %scan3A_470 = %scan3A_464 to %scan3A_466 step %scan3A_467 iter_args(%scan3A_471 = %scan3A_463) -> (vector<16xf32>)  : i32 {
        %mul3A_472 = arith.constant 128 : i32
        %mul3A_473 = arith.muli %scan3A_470, %mul3A_472 : i32
        %get3A = arith.index_cast %scan3A_462 : i32 to index
        %get3A_474 = arith.index_cast %mul3A_473 : i32 to index
        %get3A_475 = tpu.vector_load %arg10[%get3A, %get3A_474] {strides = array<i32>} : memref<32x1024xf32, #tpu.memory_space<vmem>>, vector<16xf32>,
        %mul3A_476 = arith.constant 128 : i32
        %mul3A_477 = arith.muli %scan3A_470, %mul3A_476 : i32
        %get3A_478 = arith.index_cast %scan3A_462 : i32 to index
        %get3A_479 = arith.index_cast %mul3A_477 : i32 to index
        %get3A_480 = tpu.vector_load %arg11[%get3A_478, %get3A_479] {strides = array<i32>} : memref<32x1024xf32, #tpu.memory_space<vmem>>, vector<16xf32>,
        %sub3A = arith.subf %get3A_475, %get3A_480 : vector<16xf32>
        %mul3A_481 = arith.mulf %sub3A, %sub3A : vector<16xf32>
        %add3A_482 = arith.addf %scan3A_471, %mul3A_481 : vector<16xf32>
        %mul3A_483 = arith.constant 128 : i32
        %mul3A_484 = arith.muli %scan3A_470, %mul3A_483 : i32
        %add3A_485 = arith.constant 16 : i32
        %add3A_486 = arith.addi %mul3A_484, %add3A_485 : i32
        %get3A_487 = arith.index_cast %scan3A_462 : i32 to index
        %get3A_488 = arith.index_cast %add3A_486 : i32 to index
        %get3A_489 = tpu.vector_load %arg10[%get3A_487, %get3A_488] {strides = array<i32>} : memref<32x1024xf32, #tpu.memory_space<vmem>>, vector<16xf32>,
        %mul3A_490 = arith.constant 128 : i32
        %mul3A_491 = arith.muli %scan3A_470, %mul3A_490 : i32
        %add3A_492 = arith.constant 16 : i32
        %add3A_493 = arith.addi %mul3A_491, %add3A_492 : i32
        %get3A_494 = arith.index_cast %scan3A_462 : i32 to index
        %get3A_495 = arith.index_cast %add3A_493 : i32 to index
        %get3A_496 = tpu.vector_load %arg11[%get3A_494, %get3A_495] {strides = array<i32>} : memref<32x1024xf32, #tpu.memory_space<vmem>>, vector<16xf32>,
        %sub3A_497 = arith.subf %get3A_489, %get3A_496 : vector<16xf32>
        %mul3A_498 = arith.mulf %sub3A_497, %sub3A_497 : vector<16xf32>
        %add3A_499 = arith.addf %add3A_482, %mul3A_498 : vector<16xf32>
        %mul3A_500 = arith.constant 128 : i32
        %mul3A_501 = arith.muli %scan3A_470, %mul3A_500 : i32
        %add3A_502 = arith.constant 32 : i32
        %add3A_503 = arith.addi %mul3A_501, %add3A_502 : i32
        %get3A_504 = arith.index_cast %scan3A_462 : i32 to index
        %get3A_505 = arith.index_cast %add3A_503 : i32 to index
        %get3A_506 = tpu.vector_load %arg10[%get3A_504, %get3A_505] {strides = array<i32>} : memref<32x1024xf32, #tpu.memory_space<vmem>>, vector<16xf32>,
        %mul3A_507 = arith.constant 128 : i32
        %mul3A_508 = arith.muli %scan3A_470, %mul3A_507 : i32
        %add3A_509 = arith.constant 32 : i32
        %add3A_510 = arith.addi %mul3A_508, %add3A_509 : i32
        %get3A_511 = arith.index_cast %scan3A_462 : i32 to index
        %get3A_512 = arith.index_cast %add3A_510 : i32 to index
        %get3A_513 = tpu.vector_load %arg11[%get3A_511, %get3A_512] {strides = array<i32>} : memref<32x1024xf32, #tpu.memory_space<vmem>>, vector<16xf32>,
        %sub3A_514 = arith.subf %get3A_506, %get3A_513 : vector<16xf32>
        %mul3A_515 = arith.mulf %sub3A_514, %sub3A_514 : vector<16xf32>
        %add3A_516 = arith.addf %add3A_499, %mul3A_515 : vector<16xf32>
        %mul3A_517 = arith.constant 128 : i32
        %mul3A_518 = arith.muli %scan3A_470, %mul3A_517 : i32
        %add3A_519 = arith.constant 48 : i32
        %add3A_520 = arith.addi %mul3A_518, %add3A_519 : i32
        %get3A_521 = arith.index_cast %scan3A_462 : i32 to index
        %get3A_522 = arith.index_cast %add3A_520 : i32 to index
        %get3A_523 = tpu.vector_load %arg10[%get3A_521, %get3A_522] {strides = array<i32>} : memref<32x1024xf32, #tpu.memory_space<vmem>>, vector<16xf32>,
        %mul3A_524 = arith.constant 128 : i32
        %mul3A_525 = arith.muli %scan3A_470, %mul3A_524 : i32
        %add3A_526 = arith.constant 48 : i32
        %add3A_527 = arith.addi %mul3A_525, %add3A_526 : i32
        %get3A_528 = arith.index_cast %scan3A_462 : i32 to index
        %get3A_529 = arith.index_cast %add3A_527 : i32 to index
        %get3A_530 = tpu.vector_load %arg11[%get3A_528, %get3A_529] {strides = array<i32>} : memref<32x1024xf32, #tpu.memory_space<vmem>>, vector<16xf32>,
        %sub3A_531 = arith.subf %get3A_523, %get3A_530 : vector<16xf32>
        %mul3A_532 = arith.mulf %sub3A_531, %sub3A_531 : vector<16xf32>
        %add3A_533 = arith.addf %add3A_516, %mul3A_532 : vector<16xf32>
        %mul3A_534 = arith.constant 128 : i32
        %mul3A_535 = arith.muli %scan3A_470, %mul3A_534 : i32
        %add3A_536 = arith.constant 64 : i32
        %add3A_537 = arith.addi %mul3A_535, %add3A_536 : i32
        %get3A_538 = arith.index_cast %scan3A_462 : i32 to index
        %get3A_539 = arith.index_cast %add3A_537 : i32 to index
        %get3A_540 = tpu.vector_load %arg10[%get3A_538, %get3A_539] {strides = array<i32>} : memref<32x1024xf32, #tpu.memory_space<vmem>>, vector<16xf32>,
        %mul3A_541 = arith.constant 128 : i32
        %mul3A_542 = arith.muli %scan3A_470, %mul3A_541 : i32
        %add3A_543 = arith.constant 64 : i32
        %add3A_544 = arith.addi %mul3A_542, %add3A_543 : i32
        %get3A_545 = arith.index_cast %scan3A_462 : i32 to index
        %get3A_546 = arith.index_cast %add3A_544 : i32 to index
        %get3A_547 = tpu.vector_load %arg11[%get3A_545, %get3A_546] {strides = array<i32>} : memref<32x1024xf32, #tpu.memory_space<vmem>>, vector<16xf32>,
        %sub3A_548 = arith.subf %get3A_540, %get3A_547 : vector<16xf32>
        %mul3A_549 = arith.mulf %sub3A_548, %sub3A_548 : vector<16xf32>
        %add3A_550 = arith.addf %add3A_533, %mul3A_549 : vector<16xf32>
        %mul3A_551 = arith.constant 128 : i32
        %mul3A_552 = arith.muli %scan3A_470, %mul3A_551 : i32
        %add3A_553 = arith.constant 80 : i32
        %add3A_554 = arith.addi %mul3A_552, %add3A_553 : i32
        %get3A_555 = arith.index_cast %scan3A_462 : i32 to index
        %get3A_556 = arith.index_cast %add3A_554 : i32 to index
        %get3A_557 = tpu.vector_load %arg10[%get3A_555, %get3A_556] {strides = array<i32>} : memref<32x1024xf32, #tpu.memory_space<vmem>>, vector<16xf32>,
        %mul3A_558 = arith.constant 128 : i32
        %mul3A_559 = arith.muli %scan3A_470, %mul3A_558 : i32
        %add3A_560 = arith.constant 80 : i32
        %add3A_561 = arith.addi %mul3A_559, %add3A_560 : i32
        %get3A_562 = arith.index_cast %scan3A_462 : i32 to index
        %get3A_563 = arith.index_cast %add3A_561 : i32 to index
        %get3A_564 = tpu.vector_load %arg11[%get3A_562, %get3A_563] {strides = array<i32>} : memref<32x1024xf32, #tpu.memory_space<vmem>>, vector<16xf32>,
        %sub3A_565 = arith.subf %get3A_557, %get3A_564 : vector<16xf32>
        %mul3A_566 = arith.mulf %sub3A_565, %sub3A_565 : vector<16xf32>
        %add3A_567 = arith.addf %add3A_550, %mul3A_566 : vector<16xf32>
        %mul3A_568 = arith.constant 128 : i32
        %mul3A_569 = arith.muli %scan3A_470, %mul3A_568 : i32
        %add3A_570 = arith.constant 96 : i32
        %add3A_571 = arith.addi %mul3A_569, %add3A_570 : i32
        %get3A_572 = arith.index_cast %scan3A_462 : i32 to index
        %get3A_573 = arith.index_cast %add3A_571 : i32 to index
        %get3A_574 = tpu.vector_load %arg10[%get3A_572, %get3A_573] {strides = array<i32>} : memref<32x1024xf32, #tpu.memory_space<vmem>>, vector<16xf32>,
        %mul3A_575 = arith.constant 128 : i32
        %mul3A_576 = arith.muli %scan3A_470, %mul3A_575 : i32
        %add3A_577 = arith.constant 96 : i32
        %add3A_578 = arith.addi %mul3A_576, %add3A_577 : i32
        %get3A_579 = arith.index_cast %scan3A_462 : i32 to index
        %get3A_580 = arith.index_cast %add3A_578 : i32 to index
        %get3A_581 = tpu.vector_load %arg11[%get3A_579, %get3A_580] {strides = array<i32>} : memref<32x1024xf32, #tpu.memory_space<vmem>>, vector<16xf32>,
        %sub3A_582 = arith.subf %get3A_574, %get3A_581 : vector<16xf32>
        %mul3A_583 = arith.mulf %sub3A_582, %sub3A_582 : vector<16xf32>
        %add3A_584 = arith.addf %add3A_567, %mul3A_583 : vector<16xf32>
        %mul3A_585 = arith.constant 128 : i32
        %mul3A_586 = arith.muli %scan3A_470, %mul3A_585 : i32
        %add3A_587 = arith.constant 112 : i32
        %add3A_588 = arith.addi %mul3A_586, %add3A_587 : i32
        %get3A_589 = arith.index_cast %scan3A_462 : i32 to index
        %get3A_590 = arith.index_cast %add3A_588 : i32 to index
        %get3A_591 = tpu.vector_load %arg10[%get3A_589, %get3A_590] {strides = array<i32>} : memref<32x1024xf32, #tpu.memory_space<vmem>>, vector<16xf32>,
        %mul3A_592 = arith.constant 128 : i32
        %mul3A_593 = arith.muli %scan3A_470, %mul3A_592 : i32
        %add3A_594 = arith.constant 112 : i32
        %add3A_595 = arith.addi %mul3A_593, %add3A_594 : i32
        %get3A_596 = arith.index_cast %scan3A_462 : i32 to index
        %get3A_597 = arith.index_cast %add3A_595 : i32 to index
        %get3A_598 = tpu.vector_load %arg11[%get3A_596, %get3A_597] {strides = array<i32>} : memref<32x1024xf32, #tpu.memory_space<vmem>>, vector<16xf32>,
        %sub3A_599 = arith.subf %get3A_591, %get3A_598 : vector<16xf32>
        %mul3A_600 = arith.mulf %sub3A_599, %sub3A_599 : vector<16xf32>
        %add3A_601 = arith.addf %add3A_584, %mul3A_600 : vector<16xf32>
        scf.yield %add3A_601 : vector<16xf32>
      }
      %scan3A_469 = arith.constant 8 : i32
      scf.yield %scan3A_468 : vector<16xf32>
    }
    %scan3A_185 = arith.constant 32 : i32
    %add3A_186 = arith.constant 192 : i32
    %add3A_187 = arith.addi %mul3A_2, %add3A_186 : i32
    %dma_start3A_188 = arith.constant 0 : i32
    %dma_start3A_189 = tpu.memref_slice %arg4[%add3A_187, %dma_start3A_188] : memref<16384x1024xf32, #tpu.memory_space<hbm>> -> memref<32x1024xf32, #tpu.memory_space<hbm>>
    %dma_start3A_190 = arith.constant 0 : i32
    %dma_start3A_191 = tpu.memref_slice %arg4[%add3A_187, %dma_start3A_190] : memref<16384x1024xf32, #tpu.memory_space<hbm>> -> memref<32x1024xf32, #tpu.memory_space<hbm>>
    tpu.enqueue_dma source(%dma_start3A_191 : memref<32x1024xf32, #tpu.memory_space<hbm>>) target(%arg11 : memref<32x1024xf32, #tpu.memory_space<vmem>>) target_semaphore(%arg16 : memref<!tpu.dma_semaphore, #tpu.memory_space<semaphore_mem>>)
    %dma_wait3A_192 = arith.constant 192 : i32
    %dma_wait3A_193 = tpu.memref_slice %arg8[%dma_wait3A_192] : memref<512xi32, #tpu.memory_space<vmem>> -> memref<32xi32, #tpu.memory_space<vmem>>
    %dma_wait3A_194 = arith.constant 0 : i32
    %dma_wait3A_195 = arith.constant 0 : i32
    %dma_wait3A_196 = tpu.memref_slice %arg2[%dma_wait3A_194, %dma_wait3A_195] : memref<8192x1024xf32, #tpu.memory_space<hbm>> -> memref<8192x1024xf32, #tpu.memory_space<hbm>>
    tpu.wait_indirect_dma semaphore(%arg14 : memref<!tpu.dma_semaphore, #tpu.memory_space<semaphore_mem>>) src(%dma_wait3A_196 : memref<8192x1024xf32, #tpu.memory_space<hbm>>) dst(%arg9 : memref<32x1024xf32, #tpu.memory_space<vmem>>)
    %dma_start3A_197 = arith.constant 224 : i32
    %dma_start3A_198 = tpu.memref_slice %arg8[%dma_start3A_197] : memref<512xi32, #tpu.memory_space<vmem>> -> memref<32xi32, #tpu.memory_space<vmem>>
    %dma_start3A_199 = arith.constant 0 : i32
    %dma_start3A_200 = arith.constant 0 : i32
    %dma_start3A_201 = tpu.memref_slice %arg2[%dma_start3A_199, %dma_start3A_200] : memref<8192x1024xf32, #tpu.memory_space<hbm>> -> memref<8192x1024xf32, #tpu.memory_space<hbm>>
    tpu.enqueue_indirect_dma source(%dma_start3A_201 : memref<8192x1024xf32, #tpu.memory_space<hbm>>) target(%arg10 : memref<32x1024xf32, #tpu.memory_space<vmem>>) offsets(%dma_start3A_198 : memref<32xi32, #tpu.memory_space<vmem>>) semaphore(%arg15 : memref<!tpu.dma_semaphore, #tpu.memory_space<semaphore_mem>>)
    %add3A_202 = arith.constant 192 : i32
    %add3A_203 = arith.addi %mul3A_2, %add3A_202 : i32
    "tpu.region"() ({
      %run_scoped3A = tpu.sem_alloc : memref<!tpu.dma_semaphore, #tpu.memory_space<semaphore_mem>>
      %dma_start3A_462 = arith.constant 0 : i32
      %dma_start3A_463 = tpu.memref_slice %arg5[%add3A_203, %dma_start3A_462] : memref<16384x1024xf32, #tpu.memory_space<hbm>> -> memref<32x1024xf32, #tpu.memory_space<hbm>>
      %dma_start3A_464 = arith.constant 0 : i32
      %dma_start3A_465 = tpu.memref_slice %arg5[%add3A_203, %dma_start3A_464] : memref<16384x1024xf32, #tpu.memory_space<hbm>> -> memref<32x1024xf32, #tpu.memory_space<hbm>>
      tpu.enqueue_dma source(%arg9 : memref<32x1024xf32, #tpu.memory_space<vmem>>) target(%dma_start3A_465 : memref<32x1024xf32, #tpu.memory_space<hbm>>) target_semaphore(%run_scoped3A : memref<!tpu.dma_semaphore, #tpu.memory_space<semaphore_mem>>)
      %dma_wait3A_466 = arith.constant 0 : i32
      %dma_wait3A_467 = tpu.memref_slice %arg5[%add3A_203, %dma_wait3A_466] : memref<16384x1024xf32, #tpu.memory_space<hbm>> -> memref<32x1024xf32, #tpu.memory_space<hbm>>
      %dma_wait3A_468 = arith.constant 0 : i32
      %dma_wait3A_469 = tpu.memref_slice %arg5[%add3A_203, %dma_wait3A_468] : memref<16384x1024xf32, #tpu.memory_space<hbm>> -> memref<32x1024xf32, #tpu.memory_space<hbm>>
      tpu.wait_dma2 semaphore(%run_scoped3A : memref<!tpu.dma_semaphore, #tpu.memory_space<semaphore_mem>>) src(%arg9 : memref<32x1024xf32, #tpu.memory_space<vmem>>) dst(%dma_wait3A_469 : memref<32x1024xf32, #tpu.memory_space<hbm>>)
      tpu.yield
    }) : () -> ()
    %dma_wait3A_204 = arith.constant 0 : i32
    %dma_wait3A_205 = tpu.memref_slice %arg4[%add3A_187, %dma_wait3A_204] : memref<16384x1024xf32, #tpu.memory_space<hbm>> -> memref<32x1024xf32, #tpu.memory_space<hbm>>
    %dma_wait3A_206 = arith.constant 0 : i32
    %dma_wait3A_207 = tpu.memref_slice %arg4[%add3A_187, %dma_wait3A_206] : memref<16384x1024xf32, #tpu.memory_space<hbm>> -> memref<32x1024xf32, #tpu.memory_space<hbm>>
    tpu.wait_dma2 semaphore(%arg16 : memref<!tpu.dma_semaphore, #tpu.memory_space<semaphore_mem>>) src(%dma_wait3A_207 : memref<32x1024xf32, #tpu.memory_space<hbm>>) dst(%arg11 : memref<32x1024xf32, #tpu.memory_space<vmem>>)
    %scan3A_208 = arith.constant 0 : i32
    %scan3A_209 = arith.constant 32 : i32
    %scan3A_210 = arith.addi %scan3A_208, %scan3A_209 : i32
    %scan3A_211 = arith.constant 1 : i32
    %scan3A_212 = scf.for %scan3A_462 = %scan3A_208 to %scan3A_210 step %scan3A_211 iter_args(%scan3A_463 = %scan3A_184) -> (vector<16xf32>)  : i32 {
      %scan3A_464 = arith.constant 0 : i32
      %scan3A_465 = arith.constant 8 : i32
      %scan3A_466 = arith.addi %scan3A_464, %scan3A_465 : i32
      %scan3A_467 = arith.constant 1 : i32
      %scan3A_468 = scf.for %scan3A_470 = %scan3A_464 to %scan3A_466 step %scan3A_467 iter_args(%scan3A_471 = %scan3A_463) -> (vector<16xf32>)  : i32 {
        %mul3A_472 = arith.constant 128 : i32
        %mul3A_473 = arith.muli %scan3A_470, %mul3A_472 : i32
        %get3A = arith.index_cast %scan3A_462 : i32 to index
        %get3A_474 = arith.index_cast %mul3A_473 : i32 to index
        %get3A_475 = tpu.vector_load %arg9[%get3A, %get3A_474] {strides = array<i32>} : memref<32x1024xf32, #tpu.memory_space<vmem>>, vector<16xf32>,
        %mul3A_476 = arith.constant 128 : i32
        %mul3A_477 = arith.muli %scan3A_470, %mul3A_476 : i32
        %get3A_478 = arith.index_cast %scan3A_462 : i32 to index
        %get3A_479 = arith.index_cast %mul3A_477 : i32 to index
        %get3A_480 = tpu.vector_load %arg11[%get3A_478, %get3A_479] {strides = array<i32>} : memref<32x1024xf32, #tpu.memory_space<vmem>>, vector<16xf32>,
        %sub3A = arith.subf %get3A_475, %get3A_480 : vector<16xf32>
        %mul3A_481 = arith.mulf %sub3A, %sub3A : vector<16xf32>
        %add3A_482 = arith.addf %scan3A_471, %mul3A_481 : vector<16xf32>
        %mul3A_483 = arith.constant 128 : i32
        %mul3A_484 = arith.muli %scan3A_470, %mul3A_483 : i32
        %add3A_485 = arith.constant 16 : i32
        %add3A_486 = arith.addi %mul3A_484, %add3A_485 : i32
        %get3A_487 = arith.index_cast %scan3A_462 : i32 to index
        %get3A_488 = arith.index_cast %add3A_486 : i32 to index
        %get3A_489 = tpu.vector_load %arg9[%get3A_487, %get3A_488] {strides = array<i32>} : memref<32x1024xf32, #tpu.memory_space<vmem>>, vector<16xf32>,
        %mul3A_490 = arith.constant 128 : i32
        %mul3A_491 = arith.muli %scan3A_470, %mul3A_490 : i32
        %add3A_492 = arith.constant 16 : i32
        %add3A_493 = arith.addi %mul3A_491, %add3A_492 : i32
        %get3A_494 = arith.index_cast %scan3A_462 : i32 to index
        %get3A_495 = arith.index_cast %add3A_493 : i32 to index
        %get3A_496 = tpu.vector_load %arg11[%get3A_494, %get3A_495] {strides = array<i32>} : memref<32x1024xf32, #tpu.memory_space<vmem>>, vector<16xf32>,
        %sub3A_497 = arith.subf %get3A_489, %get3A_496 : vector<16xf32>
        %mul3A_498 = arith.mulf %sub3A_497, %sub3A_497 : vector<16xf32>
        %add3A_499 = arith.addf %add3A_482, %mul3A_498 : vector<16xf32>
        %mul3A_500 = arith.constant 128 : i32
        %mul3A_501 = arith.muli %scan3A_470, %mul3A_500 : i32
        %add3A_502 = arith.constant 32 : i32
        %add3A_503 = arith.addi %mul3A_501, %add3A_502 : i32
        %get3A_504 = arith.index_cast %scan3A_462 : i32 to index
        %get3A_505 = arith.index_cast %add3A_503 : i32 to index
        %get3A_506 = tpu.vector_load %arg9[%get3A_504, %get3A_505] {strides = array<i32>} : memref<32x1024xf32, #tpu.memory_space<vmem>>, vector<16xf32>,
        %mul3A_507 = arith.constant 128 : i32
        %mul3A_508 = arith.muli %scan3A_470, %mul3A_507 : i32
        %add3A_509 = arith.constant 32 : i32
        %add3A_510 = arith.addi %mul3A_508, %add3A_509 : i32
        %get3A_511 = arith.index_cast %scan3A_462 : i32 to index
        %get3A_512 = arith.index_cast %add3A_510 : i32 to index
        %get3A_513 = tpu.vector_load %arg11[%get3A_511, %get3A_512] {strides = array<i32>} : memref<32x1024xf32, #tpu.memory_space<vmem>>, vector<16xf32>,
        %sub3A_514 = arith.subf %get3A_506, %get3A_513 : vector<16xf32>
        %mul3A_515 = arith.mulf %sub3A_514, %sub3A_514 : vector<16xf32>
        %add3A_516 = arith.addf %add3A_499, %mul3A_515 : vector<16xf32>
        %mul3A_517 = arith.constant 128 : i32
        %mul3A_518 = arith.muli %scan3A_470, %mul3A_517 : i32
        %add3A_519 = arith.constant 48 : i32
        %add3A_520 = arith.addi %mul3A_518, %add3A_519 : i32
        %get3A_521 = arith.index_cast %scan3A_462 : i32 to index
        %get3A_522 = arith.index_cast %add3A_520 : i32 to index
        %get3A_523 = tpu.vector_load %arg9[%get3A_521, %get3A_522] {strides = array<i32>} : memref<32x1024xf32, #tpu.memory_space<vmem>>, vector<16xf32>,
        %mul3A_524 = arith.constant 128 : i32
        %mul3A_525 = arith.muli %scan3A_470, %mul3A_524 : i32
        %add3A_526 = arith.constant 48 : i32
        %add3A_527 = arith.addi %mul3A_525, %add3A_526 : i32
        %get3A_528 = arith.index_cast %scan3A_462 : i32 to index
        %get3A_529 = arith.index_cast %add3A_527 : i32 to index
        %get3A_530 = tpu.vector_load %arg11[%get3A_528, %get3A_529] {strides = array<i32>} : memref<32x1024xf32, #tpu.memory_space<vmem>>, vector<16xf32>,
        %sub3A_531 = arith.subf %get3A_523, %get3A_530 : vector<16xf32>
        %mul3A_532 = arith.mulf %sub3A_531, %sub3A_531 : vector<16xf32>
        %add3A_533 = arith.addf %add3A_516, %mul3A_532 : vector<16xf32>
        %mul3A_534 = arith.constant 128 : i32
        %mul3A_535 = arith.muli %scan3A_470, %mul3A_534 : i32
        %add3A_536 = arith.constant 64 : i32
        %add3A_537 = arith.addi %mul3A_535, %add3A_536 : i32
        %get3A_538 = arith.index_cast %scan3A_462 : i32 to index
        %get3A_539 = arith.index_cast %add3A_537 : i32 to index
        %get3A_540 = tpu.vector_load %arg9[%get3A_538, %get3A_539] {strides = array<i32>} : memref<32x1024xf32, #tpu.memory_space<vmem>>, vector<16xf32>,
        %mul3A_541 = arith.constant 128 : i32
        %mul3A_542 = arith.muli %scan3A_470, %mul3A_541 : i32
        %add3A_543 = arith.constant 64 : i32
        %add3A_544 = arith.addi %mul3A_542, %add3A_543 : i32
        %get3A_545 = arith.index_cast %scan3A_462 : i32 to index
        %get3A_546 = arith.index_cast %add3A_544 : i32 to index
        %get3A_547 = tpu.vector_load %arg11[%get3A_545, %get3A_546] {strides = array<i32>} : memref<32x1024xf32, #tpu.memory_space<vmem>>, vector<16xf32>,
        %sub3A_548 = arith.subf %get3A_540, %get3A_547 : vector<16xf32>
        %mul3A_549 = arith.mulf %sub3A_548, %sub3A_548 : vector<16xf32>
        %add3A_550 = arith.addf %add3A_533, %mul3A_549 : vector<16xf32>
        %mul3A_551 = arith.constant 128 : i32
        %mul3A_552 = arith.muli %scan3A_470, %mul3A_551 : i32
        %add3A_553 = arith.constant 80 : i32
        %add3A_554 = arith.addi %mul3A_552, %add3A_553 : i32
        %get3A_555 = arith.index_cast %scan3A_462 : i32 to index
        %get3A_556 = arith.index_cast %add3A_554 : i32 to index
        %get3A_557 = tpu.vector_load %arg9[%get3A_555, %get3A_556] {strides = array<i32>} : memref<32x1024xf32, #tpu.memory_space<vmem>>, vector<16xf32>,
        %mul3A_558 = arith.constant 128 : i32
        %mul3A_559 = arith.muli %scan3A_470, %mul3A_558 : i32
        %add3A_560 = arith.constant 80 : i32
        %add3A_561 = arith.addi %mul3A_559, %add3A_560 : i32
        %get3A_562 = arith.index_cast %scan3A_462 : i32 to index
        %get3A_563 = arith.index_cast %add3A_561 : i32 to index
        %get3A_564 = tpu.vector_load %arg11[%get3A_562, %get3A_563] {strides = array<i32>} : memref<32x1024xf32, #tpu.memory_space<vmem>>, vector<16xf32>,
        %sub3A_565 = arith.subf %get3A_557, %get3A_564 : vector<16xf32>
        %mul3A_566 = arith.mulf %sub3A_565, %sub3A_565 : vector<16xf32>
        %add3A_567 = arith.addf %add3A_550, %mul3A_566 : vector<16xf32>
        %mul3A_568 = arith.constant 128 : i32
        %mul3A_569 = arith.muli %scan3A_470, %mul3A_568 : i32
        %add3A_570 = arith.constant 96 : i32
        %add3A_571 = arith.addi %mul3A_569, %add3A_570 : i32
        %get3A_572 = arith.index_cast %scan3A_462 : i32 to index
        %get3A_573 = arith.index_cast %add3A_571 : i32 to index
        %get3A_574 = tpu.vector_load %arg9[%get3A_572, %get3A_573] {strides = array<i32>} : memref<32x1024xf32, #tpu.memory_space<vmem>>, vector<16xf32>,
        %mul3A_575 = arith.constant 128 : i32
        %mul3A_576 = arith.muli %scan3A_470, %mul3A_575 : i32
        %add3A_577 = arith.constant 96 : i32
        %add3A_578 = arith.addi %mul3A_576, %add3A_577 : i32
        %get3A_579 = arith.index_cast %scan3A_462 : i32 to index
        %get3A_580 = arith.index_cast %add3A_578 : i32 to index
        %get3A_581 = tpu.vector_load %arg11[%get3A_579, %get3A_580] {strides = array<i32>} : memref<32x1024xf32, #tpu.memory_space<vmem>>, vector<16xf32>,
        %sub3A_582 = arith.subf %get3A_574, %get3A_581 : vector<16xf32>
        %mul3A_583 = arith.mulf %sub3A_582, %sub3A_582 : vector<16xf32>
        %add3A_584 = arith.addf %add3A_567, %mul3A_583 : vector<16xf32>
        %mul3A_585 = arith.constant 128 : i32
        %mul3A_586 = arith.muli %scan3A_470, %mul3A_585 : i32
        %add3A_587 = arith.constant 112 : i32
        %add3A_588 = arith.addi %mul3A_586, %add3A_587 : i32
        %get3A_589 = arith.index_cast %scan3A_462 : i32 to index
        %get3A_590 = arith.index_cast %add3A_588 : i32 to index
        %get3A_591 = tpu.vector_load %arg9[%get3A_589, %get3A_590] {strides = array<i32>} : memref<32x1024xf32, #tpu.memory_space<vmem>>, vector<16xf32>,
        %mul3A_592 = arith.constant 128 : i32
        %mul3A_593 = arith.muli %scan3A_470, %mul3A_592 : i32
        %add3A_594 = arith.constant 112 : i32
        %add3A_595 = arith.addi %mul3A_593, %add3A_594 : i32
        %get3A_596 = arith.index_cast %scan3A_462 : i32 to index
        %get3A_597 = arith.index_cast %add3A_595 : i32 to index
        %get3A_598 = tpu.vector_load %arg11[%get3A_596, %get3A_597] {strides = array<i32>} : memref<32x1024xf32, #tpu.memory_space<vmem>>, vector<16xf32>,
        %sub3A_599 = arith.subf %get3A_591, %get3A_598 : vector<16xf32>
        %mul3A_600 = arith.mulf %sub3A_599, %sub3A_599 : vector<16xf32>
        %add3A_601 = arith.addf %add3A_584, %mul3A_600 : vector<16xf32>
        scf.yield %add3A_601 : vector<16xf32>
      }
      %scan3A_469 = arith.constant 8 : i32
      scf.yield %scan3A_468 : vector<16xf32>
    }
    %scan3A_213 = arith.constant 32 : i32
    %add3A_214 = arith.constant 224 : i32
    %add3A_215 = arith.addi %mul3A_2, %add3A_214 : i32
    %dma_start3A_216 = arith.constant 0 : i32
    %dma_start3A_217 = tpu.memref_slice %arg4[%add3A_215, %dma_start3A_216] : memref<16384x1024xf32, #tpu.memory_space<hbm>> -> memref<32x1024xf32, #tpu.memory_space<hbm>>
    %dma_start3A_218 = arith.constant 0 : i32
    %dma_start3A_219 = tpu.memref_slice %arg4[%add3A_215, %dma_start3A_218] : memref<16384x1024xf32, #tpu.memory_space<hbm>> -> memref<32x1024xf32, #tpu.memory_space<hbm>>
    tpu.enqueue_dma source(%dma_start3A_219 : memref<32x1024xf32, #tpu.memory_space<hbm>>) target(%arg11 : memref<32x1024xf32, #tpu.memory_space<vmem>>) target_semaphore(%arg16 : memref<!tpu.dma_semaphore, #tpu.memory_space<semaphore_mem>>)
    %dma_wait3A_220 = arith.constant 224 : i32
    %dma_wait3A_221 = tpu.memref_slice %arg8[%dma_wait3A_220] : memref<512xi32, #tpu.memory_space<vmem>> -> memref<32xi32, #tpu.memory_space<vmem>>
    %dma_wait3A_222 = arith.constant 0 : i32
    %dma_wait3A_223 = arith.constant 0 : i32
    %dma_wait3A_224 = tpu.memref_slice %arg2[%dma_wait3A_222, %dma_wait3A_223] : memref<8192x1024xf32, #tpu.memory_space<hbm>> -> memref<8192x1024xf32, #tpu.memory_space<hbm>>
    tpu.wait_indirect_dma semaphore(%arg15 : memref<!tpu.dma_semaphore, #tpu.memory_space<semaphore_mem>>) src(%dma_wait3A_224 : memref<8192x1024xf32, #tpu.memory_space<hbm>>) dst(%arg10 : memref<32x1024xf32, #tpu.memory_space<vmem>>)
    %dma_start3A_225 = arith.constant 256 : i32
    %dma_start3A_226 = tpu.memref_slice %arg8[%dma_start3A_225] : memref<512xi32, #tpu.memory_space<vmem>> -> memref<32xi32, #tpu.memory_space<vmem>>
    %dma_start3A_227 = arith.constant 0 : i32
    %dma_start3A_228 = arith.constant 0 : i32
    %dma_start3A_229 = tpu.memref_slice %arg2[%dma_start3A_227, %dma_start3A_228] : memref<8192x1024xf32, #tpu.memory_space<hbm>> -> memref<8192x1024xf32, #tpu.memory_space<hbm>>
    tpu.enqueue_indirect_dma source(%dma_start3A_229 : memref<8192x1024xf32, #tpu.memory_space<hbm>>) target(%arg9 : memref<32x1024xf32, #tpu.memory_space<vmem>>) offsets(%dma_start3A_226 : memref<32xi32, #tpu.memory_space<vmem>>) semaphore(%arg14 : memref<!tpu.dma_semaphore, #tpu.memory_space<semaphore_mem>>)
    %add3A_230 = arith.constant 224 : i32
    %add3A_231 = arith.addi %mul3A_2, %add3A_230 : i32
    "tpu.region"() ({
      %run_scoped3A = tpu.sem_alloc : memref<!tpu.dma_semaphore, #tpu.memory_space<semaphore_mem>>
      %dma_start3A_462 = arith.constant 0 : i32
      %dma_start3A_463 = tpu.memref_slice %arg5[%add3A_231, %dma_start3A_462] : memref<16384x1024xf32, #tpu.memory_space<hbm>> -> memref<32x1024xf32, #tpu.memory_space<hbm>>
      %dma_start3A_464 = arith.constant 0 : i32
      %dma_start3A_465 = tpu.memref_slice %arg5[%add3A_231, %dma_start3A_464] : memref<16384x1024xf32, #tpu.memory_space<hbm>> -> memref<32x1024xf32, #tpu.memory_space<hbm>>
      tpu.enqueue_dma source(%arg10 : memref<32x1024xf32, #tpu.memory_space<vmem>>) target(%dma_start3A_465 : memref<32x1024xf32, #tpu.memory_space<hbm>>) target_semaphore(%run_scoped3A : memref<!tpu.dma_semaphore, #tpu.memory_space<semaphore_mem>>)
      %dma_wait3A_466 = arith.constant 0 : i32
      %dma_wait3A_467 = tpu.memref_slice %arg5[%add3A_231, %dma_wait3A_466] : memref<16384x1024xf32, #tpu.memory_space<hbm>> -> memref<32x1024xf32, #tpu.memory_space<hbm>>
      %dma_wait3A_468 = arith.constant 0 : i32
      %dma_wait3A_469 = tpu.memref_slice %arg5[%add3A_231, %dma_wait3A_468] : memref<16384x1024xf32, #tpu.memory_space<hbm>> -> memref<32x1024xf32, #tpu.memory_space<hbm>>
      tpu.wait_dma2 semaphore(%run_scoped3A : memref<!tpu.dma_semaphore, #tpu.memory_space<semaphore_mem>>) src(%arg10 : memref<32x1024xf32, #tpu.memory_space<vmem>>) dst(%dma_wait3A_469 : memref<32x1024xf32, #tpu.memory_space<hbm>>)
      tpu.yield
    }) : () -> ()
    %dma_wait3A_232 = arith.constant 0 : i32
    %dma_wait3A_233 = tpu.memref_slice %arg4[%add3A_215, %dma_wait3A_232] : memref<16384x1024xf32, #tpu.memory_space<hbm>> -> memref<32x1024xf32, #tpu.memory_space<hbm>>
    %dma_wait3A_234 = arith.constant 0 : i32
    %dma_wait3A_235 = tpu.memref_slice %arg4[%add3A_215, %dma_wait3A_234] : memref<16384x1024xf32, #tpu.memory_space<hbm>> -> memref<32x1024xf32, #tpu.memory_space<hbm>>
    tpu.wait_dma2 semaphore(%arg16 : memref<!tpu.dma_semaphore, #tpu.memory_space<semaphore_mem>>) src(%dma_wait3A_235 : memref<32x1024xf32, #tpu.memory_space<hbm>>) dst(%arg11 : memref<32x1024xf32, #tpu.memory_space<vmem>>)
    %scan3A_236 = arith.constant 0 : i32
    %scan3A_237 = arith.constant 32 : i32
    %scan3A_238 = arith.addi %scan3A_236, %scan3A_237 : i32
    %scan3A_239 = arith.constant 1 : i32
    %scan3A_240 = scf.for %scan3A_462 = %scan3A_236 to %scan3A_238 step %scan3A_239 iter_args(%scan3A_463 = %scan3A_212) -> (vector<16xf32>)  : i32 {
      %scan3A_464 = arith.constant 0 : i32
      %scan3A_465 = arith.constant 8 : i32
      %scan3A_466 = arith.addi %scan3A_464, %scan3A_465 : i32
      %scan3A_467 = arith.constant 1 : i32
      %scan3A_468 = scf.for %scan3A_470 = %scan3A_464 to %scan3A_466 step %scan3A_467 iter_args(%scan3A_471 = %scan3A_463) -> (vector<16xf32>)  : i32 {
        %mul3A_472 = arith.constant 128 : i32
        %mul3A_473 = arith.muli %scan3A_470, %mul3A_472 : i32
        %get3A = arith.index_cast %scan3A_462 : i32 to index
        %get3A_474 = arith.index_cast %mul3A_473 : i32 to index
        %get3A_475 = tpu.vector_load %arg10[%get3A, %get3A_474] {strides = array<i32>} : memref<32x1024xf32, #tpu.memory_space<vmem>>, vector<16xf32>,
        %mul3A_476 = arith.constant 128 : i32
        %mul3A_477 = arith.muli %scan3A_470, %mul3A_476 : i32
        %get3A_478 = arith.index_cast %scan3A_462 : i32 to index
        %get3A_479 = arith.index_cast %mul3A_477 : i32 to index
        %get3A_480 = tpu.vector_load %arg11[%get3A_478, %get3A_479] {strides = array<i32>} : memref<32x1024xf32, #tpu.memory_space<vmem>>, vector<16xf32>,
        %sub3A = arith.subf %get3A_475, %get3A_480 : vector<16xf32>
        %mul3A_481 = arith.mulf %sub3A, %sub3A : vector<16xf32>
        %add3A_482 = arith.addf %scan3A_471, %mul3A_481 : vector<16xf32>
        %mul3A_483 = arith.constant 128 : i32
        %mul3A_484 = arith.muli %scan3A_470, %mul3A_483 : i32
        %add3A_485 = arith.constant 16 : i32
        %add3A_486 = arith.addi %mul3A_484, %add3A_485 : i32
        %get3A_487 = arith.index_cast %scan3A_462 : i32 to index
        %get3A_488 = arith.index_cast %add3A_486 : i32 to index
        %get3A_489 = tpu.vector_load %arg10[%get3A_487, %get3A_488] {strides = array<i32>} : memref<32x1024xf32, #tpu.memory_space<vmem>>, vector<16xf32>,
        %mul3A_490 = arith.constant 128 : i32
        %mul3A_491 = arith.muli %scan3A_470, %mul3A_490 : i32
        %add3A_492 = arith.constant 16 : i32
        %add3A_493 = arith.addi %mul3A_491, %add3A_492 : i32
        %get3A_494 = arith.index_cast %scan3A_462 : i32 to index
        %get3A_495 = arith.index_cast %add3A_493 : i32 to index
        %get3A_496 = tpu.vector_load %arg11[%get3A_494, %get3A_495] {strides = array<i32>} : memref<32x1024xf32, #tpu.memory_space<vmem>>, vector<16xf32>,
        %sub3A_497 = arith.subf %get3A_489, %get3A_496 : vector<16xf32>
        %mul3A_498 = arith.mulf %sub3A_497, %sub3A_497 : vector<16xf32>
        %add3A_499 = arith.addf %add3A_482, %mul3A_498 : vector<16xf32>
        %mul3A_500 = arith.constant 128 : i32
        %mul3A_501 = arith.muli %scan3A_470, %mul3A_500 : i32
        %add3A_502 = arith.constant 32 : i32
        %add3A_503 = arith.addi %mul3A_501, %add3A_502 : i32
        %get3A_504 = arith.index_cast %scan3A_462 : i32 to index
        %get3A_505 = arith.index_cast %add3A_503 : i32 to index
        %get3A_506 = tpu.vector_load %arg10[%get3A_504, %get3A_505] {strides = array<i32>} : memref<32x1024xf32, #tpu.memory_space<vmem>>, vector<16xf32>,
        %mul3A_507 = arith.constant 128 : i32
        %mul3A_508 = arith.muli %scan3A_470, %mul3A_507 : i32
        %add3A_509 = arith.constant 32 : i32
        %add3A_510 = arith.addi %mul3A_508, %add3A_509 : i32
        %get3A_511 = arith.index_cast %scan3A_462 : i32 to index
        %get3A_512 = arith.index_cast %add3A_510 : i32 to index
        %get3A_513 = tpu.vector_load %arg11[%get3A_511, %get3A_512] {strides = array<i32>} : memref<32x1024xf32, #tpu.memory_space<vmem>>, vector<16xf32>,
        %sub3A_514 = arith.subf %get3A_506, %get3A_513 : vector<16xf32>
        %mul3A_515 = arith.mulf %sub3A_514, %sub3A_514 : vector<16xf32>
        %add3A_516 = arith.addf %add3A_499, %mul3A_515 : vector<16xf32>
        %mul3A_517 = arith.constant 128 : i32
        %mul3A_518 = arith.muli %scan3A_470, %mul3A_517 : i32
        %add3A_519 = arith.constant 48 : i32
        %add3A_520 = arith.addi %mul3A_518, %add3A_519 : i32
        %get3A_521 = arith.index_cast %scan3A_462 : i32 to index
        %get3A_522 = arith.index_cast %add3A_520 : i32 to index
        %get3A_523 = tpu.vector_load %arg10[%get3A_521, %get3A_522] {strides = array<i32>} : memref<32x1024xf32, #tpu.memory_space<vmem>>, vector<16xf32>,
        %mul3A_524 = arith.constant 128 : i32
        %mul3A_525 = arith.muli %scan3A_470, %mul3A_524 : i32
        %add3A_526 = arith.constant 48 : i32
        %add3A_527 = arith.addi %mul3A_525, %add3A_526 : i32
        %get3A_528 = arith.index_cast %scan3A_462 : i32 to index
        %get3A_529 = arith.index_cast %add3A_527 : i32 to index
        %get3A_530 = tpu.vector_load %arg11[%get3A_528, %get3A_529] {strides = array<i32>} : memref<32x1024xf32, #tpu.memory_space<vmem>>, vector<16xf32>,
        %sub3A_531 = arith.subf %get3A_523, %get3A_530 : vector<16xf32>
        %mul3A_532 = arith.mulf %sub3A_531, %sub3A_531 : vector<16xf32>
        %add3A_533 = arith.addf %add3A_516, %mul3A_532 : vector<16xf32>
        %mul3A_534 = arith.constant 128 : i32
        %mul3A_535 = arith.muli %scan3A_470, %mul3A_534 : i32
        %add3A_536 = arith.constant 64 : i32
        %add3A_537 = arith.addi %mul3A_535, %add3A_536 : i32
        %get3A_538 = arith.index_cast %scan3A_462 : i32 to index
        %get3A_539 = arith.index_cast %add3A_537 : i32 to index
        %get3A_540 = tpu.vector_load %arg10[%get3A_538, %get3A_539] {strides = array<i32>} : memref<32x1024xf32, #tpu.memory_space<vmem>>, vector<16xf32>,
        %mul3A_541 = arith.constant 128 : i32
        %mul3A_542 = arith.muli %scan3A_470, %mul3A_541 : i32
        %add3A_543 = arith.constant 64 : i32
        %add3A_544 = arith.addi %mul3A_542, %add3A_543 : i32
        %get3A_545 = arith.index_cast %scan3A_462 : i32 to index
        %get3A_546 = arith.index_cast %add3A_544 : i32 to index
        %get3A_547 = tpu.vector_load %arg11[%get3A_545, %get3A_546] {strides = array<i32>} : memref<32x1024xf32, #tpu.memory_space<vmem>>, vector<16xf32>,
        %sub3A_548 = arith.subf %get3A_540, %get3A_547 : vector<16xf32>
        %mul3A_549 = arith.mulf %sub3A_548, %sub3A_548 : vector<16xf32>
        %add3A_550 = arith.addf %add3A_533, %mul3A_549 : vector<16xf32>
        %mul3A_551 = arith.constant 128 : i32
        %mul3A_552 = arith.muli %scan3A_470, %mul3A_551 : i32
        %add3A_553 = arith.constant 80 : i32
        %add3A_554 = arith.addi %mul3A_552, %add3A_553 : i32
        %get3A_555 = arith.index_cast %scan3A_462 : i32 to index
        %get3A_556 = arith.index_cast %add3A_554 : i32 to index
        %get3A_557 = tpu.vector_load %arg10[%get3A_555, %get3A_556] {strides = array<i32>} : memref<32x1024xf32, #tpu.memory_space<vmem>>, vector<16xf32>,
        %mul3A_558 = arith.constant 128 : i32
        %mul3A_559 = arith.muli %scan3A_470, %mul3A_558 : i32
        %add3A_560 = arith.constant 80 : i32
        %add3A_561 = arith.addi %mul3A_559, %add3A_560 : i32
        %get3A_562 = arith.index_cast %scan3A_462 : i32 to index
        %get3A_563 = arith.index_cast %add3A_561 : i32 to index
        %get3A_564 = tpu.vector_load %arg11[%get3A_562, %get3A_563] {strides = array<i32>} : memref<32x1024xf32, #tpu.memory_space<vmem>>, vector<16xf32>,
        %sub3A_565 = arith.subf %get3A_557, %get3A_564 : vector<16xf32>
        %mul3A_566 = arith.mulf %sub3A_565, %sub3A_565 : vector<16xf32>
        %add3A_567 = arith.addf %add3A_550, %mul3A_566 : vector<16xf32>
        %mul3A_568 = arith.constant 128 : i32
        %mul3A_569 = arith.muli %scan3A_470, %mul3A_568 : i32
        %add3A_570 = arith.constant 96 : i32
        %add3A_571 = arith.addi %mul3A_569, %add3A_570 : i32
        %get3A_572 = arith.index_cast %scan3A_462 : i32 to index
        %get3A_573 = arith.index_cast %add3A_571 : i32 to index
        %get3A_574 = tpu.vector_load %arg10[%get3A_572, %get3A_573] {strides = array<i32>} : memref<32x1024xf32, #tpu.memory_space<vmem>>, vector<16xf32>,
        %mul3A_575 = arith.constant 128 : i32
        %mul3A_576 = arith.muli %scan3A_470, %mul3A_575 : i32
        %add3A_577 = arith.constant 96 : i32
        %add3A_578 = arith.addi %mul3A_576, %add3A_577 : i32
        %get3A_579 = arith.index_cast %scan3A_462 : i32 to index
        %get3A_580 = arith.index_cast %add3A_578 : i32 to index
        %get3A_581 = tpu.vector_load %arg11[%get3A_579, %get3A_580] {strides = array<i32>} : memref<32x1024xf32, #tpu.memory_space<vmem>>, vector<16xf32>,
        %sub3A_582 = arith.subf %get3A_574, %get3A_581 : vector<16xf32>
        %mul3A_583 = arith.mulf %sub3A_582, %sub3A_582 : vector<16xf32>
        %add3A_584 = arith.addf %add3A_567, %mul3A_583 : vector<16xf32>
        %mul3A_585 = arith.constant 128 : i32
        %mul3A_586 = arith.muli %scan3A_470, %mul3A_585 : i32
        %add3A_587 = arith.constant 112 : i32
        %add3A_588 = arith.addi %mul3A_586, %add3A_587 : i32
        %get3A_589 = arith.index_cast %scan3A_462 : i32 to index
        %get3A_590 = arith.index_cast %add3A_588 : i32 to index
        %get3A_591 = tpu.vector_load %arg10[%get3A_589, %get3A_590] {strides = array<i32>} : memref<32x1024xf32, #tpu.memory_space<vmem>>, vector<16xf32>,
        %mul3A_592 = arith.constant 128 : i32
        %mul3A_593 = arith.muli %scan3A_470, %mul3A_592 : i32
        %add3A_594 = arith.constant 112 : i32
        %add3A_595 = arith.addi %mul3A_593, %add3A_594 : i32
        %get3A_596 = arith.index_cast %scan3A_462 : i32 to index
        %get3A_597 = arith.index_cast %add3A_595 : i32 to index
        %get3A_598 = tpu.vector_load %arg11[%get3A_596, %get3A_597] {strides = array<i32>} : memref<32x1024xf32, #tpu.memory_space<vmem>>, vector<16xf32>,
        %sub3A_599 = arith.subf %get3A_591, %get3A_598 : vector<16xf32>
        %mul3A_600 = arith.mulf %sub3A_599, %sub3A_599 : vector<16xf32>
        %add3A_601 = arith.addf %add3A_584, %mul3A_600 : vector<16xf32>
        scf.yield %add3A_601 : vector<16xf32>
      }
      %scan3A_469 = arith.constant 8 : i32
      scf.yield %scan3A_468 : vector<16xf32>
    }
    %scan3A_241 = arith.constant 32 : i32
    %add3A_242 = arith.constant 256 : i32
    %add3A_243 = arith.addi %mul3A_2, %add3A_242 : i32
    %dma_start3A_244 = arith.constant 0 : i32
    %dma_start3A_245 = tpu.memref_slice %arg4[%add3A_243, %dma_start3A_244] : memref<16384x1024xf32, #tpu.memory_space<hbm>> -> memref<32x1024xf32, #tpu.memory_space<hbm>>
    %dma_start3A_246 = arith.constant 0 : i32
    %dma_start3A_247 = tpu.memref_slice %arg4[%add3A_243, %dma_start3A_246] : memref<16384x1024xf32, #tpu.memory_space<hbm>> -> memref<32x1024xf32, #tpu.memory_space<hbm>>
    tpu.enqueue_dma source(%dma_start3A_247 : memref<32x1024xf32, #tpu.memory_space<hbm>>) target(%arg11 : memref<32x1024xf32, #tpu.memory_space<vmem>>) target_semaphore(%arg16 : memref<!tpu.dma_semaphore, #tpu.memory_space<semaphore_mem>>)
    %dma_wait3A_248 = arith.constant 256 : i32
    %dma_wait3A_249 = tpu.memref_slice %arg8[%dma_wait3A_248] : memref<512xi32, #tpu.memory_space<vmem>> -> memref<32xi32, #tpu.memory_space<vmem>>
    %dma_wait3A_250 = arith.constant 0 : i32
    %dma_wait3A_251 = arith.constant 0 : i32
    %dma_wait3A_252 = tpu.memref_slice %arg2[%dma_wait3A_250, %dma_wait3A_251] : memref<8192x1024xf32, #tpu.memory_space<hbm>> -> memref<8192x1024xf32, #tpu.memory_space<hbm>>
    tpu.wait_indirect_dma semaphore(%arg14 : memref<!tpu.dma_semaphore, #tpu.memory_space<semaphore_mem>>) src(%dma_wait3A_252 : memref<8192x1024xf32, #tpu.memory_space<hbm>>) dst(%arg9 : memref<32x1024xf32, #tpu.memory_space<vmem>>)
    %dma_start3A_253 = arith.constant 288 : i32
    %dma_start3A_254 = tpu.memref_slice %arg8[%dma_start3A_253] : memref<512xi32, #tpu.memory_space<vmem>> -> memref<32xi32, #tpu.memory_space<vmem>>
    %dma_start3A_255 = arith.constant 0 : i32
    %dma_start3A_256 = arith.constant 0 : i32
    %dma_start3A_257 = tpu.memref_slice %arg2[%dma_start3A_255, %dma_start3A_256] : memref<8192x1024xf32, #tpu.memory_space<hbm>> -> memref<8192x1024xf32, #tpu.memory_space<hbm>>
    tpu.enqueue_indirect_dma source(%dma_start3A_257 : memref<8192x1024xf32, #tpu.memory_space<hbm>>) target(%arg10 : memref<32x1024xf32, #tpu.memory_space<vmem>>) offsets(%dma_start3A_254 : memref<32xi32, #tpu.memory_space<vmem>>) semaphore(%arg15 : memref<!tpu.dma_semaphore, #tpu.memory_space<semaphore_mem>>)
    %add3A_258 = arith.constant 256 : i32
    %add3A_259 = arith.addi %mul3A_2, %add3A_258 : i32
    "tpu.region"() ({
      %run_scoped3A = tpu.sem_alloc : memref<!tpu.dma_semaphore, #tpu.memory_space<semaphore_mem>>
      %dma_start3A_462 = arith.constant 0 : i32
      %dma_start3A_463 = tpu.memref_slice %arg5[%add3A_259, %dma_start3A_462] : memref<16384x1024xf32, #tpu.memory_space<hbm>> -> memref<32x1024xf32, #tpu.memory_space<hbm>>
      %dma_start3A_464 = arith.constant 0 : i32
      %dma_start3A_465 = tpu.memref_slice %arg5[%add3A_259, %dma_start3A_464] : memref<16384x1024xf32, #tpu.memory_space<hbm>> -> memref<32x1024xf32, #tpu.memory_space<hbm>>
      tpu.enqueue_dma source(%arg9 : memref<32x1024xf32, #tpu.memory_space<vmem>>) target(%dma_start3A_465 : memref<32x1024xf32, #tpu.memory_space<hbm>>) target_semaphore(%run_scoped3A : memref<!tpu.dma_semaphore, #tpu.memory_space<semaphore_mem>>)
      %dma_wait3A_466 = arith.constant 0 : i32
      %dma_wait3A_467 = tpu.memref_slice %arg5[%add3A_259, %dma_wait3A_466] : memref<16384x1024xf32, #tpu.memory_space<hbm>> -> memref<32x1024xf32, #tpu.memory_space<hbm>>
      %dma_wait3A_468 = arith.constant 0 : i32
      %dma_wait3A_469 = tpu.memref_slice %arg5[%add3A_259, %dma_wait3A_468] : memref<16384x1024xf32, #tpu.memory_space<hbm>> -> memref<32x1024xf32, #tpu.memory_space<hbm>>
      tpu.wait_dma2 semaphore(%run_scoped3A : memref<!tpu.dma_semaphore, #tpu.memory_space<semaphore_mem>>) src(%arg9 : memref<32x1024xf32, #tpu.memory_space<vmem>>) dst(%dma_wait3A_469 : memref<32x1024xf32, #tpu.memory_space<hbm>>)
      tpu.yield
    }) : () -> ()
    %dma_wait3A_260 = arith.constant 0 : i32
    %dma_wait3A_261 = tpu.memref_slice %arg4[%add3A_243, %dma_wait3A_260] : memref<16384x1024xf32, #tpu.memory_space<hbm>> -> memref<32x1024xf32, #tpu.memory_space<hbm>>
    %dma_wait3A_262 = arith.constant 0 : i32
    %dma_wait3A_263 = tpu.memref_slice %arg4[%add3A_243, %dma_wait3A_262] : memref<16384x1024xf32, #tpu.memory_space<hbm>> -> memref<32x1024xf32, #tpu.memory_space<hbm>>
    tpu.wait_dma2 semaphore(%arg16 : memref<!tpu.dma_semaphore, #tpu.memory_space<semaphore_mem>>) src(%dma_wait3A_263 : memref<32x1024xf32, #tpu.memory_space<hbm>>) dst(%arg11 : memref<32x1024xf32, #tpu.memory_space<vmem>>)
    %scan3A_264 = arith.constant 0 : i32
    %scan3A_265 = arith.constant 32 : i32
    %scan3A_266 = arith.addi %scan3A_264, %scan3A_265 : i32
    %scan3A_267 = arith.constant 1 : i32
    %scan3A_268 = scf.for %scan3A_462 = %scan3A_264 to %scan3A_266 step %scan3A_267 iter_args(%scan3A_463 = %scan3A_240) -> (vector<16xf32>)  : i32 {
      %scan3A_464 = arith.constant 0 : i32
      %scan3A_465 = arith.constant 8 : i32
      %scan3A_466 = arith.addi %scan3A_464, %scan3A_465 : i32
      %scan3A_467 = arith.constant 1 : i32
      %scan3A_468 = scf.for %scan3A_470 = %scan3A_464 to %scan3A_466 step %scan3A_467 iter_args(%scan3A_471 = %scan3A_463) -> (vector<16xf32>)  : i32 {
        %mul3A_472 = arith.constant 128 : i32
        %mul3A_473 = arith.muli %scan3A_470, %mul3A_472 : i32
        %get3A = arith.index_cast %scan3A_462 : i32 to index
        %get3A_474 = arith.index_cast %mul3A_473 : i32 to index
        %get3A_475 = tpu.vector_load %arg9[%get3A, %get3A_474] {strides = array<i32>} : memref<32x1024xf32, #tpu.memory_space<vmem>>, vector<16xf32>,
        %mul3A_476 = arith.constant 128 : i32
        %mul3A_477 = arith.muli %scan3A_470, %mul3A_476 : i32
        %get3A_478 = arith.index_cast %scan3A_462 : i32 to index
        %get3A_479 = arith.index_cast %mul3A_477 : i32 to index
        %get3A_480 = tpu.vector_load %arg11[%get3A_478, %get3A_479] {strides = array<i32>} : memref<32x1024xf32, #tpu.memory_space<vmem>>, vector<16xf32>,
        %sub3A = arith.subf %get3A_475, %get3A_480 : vector<16xf32>
        %mul3A_481 = arith.mulf %sub3A, %sub3A : vector<16xf32>
        %add3A_482 = arith.addf %scan3A_471, %mul3A_481 : vector<16xf32>
        %mul3A_483 = arith.constant 128 : i32
        %mul3A_484 = arith.muli %scan3A_470, %mul3A_483 : i32
        %add3A_485 = arith.constant 16 : i32
        %add3A_486 = arith.addi %mul3A_484, %add3A_485 : i32
        %get3A_487 = arith.index_cast %scan3A_462 : i32 to index
        %get3A_488 = arith.index_cast %add3A_486 : i32 to index
        %get3A_489 = tpu.vector_load %arg9[%get3A_487, %get3A_488] {strides = array<i32>} : memref<32x1024xf32, #tpu.memory_space<vmem>>, vector<16xf32>,
        %mul3A_490 = arith.constant 128 : i32
        %mul3A_491 = arith.muli %scan3A_470, %mul3A_490 : i32
        %add3A_492 = arith.constant 16 : i32
        %add3A_493 = arith.addi %mul3A_491, %add3A_492 : i32
        %get3A_494 = arith.index_cast %scan3A_462 : i32 to index
        %get3A_495 = arith.index_cast %add3A_493 : i32 to index
        %get3A_496 = tpu.vector_load %arg11[%get3A_494, %get3A_495] {strides = array<i32>} : memref<32x1024xf32, #tpu.memory_space<vmem>>, vector<16xf32>,
        %sub3A_497 = arith.subf %get3A_489, %get3A_496 : vector<16xf32>
        %mul3A_498 = arith.mulf %sub3A_497, %sub3A_497 : vector<16xf32>
        %add3A_499 = arith.addf %add3A_482, %mul3A_498 : vector<16xf32>
        %mul3A_500 = arith.constant 128 : i32
        %mul3A_501 = arith.muli %scan3A_470, %mul3A_500 : i32
        %add3A_502 = arith.constant 32 : i32
        %add3A_503 = arith.addi %mul3A_501, %add3A_502 : i32
        %get3A_504 = arith.index_cast %scan3A_462 : i32 to index
        %get3A_505 = arith.index_cast %add3A_503 : i32 to index
        %get3A_506 = tpu.vector_load %arg9[%get3A_504, %get3A_505] {strides = array<i32>} : memref<32x1024xf32, #tpu.memory_space<vmem>>, vector<16xf32>,
        %mul3A_507 = arith.constant 128 : i32
        %mul3A_508 = arith.muli %scan3A_470, %mul3A_507 : i32
        %add3A_509 = arith.constant 32 : i32
        %add3A_510 = arith.addi %mul3A_508, %add3A_509 : i32
        %get3A_511 = arith.index_cast %scan3A_462 : i32 to index
        %get3A_512 = arith.index_cast %add3A_510 : i32 to index
        %get3A_513 = tpu.vector_load %arg11[%get3A_511, %get3A_512] {strides = array<i32>} : memref<32x1024xf32, #tpu.memory_space<vmem>>, vector<16xf32>,
        %sub3A_514 = arith.subf %get3A_506, %get3A_513 : vector<16xf32>
        %mul3A_515 = arith.mulf %sub3A_514, %sub3A_514 : vector<16xf32>
        %add3A_516 = arith.addf %add3A_499, %mul3A_515 : vector<16xf32>
        %mul3A_517 = arith.constant 128 : i32
        %mul3A_518 = arith.muli %scan3A_470, %mul3A_517 : i32
        %add3A_519 = arith.constant 48 : i32
        %add3A_520 = arith.addi %mul3A_518, %add3A_519 : i32
        %get3A_521 = arith.index_cast %scan3A_462 : i32 to index
        %get3A_522 = arith.index_cast %add3A_520 : i32 to index
        %get3A_523 = tpu.vector_load %arg9[%get3A_521, %get3A_522] {strides = array<i32>} : memref<32x1024xf32, #tpu.memory_space<vmem>>, vector<16xf32>,
        %mul3A_524 = arith.constant 128 : i32
        %mul3A_525 = arith.muli %scan3A_470, %mul3A_524 : i32
        %add3A_526 = arith.constant 48 : i32
        %add3A_527 = arith.addi %mul3A_525, %add3A_526 : i32
        %get3A_528 = arith.index_cast %scan3A_462 : i32 to index
        %get3A_529 = arith.index_cast %add3A_527 : i32 to index
        %get3A_530 = tpu.vector_load %arg11[%get3A_528, %get3A_529] {strides = array<i32>} : memref<32x1024xf32, #tpu.memory_space<vmem>>, vector<16xf32>,
        %sub3A_531 = arith.subf %get3A_523, %get3A_530 : vector<16xf32>
        %mul3A_532 = arith.mulf %sub3A_531, %sub3A_531 : vector<16xf32>
        %add3A_533 = arith.addf %add3A_516, %mul3A_532 : vector<16xf32>
        %mul3A_534 = arith.constant 128 : i32
        %mul3A_535 = arith.muli %scan3A_470, %mul3A_534 : i32
        %add3A_536 = arith.constant 64 : i32
        %add3A_537 = arith.addi %mul3A_535, %add3A_536 : i32
        %get3A_538 = arith.index_cast %scan3A_462 : i32 to index
        %get3A_539 = arith.index_cast %add3A_537 : i32 to index
        %get3A_540 = tpu.vector_load %arg9[%get3A_538, %get3A_539] {strides = array<i32>} : memref<32x1024xf32, #tpu.memory_space<vmem>>, vector<16xf32>,
        %mul3A_541 = arith.constant 128 : i32
        %mul3A_542 = arith.muli %scan3A_470, %mul3A_541 : i32
        %add3A_543 = arith.constant 64 : i32
        %add3A_544 = arith.addi %mul3A_542, %add3A_543 : i32
        %get3A_545 = arith.index_cast %scan3A_462 : i32 to index
        %get3A_546 = arith.index_cast %add3A_544 : i32 to index
        %get3A_547 = tpu.vector_load %arg11[%get3A_545, %get3A_546] {strides = array<i32>} : memref<32x1024xf32, #tpu.memory_space<vmem>>, vector<16xf32>,
        %sub3A_548 = arith.subf %get3A_540, %get3A_547 : vector<16xf32>
        %mul3A_549 = arith.mulf %sub3A_548, %sub3A_548 : vector<16xf32>
        %add3A_550 = arith.addf %add3A_533, %mul3A_549 : vector<16xf32>
        %mul3A_551 = arith.constant 128 : i32
        %mul3A_552 = arith.muli %scan3A_470, %mul3A_551 : i32
        %add3A_553 = arith.constant 80 : i32
        %add3A_554 = arith.addi %mul3A_552, %add3A_553 : i32
        %get3A_555 = arith.index_cast %scan3A_462 : i32 to index
        %get3A_556 = arith.index_cast %add3A_554 : i32 to index
        %get3A_557 = tpu.vector_load %arg9[%get3A_555, %get3A_556] {strides = array<i32>} : memref<32x1024xf32, #tpu.memory_space<vmem>>, vector<16xf32>,
        %mul3A_558 = arith.constant 128 : i32
        %mul3A_559 = arith.muli %scan3A_470, %mul3A_558 : i32
        %add3A_560 = arith.constant 80 : i32
        %add3A_561 = arith.addi %mul3A_559, %add3A_560 : i32
        %get3A_562 = arith.index_cast %scan3A_462 : i32 to index
        %get3A_563 = arith.index_cast %add3A_561 : i32 to index
        %get3A_564 = tpu.vector_load %arg11[%get3A_562, %get3A_563] {strides = array<i32>} : memref<32x1024xf32, #tpu.memory_space<vmem>>, vector<16xf32>,
        %sub3A_565 = arith.subf %get3A_557, %get3A_564 : vector<16xf32>
        %mul3A_566 = arith.mulf %sub3A_565, %sub3A_565 : vector<16xf32>
        %add3A_567 = arith.addf %add3A_550, %mul3A_566 : vector<16xf32>
        %mul3A_568 = arith.constant 128 : i32
        %mul3A_569 = arith.muli %scan3A_470, %mul3A_568 : i32
        %add3A_570 = arith.constant 96 : i32
        %add3A_571 = arith.addi %mul3A_569, %add3A_570 : i32
        %get3A_572 = arith.index_cast %scan3A_462 : i32 to index
        %get3A_573 = arith.index_cast %add3A_571 : i32 to index
        %get3A_574 = tpu.vector_load %arg9[%get3A_572, %get3A_573] {strides = array<i32>} : memref<32x1024xf32, #tpu.memory_space<vmem>>, vector<16xf32>,
        %mul3A_575 = arith.constant 128 : i32
        %mul3A_576 = arith.muli %scan3A_470, %mul3A_575 : i32
        %add3A_577 = arith.constant 96 : i32
        %add3A_578 = arith.addi %mul3A_576, %add3A_577 : i32
        %get3A_579 = arith.index_cast %scan3A_462 : i32 to index
        %get3A_580 = arith.index_cast %add3A_578 : i32 to index
        %get3A_581 = tpu.vector_load %arg11[%get3A_579, %get3A_580] {strides = array<i32>} : memref<32x1024xf32, #tpu.memory_space<vmem>>, vector<16xf32>,
        %sub3A_582 = arith.subf %get3A_574, %get3A_581 : vector<16xf32>
        %mul3A_583 = arith.mulf %sub3A_582, %sub3A_582 : vector<16xf32>
        %add3A_584 = arith.addf %add3A_567, %mul3A_583 : vector<16xf32>
        %mul3A_585 = arith.constant 128 : i32
        %mul3A_586 = arith.muli %scan3A_470, %mul3A_585 : i32
        %add3A_587 = arith.constant 112 : i32
        %add3A_588 = arith.addi %mul3A_586, %add3A_587 : i32
        %get3A_589 = arith.index_cast %scan3A_462 : i32 to index
        %get3A_590 = arith.index_cast %add3A_588 : i32 to index
        %get3A_591 = tpu.vector_load %arg9[%get3A_589, %get3A_590] {strides = array<i32>} : memref<32x1024xf32, #tpu.memory_space<vmem>>, vector<16xf32>,
        %mul3A_592 = arith.constant 128 : i32
        %mul3A_593 = arith.muli %scan3A_470, %mul3A_592 : i32
        %add3A_594 = arith.constant 112 : i32
        %add3A_595 = arith.addi %mul3A_593, %add3A_594 : i32
        %get3A_596 = arith.index_cast %scan3A_462 : i32 to index
        %get3A_597 = arith.index_cast %add3A_595 : i32 to index
        %get3A_598 = tpu.vector_load %arg11[%get3A_596, %get3A_597] {strides = array<i32>} : memref<32x1024xf32, #tpu.memory_space<vmem>>, vector<16xf32>,
        %sub3A_599 = arith.subf %get3A_591, %get3A_598 : vector<16xf32>
        %mul3A_600 = arith.mulf %sub3A_599, %sub3A_599 : vector<16xf32>
        %add3A_601 = arith.addf %add3A_584, %mul3A_600 : vector<16xf32>
        scf.yield %add3A_601 : vector<16xf32>
      }
      %scan3A_469 = arith.constant 8 : i32
      scf.yield %scan3A_468 : vector<16xf32>
    }
    %scan3A_269 = arith.constant 32 : i32
    %add3A_270 = arith.constant 288 : i32
    %add3A_271 = arith.addi %mul3A_2, %add3A_270 : i32
    %dma_start3A_272 = arith.constant 0 : i32
    %dma_start3A_273 = tpu.memref_slice %arg4[%add3A_271, %dma_start3A_272] : memref<16384x1024xf32, #tpu.memory_space<hbm>> -> memref<32x1024xf32, #tpu.memory_space<hbm>>
    %dma_start3A_274 = arith.constant 0 : i32
    %dma_start3A_275 = tpu.memref_slice %arg4[%add3A_271, %dma_start3A_274] : memref<16384x1024xf32, #tpu.memory_space<hbm>> -> memref<32x1024xf32, #tpu.memory_space<hbm>>
    tpu.enqueue_dma source(%dma_start3A_275 : memref<32x1024xf32, #tpu.memory_space<hbm>>) target(%arg11 : memref<32x1024xf32, #tpu.memory_space<vmem>>) target_semaphore(%arg16 : memref<!tpu.dma_semaphore, #tpu.memory_space<semaphore_mem>>)
    %dma_wait3A_276 = arith.constant 288 : i32
    %dma_wait3A_277 = tpu.memref_slice %arg8[%dma_wait3A_276] : memref<512xi32, #tpu.memory_space<vmem>> -> memref<32xi32, #tpu.memory_space<vmem>>
    %dma_wait3A_278 = arith.constant 0 : i32
    %dma_wait3A_279 = arith.constant 0 : i32
    %dma_wait3A_280 = tpu.memref_slice %arg2[%dma_wait3A_278, %dma_wait3A_279] : memref<8192x1024xf32, #tpu.memory_space<hbm>> -> memref<8192x1024xf32, #tpu.memory_space<hbm>>
    tpu.wait_indirect_dma semaphore(%arg15 : memref<!tpu.dma_semaphore, #tpu.memory_space<semaphore_mem>>) src(%dma_wait3A_280 : memref<8192x1024xf32, #tpu.memory_space<hbm>>) dst(%arg10 : memref<32x1024xf32, #tpu.memory_space<vmem>>)
    %dma_start3A_281 = arith.constant 320 : i32
    %dma_start3A_282 = tpu.memref_slice %arg8[%dma_start3A_281] : memref<512xi32, #tpu.memory_space<vmem>> -> memref<32xi32, #tpu.memory_space<vmem>>
    %dma_start3A_283 = arith.constant 0 : i32
    %dma_start3A_284 = arith.constant 0 : i32
    %dma_start3A_285 = tpu.memref_slice %arg2[%dma_start3A_283, %dma_start3A_284] : memref<8192x1024xf32, #tpu.memory_space<hbm>> -> memref<8192x1024xf32, #tpu.memory_space<hbm>>
    tpu.enqueue_indirect_dma source(%dma_start3A_285 : memref<8192x1024xf32, #tpu.memory_space<hbm>>) target(%arg9 : memref<32x1024xf32, #tpu.memory_space<vmem>>) offsets(%dma_start3A_282 : memref<32xi32, #tpu.memory_space<vmem>>) semaphore(%arg14 : memref<!tpu.dma_semaphore, #tpu.memory_space<semaphore_mem>>)
    %add3A_286 = arith.constant 288 : i32
    %add3A_287 = arith.addi %mul3A_2, %add3A_286 : i32
    "tpu.region"() ({
      %run_scoped3A = tpu.sem_alloc : memref<!tpu.dma_semaphore, #tpu.memory_space<semaphore_mem>>
      %dma_start3A_462 = arith.constant 0 : i32
      %dma_start3A_463 = tpu.memref_slice %arg5[%add3A_287, %dma_start3A_462] : memref<16384x1024xf32, #tpu.memory_space<hbm>> -> memref<32x1024xf32, #tpu.memory_space<hbm>>
      %dma_start3A_464 = arith.constant 0 : i32
      %dma_start3A_465 = tpu.memref_slice %arg5[%add3A_287, %dma_start3A_464] : memref<16384x1024xf32, #tpu.memory_space<hbm>> -> memref<32x1024xf32, #tpu.memory_space<hbm>>
      tpu.enqueue_dma source(%arg10 : memref<32x1024xf32, #tpu.memory_space<vmem>>) target(%dma_start3A_465 : memref<32x1024xf32, #tpu.memory_space<hbm>>) target_semaphore(%run_scoped3A : memref<!tpu.dma_semaphore, #tpu.memory_space<semaphore_mem>>)
      %dma_wait3A_466 = arith.constant 0 : i32
      %dma_wait3A_467 = tpu.memref_slice %arg5[%add3A_287, %dma_wait3A_466] : memref<16384x1024xf32, #tpu.memory_space<hbm>> -> memref<32x1024xf32, #tpu.memory_space<hbm>>
      %dma_wait3A_468 = arith.constant 0 : i32
      %dma_wait3A_469 = tpu.memref_slice %arg5[%add3A_287, %dma_wait3A_468] : memref<16384x1024xf32, #tpu.memory_space<hbm>> -> memref<32x1024xf32, #tpu.memory_space<hbm>>
      tpu.wait_dma2 semaphore(%run_scoped3A : memref<!tpu.dma_semaphore, #tpu.memory_space<semaphore_mem>>) src(%arg10 : memref<32x1024xf32, #tpu.memory_space<vmem>>) dst(%dma_wait3A_469 : memref<32x1024xf32, #tpu.memory_space<hbm>>)
      tpu.yield
    }) : () -> ()
    %dma_wait3A_288 = arith.constant 0 : i32
    %dma_wait3A_289 = tpu.memref_slice %arg4[%add3A_271, %dma_wait3A_288] : memref<16384x1024xf32, #tpu.memory_space<hbm>> -> memref<32x1024xf32, #tpu.memory_space<hbm>>
    %dma_wait3A_290 = arith.constant 0 : i32
    %dma_wait3A_291 = tpu.memref_slice %arg4[%add3A_271, %dma_wait3A_290] : memref<16384x1024xf32, #tpu.memory_space<hbm>> -> memref<32x1024xf32, #tpu.memory_space<hbm>>
    tpu.wait_dma2 semaphore(%arg16 : memref<!tpu.dma_semaphore, #tpu.memory_space<semaphore_mem>>) src(%dma_wait3A_291 : memref<32x1024xf32, #tpu.memory_space<hbm>>) dst(%arg11 : memref<32x1024xf32, #tpu.memory_space<vmem>>)
    %scan3A_292 = arith.constant 0 : i32
    %scan3A_293 = arith.constant 32 : i32
    %scan3A_294 = arith.addi %scan3A_292, %scan3A_293 : i32
    %scan3A_295 = arith.constant 1 : i32
    %scan3A_296 = scf.for %scan3A_462 = %scan3A_292 to %scan3A_294 step %scan3A_295 iter_args(%scan3A_463 = %scan3A_268) -> (vector<16xf32>)  : i32 {
      %scan3A_464 = arith.constant 0 : i32
      %scan3A_465 = arith.constant 8 : i32
      %scan3A_466 = arith.addi %scan3A_464, %scan3A_465 : i32
      %scan3A_467 = arith.constant 1 : i32
      %scan3A_468 = scf.for %scan3A_470 = %scan3A_464 to %scan3A_466 step %scan3A_467 iter_args(%scan3A_471 = %scan3A_463) -> (vector<16xf32>)  : i32 {
        %mul3A_472 = arith.constant 128 : i32
        %mul3A_473 = arith.muli %scan3A_470, %mul3A_472 : i32
        %get3A = arith.index_cast %scan3A_462 : i32 to index
        %get3A_474 = arith.index_cast %mul3A_473 : i32 to index
        %get3A_475 = tpu.vector_load %arg10[%get3A, %get3A_474] {strides = array<i32>} : memref<32x1024xf32, #tpu.memory_space<vmem>>, vector<16xf32>,
        %mul3A_476 = arith.constant 128 : i32
        %mul3A_477 = arith.muli %scan3A_470, %mul3A_476 : i32
        %get3A_478 = arith.index_cast %scan3A_462 : i32 to index
        %get3A_479 = arith.index_cast %mul3A_477 : i32 to index
        %get3A_480 = tpu.vector_load %arg11[%get3A_478, %get3A_479] {strides = array<i32>} : memref<32x1024xf32, #tpu.memory_space<vmem>>, vector<16xf32>,
        %sub3A = arith.subf %get3A_475, %get3A_480 : vector<16xf32>
        %mul3A_481 = arith.mulf %sub3A, %sub3A : vector<16xf32>
        %add3A_482 = arith.addf %scan3A_471, %mul3A_481 : vector<16xf32>
        %mul3A_483 = arith.constant 128 : i32
        %mul3A_484 = arith.muli %scan3A_470, %mul3A_483 : i32
        %add3A_485 = arith.constant 16 : i32
        %add3A_486 = arith.addi %mul3A_484, %add3A_485 : i32
        %get3A_487 = arith.index_cast %scan3A_462 : i32 to index
        %get3A_488 = arith.index_cast %add3A_486 : i32 to index
        %get3A_489 = tpu.vector_load %arg10[%get3A_487, %get3A_488] {strides = array<i32>} : memref<32x1024xf32, #tpu.memory_space<vmem>>, vector<16xf32>,
        %mul3A_490 = arith.constant 128 : i32
        %mul3A_491 = arith.muli %scan3A_470, %mul3A_490 : i32
        %add3A_492 = arith.constant 16 : i32
        %add3A_493 = arith.addi %mul3A_491, %add3A_492 : i32
        %get3A_494 = arith.index_cast %scan3A_462 : i32 to index
        %get3A_495 = arith.index_cast %add3A_493 : i32 to index
        %get3A_496 = tpu.vector_load %arg11[%get3A_494, %get3A_495] {strides = array<i32>} : memref<32x1024xf32, #tpu.memory_space<vmem>>, vector<16xf32>,
        %sub3A_497 = arith.subf %get3A_489, %get3A_496 : vector<16xf32>
        %mul3A_498 = arith.mulf %sub3A_497, %sub3A_497 : vector<16xf32>
        %add3A_499 = arith.addf %add3A_482, %mul3A_498 : vector<16xf32>
        %mul3A_500 = arith.constant 128 : i32
        %mul3A_501 = arith.muli %scan3A_470, %mul3A_500 : i32
        %add3A_502 = arith.constant 32 : i32
        %add3A_503 = arith.addi %mul3A_501, %add3A_502 : i32
        %get3A_504 = arith.index_cast %scan3A_462 : i32 to index
        %get3A_505 = arith.index_cast %add3A_503 : i32 to index
        %get3A_506 = tpu.vector_load %arg10[%get3A_504, %get3A_505] {strides = array<i32>} : memref<32x1024xf32, #tpu.memory_space<vmem>>, vector<16xf32>,
        %mul3A_507 = arith.constant 128 : i32
        %mul3A_508 = arith.muli %scan3A_470, %mul3A_507 : i32
        %add3A_509 = arith.constant 32 : i32
        %add3A_510 = arith.addi %mul3A_508, %add3A_509 : i32
        %get3A_511 = arith.index_cast %scan3A_462 : i32 to index
        %get3A_512 = arith.index_cast %add3A_510 : i32 to index
        %get3A_513 = tpu.vector_load %arg11[%get3A_511, %get3A_512] {strides = array<i32>} : memref<32x1024xf32, #tpu.memory_space<vmem>>, vector<16xf32>,
        %sub3A_514 = arith.subf %get3A_506, %get3A_513 : vector<16xf32>
        %mul3A_515 = arith.mulf %sub3A_514, %sub3A_514 : vector<16xf32>
        %add3A_516 = arith.addf %add3A_499, %mul3A_515 : vector<16xf32>
        %mul3A_517 = arith.constant 128 : i32
        %mul3A_518 = arith.muli %scan3A_470, %mul3A_517 : i32
        %add3A_519 = arith.constant 48 : i32
        %add3A_520 = arith.addi %mul3A_518, %add3A_519 : i32
        %get3A_521 = arith.index_cast %scan3A_462 : i32 to index
        %get3A_522 = arith.index_cast %add3A_520 : i32 to index
        %get3A_523 = tpu.vector_load %arg10[%get3A_521, %get3A_522] {strides = array<i32>} : memref<32x1024xf32, #tpu.memory_space<vmem>>, vector<16xf32>,
        %mul3A_524 = arith.constant 128 : i32
        %mul3A_525 = arith.muli %scan3A_470, %mul3A_524 : i32
        %add3A_526 = arith.constant 48 : i32
        %add3A_527 = arith.addi %mul3A_525, %add3A_526 : i32
        %get3A_528 = arith.index_cast %scan3A_462 : i32 to index
        %get3A_529 = arith.index_cast %add3A_527 : i32 to index
        %get3A_530 = tpu.vector_load %arg11[%get3A_528, %get3A_529] {strides = array<i32>} : memref<32x1024xf32, #tpu.memory_space<vmem>>, vector<16xf32>,
        %sub3A_531 = arith.subf %get3A_523, %get3A_530 : vector<16xf32>
        %mul3A_532 = arith.mulf %sub3A_531, %sub3A_531 : vector<16xf32>
        %add3A_533 = arith.addf %add3A_516, %mul3A_532 : vector<16xf32>
        %mul3A_534 = arith.constant 128 : i32
        %mul3A_535 = arith.muli %scan3A_470, %mul3A_534 : i32
        %add3A_536 = arith.constant 64 : i32
        %add3A_537 = arith.addi %mul3A_535, %add3A_536 : i32
        %get3A_538 = arith.index_cast %scan3A_462 : i32 to index
        %get3A_539 = arith.index_cast %add3A_537 : i32 to index
        %get3A_540 = tpu.vector_load %arg10[%get3A_538, %get3A_539] {strides = array<i32>} : memref<32x1024xf32, #tpu.memory_space<vmem>>, vector<16xf32>,
        %mul3A_541 = arith.constant 128 : i32
        %mul3A_542 = arith.muli %scan3A_470, %mul3A_541 : i32
        %add3A_543 = arith.constant 64 : i32
        %add3A_544 = arith.addi %mul3A_542, %add3A_543 : i32
        %get3A_545 = arith.index_cast %scan3A_462 : i32 to index
        %get3A_546 = arith.index_cast %add3A_544 : i32 to index
        %get3A_547 = tpu.vector_load %arg11[%get3A_545, %get3A_546] {strides = array<i32>} : memref<32x1024xf32, #tpu.memory_space<vmem>>, vector<16xf32>,
        %sub3A_548 = arith.subf %get3A_540, %get3A_547 : vector<16xf32>
        %mul3A_549 = arith.mulf %sub3A_548, %sub3A_548 : vector<16xf32>
        %add3A_550 = arith.addf %add3A_533, %mul3A_549 : vector<16xf32>
        %mul3A_551 = arith.constant 128 : i32
        %mul3A_552 = arith.muli %scan3A_470, %mul3A_551 : i32
        %add3A_553 = arith.constant 80 : i32
        %add3A_554 = arith.addi %mul3A_552, %add3A_553 : i32
        %get3A_555 = arith.index_cast %scan3A_462 : i32 to index
        %get3A_556 = arith.index_cast %add3A_554 : i32 to index
        %get3A_557 = tpu.vector_load %arg10[%get3A_555, %get3A_556] {strides = array<i32>} : memref<32x1024xf32, #tpu.memory_space<vmem>>, vector<16xf32>,
        %mul3A_558 = arith.constant 128 : i32
        %mul3A_559 = arith.muli %scan3A_470, %mul3A_558 : i32
        %add3A_560 = arith.constant 80 : i32
        %add3A_561 = arith.addi %mul3A_559, %add3A_560 : i32
        %get3A_562 = arith.index_cast %scan3A_462 : i32 to index
        %get3A_563 = arith.index_cast %add3A_561 : i32 to index
        %get3A_564 = tpu.vector_load %arg11[%get3A_562, %get3A_563] {strides = array<i32>} : memref<32x1024xf32, #tpu.memory_space<vmem>>, vector<16xf32>,
        %sub3A_565 = arith.subf %get3A_557, %get3A_564 : vector<16xf32>
        %mul3A_566 = arith.mulf %sub3A_565, %sub3A_565 : vector<16xf32>
        %add3A_567 = arith.addf %add3A_550, %mul3A_566 : vector<16xf32>
        %mul3A_568 = arith.constant 128 : i32
        %mul3A_569 = arith.muli %scan3A_470, %mul3A_568 : i32
        %add3A_570 = arith.constant 96 : i32
        %add3A_571 = arith.addi %mul3A_569, %add3A_570 : i32
        %get3A_572 = arith.index_cast %scan3A_462 : i32 to index
        %get3A_573 = arith.index_cast %add3A_571 : i32 to index
        %get3A_574 = tpu.vector_load %arg10[%get3A_572, %get3A_573] {strides = array<i32>} : memref<32x1024xf32, #tpu.memory_space<vmem>>, vector<16xf32>,
        %mul3A_575 = arith.constant 128 : i32
        %mul3A_576 = arith.muli %scan3A_470, %mul3A_575 : i32
        %add3A_577 = arith.constant 96 : i32
        %add3A_578 = arith.addi %mul3A_576, %add3A_577 : i32
        %get3A_579 = arith.index_cast %scan3A_462 : i32 to index
        %get3A_580 = arith.index_cast %add3A_578 : i32 to index
        %get3A_581 = tpu.vector_load %arg11[%get3A_579, %get3A_580] {strides = array<i32>} : memref<32x1024xf32, #tpu.memory_space<vmem>>, vector<16xf32>,
        %sub3A_582 = arith.subf %get3A_574, %get3A_581 : vector<16xf32>
        %mul3A_583 = arith.mulf %sub3A_582, %sub3A_582 : vector<16xf32>
        %add3A_584 = arith.addf %add3A_567, %mul3A_583 : vector<16xf32>
        %mul3A_585 = arith.constant 128 : i32
        %mul3A_586 = arith.muli %scan3A_470, %mul3A_585 : i32
        %add3A_587 = arith.constant 112 : i32
        %add3A_588 = arith.addi %mul3A_586, %add3A_587 : i32
        %get3A_589 = arith.index_cast %scan3A_462 : i32 to index
        %get3A_590 = arith.index_cast %add3A_588 : i32 to index
        %get3A_591 = tpu.vector_load %arg10[%get3A_589, %get3A_590] {strides = array<i32>} : memref<32x1024xf32, #tpu.memory_space<vmem>>, vector<16xf32>,
        %mul3A_592 = arith.constant 128 : i32
        %mul3A_593 = arith.muli %scan3A_470, %mul3A_592 : i32
        %add3A_594 = arith.constant 112 : i32
        %add3A_595 = arith.addi %mul3A_593, %add3A_594 : i32
        %get3A_596 = arith.index_cast %scan3A_462 : i32 to index
        %get3A_597 = arith.index_cast %add3A_595 : i32 to index
        %get3A_598 = tpu.vector_load %arg11[%get3A_596, %get3A_597] {strides = array<i32>} : memref<32x1024xf32, #tpu.memory_space<vmem>>, vector<16xf32>,
        %sub3A_599 = arith.subf %get3A_591, %get3A_598 : vector<16xf32>
        %mul3A_600 = arith.mulf %sub3A_599, %sub3A_599 : vector<16xf32>
        %add3A_601 = arith.addf %add3A_584, %mul3A_600 : vector<16xf32>
        scf.yield %add3A_601 : vector<16xf32>
      }
      %scan3A_469 = arith.constant 8 : i32
      scf.yield %scan3A_468 : vector<16xf32>
    }
    %scan3A_297 = arith.constant 32 : i32
    %add3A_298 = arith.constant 320 : i32
    %add3A_299 = arith.addi %mul3A_2, %add3A_298 : i32
    %dma_start3A_300 = arith.constant 0 : i32
    %dma_start3A_301 = tpu.memref_slice %arg4[%add3A_299, %dma_start3A_300] : memref<16384x1024xf32, #tpu.memory_space<hbm>> -> memref<32x1024xf32, #tpu.memory_space<hbm>>
    %dma_start3A_302 = arith.constant 0 : i32
    %dma_start3A_303 = tpu.memref_slice %arg4[%add3A_299, %dma_start3A_302] : memref<16384x1024xf32, #tpu.memory_space<hbm>> -> memref<32x1024xf32, #tpu.memory_space<hbm>>
    tpu.enqueue_dma source(%dma_start3A_303 : memref<32x1024xf32, #tpu.memory_space<hbm>>) target(%arg11 : memref<32x1024xf32, #tpu.memory_space<vmem>>) target_semaphore(%arg16 : memref<!tpu.dma_semaphore, #tpu.memory_space<semaphore_mem>>)
    %dma_wait3A_304 = arith.constant 320 : i32
    %dma_wait3A_305 = tpu.memref_slice %arg8[%dma_wait3A_304] : memref<512xi32, #tpu.memory_space<vmem>> -> memref<32xi32, #tpu.memory_space<vmem>>
    %dma_wait3A_306 = arith.constant 0 : i32
    %dma_wait3A_307 = arith.constant 0 : i32
    %dma_wait3A_308 = tpu.memref_slice %arg2[%dma_wait3A_306, %dma_wait3A_307] : memref<8192x1024xf32, #tpu.memory_space<hbm>> -> memref<8192x1024xf32, #tpu.memory_space<hbm>>
    tpu.wait_indirect_dma semaphore(%arg14 : memref<!tpu.dma_semaphore, #tpu.memory_space<semaphore_mem>>) src(%dma_wait3A_308 : memref<8192x1024xf32, #tpu.memory_space<hbm>>) dst(%arg9 : memref<32x1024xf32, #tpu.memory_space<vmem>>)
    %dma_start3A_309 = arith.constant 352 : i32
    %dma_start3A_310 = tpu.memref_slice %arg8[%dma_start3A_309] : memref<512xi32, #tpu.memory_space<vmem>> -> memref<32xi32, #tpu.memory_space<vmem>>
    %dma_start3A_311 = arith.constant 0 : i32
    %dma_start3A_312 = arith.constant 0 : i32
    %dma_start3A_313 = tpu.memref_slice %arg2[%dma_start3A_311, %dma_start3A_312] : memref<8192x1024xf32, #tpu.memory_space<hbm>> -> memref<8192x1024xf32, #tpu.memory_space<hbm>>
    tpu.enqueue_indirect_dma source(%dma_start3A_313 : memref<8192x1024xf32, #tpu.memory_space<hbm>>) target(%arg10 : memref<32x1024xf32, #tpu.memory_space<vmem>>) offsets(%dma_start3A_310 : memref<32xi32, #tpu.memory_space<vmem>>) semaphore(%arg15 : memref<!tpu.dma_semaphore, #tpu.memory_space<semaphore_mem>>)
    %add3A_314 = arith.constant 320 : i32
    %add3A_315 = arith.addi %mul3A_2, %add3A_314 : i32
    "tpu.region"() ({
      %run_scoped3A = tpu.sem_alloc : memref<!tpu.dma_semaphore, #tpu.memory_space<semaphore_mem>>
      %dma_start3A_462 = arith.constant 0 : i32
      %dma_start3A_463 = tpu.memref_slice %arg5[%add3A_315, %dma_start3A_462] : memref<16384x1024xf32, #tpu.memory_space<hbm>> -> memref<32x1024xf32, #tpu.memory_space<hbm>>
      %dma_start3A_464 = arith.constant 0 : i32
      %dma_start3A_465 = tpu.memref_slice %arg5[%add3A_315, %dma_start3A_464] : memref<16384x1024xf32, #tpu.memory_space<hbm>> -> memref<32x1024xf32, #tpu.memory_space<hbm>>
      tpu.enqueue_dma source(%arg9 : memref<32x1024xf32, #tpu.memory_space<vmem>>) target(%dma_start3A_465 : memref<32x1024xf32, #tpu.memory_space<hbm>>) target_semaphore(%run_scoped3A : memref<!tpu.dma_semaphore, #tpu.memory_space<semaphore_mem>>)
      %dma_wait3A_466 = arith.constant 0 : i32
      %dma_wait3A_467 = tpu.memref_slice %arg5[%add3A_315, %dma_wait3A_466] : memref<16384x1024xf32, #tpu.memory_space<hbm>> -> memref<32x1024xf32, #tpu.memory_space<hbm>>
      %dma_wait3A_468 = arith.constant 0 : i32
      %dma_wait3A_469 = tpu.memref_slice %arg5[%add3A_315, %dma_wait3A_468] : memref<16384x1024xf32, #tpu.memory_space<hbm>> -> memref<32x1024xf32, #tpu.memory_space<hbm>>
      tpu.wait_dma2 semaphore(%run_scoped3A : memref<!tpu.dma_semaphore, #tpu.memory_space<semaphore_mem>>) src(%arg9 : memref<32x1024xf32, #tpu.memory_space<vmem>>) dst(%dma_wait3A_469 : memref<32x1024xf32, #tpu.memory_space<hbm>>)
      tpu.yield
    }) : () -> ()
    %dma_wait3A_316 = arith.constant 0 : i32
    %dma_wait3A_317 = tpu.memref_slice %arg4[%add3A_299, %dma_wait3A_316] : memref<16384x1024xf32, #tpu.memory_space<hbm>> -> memref<32x1024xf32, #tpu.memory_space<hbm>>
    %dma_wait3A_318 = arith.constant 0 : i32
    %dma_wait3A_319 = tpu.memref_slice %arg4[%add3A_299, %dma_wait3A_318] : memref<16384x1024xf32, #tpu.memory_space<hbm>> -> memref<32x1024xf32, #tpu.memory_space<hbm>>
    tpu.wait_dma2 semaphore(%arg16 : memref<!tpu.dma_semaphore, #tpu.memory_space<semaphore_mem>>) src(%dma_wait3A_319 : memref<32x1024xf32, #tpu.memory_space<hbm>>) dst(%arg11 : memref<32x1024xf32, #tpu.memory_space<vmem>>)
    %scan3A_320 = arith.constant 0 : i32
    %scan3A_321 = arith.constant 32 : i32
    %scan3A_322 = arith.addi %scan3A_320, %scan3A_321 : i32
    %scan3A_323 = arith.constant 1 : i32
    %scan3A_324 = scf.for %scan3A_462 = %scan3A_320 to %scan3A_322 step %scan3A_323 iter_args(%scan3A_463 = %scan3A_296) -> (vector<16xf32>)  : i32 {
      %scan3A_464 = arith.constant 0 : i32
      %scan3A_465 = arith.constant 8 : i32
      %scan3A_466 = arith.addi %scan3A_464, %scan3A_465 : i32
      %scan3A_467 = arith.constant 1 : i32
      %scan3A_468 = scf.for %scan3A_470 = %scan3A_464 to %scan3A_466 step %scan3A_467 iter_args(%scan3A_471 = %scan3A_463) -> (vector<16xf32>)  : i32 {
        %mul3A_472 = arith.constant 128 : i32
        %mul3A_473 = arith.muli %scan3A_470, %mul3A_472 : i32
        %get3A = arith.index_cast %scan3A_462 : i32 to index
        %get3A_474 = arith.index_cast %mul3A_473 : i32 to index
        %get3A_475 = tpu.vector_load %arg9[%get3A, %get3A_474] {strides = array<i32>} : memref<32x1024xf32, #tpu.memory_space<vmem>>, vector<16xf32>,
        %mul3A_476 = arith.constant 128 : i32
        %mul3A_477 = arith.muli %scan3A_470, %mul3A_476 : i32
        %get3A_478 = arith.index_cast %scan3A_462 : i32 to index
        %get3A_479 = arith.index_cast %mul3A_477 : i32 to index
        %get3A_480 = tpu.vector_load %arg11[%get3A_478, %get3A_479] {strides = array<i32>} : memref<32x1024xf32, #tpu.memory_space<vmem>>, vector<16xf32>,
        %sub3A = arith.subf %get3A_475, %get3A_480 : vector<16xf32>
        %mul3A_481 = arith.mulf %sub3A, %sub3A : vector<16xf32>
        %add3A_482 = arith.addf %scan3A_471, %mul3A_481 : vector<16xf32>
        %mul3A_483 = arith.constant 128 : i32
        %mul3A_484 = arith.muli %scan3A_470, %mul3A_483 : i32
        %add3A_485 = arith.constant 16 : i32
        %add3A_486 = arith.addi %mul3A_484, %add3A_485 : i32
        %get3A_487 = arith.index_cast %scan3A_462 : i32 to index
        %get3A_488 = arith.index_cast %add3A_486 : i32 to index
        %get3A_489 = tpu.vector_load %arg9[%get3A_487, %get3A_488] {strides = array<i32>} : memref<32x1024xf32, #tpu.memory_space<vmem>>, vector<16xf32>,
        %mul3A_490 = arith.constant 128 : i32
        %mul3A_491 = arith.muli %scan3A_470, %mul3A_490 : i32
        %add3A_492 = arith.constant 16 : i32
        %add3A_493 = arith.addi %mul3A_491, %add3A_492 : i32
        %get3A_494 = arith.index_cast %scan3A_462 : i32 to index
        %get3A_495 = arith.index_cast %add3A_493 : i32 to index
        %get3A_496 = tpu.vector_load %arg11[%get3A_494, %get3A_495] {strides = array<i32>} : memref<32x1024xf32, #tpu.memory_space<vmem>>, vector<16xf32>,
        %sub3A_497 = arith.subf %get3A_489, %get3A_496 : vector<16xf32>
        %mul3A_498 = arith.mulf %sub3A_497, %sub3A_497 : vector<16xf32>
        %add3A_499 = arith.addf %add3A_482, %mul3A_498 : vector<16xf32>
        %mul3A_500 = arith.constant 128 : i32
        %mul3A_501 = arith.muli %scan3A_470, %mul3A_500 : i32
        %add3A_502 = arith.constant 32 : i32
        %add3A_503 = arith.addi %mul3A_501, %add3A_502 : i32
        %get3A_504 = arith.index_cast %scan3A_462 : i32 to index
        %get3A_505 = arith.index_cast %add3A_503 : i32 to index
        %get3A_506 = tpu.vector_load %arg9[%get3A_504, %get3A_505] {strides = array<i32>} : memref<32x1024xf32, #tpu.memory_space<vmem>>, vector<16xf32>,
        %mul3A_507 = arith.constant 128 : i32
        %mul3A_508 = arith.muli %scan3A_470, %mul3A_507 : i32
        %add3A_509 = arith.constant 32 : i32
        %add3A_510 = arith.addi %mul3A_508, %add3A_509 : i32
        %get3A_511 = arith.index_cast %scan3A_462 : i32 to index
        %get3A_512 = arith.index_cast %add3A_510 : i32 to index
        %get3A_513 = tpu.vector_load %arg11[%get3A_511, %get3A_512] {strides = array<i32>} : memref<32x1024xf32, #tpu.memory_space<vmem>>, vector<16xf32>,
        %sub3A_514 = arith.subf %get3A_506, %get3A_513 : vector<16xf32>
        %mul3A_515 = arith.mulf %sub3A_514, %sub3A_514 : vector<16xf32>
        %add3A_516 = arith.addf %add3A_499, %mul3A_515 : vector<16xf32>
        %mul3A_517 = arith.constant 128 : i32
        %mul3A_518 = arith.muli %scan3A_470, %mul3A_517 : i32
        %add3A_519 = arith.constant 48 : i32
        %add3A_520 = arith.addi %mul3A_518, %add3A_519 : i32
        %get3A_521 = arith.index_cast %scan3A_462 : i32 to index
        %get3A_522 = arith.index_cast %add3A_520 : i32 to index
        %get3A_523 = tpu.vector_load %arg9[%get3A_521, %get3A_522] {strides = array<i32>} : memref<32x1024xf32, #tpu.memory_space<vmem>>, vector<16xf32>,
        %mul3A_524 = arith.constant 128 : i32
        %mul3A_525 = arith.muli %scan3A_470, %mul3A_524 : i32
        %add3A_526 = arith.constant 48 : i32
        %add3A_527 = arith.addi %mul3A_525, %add3A_526 : i32
        %get3A_528 = arith.index_cast %scan3A_462 : i32 to index
        %get3A_529 = arith.index_cast %add3A_527 : i32 to index
        %get3A_530 = tpu.vector_load %arg11[%get3A_528, %get3A_529] {strides = array<i32>} : memref<32x1024xf32, #tpu.memory_space<vmem>>, vector<16xf32>,
        %sub3A_531 = arith.subf %get3A_523, %get3A_530 : vector<16xf32>
        %mul3A_532 = arith.mulf %sub3A_531, %sub3A_531 : vector<16xf32>
        %add3A_533 = arith.addf %add3A_516, %mul3A_532 : vector<16xf32>
        %mul3A_534 = arith.constant 128 : i32
        %mul3A_535 = arith.muli %scan3A_470, %mul3A_534 : i32
        %add3A_536 = arith.constant 64 : i32
        %add3A_537 = arith.addi %mul3A_535, %add3A_536 : i32
        %get3A_538 = arith.index_cast %scan3A_462 : i32 to index
        %get3A_539 = arith.index_cast %add3A_537 : i32 to index
        %get3A_540 = tpu.vector_load %arg9[%get3A_538, %get3A_539] {strides = array<i32>} : memref<32x1024xf32, #tpu.memory_space<vmem>>, vector<16xf32>,
        %mul3A_541 = arith.constant 128 : i32
        %mul3A_542 = arith.muli %scan3A_470, %mul3A_541 : i32
        %add3A_543 = arith.constant 64 : i32
        %add3A_544 = arith.addi %mul3A_542, %add3A_543 : i32
        %get3A_545 = arith.index_cast %scan3A_462 : i32 to index
        %get3A_546 = arith.index_cast %add3A_544 : i32 to index
        %get3A_547 = tpu.vector_load %arg11[%get3A_545, %get3A_546] {strides = array<i32>} : memref<32x1024xf32, #tpu.memory_space<vmem>>, vector<16xf32>,
        %sub3A_548 = arith.subf %get3A_540, %get3A_547 : vector<16xf32>
        %mul3A_549 = arith.mulf %sub3A_548, %sub3A_548 : vector<16xf32>
        %add3A_550 = arith.addf %add3A_533, %mul3A_549 : vector<16xf32>
        %mul3A_551 = arith.constant 128 : i32
        %mul3A_552 = arith.muli %scan3A_470, %mul3A_551 : i32
        %add3A_553 = arith.constant 80 : i32
        %add3A_554 = arith.addi %mul3A_552, %add3A_553 : i32
        %get3A_555 = arith.index_cast %scan3A_462 : i32 to index
        %get3A_556 = arith.index_cast %add3A_554 : i32 to index
        %get3A_557 = tpu.vector_load %arg9[%get3A_555, %get3A_556] {strides = array<i32>} : memref<32x1024xf32, #tpu.memory_space<vmem>>, vector<16xf32>,
        %mul3A_558 = arith.constant 128 : i32
        %mul3A_559 = arith.muli %scan3A_470, %mul3A_558 : i32
        %add3A_560 = arith.constant 80 : i32
        %add3A_561 = arith.addi %mul3A_559, %add3A_560 : i32
        %get3A_562 = arith.index_cast %scan3A_462 : i32 to index
        %get3A_563 = arith.index_cast %add3A_561 : i32 to index
        %get3A_564 = tpu.vector_load %arg11[%get3A_562, %get3A_563] {strides = array<i32>} : memref<32x1024xf32, #tpu.memory_space<vmem>>, vector<16xf32>,
        %sub3A_565 = arith.subf %get3A_557, %get3A_564 : vector<16xf32>
        %mul3A_566 = arith.mulf %sub3A_565, %sub3A_565 : vector<16xf32>
        %add3A_567 = arith.addf %add3A_550, %mul3A_566 : vector<16xf32>
        %mul3A_568 = arith.constant 128 : i32
        %mul3A_569 = arith.muli %scan3A_470, %mul3A_568 : i32
        %add3A_570 = arith.constant 96 : i32
        %add3A_571 = arith.addi %mul3A_569, %add3A_570 : i32
        %get3A_572 = arith.index_cast %scan3A_462 : i32 to index
        %get3A_573 = arith.index_cast %add3A_571 : i32 to index
        %get3A_574 = tpu.vector_load %arg9[%get3A_572, %get3A_573] {strides = array<i32>} : memref<32x1024xf32, #tpu.memory_space<vmem>>, vector<16xf32>,
        %mul3A_575 = arith.constant 128 : i32
        %mul3A_576 = arith.muli %scan3A_470, %mul3A_575 : i32
        %add3A_577 = arith.constant 96 : i32
        %add3A_578 = arith.addi %mul3A_576, %add3A_577 : i32
        %get3A_579 = arith.index_cast %scan3A_462 : i32 to index
        %get3A_580 = arith.index_cast %add3A_578 : i32 to index
        %get3A_581 = tpu.vector_load %arg11[%get3A_579, %get3A_580] {strides = array<i32>} : memref<32x1024xf32, #tpu.memory_space<vmem>>, vector<16xf32>,
        %sub3A_582 = arith.subf %get3A_574, %get3A_581 : vector<16xf32>
        %mul3A_583 = arith.mulf %sub3A_582, %sub3A_582 : vector<16xf32>
        %add3A_584 = arith.addf %add3A_567, %mul3A_583 : vector<16xf32>
        %mul3A_585 = arith.constant 128 : i32
        %mul3A_586 = arith.muli %scan3A_470, %mul3A_585 : i32
        %add3A_587 = arith.constant 112 : i32
        %add3A_588 = arith.addi %mul3A_586, %add3A_587 : i32
        %get3A_589 = arith.index_cast %scan3A_462 : i32 to index
        %get3A_590 = arith.index_cast %add3A_588 : i32 to index
        %get3A_591 = tpu.vector_load %arg9[%get3A_589, %get3A_590] {strides = array<i32>} : memref<32x1024xf32, #tpu.memory_space<vmem>>, vector<16xf32>,
        %mul3A_592 = arith.constant 128 : i32
        %mul3A_593 = arith.muli %scan3A_470, %mul3A_592 : i32
        %add3A_594 = arith.constant 112 : i32
        %add3A_595 = arith.addi %mul3A_593, %add3A_594 : i32
        %get3A_596 = arith.index_cast %scan3A_462 : i32 to index
        %get3A_597 = arith.index_cast %add3A_595 : i32 to index
        %get3A_598 = tpu.vector_load %arg11[%get3A_596, %get3A_597] {strides = array<i32>} : memref<32x1024xf32, #tpu.memory_space<vmem>>, vector<16xf32>,
        %sub3A_599 = arith.subf %get3A_591, %get3A_598 : vector<16xf32>
        %mul3A_600 = arith.mulf %sub3A_599, %sub3A_599 : vector<16xf32>
        %add3A_601 = arith.addf %add3A_584, %mul3A_600 : vector<16xf32>
        scf.yield %add3A_601 : vector<16xf32>
      }
      %scan3A_469 = arith.constant 8 : i32
      scf.yield %scan3A_468 : vector<16xf32>
    }
    %scan3A_325 = arith.constant 32 : i32
    %add3A_326 = arith.constant 352 : i32
    %add3A_327 = arith.addi %mul3A_2, %add3A_326 : i32
    %dma_start3A_328 = arith.constant 0 : i32
    %dma_start3A_329 = tpu.memref_slice %arg4[%add3A_327, %dma_start3A_328] : memref<16384x1024xf32, #tpu.memory_space<hbm>> -> memref<32x1024xf32, #tpu.memory_space<hbm>>
    %dma_start3A_330 = arith.constant 0 : i32
    %dma_start3A_331 = tpu.memref_slice %arg4[%add3A_327, %dma_start3A_330] : memref<16384x1024xf32, #tpu.memory_space<hbm>> -> memref<32x1024xf32, #tpu.memory_space<hbm>>
    tpu.enqueue_dma source(%dma_start3A_331 : memref<32x1024xf32, #tpu.memory_space<hbm>>) target(%arg11 : memref<32x1024xf32, #tpu.memory_space<vmem>>) target_semaphore(%arg16 : memref<!tpu.dma_semaphore, #tpu.memory_space<semaphore_mem>>)
    %dma_wait3A_332 = arith.constant 352 : i32
    %dma_wait3A_333 = tpu.memref_slice %arg8[%dma_wait3A_332] : memref<512xi32, #tpu.memory_space<vmem>> -> memref<32xi32, #tpu.memory_space<vmem>>
    %dma_wait3A_334 = arith.constant 0 : i32
    %dma_wait3A_335 = arith.constant 0 : i32
    %dma_wait3A_336 = tpu.memref_slice %arg2[%dma_wait3A_334, %dma_wait3A_335] : memref<8192x1024xf32, #tpu.memory_space<hbm>> -> memref<8192x1024xf32, #tpu.memory_space<hbm>>
    tpu.wait_indirect_dma semaphore(%arg15 : memref<!tpu.dma_semaphore, #tpu.memory_space<semaphore_mem>>) src(%dma_wait3A_336 : memref<8192x1024xf32, #tpu.memory_space<hbm>>) dst(%arg10 : memref<32x1024xf32, #tpu.memory_space<vmem>>)
    %dma_start3A_337 = arith.constant 384 : i32
    %dma_start3A_338 = tpu.memref_slice %arg8[%dma_start3A_337] : memref<512xi32, #tpu.memory_space<vmem>> -> memref<32xi32, #tpu.memory_space<vmem>>
    %dma_start3A_339 = arith.constant 0 : i32
    %dma_start3A_340 = arith.constant 0 : i32
    %dma_start3A_341 = tpu.memref_slice %arg2[%dma_start3A_339, %dma_start3A_340] : memref<8192x1024xf32, #tpu.memory_space<hbm>> -> memref<8192x1024xf32, #tpu.memory_space<hbm>>
    tpu.enqueue_indirect_dma source(%dma_start3A_341 : memref<8192x1024xf32, #tpu.memory_space<hbm>>) target(%arg9 : memref<32x1024xf32, #tpu.memory_space<vmem>>) offsets(%dma_start3A_338 : memref<32xi32, #tpu.memory_space<vmem>>) semaphore(%arg14 : memref<!tpu.dma_semaphore, #tpu.memory_space<semaphore_mem>>)
    %add3A_342 = arith.constant 352 : i32
    %add3A_343 = arith.addi %mul3A_2, %add3A_342 : i32
    "tpu.region"() ({
      %run_scoped3A = tpu.sem_alloc : memref<!tpu.dma_semaphore, #tpu.memory_space<semaphore_mem>>
      %dma_start3A_462 = arith.constant 0 : i32
      %dma_start3A_463 = tpu.memref_slice %arg5[%add3A_343, %dma_start3A_462] : memref<16384x1024xf32, #tpu.memory_space<hbm>> -> memref<32x1024xf32, #tpu.memory_space<hbm>>
      %dma_start3A_464 = arith.constant 0 : i32
      %dma_start3A_465 = tpu.memref_slice %arg5[%add3A_343, %dma_start3A_464] : memref<16384x1024xf32, #tpu.memory_space<hbm>> -> memref<32x1024xf32, #tpu.memory_space<hbm>>
      tpu.enqueue_dma source(%arg10 : memref<32x1024xf32, #tpu.memory_space<vmem>>) target(%dma_start3A_465 : memref<32x1024xf32, #tpu.memory_space<hbm>>) target_semaphore(%run_scoped3A : memref<!tpu.dma_semaphore, #tpu.memory_space<semaphore_mem>>)
      %dma_wait3A_466 = arith.constant 0 : i32
      %dma_wait3A_467 = tpu.memref_slice %arg5[%add3A_343, %dma_wait3A_466] : memref<16384x1024xf32, #tpu.memory_space<hbm>> -> memref<32x1024xf32, #tpu.memory_space<hbm>>
      %dma_wait3A_468 = arith.constant 0 : i32
      %dma_wait3A_469 = tpu.memref_slice %arg5[%add3A_343, %dma_wait3A_468] : memref<16384x1024xf32, #tpu.memory_space<hbm>> -> memref<32x1024xf32, #tpu.memory_space<hbm>>
      tpu.wait_dma2 semaphore(%run_scoped3A : memref<!tpu.dma_semaphore, #tpu.memory_space<semaphore_mem>>) src(%arg10 : memref<32x1024xf32, #tpu.memory_space<vmem>>) dst(%dma_wait3A_469 : memref<32x1024xf32, #tpu.memory_space<hbm>>)
      tpu.yield
    }) : () -> ()
    %dma_wait3A_344 = arith.constant 0 : i32
    %dma_wait3A_345 = tpu.memref_slice %arg4[%add3A_327, %dma_wait3A_344] : memref<16384x1024xf32, #tpu.memory_space<hbm>> -> memref<32x1024xf32, #tpu.memory_space<hbm>>
    %dma_wait3A_346 = arith.constant 0 : i32
    %dma_wait3A_347 = tpu.memref_slice %arg4[%add3A_327, %dma_wait3A_346] : memref<16384x1024xf32, #tpu.memory_space<hbm>> -> memref<32x1024xf32, #tpu.memory_space<hbm>>
    tpu.wait_dma2 semaphore(%arg16 : memref<!tpu.dma_semaphore, #tpu.memory_space<semaphore_mem>>) src(%dma_wait3A_347 : memref<32x1024xf32, #tpu.memory_space<hbm>>) dst(%arg11 : memref<32x1024xf32, #tpu.memory_space<vmem>>)
    %scan3A_348 = arith.constant 0 : i32
    %scan3A_349 = arith.constant 32 : i32
    %scan3A_350 = arith.addi %scan3A_348, %scan3A_349 : i32
    %scan3A_351 = arith.constant 1 : i32
    %scan3A_352 = scf.for %scan3A_462 = %scan3A_348 to %scan3A_350 step %scan3A_351 iter_args(%scan3A_463 = %scan3A_324) -> (vector<16xf32>)  : i32 {
      %scan3A_464 = arith.constant 0 : i32
      %scan3A_465 = arith.constant 8 : i32
      %scan3A_466 = arith.addi %scan3A_464, %scan3A_465 : i32
      %scan3A_467 = arith.constant 1 : i32
      %scan3A_468 = scf.for %scan3A_470 = %scan3A_464 to %scan3A_466 step %scan3A_467 iter_args(%scan3A_471 = %scan3A_463) -> (vector<16xf32>)  : i32 {
        %mul3A_472 = arith.constant 128 : i32
        %mul3A_473 = arith.muli %scan3A_470, %mul3A_472 : i32
        %get3A = arith.index_cast %scan3A_462 : i32 to index
        %get3A_474 = arith.index_cast %mul3A_473 : i32 to index
        %get3A_475 = tpu.vector_load %arg10[%get3A, %get3A_474] {strides = array<i32>} : memref<32x1024xf32, #tpu.memory_space<vmem>>, vector<16xf32>,
        %mul3A_476 = arith.constant 128 : i32
        %mul3A_477 = arith.muli %scan3A_470, %mul3A_476 : i32
        %get3A_478 = arith.index_cast %scan3A_462 : i32 to index
        %get3A_479 = arith.index_cast %mul3A_477 : i32 to index
        %get3A_480 = tpu.vector_load %arg11[%get3A_478, %get3A_479] {strides = array<i32>} : memref<32x1024xf32, #tpu.memory_space<vmem>>, vector<16xf32>,
        %sub3A = arith.subf %get3A_475, %get3A_480 : vector<16xf32>
        %mul3A_481 = arith.mulf %sub3A, %sub3A : vector<16xf32>
        %add3A_482 = arith.addf %scan3A_471, %mul3A_481 : vector<16xf32>
        %mul3A_483 = arith.constant 128 : i32
        %mul3A_484 = arith.muli %scan3A_470, %mul3A_483 : i32
        %add3A_485 = arith.constant 16 : i32
        %add3A_486 = arith.addi %mul3A_484, %add3A_485 : i32
        %get3A_487 = arith.index_cast %scan3A_462 : i32 to index
        %get3A_488 = arith.index_cast %add3A_486 : i32 to index
        %get3A_489 = tpu.vector_load %arg10[%get3A_487, %get3A_488] {strides = array<i32>} : memref<32x1024xf32, #tpu.memory_space<vmem>>, vector<16xf32>,
        %mul3A_490 = arith.constant 128 : i32
        %mul3A_491 = arith.muli %scan3A_470, %mul3A_490 : i32
        %add3A_492 = arith.constant 16 : i32
        %add3A_493 = arith.addi %mul3A_491, %add3A_492 : i32
        %get3A_494 = arith.index_cast %scan3A_462 : i32 to index
        %get3A_495 = arith.index_cast %add3A_493 : i32 to index
        %get3A_496 = tpu.vector_load %arg11[%get3A_494, %get3A_495] {strides = array<i32>} : memref<32x1024xf32, #tpu.memory_space<vmem>>, vector<16xf32>,
        %sub3A_497 = arith.subf %get3A_489, %get3A_496 : vector<16xf32>
        %mul3A_498 = arith.mulf %sub3A_497, %sub3A_497 : vector<16xf32>
        %add3A_499 = arith.addf %add3A_482, %mul3A_498 : vector<16xf32>
        %mul3A_500 = arith.constant 128 : i32
        %mul3A_501 = arith.muli %scan3A_470, %mul3A_500 : i32
        %add3A_502 = arith.constant 32 : i32
        %add3A_503 = arith.addi %mul3A_501, %add3A_502 : i32
        %get3A_504 = arith.index_cast %scan3A_462 : i32 to index
        %get3A_505 = arith.index_cast %add3A_503 : i32 to index
        %get3A_506 = tpu.vector_load %arg10[%get3A_504, %get3A_505] {strides = array<i32>} : memref<32x1024xf32, #tpu.memory_space<vmem>>, vector<16xf32>,
        %mul3A_507 = arith.constant 128 : i32
        %mul3A_508 = arith.muli %scan3A_470, %mul3A_507 : i32
        %add3A_509 = arith.constant 32 : i32
        %add3A_510 = arith.addi %mul3A_508, %add3A_509 : i32
        %get3A_511 = arith.index_cast %scan3A_462 : i32 to index
        %get3A_512 = arith.index_cast %add3A_510 : i32 to index
        %get3A_513 = tpu.vector_load %arg11[%get3A_511, %get3A_512] {strides = array<i32>} : memref<32x1024xf32, #tpu.memory_space<vmem>>, vector<16xf32>,
        %sub3A_514 = arith.subf %get3A_506, %get3A_513 : vector<16xf32>
        %mul3A_515 = arith.mulf %sub3A_514, %sub3A_514 : vector<16xf32>
        %add3A_516 = arith.addf %add3A_499, %mul3A_515 : vector<16xf32>
        %mul3A_517 = arith.constant 128 : i32
        %mul3A_518 = arith.muli %scan3A_470, %mul3A_517 : i32
        %add3A_519 = arith.constant 48 : i32
        %add3A_520 = arith.addi %mul3A_518, %add3A_519 : i32
        %get3A_521 = arith.index_cast %scan3A_462 : i32 to index
        %get3A_522 = arith.index_cast %add3A_520 : i32 to index
        %get3A_523 = tpu.vector_load %arg10[%get3A_521, %get3A_522] {strides = array<i32>} : memref<32x1024xf32, #tpu.memory_space<vmem>>, vector<16xf32>,
        %mul3A_524 = arith.constant 128 : i32
        %mul3A_525 = arith.muli %scan3A_470, %mul3A_524 : i32
        %add3A_526 = arith.constant 48 : i32
        %add3A_527 = arith.addi %mul3A_525, %add3A_526 : i32
        %get3A_528 = arith.index_cast %scan3A_462 : i32 to index
        %get3A_529 = arith.index_cast %add3A_527 : i32 to index
        %get3A_530 = tpu.vector_load %arg11[%get3A_528, %get3A_529] {strides = array<i32>} : memref<32x1024xf32, #tpu.memory_space<vmem>>, vector<16xf32>,
        %sub3A_531 = arith.subf %get3A_523, %get3A_530 : vector<16xf32>
        %mul3A_532 = arith.mulf %sub3A_531, %sub3A_531 : vector<16xf32>
        %add3A_533 = arith.addf %add3A_516, %mul3A_532 : vector<16xf32>
        %mul3A_534 = arith.constant 128 : i32
        %mul3A_535 = arith.muli %scan3A_470, %mul3A_534 : i32
        %add3A_536 = arith.constant 64 : i32
        %add3A_537 = arith.addi %mul3A_535, %add3A_536 : i32
        %get3A_538 = arith.index_cast %scan3A_462 : i32 to index
        %get3A_539 = arith.index_cast %add3A_537 : i32 to index
        %get3A_540 = tpu.vector_load %arg10[%get3A_538, %get3A_539] {strides = array<i32>} : memref<32x1024xf32, #tpu.memory_space<vmem>>, vector<16xf32>,
        %mul3A_541 = arith.constant 128 : i32
        %mul3A_542 = arith.muli %scan3A_470, %mul3A_541 : i32
        %add3A_543 = arith.constant 64 : i32
        %add3A_544 = arith.addi %mul3A_542, %add3A_543 : i32
        %get3A_545 = arith.index_cast %scan3A_462 : i32 to index
        %get3A_546 = arith.index_cast %add3A_544 : i32 to index
        %get3A_547 = tpu.vector_load %arg11[%get3A_545, %get3A_546] {strides = array<i32>} : memref<32x1024xf32, #tpu.memory_space<vmem>>, vector<16xf32>,
        %sub3A_548 = arith.subf %get3A_540, %get3A_547 : vector<16xf32>
        %mul3A_549 = arith.mulf %sub3A_548, %sub3A_548 : vector<16xf32>
        %add3A_550 = arith.addf %add3A_533, %mul3A_549 : vector<16xf32>
        %mul3A_551 = arith.constant 128 : i32
        %mul3A_552 = arith.muli %scan3A_470, %mul3A_551 : i32
        %add3A_553 = arith.constant 80 : i32
        %add3A_554 = arith.addi %mul3A_552, %add3A_553 : i32
        %get3A_555 = arith.index_cast %scan3A_462 : i32 to index
        %get3A_556 = arith.index_cast %add3A_554 : i32 to index
        %get3A_557 = tpu.vector_load %arg10[%get3A_555, %get3A_556] {strides = array<i32>} : memref<32x1024xf32, #tpu.memory_space<vmem>>, vector<16xf32>,
        %mul3A_558 = arith.constant 128 : i32
        %mul3A_559 = arith.muli %scan3A_470, %mul3A_558 : i32
        %add3A_560 = arith.constant 80 : i32
        %add3A_561 = arith.addi %mul3A_559, %add3A_560 : i32
        %get3A_562 = arith.index_cast %scan3A_462 : i32 to index
        %get3A_563 = arith.index_cast %add3A_561 : i32 to index
        %get3A_564 = tpu.vector_load %arg11[%get3A_562, %get3A_563] {strides = array<i32>} : memref<32x1024xf32, #tpu.memory_space<vmem>>, vector<16xf32>,
        %sub3A_565 = arith.subf %get3A_557, %get3A_564 : vector<16xf32>
        %mul3A_566 = arith.mulf %sub3A_565, %sub3A_565 : vector<16xf32>
        %add3A_567 = arith.addf %add3A_550, %mul3A_566 : vector<16xf32>
        %mul3A_568 = arith.constant 128 : i32
        %mul3A_569 = arith.muli %scan3A_470, %mul3A_568 : i32
        %add3A_570 = arith.constant 96 : i32
        %add3A_571 = arith.addi %mul3A_569, %add3A_570 : i32
        %get3A_572 = arith.index_cast %scan3A_462 : i32 to index
        %get3A_573 = arith.index_cast %add3A_571 : i32 to index
        %get3A_574 = tpu.vector_load %arg10[%get3A_572, %get3A_573] {strides = array<i32>} : memref<32x1024xf32, #tpu.memory_space<vmem>>, vector<16xf32>,
        %mul3A_575 = arith.constant 128 : i32
        %mul3A_576 = arith.muli %scan3A_470, %mul3A_575 : i32
        %add3A_577 = arith.constant 96 : i32
        %add3A_578 = arith.addi %mul3A_576, %add3A_577 : i32
        %get3A_579 = arith.index_cast %scan3A_462 : i32 to index
        %get3A_580 = arith.index_cast %add3A_578 : i32 to index
        %get3A_581 = tpu.vector_load %arg11[%get3A_579, %get3A_580] {strides = array<i32>} : memref<32x1024xf32, #tpu.memory_space<vmem>>, vector<16xf32>,
        %sub3A_582 = arith.subf %get3A_574, %get3A_581 : vector<16xf32>
        %mul3A_583 = arith.mulf %sub3A_582, %sub3A_582 : vector<16xf32>
        %add3A_584 = arith.addf %add3A_567, %mul3A_583 : vector<16xf32>
        %mul3A_585 = arith.constant 128 : i32
        %mul3A_586 = arith.muli %scan3A_470, %mul3A_585 : i32
        %add3A_587 = arith.constant 112 : i32
        %add3A_588 = arith.addi %mul3A_586, %add3A_587 : i32
        %get3A_589 = arith.index_cast %scan3A_462 : i32 to index
        %get3A_590 = arith.index_cast %add3A_588 : i32 to index
        %get3A_591 = tpu.vector_load %arg10[%get3A_589, %get3A_590] {strides = array<i32>} : memref<32x1024xf32, #tpu.memory_space<vmem>>, vector<16xf32>,
        %mul3A_592 = arith.constant 128 : i32
        %mul3A_593 = arith.muli %scan3A_470, %mul3A_592 : i32
        %add3A_594 = arith.constant 112 : i32
        %add3A_595 = arith.addi %mul3A_593, %add3A_594 : i32
        %get3A_596 = arith.index_cast %scan3A_462 : i32 to index
        %get3A_597 = arith.index_cast %add3A_595 : i32 to index
        %get3A_598 = tpu.vector_load %arg11[%get3A_596, %get3A_597] {strides = array<i32>} : memref<32x1024xf32, #tpu.memory_space<vmem>>, vector<16xf32>,
        %sub3A_599 = arith.subf %get3A_591, %get3A_598 : vector<16xf32>
        %mul3A_600 = arith.mulf %sub3A_599, %sub3A_599 : vector<16xf32>
        %add3A_601 = arith.addf %add3A_584, %mul3A_600 : vector<16xf32>
        scf.yield %add3A_601 : vector<16xf32>
      }
      %scan3A_469 = arith.constant 8 : i32
      scf.yield %scan3A_468 : vector<16xf32>
    }
    %scan3A_353 = arith.constant 32 : i32
    %add3A_354 = arith.constant 384 : i32
    %add3A_355 = arith.addi %mul3A_2, %add3A_354 : i32
    %dma_start3A_356 = arith.constant 0 : i32
    %dma_start3A_357 = tpu.memref_slice %arg4[%add3A_355, %dma_start3A_356] : memref<16384x1024xf32, #tpu.memory_space<hbm>> -> memref<32x1024xf32, #tpu.memory_space<hbm>>
    %dma_start3A_358 = arith.constant 0 : i32
    %dma_start3A_359 = tpu.memref_slice %arg4[%add3A_355, %dma_start3A_358] : memref<16384x1024xf32, #tpu.memory_space<hbm>> -> memref<32x1024xf32, #tpu.memory_space<hbm>>
    tpu.enqueue_dma source(%dma_start3A_359 : memref<32x1024xf32, #tpu.memory_space<hbm>>) target(%arg11 : memref<32x1024xf32, #tpu.memory_space<vmem>>) target_semaphore(%arg16 : memref<!tpu.dma_semaphore, #tpu.memory_space<semaphore_mem>>)
    %dma_wait3A_360 = arith.constant 384 : i32
    %dma_wait3A_361 = tpu.memref_slice %arg8[%dma_wait3A_360] : memref<512xi32, #tpu.memory_space<vmem>> -> memref<32xi32, #tpu.memory_space<vmem>>
    %dma_wait3A_362 = arith.constant 0 : i32
    %dma_wait3A_363 = arith.constant 0 : i32
    %dma_wait3A_364 = tpu.memref_slice %arg2[%dma_wait3A_362, %dma_wait3A_363] : memref<8192x1024xf32, #tpu.memory_space<hbm>> -> memref<8192x1024xf32, #tpu.memory_space<hbm>>
    tpu.wait_indirect_dma semaphore(%arg14 : memref<!tpu.dma_semaphore, #tpu.memory_space<semaphore_mem>>) src(%dma_wait3A_364 : memref<8192x1024xf32, #tpu.memory_space<hbm>>) dst(%arg9 : memref<32x1024xf32, #tpu.memory_space<vmem>>)
    %dma_start3A_365 = arith.constant 416 : i32
    %dma_start3A_366 = tpu.memref_slice %arg8[%dma_start3A_365] : memref<512xi32, #tpu.memory_space<vmem>> -> memref<32xi32, #tpu.memory_space<vmem>>
    %dma_start3A_367 = arith.constant 0 : i32
    %dma_start3A_368 = arith.constant 0 : i32
    %dma_start3A_369 = tpu.memref_slice %arg2[%dma_start3A_367, %dma_start3A_368] : memref<8192x1024xf32, #tpu.memory_space<hbm>> -> memref<8192x1024xf32, #tpu.memory_space<hbm>>
    tpu.enqueue_indirect_dma source(%dma_start3A_369 : memref<8192x1024xf32, #tpu.memory_space<hbm>>) target(%arg10 : memref<32x1024xf32, #tpu.memory_space<vmem>>) offsets(%dma_start3A_366 : memref<32xi32, #tpu.memory_space<vmem>>) semaphore(%arg15 : memref<!tpu.dma_semaphore, #tpu.memory_space<semaphore_mem>>)
    %add3A_370 = arith.constant 384 : i32
    %add3A_371 = arith.addi %mul3A_2, %add3A_370 : i32
    "tpu.region"() ({
      %run_scoped3A = tpu.sem_alloc : memref<!tpu.dma_semaphore, #tpu.memory_space<semaphore_mem>>
      %dma_start3A_462 = arith.constant 0 : i32
      %dma_start3A_463 = tpu.memref_slice %arg5[%add3A_371, %dma_start3A_462] : memref<16384x1024xf32, #tpu.memory_space<hbm>> -> memref<32x1024xf32, #tpu.memory_space<hbm>>
      %dma_start3A_464 = arith.constant 0 : i32
      %dma_start3A_465 = tpu.memref_slice %arg5[%add3A_371, %dma_start3A_464] : memref<16384x1024xf32, #tpu.memory_space<hbm>> -> memref<32x1024xf32, #tpu.memory_space<hbm>>
      tpu.enqueue_dma source(%arg9 : memref<32x1024xf32, #tpu.memory_space<vmem>>) target(%dma_start3A_465 : memref<32x1024xf32, #tpu.memory_space<hbm>>) target_semaphore(%run_scoped3A : memref<!tpu.dma_semaphore, #tpu.memory_space<semaphore_mem>>)
      %dma_wait3A_466 = arith.constant 0 : i32
      %dma_wait3A_467 = tpu.memref_slice %arg5[%add3A_371, %dma_wait3A_466] : memref<16384x1024xf32, #tpu.memory_space<hbm>> -> memref<32x1024xf32, #tpu.memory_space<hbm>>
      %dma_wait3A_468 = arith.constant 0 : i32
      %dma_wait3A_469 = tpu.memref_slice %arg5[%add3A_371, %dma_wait3A_468] : memref<16384x1024xf32, #tpu.memory_space<hbm>> -> memref<32x1024xf32, #tpu.memory_space<hbm>>
      tpu.wait_dma2 semaphore(%run_scoped3A : memref<!tpu.dma_semaphore, #tpu.memory_space<semaphore_mem>>) src(%arg9 : memref<32x1024xf32, #tpu.memory_space<vmem>>) dst(%dma_wait3A_469 : memref<32x1024xf32, #tpu.memory_space<hbm>>)
      tpu.yield
    }) : () -> ()
    %dma_wait3A_372 = arith.constant 0 : i32
    %dma_wait3A_373 = tpu.memref_slice %arg4[%add3A_355, %dma_wait3A_372] : memref<16384x1024xf32, #tpu.memory_space<hbm>> -> memref<32x1024xf32, #tpu.memory_space<hbm>>
    %dma_wait3A_374 = arith.constant 0 : i32
    %dma_wait3A_375 = tpu.memref_slice %arg4[%add3A_355, %dma_wait3A_374] : memref<16384x1024xf32, #tpu.memory_space<hbm>> -> memref<32x1024xf32, #tpu.memory_space<hbm>>
    tpu.wait_dma2 semaphore(%arg16 : memref<!tpu.dma_semaphore, #tpu.memory_space<semaphore_mem>>) src(%dma_wait3A_375 : memref<32x1024xf32, #tpu.memory_space<hbm>>) dst(%arg11 : memref<32x1024xf32, #tpu.memory_space<vmem>>)
    %scan3A_376 = arith.constant 0 : i32
    %scan3A_377 = arith.constant 32 : i32
    %scan3A_378 = arith.addi %scan3A_376, %scan3A_377 : i32
    %scan3A_379 = arith.constant 1 : i32
    %scan3A_380 = scf.for %scan3A_462 = %scan3A_376 to %scan3A_378 step %scan3A_379 iter_args(%scan3A_463 = %scan3A_352) -> (vector<16xf32>)  : i32 {
      %scan3A_464 = arith.constant 0 : i32
      %scan3A_465 = arith.constant 8 : i32
      %scan3A_466 = arith.addi %scan3A_464, %scan3A_465 : i32
      %scan3A_467 = arith.constant 1 : i32
      %scan3A_468 = scf.for %scan3A_470 = %scan3A_464 to %scan3A_466 step %scan3A_467 iter_args(%scan3A_471 = %scan3A_463) -> (vector<16xf32>)  : i32 {
        %mul3A_472 = arith.constant 128 : i32
        %mul3A_473 = arith.muli %scan3A_470, %mul3A_472 : i32
        %get3A = arith.index_cast %scan3A_462 : i32 to index
        %get3A_474 = arith.index_cast %mul3A_473 : i32 to index
        %get3A_475 = tpu.vector_load %arg9[%get3A, %get3A_474] {strides = array<i32>} : memref<32x1024xf32, #tpu.memory_space<vmem>>, vector<16xf32>,
        %mul3A_476 = arith.constant 128 : i32
        %mul3A_477 = arith.muli %scan3A_470, %mul3A_476 : i32
        %get3A_478 = arith.index_cast %scan3A_462 : i32 to index
        %get3A_479 = arith.index_cast %mul3A_477 : i32 to index
        %get3A_480 = tpu.vector_load %arg11[%get3A_478, %get3A_479] {strides = array<i32>} : memref<32x1024xf32, #tpu.memory_space<vmem>>, vector<16xf32>,
        %sub3A = arith.subf %get3A_475, %get3A_480 : vector<16xf32>
        %mul3A_481 = arith.mulf %sub3A, %sub3A : vector<16xf32>
        %add3A_482 = arith.addf %scan3A_471, %mul3A_481 : vector<16xf32>
        %mul3A_483 = arith.constant 128 : i32
        %mul3A_484 = arith.muli %scan3A_470, %mul3A_483 : i32
        %add3A_485 = arith.constant 16 : i32
        %add3A_486 = arith.addi %mul3A_484, %add3A_485 : i32
        %get3A_487 = arith.index_cast %scan3A_462 : i32 to index
        %get3A_488 = arith.index_cast %add3A_486 : i32 to index
        %get3A_489 = tpu.vector_load %arg9[%get3A_487, %get3A_488] {strides = array<i32>} : memref<32x1024xf32, #tpu.memory_space<vmem>>, vector<16xf32>,
        %mul3A_490 = arith.constant 128 : i32
        %mul3A_491 = arith.muli %scan3A_470, %mul3A_490 : i32
        %add3A_492 = arith.constant 16 : i32
        %add3A_493 = arith.addi %mul3A_491, %add3A_492 : i32
        %get3A_494 = arith.index_cast %scan3A_462 : i32 to index
        %get3A_495 = arith.index_cast %add3A_493 : i32 to index
        %get3A_496 = tpu.vector_load %arg11[%get3A_494, %get3A_495] {strides = array<i32>} : memref<32x1024xf32, #tpu.memory_space<vmem>>, vector<16xf32>,
        %sub3A_497 = arith.subf %get3A_489, %get3A_496 : vector<16xf32>
        %mul3A_498 = arith.mulf %sub3A_497, %sub3A_497 : vector<16xf32>
        %add3A_499 = arith.addf %add3A_482, %mul3A_498 : vector<16xf32>
        %mul3A_500 = arith.constant 128 : i32
        %mul3A_501 = arith.muli %scan3A_470, %mul3A_500 : i32
        %add3A_502 = arith.constant 32 : i32
        %add3A_503 = arith.addi %mul3A_501, %add3A_502 : i32
        %get3A_504 = arith.index_cast %scan3A_462 : i32 to index
        %get3A_505 = arith.index_cast %add3A_503 : i32 to index
        %get3A_506 = tpu.vector_load %arg9[%get3A_504, %get3A_505] {strides = array<i32>} : memref<32x1024xf32, #tpu.memory_space<vmem>>, vector<16xf32>,
        %mul3A_507 = arith.constant 128 : i32
        %mul3A_508 = arith.muli %scan3A_470, %mul3A_507 : i32
        %add3A_509 = arith.constant 32 : i32
        %add3A_510 = arith.addi %mul3A_508, %add3A_509 : i32
        %get3A_511 = arith.index_cast %scan3A_462 : i32 to index
        %get3A_512 = arith.index_cast %add3A_510 : i32 to index
        %get3A_513 = tpu.vector_load %arg11[%get3A_511, %get3A_512] {strides = array<i32>} : memref<32x1024xf32, #tpu.memory_space<vmem>>, vector<16xf32>,
        %sub3A_514 = arith.subf %get3A_506, %get3A_513 : vector<16xf32>
        %mul3A_515 = arith.mulf %sub3A_514, %sub3A_514 : vector<16xf32>
        %add3A_516 = arith.addf %add3A_499, %mul3A_515 : vector<16xf32>
        %mul3A_517 = arith.constant 128 : i32
        %mul3A_518 = arith.muli %scan3A_470, %mul3A_517 : i32
        %add3A_519 = arith.constant 48 : i32
        %add3A_520 = arith.addi %mul3A_518, %add3A_519 : i32
        %get3A_521 = arith.index_cast %scan3A_462 : i32 to index
        %get3A_522 = arith.index_cast %add3A_520 : i32 to index
        %get3A_523 = tpu.vector_load %arg9[%get3A_521, %get3A_522] {strides = array<i32>} : memref<32x1024xf32, #tpu.memory_space<vmem>>, vector<16xf32>,
        %mul3A_524 = arith.constant 128 : i32
        %mul3A_525 = arith.muli %scan3A_470, %mul3A_524 : i32
        %add3A_526 = arith.constant 48 : i32
        %add3A_527 = arith.addi %mul3A_525, %add3A_526 : i32
        %get3A_528 = arith.index_cast %scan3A_462 : i32 to index
        %get3A_529 = arith.index_cast %add3A_527 : i32 to index
        %get3A_530 = tpu.vector_load %arg11[%get3A_528, %get3A_529] {strides = array<i32>} : memref<32x1024xf32, #tpu.memory_space<vmem>>, vector<16xf32>,
        %sub3A_531 = arith.subf %get3A_523, %get3A_530 : vector<16xf32>
        %mul3A_532 = arith.mulf %sub3A_531, %sub3A_531 : vector<16xf32>
        %add3A_533 = arith.addf %add3A_516, %mul3A_532 : vector<16xf32>
        %mul3A_534 = arith.constant 128 : i32
        %mul3A_535 = arith.muli %scan3A_470, %mul3A_534 : i32
        %add3A_536 = arith.constant 64 : i32
        %add3A_537 = arith.addi %mul3A_535, %add3A_536 : i32
        %get3A_538 = arith.index_cast %scan3A_462 : i32 to index
        %get3A_539 = arith.index_cast %add3A_537 : i32 to index
        %get3A_540 = tpu.vector_load %arg9[%get3A_538, %get3A_539] {strides = array<i32>} : memref<32x1024xf32, #tpu.memory_space<vmem>>, vector<16xf32>,
        %mul3A_541 = arith.constant 128 : i32
        %mul3A_542 = arith.muli %scan3A_470, %mul3A_541 : i32
        %add3A_543 = arith.constant 64 : i32
        %add3A_544 = arith.addi %mul3A_542, %add3A_543 : i32
        %get3A_545 = arith.index_cast %scan3A_462 : i32 to index
        %get3A_546 = arith.index_cast %add3A_544 : i32 to index
        %get3A_547 = tpu.vector_load %arg11[%get3A_545, %get3A_546] {strides = array<i32>} : memref<32x1024xf32, #tpu.memory_space<vmem>>, vector<16xf32>,
        %sub3A_548 = arith.subf %get3A_540, %get3A_547 : vector<16xf32>
        %mul3A_549 = arith.mulf %sub3A_548, %sub3A_548 : vector<16xf32>
        %add3A_550 = arith.addf %add3A_533, %mul3A_549 : vector<16xf32>
        %mul3A_551 = arith.constant 128 : i32
        %mul3A_552 = arith.muli %scan3A_470, %mul3A_551 : i32
        %add3A_553 = arith.constant 80 : i32
        %add3A_554 = arith.addi %mul3A_552, %add3A_553 : i32
        %get3A_555 = arith.index_cast %scan3A_462 : i32 to index
        %get3A_556 = arith.index_cast %add3A_554 : i32 to index
        %get3A_557 = tpu.vector_load %arg9[%get3A_555, %get3A_556] {strides = array<i32>} : memref<32x1024xf32, #tpu.memory_space<vmem>>, vector<16xf32>,
        %mul3A_558 = arith.constant 128 : i32
        %mul3A_559 = arith.muli %scan3A_470, %mul3A_558 : i32
        %add3A_560 = arith.constant 80 : i32
        %add3A_561 = arith.addi %mul3A_559, %add3A_560 : i32
        %get3A_562 = arith.index_cast %scan3A_462 : i32 to index
        %get3A_563 = arith.index_cast %add3A_561 : i32 to index
        %get3A_564 = tpu.vector_load %arg11[%get3A_562, %get3A_563] {strides = array<i32>} : memref<32x1024xf32, #tpu.memory_space<vmem>>, vector<16xf32>,
        %sub3A_565 = arith.subf %get3A_557, %get3A_564 : vector<16xf32>
        %mul3A_566 = arith.mulf %sub3A_565, %sub3A_565 : vector<16xf32>
        %add3A_567 = arith.addf %add3A_550, %mul3A_566 : vector<16xf32>
        %mul3A_568 = arith.constant 128 : i32
        %mul3A_569 = arith.muli %scan3A_470, %mul3A_568 : i32
        %add3A_570 = arith.constant 96 : i32
        %add3A_571 = arith.addi %mul3A_569, %add3A_570 : i32
        %get3A_572 = arith.index_cast %scan3A_462 : i32 to index
        %get3A_573 = arith.index_cast %add3A_571 : i32 to index
        %get3A_574 = tpu.vector_load %arg9[%get3A_572, %get3A_573] {strides = array<i32>} : memref<32x1024xf32, #tpu.memory_space<vmem>>, vector<16xf32>,
        %mul3A_575 = arith.constant 128 : i32
        %mul3A_576 = arith.muli %scan3A_470, %mul3A_575 : i32
        %add3A_577 = arith.constant 96 : i32
        %add3A_578 = arith.addi %mul3A_576, %add3A_577 : i32
        %get3A_579 = arith.index_cast %scan3A_462 : i32 to index
        %get3A_580 = arith.index_cast %add3A_578 : i32 to index
        %get3A_581 = tpu.vector_load %arg11[%get3A_579, %get3A_580] {strides = array<i32>} : memref<32x1024xf32, #tpu.memory_space<vmem>>, vector<16xf32>,
        %sub3A_582 = arith.subf %get3A_574, %get3A_581 : vector<16xf32>
        %mul3A_583 = arith.mulf %sub3A_582, %sub3A_582 : vector<16xf32>
        %add3A_584 = arith.addf %add3A_567, %mul3A_583 : vector<16xf32>
        %mul3A_585 = arith.constant 128 : i32
        %mul3A_586 = arith.muli %scan3A_470, %mul3A_585 : i32
        %add3A_587 = arith.constant 112 : i32
        %add3A_588 = arith.addi %mul3A_586, %add3A_587 : i32
        %get3A_589 = arith.index_cast %scan3A_462 : i32 to index
        %get3A_590 = arith.index_cast %add3A_588 : i32 to index
        %get3A_591 = tpu.vector_load %arg9[%get3A_589, %get3A_590] {strides = array<i32>} : memref<32x1024xf32, #tpu.memory_space<vmem>>, vector<16xf32>,
        %mul3A_592 = arith.constant 128 : i32
        %mul3A_593 = arith.muli %scan3A_470, %mul3A_592 : i32
        %add3A_594 = arith.constant 112 : i32
        %add3A_595 = arith.addi %mul3A_593, %add3A_594 : i32
        %get3A_596 = arith.index_cast %scan3A_462 : i32 to index
        %get3A_597 = arith.index_cast %add3A_595 : i32 to index
        %get3A_598 = tpu.vector_load %arg11[%get3A_596, %get3A_597] {strides = array<i32>} : memref<32x1024xf32, #tpu.memory_space<vmem>>, vector<16xf32>,
        %sub3A_599 = arith.subf %get3A_591, %get3A_598 : vector<16xf32>
        %mul3A_600 = arith.mulf %sub3A_599, %sub3A_599 : vector<16xf32>
        %add3A_601 = arith.addf %add3A_584, %mul3A_600 : vector<16xf32>
        scf.yield %add3A_601 : vector<16xf32>
      }
      %scan3A_469 = arith.constant 8 : i32
      scf.yield %scan3A_468 : vector<16xf32>
    }
    %scan3A_381 = arith.constant 32 : i32
    %add3A_382 = arith.constant 416 : i32
    %add3A_383 = arith.addi %mul3A_2, %add3A_382 : i32
    %dma_start3A_384 = arith.constant 0 : i32
    %dma_start3A_385 = tpu.memref_slice %arg4[%add3A_383, %dma_start3A_384] : memref<16384x1024xf32, #tpu.memory_space<hbm>> -> memref<32x1024xf32, #tpu.memory_space<hbm>>
    %dma_start3A_386 = arith.constant 0 : i32
    %dma_start3A_387 = tpu.memref_slice %arg4[%add3A_383, %dma_start3A_386] : memref<16384x1024xf32, #tpu.memory_space<hbm>> -> memref<32x1024xf32, #tpu.memory_space<hbm>>
    tpu.enqueue_dma source(%dma_start3A_387 : memref<32x1024xf32, #tpu.memory_space<hbm>>) target(%arg11 : memref<32x1024xf32, #tpu.memory_space<vmem>>) target_semaphore(%arg16 : memref<!tpu.dma_semaphore, #tpu.memory_space<semaphore_mem>>)
    %dma_wait3A_388 = arith.constant 416 : i32
    %dma_wait3A_389 = tpu.memref_slice %arg8[%dma_wait3A_388] : memref<512xi32, #tpu.memory_space<vmem>> -> memref<32xi32, #tpu.memory_space<vmem>>
    %dma_wait3A_390 = arith.constant 0 : i32
    %dma_wait3A_391 = arith.constant 0 : i32
    %dma_wait3A_392 = tpu.memref_slice %arg2[%dma_wait3A_390, %dma_wait3A_391] : memref<8192x1024xf32, #tpu.memory_space<hbm>> -> memref<8192x1024xf32, #tpu.memory_space<hbm>>
    tpu.wait_indirect_dma semaphore(%arg15 : memref<!tpu.dma_semaphore, #tpu.memory_space<semaphore_mem>>) src(%dma_wait3A_392 : memref<8192x1024xf32, #tpu.memory_space<hbm>>) dst(%arg10 : memref<32x1024xf32, #tpu.memory_space<vmem>>)
    %dma_start3A_393 = arith.constant 448 : i32
    %dma_start3A_394 = tpu.memref_slice %arg8[%dma_start3A_393] : memref<512xi32, #tpu.memory_space<vmem>> -> memref<32xi32, #tpu.memory_space<vmem>>
    %dma_start3A_395 = arith.constant 0 : i32
    %dma_start3A_396 = arith.constant 0 : i32
    %dma_start3A_397 = tpu.memref_slice %arg2[%dma_start3A_395, %dma_start3A_396] : memref<8192x1024xf32, #tpu.memory_space<hbm>> -> memref<8192x1024xf32, #tpu.memory_space<hbm>>
    tpu.enqueue_indirect_dma source(%dma_start3A_397 : memref<8192x1024xf32, #tpu.memory_space<hbm>>) target(%arg9 : memref<32x1024xf32, #tpu.memory_space<vmem>>) offsets(%dma_start3A_394 : memref<32xi32, #tpu.memory_space<vmem>>) semaphore(%arg14 : memref<!tpu.dma_semaphore, #tpu.memory_space<semaphore_mem>>)
    %add3A_398 = arith.constant 416 : i32
    %add3A_399 = arith.addi %mul3A_2, %add3A_398 : i32
    "tpu.region"() ({
      %run_scoped3A = tpu.sem_alloc : memref<!tpu.dma_semaphore, #tpu.memory_space<semaphore_mem>>
      %dma_start3A_462 = arith.constant 0 : i32
      %dma_start3A_463 = tpu.memref_slice %arg5[%add3A_399, %dma_start3A_462] : memref<16384x1024xf32, #tpu.memory_space<hbm>> -> memref<32x1024xf32, #tpu.memory_space<hbm>>
      %dma_start3A_464 = arith.constant 0 : i32
      %dma_start3A_465 = tpu.memref_slice %arg5[%add3A_399, %dma_start3A_464] : memref<16384x1024xf32, #tpu.memory_space<hbm>> -> memref<32x1024xf32, #tpu.memory_space<hbm>>
      tpu.enqueue_dma source(%arg10 : memref<32x1024xf32, #tpu.memory_space<vmem>>) target(%dma_start3A_465 : memref<32x1024xf32, #tpu.memory_space<hbm>>) target_semaphore(%run_scoped3A : memref<!tpu.dma_semaphore, #tpu.memory_space<semaphore_mem>>)
      %dma_wait3A_466 = arith.constant 0 : i32
      %dma_wait3A_467 = tpu.memref_slice %arg5[%add3A_399, %dma_wait3A_466] : memref<16384x1024xf32, #tpu.memory_space<hbm>> -> memref<32x1024xf32, #tpu.memory_space<hbm>>
      %dma_wait3A_468 = arith.constant 0 : i32
      %dma_wait3A_469 = tpu.memref_slice %arg5[%add3A_399, %dma_wait3A_468] : memref<16384x1024xf32, #tpu.memory_space<hbm>> -> memref<32x1024xf32, #tpu.memory_space<hbm>>
      tpu.wait_dma2 semaphore(%run_scoped3A : memref<!tpu.dma_semaphore, #tpu.memory_space<semaphore_mem>>) src(%arg10 : memref<32x1024xf32, #tpu.memory_space<vmem>>) dst(%dma_wait3A_469 : memref<32x1024xf32, #tpu.memory_space<hbm>>)
      tpu.yield
    }) : () -> ()
    %dma_wait3A_400 = arith.constant 0 : i32
    %dma_wait3A_401 = tpu.memref_slice %arg4[%add3A_383, %dma_wait3A_400] : memref<16384x1024xf32, #tpu.memory_space<hbm>> -> memref<32x1024xf32, #tpu.memory_space<hbm>>
    %dma_wait3A_402 = arith.constant 0 : i32
    %dma_wait3A_403 = tpu.memref_slice %arg4[%add3A_383, %dma_wait3A_402] : memref<16384x1024xf32, #tpu.memory_space<hbm>> -> memref<32x1024xf32, #tpu.memory_space<hbm>>
    tpu.wait_dma2 semaphore(%arg16 : memref<!tpu.dma_semaphore, #tpu.memory_space<semaphore_mem>>) src(%dma_wait3A_403 : memref<32x1024xf32, #tpu.memory_space<hbm>>) dst(%arg11 : memref<32x1024xf32, #tpu.memory_space<vmem>>)
    %scan3A_404 = arith.constant 0 : i32
    %scan3A_405 = arith.constant 32 : i32
    %scan3A_406 = arith.addi %scan3A_404, %scan3A_405 : i32
    %scan3A_407 = arith.constant 1 : i32
    %scan3A_408 = scf.for %scan3A_462 = %scan3A_404 to %scan3A_406 step %scan3A_407 iter_args(%scan3A_463 = %scan3A_380) -> (vector<16xf32>)  : i32 {
      %scan3A_464 = arith.constant 0 : i32
      %scan3A_465 = arith.constant 8 : i32
      %scan3A_466 = arith.addi %scan3A_464, %scan3A_465 : i32
      %scan3A_467 = arith.constant 1 : i32
      %scan3A_468 = scf.for %scan3A_470 = %scan3A_464 to %scan3A_466 step %scan3A_467 iter_args(%scan3A_471 = %scan3A_463) -> (vector<16xf32>)  : i32 {
        %mul3A_472 = arith.constant 128 : i32
        %mul3A_473 = arith.muli %scan3A_470, %mul3A_472 : i32
        %get3A = arith.index_cast %scan3A_462 : i32 to index
        %get3A_474 = arith.index_cast %mul3A_473 : i32 to index
        %get3A_475 = tpu.vector_load %arg10[%get3A, %get3A_474] {strides = array<i32>} : memref<32x1024xf32, #tpu.memory_space<vmem>>, vector<16xf32>,
        %mul3A_476 = arith.constant 128 : i32
        %mul3A_477 = arith.muli %scan3A_470, %mul3A_476 : i32
        %get3A_478 = arith.index_cast %scan3A_462 : i32 to index
        %get3A_479 = arith.index_cast %mul3A_477 : i32 to index
        %get3A_480 = tpu.vector_load %arg11[%get3A_478, %get3A_479] {strides = array<i32>} : memref<32x1024xf32, #tpu.memory_space<vmem>>, vector<16xf32>,
        %sub3A = arith.subf %get3A_475, %get3A_480 : vector<16xf32>
        %mul3A_481 = arith.mulf %sub3A, %sub3A : vector<16xf32>
        %add3A_482 = arith.addf %scan3A_471, %mul3A_481 : vector<16xf32>
        %mul3A_483 = arith.constant 128 : i32
        %mul3A_484 = arith.muli %scan3A_470, %mul3A_483 : i32
        %add3A_485 = arith.constant 16 : i32
        %add3A_486 = arith.addi %mul3A_484, %add3A_485 : i32
        %get3A_487 = arith.index_cast %scan3A_462 : i32 to index
        %get3A_488 = arith.index_cast %add3A_486 : i32 to index
        %get3A_489 = tpu.vector_load %arg10[%get3A_487, %get3A_488] {strides = array<i32>} : memref<32x1024xf32, #tpu.memory_space<vmem>>, vector<16xf32>,
        %mul3A_490 = arith.constant 128 : i32
        %mul3A_491 = arith.muli %scan3A_470, %mul3A_490 : i32
        %add3A_492 = arith.constant 16 : i32
        %add3A_493 = arith.addi %mul3A_491, %add3A_492 : i32
        %get3A_494 = arith.index_cast %scan3A_462 : i32 to index
        %get3A_495 = arith.index_cast %add3A_493 : i32 to index
        %get3A_496 = tpu.vector_load %arg11[%get3A_494, %get3A_495] {strides = array<i32>} : memref<32x1024xf32, #tpu.memory_space<vmem>>, vector<16xf32>,
        %sub3A_497 = arith.subf %get3A_489, %get3A_496 : vector<16xf32>
        %mul3A_498 = arith.mulf %sub3A_497, %sub3A_497 : vector<16xf32>
        %add3A_499 = arith.addf %add3A_482, %mul3A_498 : vector<16xf32>
        %mul3A_500 = arith.constant 128 : i32
        %mul3A_501 = arith.muli %scan3A_470, %mul3A_500 : i32
        %add3A_502 = arith.constant 32 : i32
        %add3A_503 = arith.addi %mul3A_501, %add3A_502 : i32
        %get3A_504 = arith.index_cast %scan3A_462 : i32 to index
        %get3A_505 = arith.index_cast %add3A_503 : i32 to index
        %get3A_506 = tpu.vector_load %arg10[%get3A_504, %get3A_505] {strides = array<i32>} : memref<32x1024xf32, #tpu.memory_space<vmem>>, vector<16xf32>,
        %mul3A_507 = arith.constant 128 : i32
        %mul3A_508 = arith.muli %scan3A_470, %mul3A_507 : i32
        %add3A_509 = arith.constant 32 : i32
        %add3A_510 = arith.addi %mul3A_508, %add3A_509 : i32
        %get3A_511 = arith.index_cast %scan3A_462 : i32 to index
        %get3A_512 = arith.index_cast %add3A_510 : i32 to index
        %get3A_513 = tpu.vector_load %arg11[%get3A_511, %get3A_512] {strides = array<i32>} : memref<32x1024xf32, #tpu.memory_space<vmem>>, vector<16xf32>,
        %sub3A_514 = arith.subf %get3A_506, %get3A_513 : vector<16xf32>
        %mul3A_515 = arith.mulf %sub3A_514, %sub3A_514 : vector<16xf32>
        %add3A_516 = arith.addf %add3A_499, %mul3A_515 : vector<16xf32>
        %mul3A_517 = arith.constant 128 : i32
        %mul3A_518 = arith.muli %scan3A_470, %mul3A_517 : i32
        %add3A_519 = arith.constant 48 : i32
        %add3A_520 = arith.addi %mul3A_518, %add3A_519 : i32
        %get3A_521 = arith.index_cast %scan3A_462 : i32 to index
        %get3A_522 = arith.index_cast %add3A_520 : i32 to index
        %get3A_523 = tpu.vector_load %arg10[%get3A_521, %get3A_522] {strides = array<i32>} : memref<32x1024xf32, #tpu.memory_space<vmem>>, vector<16xf32>,
        %mul3A_524 = arith.constant 128 : i32
        %mul3A_525 = arith.muli %scan3A_470, %mul3A_524 : i32
        %add3A_526 = arith.constant 48 : i32
        %add3A_527 = arith.addi %mul3A_525, %add3A_526 : i32
        %get3A_528 = arith.index_cast %scan3A_462 : i32 to index
        %get3A_529 = arith.index_cast %add3A_527 : i32 to index
        %get3A_530 = tpu.vector_load %arg11[%get3A_528, %get3A_529] {strides = array<i32>} : memref<32x1024xf32, #tpu.memory_space<vmem>>, vector<16xf32>,
        %sub3A_531 = arith.subf %get3A_523, %get3A_530 : vector<16xf32>
        %mul3A_532 = arith.mulf %sub3A_531, %sub3A_531 : vector<16xf32>
        %add3A_533 = arith.addf %add3A_516, %mul3A_532 : vector<16xf32>
        %mul3A_534 = arith.constant 128 : i32
        %mul3A_535 = arith.muli %scan3A_470, %mul3A_534 : i32
        %add3A_536 = arith.constant 64 : i32
        %add3A_537 = arith.addi %mul3A_535, %add3A_536 : i32
        %get3A_538 = arith.index_cast %scan3A_462 : i32 to index
        %get3A_539 = arith.index_cast %add3A_537 : i32 to index
        %get3A_540 = tpu.vector_load %arg10[%get3A_538, %get3A_539] {strides = array<i32>} : memref<32x1024xf32, #tpu.memory_space<vmem>>, vector<16xf32>,
        %mul3A_541 = arith.constant 128 : i32
        %mul3A_542 = arith.muli %scan3A_470, %mul3A_541 : i32
        %add3A_543 = arith.constant 64 : i32
        %add3A_544 = arith.addi %mul3A_542, %add3A_543 : i32
        %get3A_545 = arith.index_cast %scan3A_462 : i32 to index
        %get3A_546 = arith.index_cast %add3A_544 : i32 to index
        %get3A_547 = tpu.vector_load %arg11[%get3A_545, %get3A_546] {strides = array<i32>} : memref<32x1024xf32, #tpu.memory_space<vmem>>, vector<16xf32>,
        %sub3A_548 = arith.subf %get3A_540, %get3A_547 : vector<16xf32>
        %mul3A_549 = arith.mulf %sub3A_548, %sub3A_548 : vector<16xf32>
        %add3A_550 = arith.addf %add3A_533, %mul3A_549 : vector<16xf32>
        %mul3A_551 = arith.constant 128 : i32
        %mul3A_552 = arith.muli %scan3A_470, %mul3A_551 : i32
        %add3A_553 = arith.constant 80 : i32
        %add3A_554 = arith.addi %mul3A_552, %add3A_553 : i32
        %get3A_555 = arith.index_cast %scan3A_462 : i32 to index
        %get3A_556 = arith.index_cast %add3A_554 : i32 to index
        %get3A_557 = tpu.vector_load %arg10[%get3A_555, %get3A_556] {strides = array<i32>} : memref<32x1024xf32, #tpu.memory_space<vmem>>, vector<16xf32>,
        %mul3A_558 = arith.constant 128 : i32
        %mul3A_559 = arith.muli %scan3A_470, %mul3A_558 : i32
        %add3A_560 = arith.constant 80 : i32
        %add3A_561 = arith.addi %mul3A_559, %add3A_560 : i32
        %get3A_562 = arith.index_cast %scan3A_462 : i32 to index
        %get3A_563 = arith.index_cast %add3A_561 : i32 to index
        %get3A_564 = tpu.vector_load %arg11[%get3A_562, %get3A_563] {strides = array<i32>} : memref<32x1024xf32, #tpu.memory_space<vmem>>, vector<16xf32>,
        %sub3A_565 = arith.subf %get3A_557, %get3A_564 : vector<16xf32>
        %mul3A_566 = arith.mulf %sub3A_565, %sub3A_565 : vector<16xf32>
        %add3A_567 = arith.addf %add3A_550, %mul3A_566 : vector<16xf32>
        %mul3A_568 = arith.constant 128 : i32
        %mul3A_569 = arith.muli %scan3A_470, %mul3A_568 : i32
        %add3A_570 = arith.constant 96 : i32
        %add3A_571 = arith.addi %mul3A_569, %add3A_570 : i32
        %get3A_572 = arith.index_cast %scan3A_462 : i32 to index
        %get3A_573 = arith.index_cast %add3A_571 : i32 to index
        %get3A_574 = tpu.vector_load %arg10[%get3A_572, %get3A_573] {strides = array<i32>} : memref<32x1024xf32, #tpu.memory_space<vmem>>, vector<16xf32>,
        %mul3A_575 = arith.constant 128 : i32
        %mul3A_576 = arith.muli %scan3A_470, %mul3A_575 : i32
        %add3A_577 = arith.constant 96 : i32
        %add3A_578 = arith.addi %mul3A_576, %add3A_577 : i32
        %get3A_579 = arith.index_cast %scan3A_462 : i32 to index
        %get3A_580 = arith.index_cast %add3A_578 : i32 to index
        %get3A_581 = tpu.vector_load %arg11[%get3A_579, %get3A_580] {strides = array<i32>} : memref<32x1024xf32, #tpu.memory_space<vmem>>, vector<16xf32>,
        %sub3A_582 = arith.subf %get3A_574, %get3A_581 : vector<16xf32>
        %mul3A_583 = arith.mulf %sub3A_582, %sub3A_582 : vector<16xf32>
        %add3A_584 = arith.addf %add3A_567, %mul3A_583 : vector<16xf32>
        %mul3A_585 = arith.constant 128 : i32
        %mul3A_586 = arith.muli %scan3A_470, %mul3A_585 : i32
        %add3A_587 = arith.constant 112 : i32
        %add3A_588 = arith.addi %mul3A_586, %add3A_587 : i32
        %get3A_589 = arith.index_cast %scan3A_462 : i32 to index
        %get3A_590 = arith.index_cast %add3A_588 : i32 to index
        %get3A_591 = tpu.vector_load %arg10[%get3A_589, %get3A_590] {strides = array<i32>} : memref<32x1024xf32, #tpu.memory_space<vmem>>, vector<16xf32>,
        %mul3A_592 = arith.constant 128 : i32
        %mul3A_593 = arith.muli %scan3A_470, %mul3A_592 : i32
        %add3A_594 = arith.constant 112 : i32
        %add3A_595 = arith.addi %mul3A_593, %add3A_594 : i32
        %get3A_596 = arith.index_cast %scan3A_462 : i32 to index
        %get3A_597 = arith.index_cast %add3A_595 : i32 to index
        %get3A_598 = tpu.vector_load %arg11[%get3A_596, %get3A_597] {strides = array<i32>} : memref<32x1024xf32, #tpu.memory_space<vmem>>, vector<16xf32>,
        %sub3A_599 = arith.subf %get3A_591, %get3A_598 : vector<16xf32>
        %mul3A_600 = arith.mulf %sub3A_599, %sub3A_599 : vector<16xf32>
        %add3A_601 = arith.addf %add3A_584, %mul3A_600 : vector<16xf32>
        scf.yield %add3A_601 : vector<16xf32>
      }
      %scan3A_469 = arith.constant 8 : i32
      scf.yield %scan3A_468 : vector<16xf32>
    }
    %scan3A_409 = arith.constant 32 : i32
    %add3A_410 = arith.constant 448 : i32
    %add3A_411 = arith.addi %mul3A_2, %add3A_410 : i32
    %dma_start3A_412 = arith.constant 0 : i32
    %dma_start3A_413 = tpu.memref_slice %arg4[%add3A_411, %dma_start3A_412] : memref<16384x1024xf32, #tpu.memory_space<hbm>> -> memref<32x1024xf32, #tpu.memory_space<hbm>>
    %dma_start3A_414 = arith.constant 0 : i32
    %dma_start3A_415 = tpu.memref_slice %arg4[%add3A_411, %dma_start3A_414] : memref<16384x1024xf32, #tpu.memory_space<hbm>> -> memref<32x1024xf32, #tpu.memory_space<hbm>>
    tpu.enqueue_dma source(%dma_start3A_415 : memref<32x1024xf32, #tpu.memory_space<hbm>>) target(%arg11 : memref<32x1024xf32, #tpu.memory_space<vmem>>) target_semaphore(%arg16 : memref<!tpu.dma_semaphore, #tpu.memory_space<semaphore_mem>>)
    %dma_wait3A_416 = arith.constant 448 : i32
    %dma_wait3A_417 = tpu.memref_slice %arg8[%dma_wait3A_416] : memref<512xi32, #tpu.memory_space<vmem>> -> memref<32xi32, #tpu.memory_space<vmem>>
    %dma_wait3A_418 = arith.constant 0 : i32
    %dma_wait3A_419 = arith.constant 0 : i32
    %dma_wait3A_420 = tpu.memref_slice %arg2[%dma_wait3A_418, %dma_wait3A_419] : memref<8192x1024xf32, #tpu.memory_space<hbm>> -> memref<8192x1024xf32, #tpu.memory_space<hbm>>
    tpu.wait_indirect_dma semaphore(%arg14 : memref<!tpu.dma_semaphore, #tpu.memory_space<semaphore_mem>>) src(%dma_wait3A_420 : memref<8192x1024xf32, #tpu.memory_space<hbm>>) dst(%arg9 : memref<32x1024xf32, #tpu.memory_space<vmem>>)
    %dma_start3A_421 = arith.constant 480 : i32
    %dma_start3A_422 = tpu.memref_slice %arg8[%dma_start3A_421] : memref<512xi32, #tpu.memory_space<vmem>> -> memref<32xi32, #tpu.memory_space<vmem>>
    %dma_start3A_423 = arith.constant 0 : i32
    %dma_start3A_424 = arith.constant 0 : i32
    %dma_start3A_425 = tpu.memref_slice %arg2[%dma_start3A_423, %dma_start3A_424] : memref<8192x1024xf32, #tpu.memory_space<hbm>> -> memref<8192x1024xf32, #tpu.memory_space<hbm>>
    tpu.enqueue_indirect_dma source(%dma_start3A_425 : memref<8192x1024xf32, #tpu.memory_space<hbm>>) target(%arg10 : memref<32x1024xf32, #tpu.memory_space<vmem>>) offsets(%dma_start3A_422 : memref<32xi32, #tpu.memory_space<vmem>>) semaphore(%arg15 : memref<!tpu.dma_semaphore, #tpu.memory_space<semaphore_mem>>)
    %add3A_426 = arith.constant 448 : i32
    %add3A_427 = arith.addi %mul3A_2, %add3A_426 : i32
    "tpu.region"() ({
      %run_scoped3A = tpu.sem_alloc : memref<!tpu.dma_semaphore, #tpu.memory_space<semaphore_mem>>
      %dma_start3A_462 = arith.constant 0 : i32
      %dma_start3A_463 = tpu.memref_slice %arg5[%add3A_427, %dma_start3A_462] : memref<16384x1024xf32, #tpu.memory_space<hbm>> -> memref<32x1024xf32, #tpu.memory_space<hbm>>
      %dma_start3A_464 = arith.constant 0 : i32
      %dma_start3A_465 = tpu.memref_slice %arg5[%add3A_427, %dma_start3A_464] : memref<16384x1024xf32, #tpu.memory_space<hbm>> -> memref<32x1024xf32, #tpu.memory_space<hbm>>
      tpu.enqueue_dma source(%arg9 : memref<32x1024xf32, #tpu.memory_space<vmem>>) target(%dma_start3A_465 : memref<32x1024xf32, #tpu.memory_space<hbm>>) target_semaphore(%run_scoped3A : memref<!tpu.dma_semaphore, #tpu.memory_space<semaphore_mem>>)
      %dma_wait3A_466 = arith.constant 0 : i32
      %dma_wait3A_467 = tpu.memref_slice %arg5[%add3A_427, %dma_wait3A_466] : memref<16384x1024xf32, #tpu.memory_space<hbm>> -> memref<32x1024xf32, #tpu.memory_space<hbm>>
      %dma_wait3A_468 = arith.constant 0 : i32
      %dma_wait3A_469 = tpu.memref_slice %arg5[%add3A_427, %dma_wait3A_468] : memref<16384x1024xf32, #tpu.memory_space<hbm>> -> memref<32x1024xf32, #tpu.memory_space<hbm>>
      tpu.wait_dma2 semaphore(%run_scoped3A : memref<!tpu.dma_semaphore, #tpu.memory_space<semaphore_mem>>) src(%arg9 : memref<32x1024xf32, #tpu.memory_space<vmem>>) dst(%dma_wait3A_469 : memref<32x1024xf32, #tpu.memory_space<hbm>>)
      tpu.yield
    }) : () -> ()
    %dma_wait3A_428 = arith.constant 0 : i32
    %dma_wait3A_429 = tpu.memref_slice %arg4[%add3A_411, %dma_wait3A_428] : memref<16384x1024xf32, #tpu.memory_space<hbm>> -> memref<32x1024xf32, #tpu.memory_space<hbm>>
    %dma_wait3A_430 = arith.constant 0 : i32
    %dma_wait3A_431 = tpu.memref_slice %arg4[%add3A_411, %dma_wait3A_430] : memref<16384x1024xf32, #tpu.memory_space<hbm>> -> memref<32x1024xf32, #tpu.memory_space<hbm>>
    tpu.wait_dma2 semaphore(%arg16 : memref<!tpu.dma_semaphore, #tpu.memory_space<semaphore_mem>>) src(%dma_wait3A_431 : memref<32x1024xf32, #tpu.memory_space<hbm>>) dst(%arg11 : memref<32x1024xf32, #tpu.memory_space<vmem>>)
    %scan3A_432 = arith.constant 0 : i32
    %scan3A_433 = arith.constant 32 : i32
    %scan3A_434 = arith.addi %scan3A_432, %scan3A_433 : i32
    %scan3A_435 = arith.constant 1 : i32
    %scan3A_436 = scf.for %scan3A_462 = %scan3A_432 to %scan3A_434 step %scan3A_435 iter_args(%scan3A_463 = %scan3A_408) -> (vector<16xf32>)  : i32 {
      %scan3A_464 = arith.constant 0 : i32
      %scan3A_465 = arith.constant 8 : i32
      %scan3A_466 = arith.addi %scan3A_464, %scan3A_465 : i32
      %scan3A_467 = arith.constant 1 : i32
      %scan3A_468 = scf.for %scan3A_470 = %scan3A_464 to %scan3A_466 step %scan3A_467 iter_args(%scan3A_471 = %scan3A_463) -> (vector<16xf32>)  : i32 {
        %mul3A_472 = arith.constant 128 : i32
        %mul3A_473 = arith.muli %scan3A_470, %mul3A_472 : i32
        %get3A = arith.index_cast %scan3A_462 : i32 to index
        %get3A_474 = arith.index_cast %mul3A_473 : i32 to index
        %get3A_475 = tpu.vector_load %arg9[%get3A, %get3A_474] {strides = array<i32>} : memref<32x1024xf32, #tpu.memory_space<vmem>>, vector<16xf32>,
        %mul3A_476 = arith.constant 128 : i32
        %mul3A_477 = arith.muli %scan3A_470, %mul3A_476 : i32
        %get3A_478 = arith.index_cast %scan3A_462 : i32 to index
        %get3A_479 = arith.index_cast %mul3A_477 : i32 to index
        %get3A_480 = tpu.vector_load %arg11[%get3A_478, %get3A_479] {strides = array<i32>} : memref<32x1024xf32, #tpu.memory_space<vmem>>, vector<16xf32>,
        %sub3A = arith.subf %get3A_475, %get3A_480 : vector<16xf32>
        %mul3A_481 = arith.mulf %sub3A, %sub3A : vector<16xf32>
        %add3A_482 = arith.addf %scan3A_471, %mul3A_481 : vector<16xf32>
        %mul3A_483 = arith.constant 128 : i32
        %mul3A_484 = arith.muli %scan3A_470, %mul3A_483 : i32
        %add3A_485 = arith.constant 16 : i32
        %add3A_486 = arith.addi %mul3A_484, %add3A_485 : i32
        %get3A_487 = arith.index_cast %scan3A_462 : i32 to index
        %get3A_488 = arith.index_cast %add3A_486 : i32 to index
        %get3A_489 = tpu.vector_load %arg9[%get3A_487, %get3A_488] {strides = array<i32>} : memref<32x1024xf32, #tpu.memory_space<vmem>>, vector<16xf32>,
        %mul3A_490 = arith.constant 128 : i32
        %mul3A_491 = arith.muli %scan3A_470, %mul3A_490 : i32
        %add3A_492 = arith.constant 16 : i32
        %add3A_493 = arith.addi %mul3A_491, %add3A_492 : i32
        %get3A_494 = arith.index_cast %scan3A_462 : i32 to index
        %get3A_495 = arith.index_cast %add3A_493 : i32 to index
        %get3A_496 = tpu.vector_load %arg11[%get3A_494, %get3A_495] {strides = array<i32>} : memref<32x1024xf32, #tpu.memory_space<vmem>>, vector<16xf32>,
        %sub3A_497 = arith.subf %get3A_489, %get3A_496 : vector<16xf32>
        %mul3A_498 = arith.mulf %sub3A_497, %sub3A_497 : vector<16xf32>
        %add3A_499 = arith.addf %add3A_482, %mul3A_498 : vector<16xf32>
        %mul3A_500 = arith.constant 128 : i32
        %mul3A_501 = arith.muli %scan3A_470, %mul3A_500 : i32
        %add3A_502 = arith.constant 32 : i32
        %add3A_503 = arith.addi %mul3A_501, %add3A_502 : i32
        %get3A_504 = arith.index_cast %scan3A_462 : i32 to index
        %get3A_505 = arith.index_cast %add3A_503 : i32 to index
        %get3A_506 = tpu.vector_load %arg9[%get3A_504, %get3A_505] {strides = array<i32>} : memref<32x1024xf32, #tpu.memory_space<vmem>>, vector<16xf32>,
        %mul3A_507 = arith.constant 128 : i32
        %mul3A_508 = arith.muli %scan3A_470, %mul3A_507 : i32
        %add3A_509 = arith.constant 32 : i32
        %add3A_510 = arith.addi %mul3A_508, %add3A_509 : i32
        %get3A_511 = arith.index_cast %scan3A_462 : i32 to index
        %get3A_512 = arith.index_cast %add3A_510 : i32 to index
        %get3A_513 = tpu.vector_load %arg11[%get3A_511, %get3A_512] {strides = array<i32>} : memref<32x1024xf32, #tpu.memory_space<vmem>>, vector<16xf32>,
        %sub3A_514 = arith.subf %get3A_506, %get3A_513 : vector<16xf32>
        %mul3A_515 = arith.mulf %sub3A_514, %sub3A_514 : vector<16xf32>
        %add3A_516 = arith.addf %add3A_499, %mul3A_515 : vector<16xf32>
        %mul3A_517 = arith.constant 128 : i32
        %mul3A_518 = arith.muli %scan3A_470, %mul3A_517 : i32
        %add3A_519 = arith.constant 48 : i32
        %add3A_520 = arith.addi %mul3A_518, %add3A_519 : i32
        %get3A_521 = arith.index_cast %scan3A_462 : i32 to index
        %get3A_522 = arith.index_cast %add3A_520 : i32 to index
        %get3A_523 = tpu.vector_load %arg9[%get3A_521, %get3A_522] {strides = array<i32>} : memref<32x1024xf32, #tpu.memory_space<vmem>>, vector<16xf32>,
        %mul3A_524 = arith.constant 128 : i32
        %mul3A_525 = arith.muli %scan3A_470, %mul3A_524 : i32
        %add3A_526 = arith.constant 48 : i32
        %add3A_527 = arith.addi %mul3A_525, %add3A_526 : i32
        %get3A_528 = arith.index_cast %scan3A_462 : i32 to index
        %get3A_529 = arith.index_cast %add3A_527 : i32 to index
        %get3A_530 = tpu.vector_load %arg11[%get3A_528, %get3A_529] {strides = array<i32>} : memref<32x1024xf32, #tpu.memory_space<vmem>>, vector<16xf32>,
        %sub3A_531 = arith.subf %get3A_523, %get3A_530 : vector<16xf32>
        %mul3A_532 = arith.mulf %sub3A_531, %sub3A_531 : vector<16xf32>
        %add3A_533 = arith.addf %add3A_516, %mul3A_532 : vector<16xf32>
        %mul3A_534 = arith.constant 128 : i32
        %mul3A_535 = arith.muli %scan3A_470, %mul3A_534 : i32
        %add3A_536 = arith.constant 64 : i32
        %add3A_537 = arith.addi %mul3A_535, %add3A_536 : i32
        %get3A_538 = arith.index_cast %scan3A_462 : i32 to index
        %get3A_539 = arith.index_cast %add3A_537 : i32 to index
        %get3A_540 = tpu.vector_load %arg9[%get3A_538, %get3A_539] {strides = array<i32>} : memref<32x1024xf32, #tpu.memory_space<vmem>>, vector<16xf32>,
        %mul3A_541 = arith.constant 128 : i32
        %mul3A_542 = arith.muli %scan3A_470, %mul3A_541 : i32
        %add3A_543 = arith.constant 64 : i32
        %add3A_544 = arith.addi %mul3A_542, %add3A_543 : i32
        %get3A_545 = arith.index_cast %scan3A_462 : i32 to index
        %get3A_546 = arith.index_cast %add3A_544 : i32 to index
        %get3A_547 = tpu.vector_load %arg11[%get3A_545, %get3A_546] {strides = array<i32>} : memref<32x1024xf32, #tpu.memory_space<vmem>>, vector<16xf32>,
        %sub3A_548 = arith.subf %get3A_540, %get3A_547 : vector<16xf32>
        %mul3A_549 = arith.mulf %sub3A_548, %sub3A_548 : vector<16xf32>
        %add3A_550 = arith.addf %add3A_533, %mul3A_549 : vector<16xf32>
        %mul3A_551 = arith.constant 128 : i32
        %mul3A_552 = arith.muli %scan3A_470, %mul3A_551 : i32
        %add3A_553 = arith.constant 80 : i32
        %add3A_554 = arith.addi %mul3A_552, %add3A_553 : i32
        %get3A_555 = arith.index_cast %scan3A_462 : i32 to index
        %get3A_556 = arith.index_cast %add3A_554 : i32 to index
        %get3A_557 = tpu.vector_load %arg9[%get3A_555, %get3A_556] {strides = array<i32>} : memref<32x1024xf32, #tpu.memory_space<vmem>>, vector<16xf32>,
        %mul3A_558 = arith.constant 128 : i32
        %mul3A_559 = arith.muli %scan3A_470, %mul3A_558 : i32
        %add3A_560 = arith.constant 80 : i32
        %add3A_561 = arith.addi %mul3A_559, %add3A_560 : i32
        %get3A_562 = arith.index_cast %scan3A_462 : i32 to index
        %get3A_563 = arith.index_cast %add3A_561 : i32 to index
        %get3A_564 = tpu.vector_load %arg11[%get3A_562, %get3A_563] {strides = array<i32>} : memref<32x1024xf32, #tpu.memory_space<vmem>>, vector<16xf32>,
        %sub3A_565 = arith.subf %get3A_557, %get3A_564 : vector<16xf32>
        %mul3A_566 = arith.mulf %sub3A_565, %sub3A_565 : vector<16xf32>
        %add3A_567 = arith.addf %add3A_550, %mul3A_566 : vector<16xf32>
        %mul3A_568 = arith.constant 128 : i32
        %mul3A_569 = arith.muli %scan3A_470, %mul3A_568 : i32
        %add3A_570 = arith.constant 96 : i32
        %add3A_571 = arith.addi %mul3A_569, %add3A_570 : i32
        %get3A_572 = arith.index_cast %scan3A_462 : i32 to index
        %get3A_573 = arith.index_cast %add3A_571 : i32 to index
        %get3A_574 = tpu.vector_load %arg9[%get3A_572, %get3A_573] {strides = array<i32>} : memref<32x1024xf32, #tpu.memory_space<vmem>>, vector<16xf32>,
        %mul3A_575 = arith.constant 128 : i32
        %mul3A_576 = arith.muli %scan3A_470, %mul3A_575 : i32
        %add3A_577 = arith.constant 96 : i32
        %add3A_578 = arith.addi %mul3A_576, %add3A_577 : i32
        %get3A_579 = arith.index_cast %scan3A_462 : i32 to index
        %get3A_580 = arith.index_cast %add3A_578 : i32 to index
        %get3A_581 = tpu.vector_load %arg11[%get3A_579, %get3A_580] {strides = array<i32>} : memref<32x1024xf32, #tpu.memory_space<vmem>>, vector<16xf32>,
        %sub3A_582 = arith.subf %get3A_574, %get3A_581 : vector<16xf32>
        %mul3A_583 = arith.mulf %sub3A_582, %sub3A_582 : vector<16xf32>
        %add3A_584 = arith.addf %add3A_567, %mul3A_583 : vector<16xf32>
        %mul3A_585 = arith.constant 128 : i32
        %mul3A_586 = arith.muli %scan3A_470, %mul3A_585 : i32
        %add3A_587 = arith.constant 112 : i32
        %add3A_588 = arith.addi %mul3A_586, %add3A_587 : i32
        %get3A_589 = arith.index_cast %scan3A_462 : i32 to index
        %get3A_590 = arith.index_cast %add3A_588 : i32 to index
        %get3A_591 = tpu.vector_load %arg9[%get3A_589, %get3A_590] {strides = array<i32>} : memref<32x1024xf32, #tpu.memory_space<vmem>>, vector<16xf32>,
        %mul3A_592 = arith.constant 128 : i32
        %mul3A_593 = arith.muli %scan3A_470, %mul3A_592 : i32
        %add3A_594 = arith.constant 112 : i32
        %add3A_595 = arith.addi %mul3A_593, %add3A_594 : i32
        %get3A_596 = arith.index_cast %scan3A_462 : i32 to index
        %get3A_597 = arith.index_cast %add3A_595 : i32 to index
        %get3A_598 = tpu.vector_load %arg11[%get3A_596, %get3A_597] {strides = array<i32>} : memref<32x1024xf32, #tpu.memory_space<vmem>>, vector<16xf32>,
        %sub3A_599 = arith.subf %get3A_591, %get3A_598 : vector<16xf32>
        %mul3A_600 = arith.mulf %sub3A_599, %sub3A_599 : vector<16xf32>
        %add3A_601 = arith.addf %add3A_584, %mul3A_600 : vector<16xf32>
        scf.yield %add3A_601 : vector<16xf32>
      }
      %scan3A_469 = arith.constant 8 : i32
      scf.yield %scan3A_468 : vector<16xf32>
    }
    %scan3A_437 = arith.constant 32 : i32
    %add3A_438 = arith.constant 480 : i32
    %add3A_439 = arith.addi %mul3A_2, %add3A_438 : i32
    %dma_start3A_440 = arith.constant 0 : i32
    %dma_start3A_441 = tpu.memref_slice %arg4[%add3A_439, %dma_start3A_440] : memref<16384x1024xf32, #tpu.memory_space<hbm>> -> memref<32x1024xf32, #tpu.memory_space<hbm>>
    %dma_start3A_442 = arith.constant 0 : i32
    %dma_start3A_443 = tpu.memref_slice %arg4[%add3A_439, %dma_start3A_442] : memref<16384x1024xf32, #tpu.memory_space<hbm>> -> memref<32x1024xf32, #tpu.memory_space<hbm>>
    tpu.enqueue_dma source(%dma_start3A_443 : memref<32x1024xf32, #tpu.memory_space<hbm>>) target(%arg11 : memref<32x1024xf32, #tpu.memory_space<vmem>>) target_semaphore(%arg16 : memref<!tpu.dma_semaphore, #tpu.memory_space<semaphore_mem>>)
    %dma_wait3A_444 = arith.constant 480 : i32
    %dma_wait3A_445 = tpu.memref_slice %arg8[%dma_wait3A_444] : memref<512xi32, #tpu.memory_space<vmem>> -> memref<32xi32, #tpu.memory_space<vmem>>
    %dma_wait3A_446 = arith.constant 0 : i32
    %dma_wait3A_447 = arith.constant 0 : i32
    %dma_wait3A_448 = tpu.memref_slice %arg2[%dma_wait3A_446, %dma_wait3A_447] : memref<8192x1024xf32, #tpu.memory_space<hbm>> -> memref<8192x1024xf32, #tpu.memory_space<hbm>>
    tpu.wait_indirect_dma semaphore(%arg15 : memref<!tpu.dma_semaphore, #tpu.memory_space<semaphore_mem>>) src(%dma_wait3A_448 : memref<8192x1024xf32, #tpu.memory_space<hbm>>) dst(%arg10 : memref<32x1024xf32, #tpu.memory_space<vmem>>)
    %add3A_449 = arith.constant 480 : i32
    %add3A_450 = arith.addi %mul3A_2, %add3A_449 : i32
    "tpu.region"() ({
      %run_scoped3A = tpu.sem_alloc : memref<!tpu.dma_semaphore, #tpu.memory_space<semaphore_mem>>
      %dma_start3A_462 = arith.constant 0 : i32
      %dma_start3A_463 = tpu.memref_slice %arg5[%add3A_450, %dma_start3A_462] : memref<16384x1024xf32, #tpu.memory_space<hbm>> -> memref<32x1024xf32, #tpu.memory_space<hbm>>
      %dma_start3A_464 = arith.constant 0 : i32
      %dma_start3A_465 = tpu.memref_slice %arg5[%add3A_450, %dma_start3A_464] : memref<16384x1024xf32, #tpu.memory_space<hbm>> -> memref<32x1024xf32, #tpu.memory_space<hbm>>
      tpu.enqueue_dma source(%arg10 : memref<32x1024xf32, #tpu.memory_space<vmem>>) target(%dma_start3A_465 : memref<32x1024xf32, #tpu.memory_space<hbm>>) target_semaphore(%run_scoped3A : memref<!tpu.dma_semaphore, #tpu.memory_space<semaphore_mem>>)
      %dma_wait3A_466 = arith.constant 0 : i32
      %dma_wait3A_467 = tpu.memref_slice %arg5[%add3A_450, %dma_wait3A_466] : memref<16384x1024xf32, #tpu.memory_space<hbm>> -> memref<32x1024xf32, #tpu.memory_space<hbm>>
      %dma_wait3A_468 = arith.constant 0 : i32
      %dma_wait3A_469 = tpu.memref_slice %arg5[%add3A_450, %dma_wait3A_468] : memref<16384x1024xf32, #tpu.memory_space<hbm>> -> memref<32x1024xf32, #tpu.memory_space<hbm>>
      tpu.wait_dma2 semaphore(%run_scoped3A : memref<!tpu.dma_semaphore, #tpu.memory_space<semaphore_mem>>) src(%arg10 : memref<32x1024xf32, #tpu.memory_space<vmem>>) dst(%dma_wait3A_469 : memref<32x1024xf32, #tpu.memory_space<hbm>>)
      tpu.yield
    }) : () -> ()
    %dma_wait3A_451 = arith.constant 0 : i32
    %dma_wait3A_452 = tpu.memref_slice %arg4[%add3A_439, %dma_wait3A_451] : memref<16384x1024xf32, #tpu.memory_space<hbm>> -> memref<32x1024xf32, #tpu.memory_space<hbm>>
    %dma_wait3A_453 = arith.constant 0 : i32
    %dma_wait3A_454 = tpu.memref_slice %arg4[%add3A_439, %dma_wait3A_453] : memref<16384x1024xf32, #tpu.memory_space<hbm>> -> memref<32x1024xf32, #tpu.memory_space<hbm>>
    tpu.wait_dma2 semaphore(%arg16 : memref<!tpu.dma_semaphore, #tpu.memory_space<semaphore_mem>>) src(%dma_wait3A_454 : memref<32x1024xf32, #tpu.memory_space<hbm>>) dst(%arg11 : memref<32x1024xf32, #tpu.memory_space<vmem>>)
    %scan3A_455 = arith.constant 0 : i32
    %scan3A_456 = arith.constant 32 : i32
    %scan3A_457 = arith.addi %scan3A_455, %scan3A_456 : i32
    %scan3A_458 = arith.constant 1 : i32
    %scan3A_459 = scf.for %scan3A_462 = %scan3A_455 to %scan3A_457 step %scan3A_458 iter_args(%scan3A_463 = %scan3A_436) -> (vector<16xf32>)  : i32 {
      %scan3A_464 = arith.constant 0 : i32
      %scan3A_465 = arith.constant 8 : i32
      %scan3A_466 = arith.addi %scan3A_464, %scan3A_465 : i32
      %scan3A_467 = arith.constant 1 : i32
      %scan3A_468 = scf.for %scan3A_470 = %scan3A_464 to %scan3A_466 step %scan3A_467 iter_args(%scan3A_471 = %scan3A_463) -> (vector<16xf32>)  : i32 {
        %mul3A_472 = arith.constant 128 : i32
        %mul3A_473 = arith.muli %scan3A_470, %mul3A_472 : i32
        %get3A = arith.index_cast %scan3A_462 : i32 to index
        %get3A_474 = arith.index_cast %mul3A_473 : i32 to index
        %get3A_475 = tpu.vector_load %arg10[%get3A, %get3A_474] {strides = array<i32>} : memref<32x1024xf32, #tpu.memory_space<vmem>>, vector<16xf32>,
        %mul3A_476 = arith.constant 128 : i32
        %mul3A_477 = arith.muli %scan3A_470, %mul3A_476 : i32
        %get3A_478 = arith.index_cast %scan3A_462 : i32 to index
        %get3A_479 = arith.index_cast %mul3A_477 : i32 to index
        %get3A_480 = tpu.vector_load %arg11[%get3A_478, %get3A_479] {strides = array<i32>} : memref<32x1024xf32, #tpu.memory_space<vmem>>, vector<16xf32>,
        %sub3A = arith.subf %get3A_475, %get3A_480 : vector<16xf32>
        %mul3A_481 = arith.mulf %sub3A, %sub3A : vector<16xf32>
        %add3A_482 = arith.addf %scan3A_471, %mul3A_481 : vector<16xf32>
        %mul3A_483 = arith.constant 128 : i32
        %mul3A_484 = arith.muli %scan3A_470, %mul3A_483 : i32
        %add3A_485 = arith.constant 16 : i32
        %add3A_486 = arith.addi %mul3A_484, %add3A_485 : i32
        %get3A_487 = arith.index_cast %scan3A_462 : i32 to index
        %get3A_488 = arith.index_cast %add3A_486 : i32 to index
        %get3A_489 = tpu.vector_load %arg10[%get3A_487, %get3A_488] {strides = array<i32>} : memref<32x1024xf32, #tpu.memory_space<vmem>>, vector<16xf32>,
        %mul3A_490 = arith.constant 128 : i32
        %mul3A_491 = arith.muli %scan3A_470, %mul3A_490 : i32
        %add3A_492 = arith.constant 16 : i32
        %add3A_493 = arith.addi %mul3A_491, %add3A_492 : i32
        %get3A_494 = arith.index_cast %scan3A_462 : i32 to index
        %get3A_495 = arith.index_cast %add3A_493 : i32 to index
        %get3A_496 = tpu.vector_load %arg11[%get3A_494, %get3A_495] {strides = array<i32>} : memref<32x1024xf32, #tpu.memory_space<vmem>>, vector<16xf32>,
        %sub3A_497 = arith.subf %get3A_489, %get3A_496 : vector<16xf32>
        %mul3A_498 = arith.mulf %sub3A_497, %sub3A_497 : vector<16xf32>
        %add3A_499 = arith.addf %add3A_482, %mul3A_498 : vector<16xf32>
        %mul3A_500 = arith.constant 128 : i32
        %mul3A_501 = arith.muli %scan3A_470, %mul3A_500 : i32
        %add3A_502 = arith.constant 32 : i32
        %add3A_503 = arith.addi %mul3A_501, %add3A_502 : i32
        %get3A_504 = arith.index_cast %scan3A_462 : i32 to index
        %get3A_505 = arith.index_cast %add3A_503 : i32 to index
        %get3A_506 = tpu.vector_load %arg10[%get3A_504, %get3A_505] {strides = array<i32>} : memref<32x1024xf32, #tpu.memory_space<vmem>>, vector<16xf32>,
        %mul3A_507 = arith.constant 128 : i32
        %mul3A_508 = arith.muli %scan3A_470, %mul3A_507 : i32
        %add3A_509 = arith.constant 32 : i32
        %add3A_510 = arith.addi %mul3A_508, %add3A_509 : i32
        %get3A_511 = arith.index_cast %scan3A_462 : i32 to index
        %get3A_512 = arith.index_cast %add3A_510 : i32 to index
        %get3A_513 = tpu.vector_load %arg11[%get3A_511, %get3A_512] {strides = array<i32>} : memref<32x1024xf32, #tpu.memory_space<vmem>>, vector<16xf32>,
        %sub3A_514 = arith.subf %get3A_506, %get3A_513 : vector<16xf32>
        %mul3A_515 = arith.mulf %sub3A_514, %sub3A_514 : vector<16xf32>
        %add3A_516 = arith.addf %add3A_499, %mul3A_515 : vector<16xf32>
        %mul3A_517 = arith.constant 128 : i32
        %mul3A_518 = arith.muli %scan3A_470, %mul3A_517 : i32
        %add3A_519 = arith.constant 48 : i32
        %add3A_520 = arith.addi %mul3A_518, %add3A_519 : i32
        %get3A_521 = arith.index_cast %scan3A_462 : i32 to index
        %get3A_522 = arith.index_cast %add3A_520 : i32 to index
        %get3A_523 = tpu.vector_load %arg10[%get3A_521, %get3A_522] {strides = array<i32>} : memref<32x1024xf32, #tpu.memory_space<vmem>>, vector<16xf32>,
        %mul3A_524 = arith.constant 128 : i32
        %mul3A_525 = arith.muli %scan3A_470, %mul3A_524 : i32
        %add3A_526 = arith.constant 48 : i32
        %add3A_527 = arith.addi %mul3A_525, %add3A_526 : i32
        %get3A_528 = arith.index_cast %scan3A_462 : i32 to index
        %get3A_529 = arith.index_cast %add3A_527 : i32 to index
        %get3A_530 = tpu.vector_load %arg11[%get3A_528, %get3A_529] {strides = array<i32>} : memref<32x1024xf32, #tpu.memory_space<vmem>>, vector<16xf32>,
        %sub3A_531 = arith.subf %get3A_523, %get3A_530 : vector<16xf32>
        %mul3A_532 = arith.mulf %sub3A_531, %sub3A_531 : vector<16xf32>
        %add3A_533 = arith.addf %add3A_516, %mul3A_532 : vector<16xf32>
        %mul3A_534 = arith.constant 128 : i32
        %mul3A_535 = arith.muli %scan3A_470, %mul3A_534 : i32
        %add3A_536 = arith.constant 64 : i32
        %add3A_537 = arith.addi %mul3A_535, %add3A_536 : i32
        %get3A_538 = arith.index_cast %scan3A_462 : i32 to index
        %get3A_539 = arith.index_cast %add3A_537 : i32 to index
        %get3A_540 = tpu.vector_load %arg10[%get3A_538, %get3A_539] {strides = array<i32>} : memref<32x1024xf32, #tpu.memory_space<vmem>>, vector<16xf32>,
        %mul3A_541 = arith.constant 128 : i32
        %mul3A_542 = arith.muli %scan3A_470, %mul3A_541 : i32
        %add3A_543 = arith.constant 64 : i32
        %add3A_544 = arith.addi %mul3A_542, %add3A_543 : i32
        %get3A_545 = arith.index_cast %scan3A_462 : i32 to index
        %get3A_546 = arith.index_cast %add3A_544 : i32 to index
        %get3A_547 = tpu.vector_load %arg11[%get3A_545, %get3A_546] {strides = array<i32>} : memref<32x1024xf32, #tpu.memory_space<vmem>>, vector<16xf32>,
        %sub3A_548 = arith.subf %get3A_540, %get3A_547 : vector<16xf32>
        %mul3A_549 = arith.mulf %sub3A_548, %sub3A_548 : vector<16xf32>
        %add3A_550 = arith.addf %add3A_533, %mul3A_549 : vector<16xf32>
        %mul3A_551 = arith.constant 128 : i32
        %mul3A_552 = arith.muli %scan3A_470, %mul3A_551 : i32
        %add3A_553 = arith.constant 80 : i32
        %add3A_554 = arith.addi %mul3A_552, %add3A_553 : i32
        %get3A_555 = arith.index_cast %scan3A_462 : i32 to index
        %get3A_556 = arith.index_cast %add3A_554 : i32 to index
        %get3A_557 = tpu.vector_load %arg10[%get3A_555, %get3A_556] {strides = array<i32>} : memref<32x1024xf32, #tpu.memory_space<vmem>>, vector<16xf32>,
        %mul3A_558 = arith.constant 128 : i32
        %mul3A_559 = arith.muli %scan3A_470, %mul3A_558 : i32
        %add3A_560 = arith.constant 80 : i32
        %add3A_561 = arith.addi %mul3A_559, %add3A_560 : i32
        %get3A_562 = arith.index_cast %scan3A_462 : i32 to index
        %get3A_563 = arith.index_cast %add3A_561 : i32 to index
        %get3A_564 = tpu.vector_load %arg11[%get3A_562, %get3A_563] {strides = array<i32>} : memref<32x1024xf32, #tpu.memory_space<vmem>>, vector<16xf32>,
        %sub3A_565 = arith.subf %get3A_557, %get3A_564 : vector<16xf32>
        %mul3A_566 = arith.mulf %sub3A_565, %sub3A_565 : vector<16xf32>
        %add3A_567 = arith.addf %add3A_550, %mul3A_566 : vector<16xf32>
        %mul3A_568 = arith.constant 128 : i32
        %mul3A_569 = arith.muli %scan3A_470, %mul3A_568 : i32
        %add3A_570 = arith.constant 96 : i32
        %add3A_571 = arith.addi %mul3A_569, %add3A_570 : i32
        %get3A_572 = arith.index_cast %scan3A_462 : i32 to index
        %get3A_573 = arith.index_cast %add3A_571 : i32 to index
        %get3A_574 = tpu.vector_load %arg10[%get3A_572, %get3A_573] {strides = array<i32>} : memref<32x1024xf32, #tpu.memory_space<vmem>>, vector<16xf32>,
        %mul3A_575 = arith.constant 128 : i32
        %mul3A_576 = arith.muli %scan3A_470, %mul3A_575 : i32
        %add3A_577 = arith.constant 96 : i32
        %add3A_578 = arith.addi %mul3A_576, %add3A_577 : i32
        %get3A_579 = arith.index_cast %scan3A_462 : i32 to index
        %get3A_580 = arith.index_cast %add3A_578 : i32 to index
        %get3A_581 = tpu.vector_load %arg11[%get3A_579, %get3A_580] {strides = array<i32>} : memref<32x1024xf32, #tpu.memory_space<vmem>>, vector<16xf32>,
        %sub3A_582 = arith.subf %get3A_574, %get3A_581 : vector<16xf32>
        %mul3A_583 = arith.mulf %sub3A_582, %sub3A_582 : vector<16xf32>
        %add3A_584 = arith.addf %add3A_567, %mul3A_583 : vector<16xf32>
        %mul3A_585 = arith.constant 128 : i32
        %mul3A_586 = arith.muli %scan3A_470, %mul3A_585 : i32
        %add3A_587 = arith.constant 112 : i32
        %add3A_588 = arith.addi %mul3A_586, %add3A_587 : i32
        %get3A_589 = arith.index_cast %scan3A_462 : i32 to index
        %get3A_590 = arith.index_cast %add3A_588 : i32 to index
        %get3A_591 = tpu.vector_load %arg10[%get3A_589, %get3A_590] {strides = array<i32>} : memref<32x1024xf32, #tpu.memory_space<vmem>>, vector<16xf32>,
        %mul3A_592 = arith.constant 128 : i32
        %mul3A_593 = arith.muli %scan3A_470, %mul3A_592 : i32
        %add3A_594 = arith.constant 112 : i32
        %add3A_595 = arith.addi %mul3A_593, %add3A_594 : i32
        %get3A_596 = arith.index_cast %scan3A_462 : i32 to index
        %get3A_597 = arith.index_cast %add3A_595 : i32 to index
        %get3A_598 = tpu.vector_load %arg11[%get3A_596, %get3A_597] {strides = array<i32>} : memref<32x1024xf32, #tpu.memory_space<vmem>>, vector<16xf32>,
        %sub3A_599 = arith.subf %get3A_591, %get3A_598 : vector<16xf32>
        %mul3A_600 = arith.mulf %sub3A_599, %sub3A_599 : vector<16xf32>
        %add3A_601 = arith.addf %add3A_584, %mul3A_600 : vector<16xf32>
        scf.yield %add3A_601 : vector<16xf32>
      }
      %scan3A_469 = arith.constant 8 : i32
      scf.yield %scan3A_468 : vector<16xf32>
    }
    %scan3A_460 = arith.constant 32 : i32
    %swap3A = arith.constant 0 : index
    %swap3A_461 = tpu.vector_load %arg13[%swap3A] {strides = array<i32>} : memref<16xf32, #tpu.memory_space<vmem>>, vector<16xf32>,
    tpu.vector_store %arg13[%swap3A], %scan3A_459 {strides = array<i32>} : memref<16xf32, #tpu.memory_space<vmem>>, vector<16xf32>,
    "tpu.region"() ({
      %run_scoped3A = tpu.sem_alloc : memref<!tpu.dma_semaphore, #tpu.memory_space<semaphore_mem>>
      %dma_start3A_462 = arith.constant 0 : i32
      %dma_start3A_463 = tpu.memref_slice %arg7[%add3A, %dma_start3A_462] : memref<32x16xf32, #tpu.memory_space<hbm>> -> memref<1x16xf32, #tpu.memory_space<hbm>>
      %dma_start3A_464 = tpu.memref_squeeze %dma_start3A_463 : memref<1x16xf32, #tpu.memory_space<hbm>> -> memref<16xf32, #tpu.memory_space<hbm>>
      %dma_start3A_465 = arith.constant 0 : i32
      %dma_start3A_466 = tpu.memref_slice %arg7[%add3A, %dma_start3A_465] : memref<32x16xf32, #tpu.memory_space<hbm>> -> memref<1x16xf32, #tpu.memory_space<hbm>>
      %dma_start3A_467 = tpu.memref_squeeze %dma_start3A_466 : memref<1x16xf32, #tpu.memory_space<hbm>> -> memref<16xf32, #tpu.memory_space<hbm>>
      tpu.enqueue_dma source(%arg13 : memref<16xf32, #tpu.memory_space<vmem>>) target(%dma_start3A_467 : memref<16xf32, #tpu.memory_space<hbm>>) target_semaphore(%run_scoped3A : memref<!tpu.dma_semaphore, #tpu.memory_space<semaphore_mem>>)
      %dma_wait3A_468 = arith.constant 0 : i32
      %dma_wait3A_469 = tpu.memref_slice %arg7[%add3A, %dma_wait3A_468] : memref<32x16xf32, #tpu.memory_space<hbm>> -> memref<1x16xf32, #tpu.memory_space<hbm>>
      %dma_wait3A_470 = tpu.memref_squeeze %dma_wait3A_469 : memref<1x16xf32, #tpu.memory_space<hbm>> -> memref<16xf32, #tpu.memory_space<hbm>>
      %dma_wait3A_471 = arith.constant 0 : i32
      %dma_wait3A_472 = tpu.memref_slice %arg7[%add3A, %dma_wait3A_471] : memref<32x16xf32, #tpu.memory_space<hbm>> -> memref<1x16xf32, #tpu.memory_space<hbm>>
      %dma_wait3A_473 = tpu.memref_squeeze %dma_wait3A_472 : memref<1x16xf32, #tpu.memory_space<hbm>> -> memref<16xf32, #tpu.memory_space<hbm>>
      tpu.wait_dma2 semaphore(%run_scoped3A : memref<!tpu.dma_semaphore, #tpu.memory_space<semaphore_mem>>) src(%arg13 : memref<16xf32, #tpu.memory_space<vmem>>) dst(%dma_wait3A_473 : memref<16xf32, #tpu.memory_space<hbm>>)
      tpu.yield
    }) : () -> ()
    "tpu.region"() ({
      %run_scoped3A = tpu.sem_alloc : memref<!tpu.dma_semaphore, #tpu.memory_space<semaphore_mem>>
      %dma_start3A_462 = arith.constant 0 : i32
      %dma_start3A_463 = tpu.memref_slice %arg6[%add3A, %dma_start3A_462] : memref<32x8192xf32, #tpu.memory_space<hbm>> -> memref<1x8192xf32, #tpu.memory_space<hbm>>
      %dma_start3A_464 = tpu.memref_squeeze %dma_start3A_463 : memref<1x8192xf32, #tpu.memory_space<hbm>> -> memref<8192xf32, #tpu.memory_space<hbm>>
      %dma_start3A_465 = arith.constant 0 : i32
      %dma_start3A_466 = tpu.memref_slice %arg6[%add3A, %dma_start3A_465] : memref<32x8192xf32, #tpu.memory_space<hbm>> -> memref<1x8192xf32, #tpu.memory_space<hbm>>
      %dma_start3A_467 = tpu.memref_squeeze %dma_start3A_466 : memref<1x8192xf32, #tpu.memory_space<hbm>> -> memref<8192xf32, #tpu.memory_space<hbm>>
      tpu.enqueue_dma source(%arg12 : memref<8192xf32, #tpu.memory_space<vmem>>) target(%dma_start3A_467 : memref<8192xf32, #tpu.memory_space<hbm>>) target_semaphore(%run_scoped3A : memref<!tpu.dma_semaphore, #tpu.memory_space<semaphore_mem>>)
      %dma_wait3A_468 = arith.constant 0 : i32
      %dma_wait3A_469 = tpu.memref_slice %arg6[%add3A, %dma_wait3A_468] : memref<32x8192xf32, #tpu.memory_space<hbm>> -> memref<1x8192xf32, #tpu.memory_space<hbm>>
      %dma_wait3A_470 = tpu.memref_squeeze %dma_wait3A_469 : memref<1x8192xf32, #tpu.memory_space<hbm>> -> memref<8192xf32, #tpu.memory_space<hbm>>
      %dma_wait3A_471 = arith.constant 0 : i32
      %dma_wait3A_472 = tpu.memref_slice %arg6[%add3A, %dma_wait3A_471] : memref<32x8192xf32, #tpu.memory_space<hbm>> -> memref<1x8192xf32, #tpu.memory_space<hbm>>
      %dma_wait3A_473 = tpu.memref_squeeze %dma_wait3A_472 : memref<1x8192xf32, #tpu.memory_space<hbm>> -> memref<8192xf32, #tpu.memory_space<hbm>>
      tpu.wait_dma2 semaphore(%run_scoped3A : memref<!tpu.dma_semaphore, #tpu.memory_space<semaphore_mem>>) src(%arg12 : memref<8192xf32, #tpu.memory_space<vmem>>) dst(%dma_wait3A_473 : memref<8192xf32, #tpu.memory_space<hbm>>)
      tpu.yield
    }) : () -> ()
    return
  }
}

module attributes {stable_mosaic.version = 14 : i64} {
  func.func @_losses_body(%arg0: memref<32x16xf32, #tpu.memory_space<vmem>>, %arg1: memref<32x8192xf32, #tpu.memory_space<vmem>>, %arg2: memref<1x1xf32, #tpu.memory_space<smem>>, %arg3: memref<1x1xf32, #tpu.memory_space<smem>>) attributes {dimension_semantics = [], scalar_prefetch = 0 : i64, scratch_operands = 0 : i64, tpu.core_type = #tpu.core_type<tc>} {
    %get3A = arith.constant 0 : index
    %get3A_0 = arith.constant 0 : index
    %get3A_1 = vector.load %arg1[%get3A, %get3A_0] : memref<32x8192xf32, #tpu.memory_space<vmem>>, vector<32x8192xf32>
    %reduce_sum3A = arith.constant dense<0.000000e+00> : vector<8192xf32>
    %reduce_sum3A_2 = vector.multi_reduction <add>, %get3A_1, %reduce_sum3A [0] : vector<32x8192xf32> to vector<8192xf32>
    %broadcast_in_dim3A = vector.shape_cast %reduce_sum3A_2 : vector<8192xf32> to vector<1x8192xf32>
    %div3A = arith.constant 1.638400e+04 : f32
    %div3A_3 = vector.broadcast %div3A : f32 to vector<1x8192xf32>
    %div3A_4 = arith.divf %broadcast_in_dim3A, %div3A_3 : vector<1x8192xf32>
    %add3A = arith.constant 1.000000e-10 : f32
    %add3A_5 = vector.broadcast %add3A : f32 to vector<1x8192xf32>
    %add3A_6 = arith.addf %div3A_4, %add3A_5 : vector<1x8192xf32>
    %log3A = math.log %add3A_6 : vector<1x8192xf32>
    %mul3A = arith.mulf %div3A_4, %log3A : vector<1x8192xf32>
    %reduce_sum3A_7 = vector.shape_cast %mul3A : vector<1x8192xf32> to vector<1x1x8192xf32>
    %reduce_sum3A_8 = arith.constant dense<0.000000e+00> : vector<1xf32>
    %reduce_sum3A_9 = vector.multi_reduction <add>, %reduce_sum3A_7, %reduce_sum3A_8 [1, 2] : vector<1x1x8192xf32> to vector<1xf32>
    %reduce_sum3A_10 = vector.shape_cast %reduce_sum3A_9 : vector<1xf32> to vector<1x1x1xf32>
    %reduce_sum3A_11 = vector.extract %reduce_sum3A_10[0, 0, 0] : f32 from vector<1x1x1xf32>
    %neg3A = arith.constant 0.000000e+00 : f32
    %neg3A_12 = arith.subf %neg3A, %reduce_sum3A_11 : f32
    %exp3A = math.exp %neg3A_12 : f32
    %swap3A = arith.constant 0 : index
    %swap3A_13 = arith.constant 0 : index
    %swap3A_14 = memref.load %arg3[%swap3A, %swap3A_13] : memref<1x1xf32, #tpu.memory_space<smem>>
    memref.store %exp3A, %arg3[%swap3A, %swap3A_13] : memref<1x1xf32, #tpu.memory_space<smem>>
    %get3A_15 = arith.constant 0 : index
    %get3A_16 = arith.constant 0 : index
    %get3A_17 = vector.load %arg0[%get3A_15, %get3A_16] : memref<32x16xf32, #tpu.memory_space<vmem>>, vector<32x16xf32>
    %reduce_sum3A_18 = vector.shape_cast %get3A_17 : vector<32x16xf32> to vector<1x32x16xf32>
    %reduce_sum3A_19 = arith.constant dense<0.000000e+00> : vector<1xf32>
    %reduce_sum3A_20 = vector.multi_reduction <add>, %reduce_sum3A_18, %reduce_sum3A_19 [1, 2] : vector<1x32x16xf32> to vector<1xf32>
    %reduce_sum3A_21 = vector.shape_cast %reduce_sum3A_20 : vector<1xf32> to vector<1x1x1xf32>
    %reduce_sum3A_22 = vector.extract %reduce_sum3A_21[0, 0, 0] : f32 from vector<1x1x1xf32>
    %div3A_23 = arith.constant 0x4B800000 : f32
    %div3A_24 = arith.divf %reduce_sum3A_22, %div3A_23 : f32
    %mul3A_25 = arith.constant 2.500000e-01 : f32
    %mul3A_26 = arith.mulf %mul3A_25, %div3A_24 : f32
    %add3A_27 = arith.addf %div3A_24, %mul3A_26 : f32
    %swap3A_28 = arith.constant 0 : index
    %swap3A_29 = arith.constant 0 : index
    %swap3A_30 = memref.load %arg2[%swap3A_28, %swap3A_29] : memref<1x1xf32, #tpu.memory_space<smem>>
    memref.store %add3A_27, %arg2[%swap3A_28, %swap3A_29] : memref<1x1xf32, #tpu.memory_space<smem>>
    return
  }
}

</mosaic_0001>

<sc_bundles>
// kernel: kernel.4.cloned.1.call-start
scs
__scs_entry_jumppad:
0x0: {  	(pc) =	sbr.rel $0x88, $3  }
0x1: {  	(tag) =	ssettag $0x0;
	lr =	simm.s32 $0x1  }
0x2: {  	[smem:$0x3F9F] =	sst lr;
	_ =	strace $0xD0000000  }
0x3: {  	_ = 	snop  }
0x4: {  	_ = 	snop  }
0x5: {  	_ = 	snop  }
0x6: {  	_ = 	snop  }
0x7: {  	_ = 	snop  }
__scs_overlays_trampoline_lowered:
0x8: {  	[smem:$0x3FAE] =	sst s0  }
0x9: {  	[smem:$0x3FAF] =	sst s1  }
0xa: {  	[smem:$0x3FB0] =	sst s2  }
0xb: {  	[smem:$0x3FB1] =	sst s3  }
0xc: {  	[smem:$0x3FB2] =	sst s4  }
0xd: {  	[smem:$0x3FB3] =	sst s5  }
0xe: {  	[smem:$0x3FB4] =	sst s6  }
0xf: {  	[smem:$0x3FB5] =	sst s7  }
0x10: {  	[smem:$0x3FB6] =	sst s8  }
0x11: {  	[smem:$0x3FB7] =	sst s9;
	s0 =	simm.s32 @!p0 $0x0  }
0x12: {  	s1 =	sld [smem:$0x3F9D];
	s0 =	simm.s32 @p0 $0x1  }
0x13: {  	[smem:$0x3FB8] =	sst s0;
	s0 =	simm.s32 @!p1 $0x0  }
0x14: {  	s2 =	sld [smem:$0x3F9C];
	s0 =	simm.s32 @p1 $0x1  }
0x15: {  	[smem:$0x3FB9] =	sst s0;
	s0 =	simm.s32 @!p2 $0x0  }
0x16: {  	s3 =	sld [smem:$0x3FDB];
	s0 =	simm.s32 @p2 $0x1  }
0x17: {  	s4 =	simm.s32 $0x1BF5;
	[smem:$0x3FBB] =	sst s0  }
0x18: {  	s0 =	sld [smem:$0x3F9E];
	_ =	swait.ge [sflag:s4], $0x0  }
0x19: {  	s7 =	sld [smem:$0x3F9F]  }
0x1a: {  	s8 =	sadd.s32 $0xFFFFE003, lr  }
0x1b: {  	s9 =	sadd.s32 $0xFFFFFEF7, lr;
	s5 =	simm.s32 $0xFFFFFFFF;
	p2 =	slt.u32 s8, $0xFFFFF086  }
0x1c: {  	p1 =	slt.u32 s9, $0xF7A;
	s5 =	simm.s32 @!p2 $0x0  }
0x1d: {  	s5 =	simm.s32 @p1 $0x1;
	p0 =	seq.s32 s7, s2  }
0x1e: {  	s7 =	smul.u32 @!p0 $0xF7A, s2;
	p2 =	seq.s32 @!p0 s5, $0x0  }
0x1f: {  	s9 =	smul.u32 $0xF7A, s1;
	s8 =	simm.s32 @!p0 $0x1BF5;
	p2 =	por !p2, p0  }
0x20: {  	[sflag:s8] =	ssyncset.s32 @!p0 $0xFFFFF086;
	s6 =	sadd.s32 @!p0 s3, s7;
	s7 =	simm.s32 @!p0 $0x108  }
0x21: {  	s3 =	sadd.s32 s3, s9;
	s6 =	sadd.s32 @!p0 $0x88, s6;
	s7 =	simm.s32 @p2 $0x1082  }
0x22: {  	[simem:s7], [sflag:s8] =	dma.local @!p0 [hbm:s6], $0xF7A  }
0x23: {  	s9 =	sor.u32 $0xD0000000, s2;
	s6 =	simm.s32 $0x108;
	_ =	swait.ge @!p0 [sflag:s8], $0x0  }
0x24: {  	s3 =	sadd.s32 $0x88, s3;
	s6 =	simm.s32 @!p1 $0x1082;
	[sflag:s4] =	ssyncset.s32 $0xFFFFF086  }
0x25: {  	[simem:s6], [sflag:s4] =	dma.local [hbm:s3], $0xF7A  }
0x26: {  	[smem:$0x3F9F] =	sst s1;
	(tag) =	ssettag s2;
	_ =	strace s9  }
0x27: {  	s1 =	sld [smem:$0x3FAF]  }
0x28: {  	s2 =	sld [smem:$0x3FB0]  }
0x29: {  	s4 =	sld [smem:$0x3FB2]  }
0x2a: {  	p0 =	seq.s32 s5, $0x0;
	s5 =	sld [smem:$0x3FB3]  }
0x2b: {  	s6 =	sld [smem:$0x3FB4]  }
0x2c: {  	s7 =	sld [smem:$0x3FB5]  }
0x2d: {  	s3 =	simm.s32 $0x108;
	s8 =	sld [smem:$0x3FB6]  }
0x2e: {  	s3 =	simm.s32 @!p0 $0x1082;
	s9 =	sld [smem:$0x3FB7]  }
0x2f: {  	lr =	sadd.s32 s0, s3;
	s0 =	sld [smem:$0x3FAE]  }
0x30: {  	s3 =	sld [smem:$0x3FB1]  }
0x31: {  	[smem:$0x3FBA] =	sst s10  }
0x32: {  	s10 =	sld [smem:$0x3FB8];
	_ =	sdelay $0x3  }
0x33: {  	p0 =	seq.s32 s10, $0x1;
	s10 =	sld [smem:$0x3FBA];
	_ =	sdelay $0x3  }
0x34: {  	[smem:$0x3FBA] =	sst s10  }
0x35: {  	s10 =	sld [smem:$0x3FB9];
	_ =	sdelay $0x3  }
0x36: {  	p1 =	seq.s32 s10, $0x1;
	s10 =	sld [smem:$0x3FBA];
	_ =	sdelay $0x3  }
0x37: {  	[smem:$0x3FBA] =	sst s10  }
0x38: {  	s10 =	sld [smem:$0x3FBB]  }
0x39: {  	_ = 	snop;
	(pc) =	sbr.ind lr, $3  }
0x3a: {  	_ = 	snop  }
0x3b: {  	_ = 	snop  }
0x3c: {  	p2 =	seq.s32 s10, $0x1;
	s10 =	sld [smem:$0x3FBA]  }
0x3d: {  	_ =	shalt  }
0x3e: {  	_ =	shalt  }
0x3f: {  	_ =	shalt  }
0x40: {  	_ =	shalt  }
0x41: {  	_ =	shalt  }
0x42: {  	_ =	shalt  }
0x43: {  	_ =	shalt  }
0x44: {  	_ =	shalt  }
0x45: {  	_ =	shalt  }
0x46: {  	_ =	shalt  }
0x47: {  	_ =	shalt  }
0x48: {  	_ =	shalt  }
0x49: {  	_ =	shalt  }
0x4a: {  	_ =	shalt  }
0x4b: {  	_ =	shalt  }
0x4c: {  	_ =	shalt  }
0x4d: {  	_ =	shalt  }
0x4e: {  	_ =	shalt  }
0x4f: {  	_ =	shalt  }
0x50: {  	_ =	shalt  }
0x51: {  	_ =	shalt  }
0x52: {  	_ =	shalt  }
0x53: {  	_ =	shalt  }
0x54: {  	_ =	shalt  }
0x55: {  	_ =	shalt  }
0x56: {  	_ =	shalt  }
0x57: {  	_ =	shalt  }
0x58: {  	_ =	shalt  }
0x59: {  	_ =	shalt  }
0x5a: {  	_ =	shalt  }
0x5b: {  	_ =	shalt  }
0x5c: {  	_ =	shalt  }
0x5d: {  	_ =	shalt  }
0x5e: {  	_ =	shalt  }
0x5f: {  	_ =	shalt  }
0x60: {  	_ =	shalt  }
0x61: {  	_ =	shalt  }
0x62: {  	_ =	shalt  }
0x63: {  	_ =	shalt  }
0x64: {  	_ =	shalt  }
0x65: {  	_ =	shalt  }
0x66: {  	_ =	shalt  }
0x67: {  	_ =	shalt  }
0x68: {  	_ =	shalt  }
0x69: {  	_ =	shalt  }
0x6a: {  	_ =	shalt  }
0x6b: {  	_ =	shalt  }
0x6c: {  	_ =	shalt  }
0x6d: {  	_ =	shalt  }
0x6e: {  	_ =	shalt  }
0x6f: {  	_ =	shalt  }
0x70: {  	_ =	shalt  }
0x71: {  	_ =	shalt  }
0x72: {  	_ =	shalt  }
0x73: {  	_ =	shalt  }
0x74: {  	_ =	shalt  }
0x75: {  	_ =	shalt  }
0x76: {  	_ =	shalt  }
0x77: {  	_ =	shalt  }
0x78: {  	_ =	shalt  }
0x79: {  	_ =	shalt  }
0x7a: {  	_ =	shalt  }
0x7b: {  	_ =	shalt  }
0x7c: {  	_ =	shalt  }
0x7d: {  	_ =	shalt  }
0x7e: {  	_ =	shalt  }
0x7f: {  	_ =	shalt  }
0x80: {  	_ =	shalt  }
0x81: {  	_ =	shalt  }
0x82: {  	_ =	shalt  }
0x83: {  	_ =	shalt  }
0x84: {  	_ =	shalt  }
0x85: {  	_ =	shalt  }
0x86: {  	_ =	shalt  }
0x87: {  	_ =	shalt  }
.Lfunc_end0:
.L_simem_size_0:
called_computation_lowered:
.L_overlay_start_0:
0x88: {  	s2 =	sld [smem:$0x3FD9]  }
0x89: {  	s3 =	sld [smem:$0x3FFE];
	_ =	sdelay $0x1  }
0x8a: {  	s1 =	srdreg.scid  }
0x8b: {  	s0 =	sand.u32 $0x1, s1  }
0x8c: {  	s14 =	sshll.u32 s0, $0xA;
	s2 =	sadd.s32 s3, s2  }
0x8d: {  	s2 =	sadd.s32 s2, s14  }
0x8e: {  	[smem:$0x3FC6] =	sst s2  }
0x8f: {  	_ = 	snop  }
0x90: {  	s2 =	sld [smem:$0x3FD0];
	_ =	sdelay $0x1  }
0x91: {  	s15 =	sld [smem:$0x3FC9]  }
0x92: {  	s5 =	simm.s32 $0xA;
	s6 =	simm.s32 $0x10;
	s4 =	sld [smem:$0x3FC8]  }
0x93: {  	[smem:s6], [sflag:s5] =	dma.local [hbm:s2], $0x1  }
0x94: {  	_ =	swait.eq [sflag:s5], $0x1  }
0x95: {  	[sflag:s5] =	ssyncset.done $0x0  }
0x96: {  	[sflag:s5] =	ssyncadd.s32 $0xFFFFFFFF  }
0x97: {  	s16 =	sld [smem:$0x10];
	(tm) =	ssettm $0x1  }
0x98: {  	s17 =	sld [smem:$0x3FFB];
	_ =	sdelay $0x3  }
0x99: {  	_ =	strace s17  }
0x9a: {  	s5 =	sld [smem:$0x3FFC];
	_ =	sdelay $0x3  }
0x9b: {  	_ =	strace s5  }
0x9c: {  	s5 =	sld [smem:$0x3FFD];
	_ =	sdelay $0x3  }
0x9d: {  	_ =	strace s5  }
0x9e: {  	_ =	strace $0x8FFFFFFF  }
0x9f: {  	s18 =	sld [smem:$0x3FDB];
	_ =	sdelay $0x1  }
0xa0: {  	s19 =	simm.s32 $_scs_section_size  }
0xa1: {  	s7 =	simm.s32 $_size__tile_overlayer_lowered;
	s8 =	simm.s32 $_tile_overlayer_lowered  }
0xa2: {  	s22 =	simm.s32 $0x1BFF;
	s21 =	sshll.u32 s8, $0x1;
	s5 =	sadd.s32 s19, s18  }
0xa3: {  	s9 =	simm.s32 $0x0;
	s20 =	sshll.u32 s7, $0x1;
	s7 =	sadd.s32 s21, s5  }
0xa4: {  	[timem:s9], [sflag:s22] =	dma.local [hbm:s7], s20  }
0xa5: {  	_ =	swait.ge [sflag:s22], s20  }
0xa6: {  	s6 =	ssub.s32 $0x0, s20;
	[sflag:s22] =	ssyncset.done $0x0  }
0xa7: {  	[sflag:s22] =	ssyncadd.s32 s6;
	_ =	sdelay $0x1  }
0xa8: {  	s23 =	simm.s32 $0x1B8B  }
0xa9: {  	_ =	swait.ge [sflag:s23], $0x1  }
0xaa: {  	[sflag:s23] =	ssyncset.done $0x0  }
0xab: {  	s25 =	simm.s32 $0x1B8E;
	s24 =	sld [smem:$0x3FFE];
	[sflag:s23] =	ssyncadd.s32 $0xFFFFFFFF  }
0xac: {  	s26 =	simm.s32 $execute0_lowered;
	[smem:$0x3FD2] =	sst s25  }
0xad: {  	s7 =	sshll.u32 s26, $0x1;
	_ =	strace $0x80000046;
	[dreg:$0x1] =	wrdreg $0xFFFFFFFF  }
0xae: {  	s28 =	simm.s32 $_size_execute0_lowered;
	s5 =	sadd.s32 s5, s7;
	[dreg:$0x0] =	wrdreg $0x0  }
0xaf: {  	s7 =	sshll.u32 s28, $0x1;
	[dreg:$0x2] =	wrdreg s5  }
0xb0: {  	[dreg:$0x3] =	wrdreg s7  }
0xb1: {  	[dreg:$0x4] =	wrdreg $0xC0  }
0xb2: {  	_ =	task [dreg:s9], $0x5FFFF  }
0xb3: {  	[dreg:$0x1] =	wrdreg $0xFFFFFFFF  }
0xb4: {  	[dreg:$0x0] =	wrdreg $0x60  }
0xb5: {  	[dreg:$0x2] =	wrdreg s4  }
0xb6: {  	[dreg:$0x3] =	wrdreg s24  }
0xb7: {  	[dreg:$0x4] =	wrdreg s15  }
0xb8: {  	[dreg:$0x5] =	wrdreg s16  }
0xb9: {  	[dreg:$0x6] =	wrdreg $0x9  }
0xba: {  	_ =	task.clear_ibuf [dreg:s9], $0x7FFFF;
	_ =	strace $0x90000046  }
0xbb: {  	s29 =	simm.s32 $0x9;
	_ =	strace $0x80000048  }
0xbc: {  	_ =	swait.ge [sflag:s29], $0x1  }
0xbd: {  	[sflag:s29] =	ssyncadd.s32 $0xFFFFFFFF  }
0xbe: {  	_ =	strace $0x90000048  }
0xbf: {  	_ =	sfence  }
0xc0: {  	s30 =	sld [smem:$0x0];
	_ =	sdelay $0x2  }
0xc1: {  	s31 =	sshll.u32 s1, $0xD;
	s1 =	sshrl.u32 s1, $0x2  }
0xc2: {  	s3 =	sand.u32 $0x4000, s31;
	s1 =	sadd.s32 s1, s30  }
0xc3: {  	s0 =	sor.u32 s3, s0;
	s1 =	sshll.u32 s1, $0x11  }
0xc4: {  	s0 =	sor.u32 s1, s0  }
0xc5: {  	s0 =	sadd.s32 $0x8F2B, s0  }
0xc6: {  	[sflag:s0] =	ssyncadd.remote.s32 $0x1  }
0xc7: {  	_ =	sfence.sel $0xFFFF  }
0xc8: {  	[dreg:$0x0] =	wrdreg $0xFFFFFFFF;
	(pc) =	sbr.abs _section_cstart, $3  }
0xc9: {  	[dreg:$0x1] =	wrdreg $0xFFFFFFFF  }
0xca: {  	_ =	task.clear_ibuf [dreg:s9], $0x2FFFF;
	_ =	strace $0x9FFFFFFF  }
0xcb: {  	(tm) =	ssettm $0x7FFFFFFF  }
tec
execute0_lowered:
.L_overlay_start_1:
0x0: {  	(tag) =	ssettag $0x1  }
0x1: {  	s0 =	rddreg [dreg:$0x1]  }
0x2: {  	s1 =	srdreg.scid;
	s2 =	rddreg [dreg:$0x2]  }
0x3: {  	s6 =	stileid.u32;
	s3 =	rddreg [dreg:$0x3]  }
0x4: {  	s31 =	simm.s32 $0x10200;
	s4 =	sand.u32 $0x1, s1;
	s23 =	sshll.u32 s6, $0x1  }
0x5: {  	s1 =	simm.s32 $0x0;
	s6 =	sshrl.u32 s6, $0x2;
	s5 =	sor.u32 s4, s23  }
0x6: {  	s8 =	sshll.u32 s6, $0x10;
	s6 =	sshll.u32 s6, $0xA;
	s4 =	ssub.s32 $0x2, s4  }
0x7: {  	[smem:$0x7FF] =	sst s1;
	s7 =	sshll.u32 s5, $0x7;
	s25 =	sshrl.u32 s4, $0x1  }
0x8: {  	s26 =	sshll.u32 s5, $0x6;
	s5 =	sshll.u32 s5, $0x10;
	s7 =	sand.u32 $0x380, s7  }
0x9: {  	s4 =	ssub.s32 s4, s25;
	s28 =	sor.u32 $0x1000, s5;
	s29 =	sor.u32 $0x2000, s5  }
0xa: {  	s12 =	sor.u32 $0x3000, s5;
	s13 =	sor.u32 $0x4000, s5;
	s9 =	sadd.s32 s2, s28  }
0xb: {  	s17 =	sor.u32 $0x5000, s5;
	s10 =	sadd.s32 s2, s29;
	[dreg:$0x6] =	wrdreg s9  }
0xc: {  	s18 =	sor.u32 $0x6000, s5;
	s11 =	sadd.s32 s3, s29;
	[dreg:$0x8] =	wrdreg s10  }
0xd: {  	s22 =	sor.u32 $0x7000, s5;
	s14 =	sadd.s32 s2, s12;
	[dreg:$0x9] =	wrdreg s11  }
0xe: {  	s23 =	sor.u32 $0x8000, s5;
	s15 =	sadd.s32 s2, s13;
	[dreg:$0xa] =	wrdreg s14  }
0xf: {  	s8 =	sor.u32 s8, s7;
	s16 =	sadd.s32 s3, s13;
	[dreg:$0xc] =	wrdreg s15  }
0x10: {  	s6 =	sor.u32 s6, s7;
	s19 =	sadd.s32 s2, s17;
	[dreg:$0xd] =	wrdreg s16  }
0x11: {  	s20 =	sadd.s32 s2, s18;
	s21 =	sadd.s32 s3, s18;
	[dreg:$0xe] =	wrdreg s19  }
0x12: {  	s25 =	sadd.s32 s2, s23;
	s29 =	sor.u32 $0xA000, s5;
	[dreg:$0x10] =	wrdreg s20  }
0x13: {  	s13 =	sor.u32 $0xB000, s5;
	s18 =	sor.u32 $0xD000, s5;
	[dreg:$0x11] =	wrdreg s21  }
0x14: {  	s24 =	sshrl.u32 s8, $0x3;
	[dreg:$0x14] =	wrdreg s25;
	s11 =	sadd.s32 s2, s29  }
0x15: {  	s6 =	sshrl.u32 s6, $0x3;
	s15 =	sadd.s32 s2, s13;
	[dreg:$0x18] =	wrdreg s11  }
0x16: {  	s20 =	sadd.s32 s2, s18;
	s7 =	sadd.s32 s24, s0;
	[dreg:$0x1a] =	wrdreg s15  }
0x17: {  	s6 =	sadd.s32 s6, s0;
	s0 =	sadd.s32 s0, s26;
	[dreg:$0x1e] =	wrdreg s20  }
0x18: {  	s30 =	simm.s32 $0x18200;
	s24 =	sadd.s32 s2, s22;
	[dreg:$0x5] =	wrdreg s0  }
0x19: {  	s14 =	sor.u32 $0xC000, s5;
	s26 =	sadd.s32 s3, s23;
	[dreg:$0x12] =	wrdreg s24  }
0x1a: {  	s19 =	sor.u32 $0xE000, s5;
	s16 =	sadd.s32 s2, s14;
	[dreg:$0x15] =	wrdreg s26  }
0x1b: {  	s8 =	simm.s32 $0xAA00;
	s21 =	sadd.s32 s2, s19;
	[dreg:$0x1c] =	wrdreg s16  }
0x1c: {  	s23 =	sadd.s32 s2, s5;
	s15 =	simm.s32 $0xBA00;
	[smem:$0x7F5] =	sst s21  }
0x1d: {  	s20 =	simm.s32 $0xE200;
	s0 =	sadd.s32 s3, s28;
	[smem:$0x7F7] =	sst s23  }
0x1e: {  	s28 =	sor.u32 $0x9000, s5;
	s24 =	sadd.s32 s3, s5;
	[dreg:$0x7] =	wrdreg s0  }
0x1f: {  	s5 =	sor.u32 $0xF000, s5;
	s0 =	sadd.s32 s3, s12;
	[smem:$0x7F8] =	sst s24  }
0x20: {  	s26 =	sadd.s32 $0x8800, s6;
	s10 =	sadd.s32 s2, s28;
	[dreg:$0xb] =	wrdreg s0  }
0x21: {  	s6 =	simm.s32 $0x9A00;
	s12 =	sadd.s32 s3, s29;
	[dreg:$0x16] =	wrdreg s10  }
0x22: {  	s16 =	simm.s32 $0xC200;
	s2 =	sadd.s32 s2, s5;
	[dreg:$0x19] =	wrdreg s12  }
0x23: {  	s21 =	simm.s32 $0xEA00;
	s25 =	sadd.s32 s3, s5;
	[smem:$0x7F9] =	sst s2  }
0x24: {  	s23 =	simm.s32 $0xFA00;
	s0 =	sadd.s32 s3, s17;
	[smem:$0x7FA] =	sst s25  }
0x25: {  	s29 =	smax.u32 s4, $0x1;
	s17 =	sadd.s32 s3, s14;
	[dreg:$0xf] =	wrdreg s0  }
0x26: {  	s24 =	simm.s32 $0x3;
	s0 =	sadd.s32 s3, s22;
	[dreg:$0x1d] =	wrdreg s17  }
0x27: {  	s12 =	simm.s32 $0x4;
	s22 =	sadd.s32 s3, s19;
	[dreg:$0x13] =	wrdreg s0  }
0x28: {  	s2 =	simm.s32 $0x1;
	s0 =	sadd.s32 s3, s28;
	[smem:$0x7F6] =	sst s22  }
0x29: {  	s14 =	simm.s32 $0xB200;
	[dreg:$0x17] =	wrdreg s0;
	s0 =	sadd.s32 s3, s13  }
0x2a: {  	s25 =	simm.s32 $0x2;
	[dreg:$0x1b] =	wrdreg s0;
	s0 =	sadd.s32 s3, s18  }
0x2b: {  	s17 =	simm.s32 $0xCA00;
	s19 =	simm.s32 $0xDA00;
	[dreg:$0x1f] =	wrdreg s0  }
0x2c: {  	s28 =	sadd.s32 $0x800, s7;
	s7 =	simm.s32 $0xA200;
	s0 =	rddreg [dreg:$0x0]  }
0x2d: {  	s22 =	simm.s32 $0xF200;
	_ =	strace $0x80000047;
	[smem:$0x7FB] =	sst s26  }
0x2e: {  	v2 =	vlaneseq.u32;
	vm0 =	vmmov $0xffff;
	s13 =	simm.s32 $0x200;
	s3 =	simm.s32 $0x8200;
	[smem:$0x7FC] =	sst s28  }
0x2f: {  	v3 =	vimm.f32 $0.0e+00;
	v4 =	vimm.f32 $1.000000000e+00;
	v1 =	vshrl.u32 v2, $0x3;
	s18 =	simm.s32 $0xD200;
	[smem:$0x7FD] =	sst s29;
	s9 =	sadd.s32 $0x100, s0  }
0x30: {  	v0 =	vand.u32 $0x7, v2;
	v2 =	vor.u32 $0x8, v2;
	v1 =	vmul.u32 $0x8, v1;
	s10 =	sadd.s32 $0x200, s0;
	s11 =	sadd.s32 $0x300, s0;
	s26 =	simm.s32 $0x0  }
.LBB2_1:
0x31: {  	s4 =	rddreg [dreg:$0x5]  }
0x32: {  	[tilespmem:s1], [sflag:$0x4] =	stream.linear.gather [hbm4b:s4+s1], $0x200, $0x38;
	[tilespmem:$0x1A280] =	vst v63  }
0x33: {  	_ =	swait.ge [sflag:s12], $0x200  }
0x34: {  	[sflag:s12] =	ssyncset.done $0x0  }
0x35: {  	[sflag:s12] =	ssyncadd.s32 $0xFFFFFE00  }
0x36: {  	v5 =	vld [tilespmem:$0x0];
	_ =	sdelay $0x4  }
0x37: {  	v6 =	vshll.u32 v5, $0x3  }
0x38: {  	v5 =	vand.u32 $0x7, v5;
	v6 =	vand.u32 $0xFFFFFFC0, v6  }
0x39: {  	v5 =	vor.u32 v5, v6  }
0x3a: {  	v6 =	vperm.xlane v5, v0;
	_ =	sdelay $0x1  }
0x3b: {  	v6 =	vadd.s32 v1, v6;
	_ =	sdelay $0x4  }
0x3c: {  	[tilespmem:s13], [sflag:$0x1] =	stream.indirect_vreg.gather [hbm4b:s0+s1], $0x80, v6, vm0, $0xb8;
	[tilespmem:$0x1A280] =	vst v63  }
0x3d: {  	s29 =	simm.s32 $0xA00;
	v5 =	vperm.xlane v5, v2  }
0x3e: {  	[tilespmem:s29], [sflag:$0x1] =	stream.indirect_vreg.gather [hbm4b:s9+s1], $0x80, v6, vm0, $0xb8;
	[tilespmem:$0x1A280] =	vst v63  }
0x3f: {  	s5 =	simm.s32 $0x1200;
	v5 =	vadd.s32 v1, v5  }
0x40: {  	[tilespmem:s5], [sflag:$0x1] =	stream.indirect_vreg.gather [hbm4b:s10+s1], $0x80, v6, vm0, $0xb8;
	[tilespmem:$0x1A280] =	vst v63  }
0x41: {  	s28 =	simm.s32 $0x1A00  }
0x42: {  	[tilespmem:s28], [sflag:$0x1] =	stream.indirect_vreg.gather [hbm4b:s11+s1], $0x80, v6, vm0, $0xb8;
	[tilespmem:$0x1A280] =	vst v63  }
0x43: {  	s29 =	simm.s32 $0x2200  }
0x44: {  	[tilespmem:s29], [sflag:$0x1] =	stream.indirect_vreg.gather [hbm4b:s0+s1], $0x80, v5, vm0, $0xb8;
	[tilespmem:$0x1A280] =	vst v63  }
0x45: {  	s5 =	simm.s32 $0x2A00  }
0x46: {  	[tilespmem:s5], [sflag:$0x1] =	stream.indirect_vreg.gather [hbm4b:s9+s1], $0x80, v5, vm0, $0xb8;
	[tilespmem:$0x1A280] =	vst v63  }
0x47: {  	s28 =	simm.s32 $0x3200  }
0x48: {  	[tilespmem:s28], [sflag:$0x1] =	stream.indirect_vreg.gather [hbm4b:s10+s1], $0x80, v5, vm0, $0xb8;
	[tilespmem:$0x1A280] =	vst v63  }
0x49: {  	s29 =	simm.s32 $0x3A00  }
0x4a: {  	[tilespmem:s29], [sflag:$0x1] =	stream.indirect_vreg.gather [hbm4b:s11+s1], $0x80, v5, vm0, $0xb8;
	[tilespmem:$0x1A280] =	vst v63  }
0x4b: {  	v5 =	vld [tilespmem:$0x10];
	_ =	sdelay $0x4  }
0x4c: {  	v6 =	vshll.u32 v5, $0x3  }
0x4d: {  	v5 =	vand.u32 $0x7, v5;
	v6 =	vand.u32 $0xFFFFFFC0, v6  }
0x4e: {  	v5 =	vor.u32 v5, v6  }
0x4f: {  	v6 =	vperm.xlane v5, v0;
	_ =	sdelay $0x1  }
0x50: {  	v6 =	vadd.s32 v1, v6;
	_ =	sdelay $0x3  }
0x51: {  	s5 =	simm.s32 $0x4200  }
0x52: {  	[tilespmem:s5], [sflag:$0x1] =	stream.indirect_vreg.gather [hbm4b:s0+s1], $0x80, v6, vm0, $0xb8;
	[tilespmem:$0x1A280] =	vst v63  }
0x53: {  	s28 =	simm.s32 $0x4A00;
	v5 =	vperm.xlane v5, v2  }
0x54: {  	[tilespmem:s28], [sflag:$0x1] =	stream.indirect_vreg.gather [hbm4b:s9+s1], $0x80, v6, vm0, $0xb8;
	[tilespmem:$0x1A280] =	vst v63  }
0x55: {  	s29 =	simm.s32 $0x5200;
	v5 =	vadd.s32 v1, v5  }
0x56: {  	[tilespmem:s29], [sflag:$0x1] =	stream.indirect_vreg.gather [hbm4b:s10+s1], $0x80, v6, vm0, $0xb8;
	[tilespmem:$0x1A280] =	vst v63  }
0x57: {  	s5 =	simm.s32 $0x5A00  }
0x58: {  	[tilespmem:s5], [sflag:$0x1] =	stream.indirect_vreg.gather [hbm4b:s11+s1], $0x80, v6, vm0, $0xb8;
	[tilespmem:$0x1A280] =	vst v63  }
0x59: {  	s28 =	simm.s32 $0x6200  }
0x5a: {  	[tilespmem:s28], [sflag:$0x1] =	stream.indirect_vreg.gather [hbm4b:s0+s1], $0x80, v5, vm0, $0xb8;
	[tilespmem:$0x1A280] =	vst v63  }
0x5b: {  	s29 =	simm.s32 $0x6A00  }
0x5c: {  	[tilespmem:s29], [sflag:$0x1] =	stream.indirect_vreg.gather [hbm4b:s9+s1], $0x80, v5, vm0, $0xb8;
	[tilespmem:$0x1A280] =	vst v63  }
0x5d: {  	s5 =	simm.s32 $0x7200  }
0x5e: {  	[tilespmem:s5], [sflag:$0x1] =	stream.indirect_vreg.gather [hbm4b:s10+s1], $0x80, v5, vm0, $0xb8;
	[tilespmem:$0x1A280] =	vst v63  }
0x5f: {  	s28 =	simm.s32 $0x7A00;
	s29 =	sld [smem:$0x7F7]  }
0x60: {  	[tilespmem:s28], [sflag:$0x1] =	stream.indirect_vreg.gather [hbm4b:s11+s1], $0x80, v5, vm0, $0xb8;
	[tilespmem:$0x1A280] =	vst v63  }
0x61: {  	s4 =	simm.s32 $0x40;
	s5 =	simm.s32 $0x0  }
0x62: {  	[tilespmem:s31], [sflag:$0x3] =	stream.linear.gather [hbm4b:s29+s1], $0x8000, $0x38;
	[tilespmem:$0x1A280] =	vst v63  }
.LBB2_2:
0x63: {  	p0 =	sne.s32 s4, $0x7FC0;
	[tilespmem:s5+$0x18200] =	vst v3;
	s5 =	smov.u32 s4;
	s4 =	sadd.s32 $0x40, s4  }
.Ltmp0:
0x64: {  	(pc) =	sbr.rel @p0 .LBB2_2-.Ltmp0, $2  }
0x65: {  	_ =	sdelay $0x2  }
0x66: {  	s5 =	sshra.s32 s5, $0x2  }
0x67: {  	[tilespmem:s5+$0x18200] =	vst v3  }
0x68: {  	v5 =	vld [tilespmem:$0x0];
	_ =	sdelay $0x7  }
0x69: {  	[tilespmem:v5+s30+$0x0] =	vst.idx.add.f32.msk $0xffff, v4  }
0x6a: {  	v5 =	vld [tilespmem:$0x10];
	_ =	sdelay $0x7  }
0x6b: {  	[tilespmem:v5+s30+$0x0] =	vst.idx.add.f32.msk $0xffff, v4  }
0x6c: {  	v5 =	vld [tilespmem:$0x20];
	_ =	sdelay $0x7  }
0x6d: {  	[tilespmem:v5+s30+$0x0] =	vst.idx.add.f32.msk $0xffff, v4  }
0x6e: {  	v5 =	vld [tilespmem:$0x30];
	_ =	sdelay $0x7  }
0x6f: {  	[tilespmem:v5+s30+$0x0] =	vst.idx.add.f32.msk $0xffff, v4  }
0x70: {  	v5 =	vld [tilespmem:$0x40];
	_ =	sdelay $0x7  }
0x71: {  	[tilespmem:v5+s30+$0x0] =	vst.idx.add.f32.msk $0xffff, v4  }
0x72: {  	v5 =	vld [tilespmem:$0x50];
	_ =	sdelay $0x7  }
0x73: {  	[tilespmem:v5+s30+$0x0] =	vst.idx.add.f32.msk $0xffff, v4  }
0x74: {  	v5 =	vld [tilespmem:$0x60];
	_ =	sdelay $0x7  }
0x75: {  	[tilespmem:v5+s30+$0x0] =	vst.idx.add.f32.msk $0xffff, v4  }
0x76: {  	v5 =	vld [tilespmem:$0x70];
	_ =	sdelay $0x7  }
0x77: {  	[tilespmem:v5+s30+$0x0] =	vst.idx.add.f32.msk $0xffff, v4  }
0x78: {  	v5 =	vld [tilespmem:$0x80];
	_ =	sdelay $0x7  }
0x79: {  	[tilespmem:v5+s30+$0x0] =	vst.idx.add.f32.msk $0xffff, v4  }
0x7a: {  	v5 =	vld [tilespmem:$0x90];
	_ =	sdelay $0x7  }
0x7b: {  	[tilespmem:v5+s30+$0x0] =	vst.idx.add.f32.msk $0xffff, v4  }
0x7c: {  	v5 =	vld [tilespmem:$0xA0];
	_ =	sdelay $0x7  }
0x7d: {  	[tilespmem:v5+s30+$0x0] =	vst.idx.add.f32.msk $0xffff, v4  }
0x7e: {  	v5 =	vld [tilespmem:$0xB0];
	_ =	sdelay $0x7  }
0x7f: {  	[tilespmem:v5+s30+$0x0] =	vst.idx.add.f32.msk $0xffff, v4  }
0x80: {  	v5 =	vld [tilespmem:$0xC0];
	_ =	sdelay $0x7  }
0x81: {  	[tilespmem:v5+s30+$0x0] =	vst.idx.add.f32.msk $0xffff, v4  }
0x82: {  	v5 =	vld [tilespmem:$0xD0];
	_ =	sdelay $0x7  }
0x83: {  	[tilespmem:v5+s30+$0x0] =	vst.idx.add.f32.msk $0xffff, v4  }
0x84: {  	v5 =	vld [tilespmem:$0xE0];
	_ =	sdelay $0x7  }
0x85: {  	[tilespmem:v5+s30+$0x0] =	vst.idx.add.f32.msk $0xffff, v4  }
0x86: {  	v5 =	vld [tilespmem:$0xF0];
	_ =	sdelay $0x7  }
0x87: {  	[tilespmem:v5+s30+$0x0] =	vst.idx.add.f32.msk $0xffff, v4  }
0x88: {  	v5 =	vld [tilespmem:$0x100];
	_ =	sdelay $0x7  }
0x89: {  	[tilespmem:v5+s30+$0x0] =	vst.idx.add.f32.msk $0xffff, v4  }
0x8a: {  	v5 =	vld [tilespmem:$0x110];
	_ =	sdelay $0x7  }
0x8b: {  	[tilespmem:v5+s30+$0x0] =	vst.idx.add.f32.msk $0xffff, v4  }
0x8c: {  	v5 =	vld [tilespmem:$0x120];
	_ =	sdelay $0x7  }
0x8d: {  	[tilespmem:v5+s30+$0x0] =	vst.idx.add.f32.msk $0xffff, v4  }
0x8e: {  	v5 =	vld [tilespmem:$0x130];
	_ =	sdelay $0x7  }
0x8f: {  	[tilespmem:v5+s30+$0x0] =	vst.idx.add.f32.msk $0xffff, v4  }
0x90: {  	v5 =	vld [tilespmem:$0x140];
	_ =	sdelay $0x7  }
0x91: {  	[tilespmem:v5+s30+$0x0] =	vst.idx.add.f32.msk $0xffff, v4  }
0x92: {  	v5 =	vld [tilespmem:$0x150];
	_ =	sdelay $0x7  }
0x93: {  	[tilespmem:v5+s30+$0x0] =	vst.idx.add.f32.msk $0xffff, v4  }
0x94: {  	v5 =	vld [tilespmem:$0x160];
	_ =	sdelay $0x7  }
0x95: {  	[tilespmem:v5+s30+$0x0] =	vst.idx.add.f32.msk $0xffff, v4  }
0x96: {  	v5 =	vld [tilespmem:$0x170];
	_ =	sdelay $0x7  }
0x97: {  	[tilespmem:v5+s30+$0x0] =	vst.idx.add.f32.msk $0xffff, v4  }
0x98: {  	v5 =	vld [tilespmem:$0x180];
	_ =	sdelay $0x7  }
0x99: {  	[tilespmem:v5+s30+$0x0] =	vst.idx.add.f32.msk $0xffff, v4  }
0x9a: {  	v5 =	vld [tilespmem:$0x190];
	_ =	sdelay $0x7  }
0x9b: {  	[tilespmem:v5+s30+$0x0] =	vst.idx.add.f32.msk $0xffff, v4  }
0x9c: {  	v5 =	vld [tilespmem:$0x1A0];
	_ =	sdelay $0x7  }
0x9d: {  	[tilespmem:v5+s30+$0x0] =	vst.idx.add.f32.msk $0xffff, v4  }
0x9e: {  	v5 =	vld [tilespmem:$0x1B0];
	_ =	sdelay $0x7  }
0x9f: {  	[tilespmem:v5+s30+$0x0] =	vst.idx.add.f32.msk $0xffff, v4  }
0xa0: {  	v5 =	vld [tilespmem:$0x1C0];
	_ =	sdelay $0x7  }
0xa1: {  	[tilespmem:v5+s30+$0x0] =	vst.idx.add.f32.msk $0xffff, v4  }
0xa2: {  	v5 =	vld [tilespmem:$0x1D0];
	_ =	sdelay $0x7  }
0xa3: {  	[tilespmem:v5+s30+$0x0] =	vst.idx.add.f32.msk $0xffff, v4  }
0xa4: {  	v5 =	vld [tilespmem:$0x1E0];
	_ =	sdelay $0x7  }
0xa5: {  	[tilespmem:v5+s30+$0x0] =	vst.idx.add.f32.msk $0xffff, v4  }
0xa6: {  	v5 =	vld [tilespmem:$0x1F0];
	_ =	sdelay $0x7  }
0xa7: {  	[tilespmem:v5+s30+$0x0] =	vst.idx.add.f32.msk $0xffff, v4  }
0xa8: {  	_ =	swait.ge [sflag:s2], $0x8000  }
0xa9: {  	[sflag:s2] =	ssyncset.done $0x0  }
0xaa: {  	[sflag:s2] =	ssyncadd.s32 $0xFFFF8000  }
0xab: {  	v5 =	vld [tilespmem:$0x20];
	_ =	sdelay $0x4  }
0xac: {  	v6 =	vshll.u32 v5, $0x3  }
0xad: {  	v5 =	vand.u32 $0x7, v5;
	v6 =	vand.u32 $0xFFFFFFC0, v6  }
0xae: {  	v5 =	vor.u32 v5, v6  }
0xaf: {  	v6 =	vperm.xlane v5, v0;
	_ =	sdelay $0x1  }
0xb0: {  	v6 =	vadd.s32 v1, v6;
	_ =	sdelay $0x3  }
0xb1: {  	s28 =	simm.s32 $0x0  }
0xb2: {  	[tilespmem:s3], [sflag:$0x2] =	stream.indirect_vreg.gather [hbm4b:s0+s28], $0x80, v6, vm0, $0xb8;
	[tilespmem:$0x1A280] =	vst v63  }
0xb3: {  	s4 =	simm.s32 $0x8A00;
	v5 =	vperm.xlane v5, v2  }
0xb4: {  	[tilespmem:s4], [sflag:$0x2] =	stream.indirect_vreg.gather [hbm4b:s9+s28], $0x80, v6, vm0, $0xb8;
	[tilespmem:$0x1A280] =	vst v63  }
0xb5: {  	s5 =	simm.s32 $0x9200;
	v5 =	vadd.s32 v1, v5  }
0xb6: {  	[tilespmem:s5], [sflag:$0x2] =	stream.indirect_vreg.gather [hbm4b:s10+s28], $0x80, v6, vm0, $0xb8;
	[tilespmem:$0x1A280] =	vst v63  }
0xb7: {  	_ = 	snop  }
0xb8: {  	[tilespmem:s6], [sflag:$0x2] =	stream.indirect_vreg.gather [hbm4b:s11+s28], $0x80, v6, vm0, $0xb8;
	[tilespmem:$0x1A280] =	vst v63  }
0xb9: {  	_ = 	snop  }
0xba: {  	[tilespmem:s7], [sflag:$0x2] =	stream.indirect_vreg.gather [hbm4b:s0+s28], $0x80, v5, vm0, $0xb8;
	[tilespmem:$0x1A280] =	vst v63  }
0xbb: {  	_ = 	snop  }
0xbc: {  	[tilespmem:s8], [sflag:$0x2] =	stream.indirect_vreg.gather [hbm4b:s9+s28], $0x80, v5, vm0, $0xb8;
	[tilespmem:$0x1A280] =	vst v63  }
0xbd: {  	_ = 	snop  }
0xbe: {  	[tilespmem:s14], [sflag:$0x2] =	stream.indirect_vreg.gather [hbm4b:s10+s28], $0x80, v5, vm0, $0xb8;
	[tilespmem:$0x1A280] =	vst v63  }
0xbf: {  	_ = 	snop  }
0xc0: {  	[tilespmem:s15], [sflag:$0x2] =	stream.indirect_vreg.gather [hbm4b:s11+s28], $0x80, v5, vm0, $0xb8;
	[tilespmem:$0x1A280] =	vst v63  }
0xc1: {  	v5 =	vld [tilespmem:$0x30];
	_ =	sdelay $0x4  }
0xc2: {  	v6 =	vshll.u32 v5, $0x3  }
0xc3: {  	v5 =	vand.u32 $0x7, v5;
	v6 =	vand.u32 $0xFFFFFFC0, v6  }
0xc4: {  	v5 =	vor.u32 v5, v6  }
0xc5: {  	v6 =	vperm.xlane v5, v0;
	_ =	sdelay $0x1  }
0xc6: {  	v6 =	vadd.s32 v1, v6;
	_ =	sdelay $0x4  }
0xc7: {  	[tilespmem:s16], [sflag:$0x2] =	stream.indirect_vreg.gather [hbm4b:s0+s28], $0x80, v6, vm0, $0xb8;
	[tilespmem:$0x1A280] =	vst v63  }
0xc8: {  	v5 =	vperm.xlane v5, v2  }
0xc9: {  	[tilespmem:s17], [sflag:$0x2] =	stream.indirect_vreg.gather [hbm4b:s9+s28], $0x80, v6, vm0, $0xb8;
	[tilespmem:$0x1A280] =	vst v63  }
0xca: {  	v5 =	vadd.s32 v1, v5  }
0xcb: {  	[tilespmem:s18], [sflag:$0x2] =	stream.indirect_vreg.gather [hbm4b:s10+s28], $0x80, v6, vm0, $0xb8;
	[tilespmem:$0x1A280] =	vst v63  }
0xcc: {  	_ = 	snop  }
0xcd: {  	[tilespmem:s19], [sflag:$0x2] =	stream.indirect_vreg.gather [hbm4b:s11+s28], $0x80, v6, vm0, $0xb8;
	[tilespmem:$0x1A280] =	vst v63  }
0xce: {  	_ = 	snop  }
0xcf: {  	[tilespmem:s20], [sflag:$0x2] =	stream.indirect_vreg.gather [hbm4b:s0+s28], $0x80, v5, vm0, $0xb8;
	[tilespmem:$0x1A280] =	vst v63  }
0xd0: {  	_ = 	snop  }
0xd1: {  	[tilespmem:s21], [sflag:$0x2] =	stream.indirect_vreg.gather [hbm4b:s9+s28], $0x80, v5, vm0, $0xb8;
	[tilespmem:$0x1A280] =	vst v63  }
0xd2: {  	_ = 	snop  }
0xd3: {  	[tilespmem:s22], [sflag:$0x2] =	stream.indirect_vreg.gather [hbm4b:s10+s28], $0x80, v5, vm0, $0xb8;
	[tilespmem:$0x1A280] =	vst v63  }
0xd4: {  	s5 =	sld [smem:$0x7F8]  }
0xd5: {  	[tilespmem:s23], [sflag:$0x2] =	stream.indirect_vreg.gather [hbm4b:s11+s28], $0x80, v5, vm0, $0xb8;
	[tilespmem:$0x1A280] =	vst v63  }
0xd6: {  	_ = 	snop  }
0xd7: {  	[hbm4b:s5+s28] =	stream.linear.scatter [tilespmem:s13], [sflag:$0x4], $0x8000, $0x38;
	[tilespmem:$0x1A280] =	vst v63  }
0xd8: {  	_ =	swait.ge [sflag:s12], $0x8000  }
0xd9: {  	[sflag:s12] =	ssyncset.done $0x0  }
0xda: {  	[sflag:s12] =	ssyncadd.s32 $0xFFFF8000  }
0xdb: {  	_ =	swait.ge [sflag:s24], $0x8000  }
0xdc: {  	[sflag:s24] =	ssyncset.done $0x0  }
0xdd: {  	s29 =	simm.s32 $0x0;
	v5 =	vimm.f32 $0.0e+00;
	[sflag:s24] =	ssyncadd.s32 $0xFFFF8000  }
.LBB2_4:
0xde: {  	s4 =	sshll.u32 s29, $0xC;
	s5 =	sand.u32 $0x7, s28  }
0xdf: {  	s4 =	sand.u32 $0xFFFF8000, s4;
	s5 =	sshll.u32 s5, $0x9  }
0xe0: {  	s4 =	sor.u32 s5, s4  }
0xe1: {  	s4 =	sshrl.u32 s4, $0x2  }
0xe2: {  	s5 =	sadd.s32 $0x240, s4  }
0xe3: {  	s4 =	sadd.s32 $0x10270, s4;
	v7 =	vmov s5  }
0xe4: {  	v6 =	vmov s4;
	_ =	sdelay $0x2  }
0xe5: {  	s5 =	simm.s32 $0x0  }
0xe6: {  	v8 =	vld.idx.msk [tilespmem:v7+s5+$0xFFFFFFC0 ss:$0x1], $0xffff  }
0xe7: {  	v9 =	vld.idx.msk [tilespmem:v6+s5+$0xFFFFFF90 ss:$0x1], $0xffff  }
0xe8: {  	v10 =	vld.idx.msk [tilespmem:v7+s5+$0xFFFFFFD0 ss:$0x1], $0xffff  }
0xe9: {  	v11 =	vld.idx.msk [tilespmem:v6+s5+$0xFFFFFFA0 ss:$0x1], $0xffff  }
0xea: {  	v12 =	vld.idx.msk [tilespmem:v7+s5+$0xFFFFFFE0 ss:$0x1], $0xffff  }
0xeb: {  	v13 =	vld.idx.msk [tilespmem:v6+s5+$0xFFFFFFB0 ss:$0x1], $0xffff  }
0xec: {  	v14 =	vld.idx.msk [tilespmem:v7+s5+$0xFFFFFFF0 ss:$0x1], $0xffff  }
0xed: {  	v15 =	vld.idx.msk [tilespmem:v6+s5+$0xFFFFFFC0 ss:$0x1], $0xffff;
	v8 =	vsub.f32 v8, v9  }
0xee: {  	v16 =	vld.idx.msk [tilespmem:v7+s5+$0x0 ss:$0x1], $0xffff  }
0xef: {  	v17 =	vld.idx.msk [tilespmem:v6+s5+$0xFFFFFFD0 ss:$0x1], $0xffff;
	v11 =	vsub.f32 v10, v11;
	v9 =	vmul.f32 v8, v8  }
0xf0: {  	v10 =	vld.idx.msk [tilespmem:v6+s5+$0xFFFFFFE0 ss:$0x1], $0xffff  }
0xf1: {  	v12 =	vsub.f32 v12, v13;
	v8 =	vld.idx.msk [tilespmem:v7+s5+$0x10 ss:$0x1], $0xffff;
	v18 =	vmul.f32 v11, v11;
	v9 =	vadd.f32 v9, v5  }
0xf2: {  	v11 =	vld.idx.msk [tilespmem:v6+s5+$0xFFFFFFF0 ss:$0x1], $0xffff  }
0xf3: {  	v15 =	vsub.f32 v14, v15;
	v5 =	vld.idx.msk [tilespmem:v7+s5+$0x20 ss:$0x1], $0xffff;
	v13 =	vadd.f32 v18, v9;
	v18 =	vmul.f32 v12, v12  }
0xf4: {  	v9 =	vld.idx.msk [tilespmem:v7+s5+$0x30 ss:$0x1], $0xffff  }
0xf5: {  	s4 =	simm.s32 $0x400;
	v16 =	vsub.f32 v16, v17;
	v15 =	vmul.f32 v15, v15;
	v12 =	vld.idx.msk [tilespmem:v6+s5+$0x0 ss:$0x1], $0xffff;
	v14 =	vadd.f32 v18, v13  }
0xf6: {  	s5 =	simm.s32 $0x2000;
	v13 =	vld.idx.msk [tilespmem:v7+s4+$0xFFFFFFC0 ss:$0x1], $0xffff  }
.LBB2_5:
0xf7: {  	p0 =	sne.s32 s5, $0x7000;
	v17 =	vld.idx.msk [tilespmem:v6+s4+$0xFFFFFF90 ss:$0x1], $0xffff;
	v14 =	vadd.f32 v15, v14;
	v15 =	vmul.f32 v16, v16;
	v8 =	vsub.f32 v8, v10  }
0xf8: {  	v10 =	vld.idx.msk [tilespmem:v7+s4+$0xFFFFFFD0 ss:$0x1], $0xffff  }
0xf9: {  	v5 =	vsub.f32 v5, v11;
	v16 =	vld.idx.msk [tilespmem:v6+s4+$0xFFFFFFA0 ss:$0x1], $0xffff;
	v14 =	vadd.f32 v15, v14;
	v8 =	vmul.f32 v8, v8  }
0xfa: {  	v11 =	vld.idx.msk [tilespmem:v7+s4+$0xFFFFFFE0 ss:$0x1], $0xffff  }
0xfb: {  	v5 =	vmul.f32 v5, v5;
	v9 =	vsub.f32 v9, v12;
	v15 =	vld.idx.msk [tilespmem:v6+s4+$0xFFFFFFB0 ss:$0x1], $0xffff;
	v8 =	vadd.f32 v8, v14  }
0xfc: {  	v12 =	vld.idx.msk [tilespmem:v7+s4+$0xFFFFFFF0 ss:$0x1], $0xffff  }
0xfd: {  	v13 =	vsub.f32 v13, v17;
	v14 =	vld.idx.msk [tilespmem:v6+s4+$0xFFFFFFC0 ss:$0x1], $0xffff;
	v5 =	vadd.f32 v5, v8;
	v8 =	vmul.f32 v9, v9  }
0xfe: {  	v17 =	vld.idx.msk [tilespmem:v7+s4+$0x0 ss:$0x1], $0xffff  }
0xff: {  	v9 =	vmul.f32 v13, v13;
	v10 =	vsub.f32 v10, v16;
	v13 =	vld.idx.msk [tilespmem:v6+s4+$0xFFFFFFD0 ss:$0x1], $0xffff;
	v5 =	vadd.f32 v8, v5  }
0x100: {  	v8 =	vld.idx.msk [tilespmem:v7+s4+$0x10 ss:$0x1], $0xffff  }
0x101: {  	v16 =	vmul.f32 v10, v10;
	v11 =	vsub.f32 v11, v15;
	v9 =	vadd.f32 v9, v5;
	v10 =	vld.idx.msk [tilespmem:v6+s4+$0xFFFFFFE0 ss:$0x1], $0xffff  }
.Ltmp1:
0x102: {  	v5 =	vld.idx.msk [tilespmem:v7+s4+$0x20 ss:$0x1], $0xffff;
	(pc) =	sbr.rel @p0 .LBB2_5-.Ltmp1, $4  }
0x103: {  	v12 =	vsub.f32 v12, v14;
	v15 =	vadd.f32 v16, v9;
	v16 =	vmul.f32 v11, v11;
	v11 =	vld.idx.msk [tilespmem:v6+s4+$0xFFFFFFF0 ss:$0x1], $0xffff  }
0x104: {  	v9 =	vld.idx.msk [tilespmem:v7+s4+$0x30 ss:$0x1], $0xffff  }
0x105: {  	v14 =	vadd.f32 v16, v15;
	v15 =	vmul.f32 v12, v12;
	v16 =	vsub.f32 v17, v13;
	v12 =	vld.idx.msk [tilespmem:v6+s4+$0x0 ss:$0x1], $0xffff;
	s4 =	sshra.s32 s5, $0x2  }
0x106: {  	s5 =	sadd.s32 $0x1000, s5;
	v13 =	vld.idx.msk [tilespmem:v7+s4+$0xFFFFFFC0 ss:$0x1], $0xffff  }
0x107: {  	_ =	sdelay $0x2  }
0x108: {  	v14 =	vadd.f32 v15, v14;
	v42 =	vmul.f32 v16, v16;
	v8 =	vsub.f32 v8, v10  }
0x109: {  	v43 =	vld.idx.msk [tilespmem:v6+s4+$0xFFFFFF90 ss:$0x1], $0xffff  }
0x10a: {  	v44 =	vld.idx.msk [tilespmem:v7+s4+$0xFFFFFFD0 ss:$0x1], $0xffff;
	v5 =	vsub.f32 v5, v11;
	v14 =	vadd.f32 v42, v14;
	v8 =	vmul.f32 v8, v8  }
0x10b: {  	v45 =	vld.idx.msk [tilespmem:v6+s4+$0xFFFFFFA0 ss:$0x1], $0xffff  }
0x10c: {  	v46 =	vld.idx.msk [tilespmem:v7+s4+$0xFFFFFFE0 ss:$0x1], $0xffff;
	v5 =	vmul.f32 v5, v5;
	v9 =	vsub.f32 v9, v12;
	v8 =	vadd.f32 v8, v14  }
0x10d: {  	v47 =	vld.idx.msk [tilespmem:v6+s4+$0xFFFFFFB0 ss:$0x1], $0xffff  }
0x10e: {  	v48 =	vld.idx.msk [tilespmem:v7+s4+$0xFFFFFFF0 ss:$0x1], $0xffff;
	v10 =	vsub.f32 v13, v43;
	v49 =	vmul.f32 v9, v9;
	v5 =	vadd.f32 v5, v8  }
0x10f: {  	v50 =	vld.idx.msk [tilespmem:v6+s4+$0xFFFFFFC0 ss:$0x1], $0xffff  }
0x110: {  	v51 =	vld.idx.msk [tilespmem:v7+s4+$0x0 ss:$0x1], $0xffff;
	v11 =	vsub.f32 v44, v45;
	v10 =	vmul.f32 v10, v10;
	v5 =	vadd.f32 v49, v5  }
0x111: {  	v52 =	vld.idx.msk [tilespmem:v6+s4+$0xFFFFFFD0 ss:$0x1], $0xffff  }
0x112: {  	v53 =	vld.idx.msk [tilespmem:v7+s4+$0x10 ss:$0x1], $0xffff;
	v55 =	vsub.f32 v46, v47;
	v54 =	vmul.f32 v11, v11;
	v5 =	vadd.f32 v10, v5  }
0x113: {  	v56 =	vld.idx.msk [tilespmem:v6+s4+$0xFFFFFFE0 ss:$0x1], $0xffff  }
0x114: {  	v57 =	vld.idx.msk [tilespmem:v7+s4+$0x20 ss:$0x1], $0xffff;
	v9 =	vsub.f32 v48, v50;
	v58 =	vmul.f32 v55, v55;
	v5 =	vadd.f32 v54, v5  }
0x115: {  	v59 =	vld.idx.msk [tilespmem:v6+s4+$0xFFFFFFF0 ss:$0x1], $0xffff  }
0x116: {  	v7 =	vld.idx.msk [tilespmem:v7+s4+$0x30 ss:$0x1], $0xffff;
	v8 =	vsub.f32 v51, v52;
	v9 =	vmul.f32 v9, v9;
	v5 =	vadd.f32 v58, v5  }
0x117: {  	v6 =	vld.idx.msk [tilespmem:v6+s4+$0x0 ss:$0x1], $0xffff  }
0x118: {  	v60 =	vsub.f32 v53, v56;
	v8 =	vmul.f32 v8, v8;
	v5 =	vadd.f32 v9, v5;
	_ =	sdelay $0x1  }
0x119: {  	s29 =	sadd.s32 $0x1, s29;
	v62 =	vsub.f32 v57, v59;
	v61 =	vmul.f32 v60, v60;
	v5 =	vadd.f32 v8, v5  }
0x11a: {  	p0 =	sne.s32 s29, $0x20  }
.Ltmp2:
0x11b: {  	v6 =	vsub.f32 v7, v6;
	v63 =	vmul.f32 v62, v62;
	v5 =	vadd.f32 v61, v5;
	(pc) =	sbr.rel @p0 .LBB2_4-.Ltmp2, $3  }
0x11c: {  	_ = 	snop  }
0x11d: {  	v6 =	vmul.f32 v6, v6;
	v5 =	vadd.f32 v63, v5;
	_ =	sdelay $0x1  }
0x11e: {  	s28 =	sadd.s32 $0x1, s28;
	v5 =	vadd.f32 v6, v5  }
0x11f: {  	s28 =	simm.s32 $0x0;
	s4 =	rddreg [dreg:$0x6]  }
0x120: {  	[tilespmem:s31], [sflag:$0x3] =	stream.linear.gather [hbm4b:s4+s28], $0x8000, $0x38;
	[tilespmem:$0x1A280] =	vst v63  }
0x121: {  	_ =	swait.ge [sflag:s25], $0x8000  }
0x122: {  	[sflag:s25] =	ssyncset.done $0x0  }
0x123: {  	[sflag:s25] =	ssyncadd.s32 $0xFFFF8000  }
0x124: {  	v6 =	vld [tilespmem:$0x40];
	_ =	sdelay $0x4  }
0x125: {  	v7 =	vshll.u32 v6, $0x3  }
0x126: {  	v6 =	vand.u32 $0x7, v6;
	v7 =	vand.u32 $0xFFFFFFC0, v7  }
0x127: {  	v6 =	vor.u32 v6, v7  }
0x128: {  	v7 =	vperm.xlane v6, v0;
	_ =	sdelay $0x1  }
0x129: {  	v7 =	vadd.s32 v1, v7;
	_ =	sdelay $0x4  }
0x12a: {  	[tilespmem:s13], [sflag:$0x1] =	stream.indirect_vreg.gather [hbm4b:s0+s28], $0x80, v7, vm0, $0xb8;
	[tilespmem:$0x1A280] =	vst v63  }
0x12b: {  	s5 =	simm.s32 $0xA00;
	v6 =	vperm.xlane v6, v2  }
0x12c: {  	[tilespmem:s5], [sflag:$0x1] =	stream.indirect_vreg.gather [hbm4b:s9+s28], $0x80, v7, vm0, $0xb8;
	[tilespmem:$0x1A280] =	vst v63  }
0x12d: {  	v6 =	vadd.s32 v1, v6;
	s5 =	simm.s32 $0x1200  }
0x12e: {  	[tilespmem:s5], [sflag:$0x1] =	stream.indirect_vreg.gather [hbm4b:s10+s28], $0x80, v7, vm0, $0xb8;
	[tilespmem:$0x1A280] =	vst v63  }
0x12f: {  	s5 =	simm.s32 $0x1A00  }
0x130: {  	[tilespmem:s5], [sflag:$0x1] =	stream.indirect_vreg.gather [hbm4b:s11+s28], $0x80, v7, vm0, $0xb8;
	[tilespmem:$0x1A280] =	vst v63  }
0x131: {  	s5 =	simm.s32 $0x2200  }
0x132: {  	[tilespmem:s5], [sflag:$0x1] =	stream.indirect_vreg.gather [hbm4b:s0+s28], $0x80, v6, vm0, $0xb8;
	[tilespmem:$0x1A280] =	vst v63  }
0x133: {  	s5 =	simm.s32 $0x2A00  }
0x134: {  	[tilespmem:s5], [sflag:$0x1] =	stream.indirect_vreg.gather [hbm4b:s9+s28], $0x80, v6, vm0, $0xb8;
	[tilespmem:$0x1A280] =	vst v63  }
0x135: {  	s5 =	simm.s32 $0x3200  }
0x136: {  	[tilespmem:s5], [sflag:$0x1] =	stream.indirect_vreg.gather [hbm4b:s10+s28], $0x80, v6, vm0, $0xb8;
	[tilespmem:$0x1A280] =	vst v63  }
0x137: {  	s5 =	simm.s32 $0x3A00  }
0x138: {  	[tilespmem:s5], [sflag:$0x1] =	stream.indirect_vreg.gather [hbm4b:s11+s28], $0x80, v6, vm0, $0xb8;
	[tilespmem:$0x1A280] =	vst v63  }
0x139: {  	v6 =	vld [tilespmem:$0x50];
	_ =	sdelay $0x4  }
0x13a: {  	v7 =	vshll.u32 v6, $0x3  }
0x13b: {  	v6 =	vand.u32 $0x7, v6;
	v7 =	vand.u32 $0xFFFFFFC0, v7  }
0x13c: {  	v6 =	vor.u32 v6, v7  }
0x13d: {  	v7 =	vperm.xlane v6, v0;
	_ =	sdelay $0x1  }
0x13e: {  	v7 =	vadd.s32 v1, v7;
	_ =	sdelay $0x3  }
0x13f: {  	s5 =	simm.s32 $0x4200  }
0x140: {  	[tilespmem:s5], [sflag:$0x1] =	stream.indirect_vreg.gather [hbm4b:s0+s28], $0x80, v7, vm0, $0xb8;
	[tilespmem:$0x1A280] =	vst v63  }
0x141: {  	v6 =	vperm.xlane v6, v2;
	s5 =	simm.s32 $0x4A00  }
0x142: {  	[tilespmem:s5], [sflag:$0x1] =	stream.indirect_vreg.gather [hbm4b:s9+s28], $0x80, v7, vm0, $0xb8;
	[tilespmem:$0x1A280] =	vst v63  }
0x143: {  	v6 =	vadd.s32 v1, v6;
	s5 =	simm.s32 $0x5200  }
0x144: {  	[tilespmem:s5], [sflag:$0x1] =	stream.indirect_vreg.gather [hbm4b:s10+s28], $0x80, v7, vm0, $0xb8;
	[tilespmem:$0x1A280] =	vst v63  }
0x145: {  	s5 =	simm.s32 $0x5A00  }
0x146: {  	[tilespmem:s5], [sflag:$0x1] =	stream.indirect_vreg.gather [hbm4b:s11+s28], $0x80, v7, vm0, $0xb8;
	[tilespmem:$0x1A280] =	vst v63  }
0x147: {  	s5 =	simm.s32 $0x6200  }
0x148: {  	[tilespmem:s5], [sflag:$0x1] =	stream.indirect_vreg.gather [hbm4b:s0+s28], $0x80, v6, vm0, $0xb8;
	[tilespmem:$0x1A280] =	vst v63  }
0x149: {  	s5 =	simm.s32 $0x6A00  }
0x14a: {  	[tilespmem:s5], [sflag:$0x1] =	stream.indirect_vreg.gather [hbm4b:s9+s28], $0x80, v6, vm0, $0xb8;
	[tilespmem:$0x1A280] =	vst v63  }
0x14b: {  	s5 =	simm.s32 $0x7200  }
0x14c: {  	[tilespmem:s5], [sflag:$0x1] =	stream.indirect_vreg.gather [hbm4b:s10+s28], $0x80, v6, vm0, $0xb8;
	[tilespmem:$0x1A280] =	vst v63  }
0x14d: {  	s5 =	simm.s32 $0x7A00  }
0x14e: {  	[tilespmem:s5], [sflag:$0x1] =	stream.indirect_vreg.gather [hbm4b:s11+s28], $0x80, v6, vm0, $0xb8;
	[tilespmem:$0x1A280] =	vst v63  }
0x14f: {  	s5 =	rddreg [dreg:$0x7]  }
0x150: {  	[hbm4b:s5+s28] =	stream.linear.scatter [tilespmem:s3], [sflag:$0x4], $0x8000, $0x38;
	[tilespmem:$0x1A280] =	vst v63  }
0x151: {  	_ =	swait.ge [sflag:s12], $0x8000  }
0x152: {  	[sflag:s12] =	ssyncset.done $0x0  }
0x153: {  	[sflag:s12] =	ssyncadd.s32 $0xFFFF8000  }
0x154: {  	_ =	swait.ge [sflag:s24], $0x8000  }
0x155: {  	[sflag:s24] =	ssyncset.done $0x0  }
0x156: {  	s29 =	simm.s32 $0x0;
	[sflag:s24] =	ssyncadd.s32 $0xFFFF8000  }
.LBB2_8:
0x157: {  	s4 =	sshll.u32 s29, $0xC;
	s5 =	sand.u32 $0x7, s28  }
0x158: {  	s4 =	sand.u32 $0xFFFF8000, s4;
	s5 =	sshll.u32 s5, $0x9  }
0x159: {  	s4 =	sor.u32 s5, s4  }
0x15a: {  	s4 =	sshrl.u32 s4, $0x2  }
0x15b: {  	s5 =	sadd.s32 $0x8240, s4  }
0x15c: {  	s4 =	sadd.s32 $0x10270, s4;
	v7 =	vmov s5  }
0x15d: {  	v6 =	vmov s4;
	_ =	sdelay $0x2  }
0x15e: {  	s5 =	simm.s32 $0x0  }
0x15f: {  	v8 =	vld.idx.msk [tilespmem:v7+s5+$0xFFFFFFC0 ss:$0x1], $0xffff  }
0x160: {  	v9 =	vld.idx.msk [tilespmem:v6+s5+$0xFFFFFF90 ss:$0x1], $0xffff  }
0x161: {  	v10 =	vld.idx.msk [tilespmem:v7+s5+$0xFFFFFFD0 ss:$0x1], $0xffff  }
0x162: {  	v11 =	vld.idx.msk [tilespmem:v6+s5+$0xFFFFFFA0 ss:$0x1], $0xffff  }
0x163: {  	v12 =	vld.idx.msk [tilespmem:v7+s5+$0xFFFFFFE0 ss:$0x1], $0xffff  }
0x164: {  	v13 =	vld.idx.msk [tilespmem:v6+s5+$0xFFFFFFB0 ss:$0x1], $0xffff  }
0x165: {  	v14 =	vld.idx.msk [tilespmem:v7+s5+$0xFFFFFFF0 ss:$0x1], $0xffff  }
0x166: {  	v15 =	vld.idx.msk [tilespmem:v6+s5+$0xFFFFFFC0 ss:$0x1], $0xffff;
	v8 =	vsub.f32 v8, v9  }
0x167: {  	v16 =	vld.idx.msk [tilespmem:v7+s5+$0x0 ss:$0x1], $0xffff  }
0x168: {  	v17 =	vld.idx.msk [tilespmem:v6+s5+$0xFFFFFFD0 ss:$0x1], $0xffff;
	v11 =	vsub.f32 v10, v11;
	v9 =	vmul.f32 v8, v8  }
0x169: {  	v10 =	vld.idx.msk [tilespmem:v6+s5+$0xFFFFFFE0 ss:$0x1], $0xffff  }
0x16a: {  	v12 =	vsub.f32 v12, v13;
	v8 =	vld.idx.msk [tilespmem:v7+s5+$0x10 ss:$0x1], $0xffff;
	v18 =	vmul.f32 v11, v11;
	v9 =	vadd.f32 v9, v5  }
0x16b: {  	v11 =	vld.idx.msk [tilespmem:v6+s5+$0xFFFFFFF0 ss:$0x1], $0xffff  }
0x16c: {  	v15 =	vsub.f32 v14, v15;
	v5 =	vld.idx.msk [tilespmem:v7+s5+$0x20 ss:$0x1], $0xffff;
	v13 =	vadd.f32 v18, v9;
	v18 =	vmul.f32 v12, v12  }
0x16d: {  	v9 =	vld.idx.msk [tilespmem:v7+s5+$0x30 ss:$0x1], $0xffff  }
0x16e: {  	s4 =	simm.s32 $0x400;
	v16 =	vsub.f32 v16, v17;
	v15 =	vmul.f32 v15, v15;
	v12 =	vld.idx.msk [tilespmem:v6+s5+$0x0 ss:$0x1], $0xffff;
	v14 =	vadd.f32 v18, v13  }
0x16f: {  	s5 =	simm.s32 $0x2000;
	v13 =	vld.idx.msk [tilespmem:v7+s4+$0xFFFFFFC0 ss:$0x1], $0xffff  }
.LBB2_9:
0x170: {  	p0 =	sne.s32 s5, $0x7000;
	v17 =	vld.idx.msk [tilespmem:v6+s4+$0xFFFFFF90 ss:$0x1], $0xffff;
	v14 =	vadd.f32 v15, v14;
	v15 =	vmul.f32 v16, v16;
	v8 =	vsub.f32 v8, v10  }
0x171: {  	v10 =	vld.idx.msk [tilespmem:v7+s4+$0xFFFFFFD0 ss:$0x1], $0xffff  }
0x172: {  	v5 =	vsub.f32 v5, v11;
	v16 =	vld.idx.msk [tilespmem:v6+s4+$0xFFFFFFA0 ss:$0x1], $0xffff;
	v14 =	vadd.f32 v15, v14;
	v8 =	vmul.f32 v8, v8  }
0x173: {  	v11 =	vld.idx.msk [tilespmem:v7+s4+$0xFFFFFFE0 ss:$0x1], $0xffff  }
0x174: {  	v5 =	vmul.f32 v5, v5;
	v9 =	vsub.f32 v9, v12;
	v15 =	vld.idx.msk [tilespmem:v6+s4+$0xFFFFFFB0 ss:$0x1], $0xffff;
	v8 =	vadd.f32 v8, v14  }
0x175: {  	v12 =	vld.idx.msk [tilespmem:v7+s4+$0xFFFFFFF0 ss:$0x1], $0xffff  }
0x176: {  	v13 =	vsub.f32 v13, v17;
	v14 =	vld.idx.msk [tilespmem:v6+s4+$0xFFFFFFC0 ss:$0x1], $0xffff;
	v5 =	vadd.f32 v5, v8;
	v8 =	vmul.f32 v9, v9  }
0x177: {  	v17 =	vld.idx.msk [tilespmem:v7+s4+$0x0 ss:$0x1], $0xffff  }
0x178: {  	v9 =	vmul.f32 v13, v13;
	v10 =	vsub.f32 v10, v16;
	v13 =	vld.idx.msk [tilespmem:v6+s4+$0xFFFFFFD0 ss:$0x1], $0xffff;
	v5 =	vadd.f32 v8, v5  }
0x179: {  	v8 =	vld.idx.msk [tilespmem:v7+s4+$0x10 ss:$0x1], $0xffff  }
0x17a: {  	v16 =	vmul.f32 v10, v10;
	v11 =	vsub.f32 v11, v15;
	v9 =	vadd.f32 v9, v5;
	v10 =	vld.idx.msk [tilespmem:v6+s4+$0xFFFFFFE0 ss:$0x1], $0xffff  }
.Ltmp3:
0x17b: {  	v5 =	vld.idx.msk [tilespmem:v7+s4+$0x20 ss:$0x1], $0xffff;
	(pc) =	sbr.rel @p0 .LBB2_9-.Ltmp3, $4  }
0x17c: {  	v12 =	vsub.f32 v12, v14;
	v15 =	vadd.f32 v16, v9;
	v16 =	vmul.f32 v11, v11;
	v11 =	vld.idx.msk [tilespmem:v6+s4+$0xFFFFFFF0 ss:$0x1], $0xffff  }
0x17d: {  	v9 =	vld.idx.msk [tilespmem:v7+s4+$0x30 ss:$0x1], $0xffff  }
0x17e: {  	v14 =	vadd.f32 v16, v15;
	v15 =	vmul.f32 v12, v12;
	v16 =	vsub.f32 v17, v13;
	v12 =	vld.idx.msk [tilespmem:v6+s4+$0x0 ss:$0x1], $0xffff;
	s4 =	sshra.s32 s5, $0x2  }
0x17f: {  	s5 =	sadd.s32 $0x1000, s5;
	v13 =	vld.idx.msk [tilespmem:v7+s4+$0xFFFFFFC0 ss:$0x1], $0xffff  }
0x180: {  	_ =	sdelay $0x2  }
0x181: {  	v14 =	vadd.f32 v15, v14;
	v42 =	vmul.f32 v16, v16;
	v8 =	vsub.f32 v8, v10  }
0x182: {  	v43 =	vld.idx.msk [tilespmem:v6+s4+$0xFFFFFF90 ss:$0x1], $0xffff  }
0x183: {  	v44 =	vld.idx.msk [tilespmem:v7+s4+$0xFFFFFFD0 ss:$0x1], $0xffff;
	v5 =	vsub.f32 v5, v11;
	v14 =	vadd.f32 v42, v14;
	v8 =	vmul.f32 v8, v8  }
0x184: {  	v45 =	vld.idx.msk [tilespmem:v6+s4+$0xFFFFFFA0 ss:$0x1], $0xffff  }
0x185: {  	v46 =	vld.idx.msk [tilespmem:v7+s4+$0xFFFFFFE0 ss:$0x1], $0xffff;
	v5 =	vmul.f32 v5, v5;
	v9 =	vsub.f32 v9, v12;
	v8 =	vadd.f32 v8, v14  }
0x186: {  	v47 =	vld.idx.msk [tilespmem:v6+s4+$0xFFFFFFB0 ss:$0x1], $0xffff  }
0x187: {  	v48 =	vld.idx.msk [tilespmem:v7+s4+$0xFFFFFFF0 ss:$0x1], $0xffff;
	v10 =	vsub.f32 v13, v43;
	v49 =	vmul.f32 v9, v9;
	v5 =	vadd.f32 v5, v8  }
0x188: {  	v50 =	vld.idx.msk [tilespmem:v6+s4+$0xFFFFFFC0 ss:$0x1], $0xffff  }
0x189: {  	v51 =	vld.idx.msk [tilespmem:v7+s4+$0x0 ss:$0x1], $0xffff;
	v11 =	vsub.f32 v44, v45;
	v10 =	vmul.f32 v10, v10;
	v5 =	vadd.f32 v49, v5  }
0x18a: {  	v52 =	vld.idx.msk [tilespmem:v6+s4+$0xFFFFFFD0 ss:$0x1], $0xffff  }
0x18b: {  	v53 =	vld.idx.msk [tilespmem:v7+s4+$0x10 ss:$0x1], $0xffff;
	v55 =	vsub.f32 v46, v47;
	v54 =	vmul.f32 v11, v11;
	v5 =	vadd.f32 v10, v5  }
0x18c: {  	v56 =	vld.idx.msk [tilespmem:v6+s4+$0xFFFFFFE0 ss:$0x1], $0xffff  }
0x18d: {  	v57 =	vld.idx.msk [tilespmem:v7+s4+$0x20 ss:$0x1], $0xffff;
	v9 =	vsub.f32 v48, v50;
	v58 =	vmul.f32 v55, v55;
	v5 =	vadd.f32 v54, v5  }
0x18e: {  	v59 =	vld.idx.msk [tilespmem:v6+s4+$0xFFFFFFF0 ss:$0x1], $0xffff  }
0x18f: {  	v7 =	vld.idx.msk [tilespmem:v7+s4+$0x30 ss:$0x1], $0xffff;
	v8 =	vsub.f32 v51, v52;
	v9 =	vmul.f32 v9, v9;
	v5 =	vadd.f32 v58, v5  }
0x190: {  	v6 =	vld.idx.msk [tilespmem:v6+s4+$0x0 ss:$0x1], $0xffff  }
0x191: {  	v60 =	vsub.f32 v53, v56;
	v8 =	vmul.f32 v8, v8;
	v5 =	vadd.f32 v9, v5;
	_ =	sdelay $0x1  }
0x192: {  	s29 =	sadd.s32 $0x1, s29;
	v62 =	vsub.f32 v57, v59;
	v61 =	vmul.f32 v60, v60;
	v5 =	vadd.f32 v8, v5  }
0x193: {  	p0 =	sne.s32 s29, $0x20  }
.Ltmp4:
0x194: {  	v6 =	vsub.f32 v7, v6;
	v63 =	vmul.f32 v62, v62;
	v5 =	vadd.f32 v61, v5;
	(pc) =	sbr.rel @p0 .LBB2_8-.Ltmp4, $3  }
0x195: {  	_ = 	snop  }
0x196: {  	v6 =	vmul.f32 v6, v6;
	v5 =	vadd.f32 v63, v5;
	_ =	sdelay $0x1  }
0x197: {  	s28 =	sadd.s32 $0x1, s28;
	v5 =	vadd.f32 v6, v5  }
0x198: {  	s28 =	simm.s32 $0x0;
	s4 =	rddreg [dreg:$0x8]  }
0x199: {  	[tilespmem:s31], [sflag:$0x3] =	stream.linear.gather [hbm4b:s4+s28], $0x8000, $0x38;
	[tilespmem:$0x1A280] =	vst v63  }
0x19a: {  	_ =	swait.ge [sflag:s2], $0x8000  }
0x19b: {  	[sflag:s2] =	ssyncset.done $0x0  }
0x19c: {  	[sflag:s2] =	ssyncadd.s32 $0xFFFF8000  }
0x19d: {  	v6 =	vld [tilespmem:$0x60];
	_ =	sdelay $0x4  }
0x19e: {  	v7 =	vshll.u32 v6, $0x3  }
0x19f: {  	v6 =	vand.u32 $0x7, v6;
	v7 =	vand.u32 $0xFFFFFFC0, v7  }
0x1a0: {  	v6 =	vor.u32 v6, v7  }
0x1a1: {  	v7 =	vperm.xlane v6, v0;
	_ =	sdelay $0x1  }
0x1a2: {  	v7 =	vadd.s32 v1, v7;
	_ =	sdelay $0x4  }
0x1a3: {  	[tilespmem:s3], [sflag:$0x2] =	stream.indirect_vreg.gather [hbm4b:s0+s28], $0x80, v7, vm0, $0xb8;
	[tilespmem:$0x1A280] =	vst v63  }
0x1a4: {  	s5 =	simm.s32 $0x8A00;
	v6 =	vperm.xlane v6, v2  }
0x1a5: {  	[tilespmem:s5], [sflag:$0x2] =	stream.indirect_vreg.gather [hbm4b:s9+s28], $0x80, v7, vm0, $0xb8;
	[tilespmem:$0x1A280] =	vst v63  }
0x1a6: {  	v6 =	vadd.s32 v1, v6;
	s5 =	simm.s32 $0x9200  }
0x1a7: {  	[tilespmem:s5], [sflag:$0x2] =	stream.indirect_vreg.gather [hbm4b:s10+s28], $0x80, v7, vm0, $0xb8;
	[tilespmem:$0x1A280] =	vst v63  }
0x1a8: {  	_ = 	snop  }
0x1a9: {  	[tilespmem:s6], [sflag:$0x2] =	stream.indirect_vreg.gather [hbm4b:s11+s28], $0x80, v7, vm0, $0xb8;
	[tilespmem:$0x1A280] =	vst v63  }
0x1aa: {  	_ = 	snop  }
0x1ab: {  	[tilespmem:s7], [sflag:$0x2] =	stream.indirect_vreg.gather [hbm4b:s0+s28], $0x80, v6, vm0, $0xb8;
	[tilespmem:$0x1A280] =	vst v63  }
0x1ac: {  	_ = 	snop  }
0x1ad: {  	[tilespmem:s8], [sflag:$0x2] =	stream.indirect_vreg.gather [hbm4b:s9+s28], $0x80, v6, vm0, $0xb8;
	[tilespmem:$0x1A280] =	vst v63  }
0x1ae: {  	_ = 	snop  }
0x1af: {  	[tilespmem:s14], [sflag:$0x2] =	stream.indirect_vreg.gather [hbm4b:s10+s28], $0x80, v6, vm0, $0xb8;
	[tilespmem:$0x1A280] =	vst v63  }
0x1b0: {  	_ = 	snop  }
0x1b1: {  	[tilespmem:s15], [sflag:$0x2] =	stream.indirect_vreg.gather [hbm4b:s11+s28], $0x80, v6, vm0, $0xb8;
	[tilespmem:$0x1A280] =	vst v63  }
0x1b2: {  	v6 =	vld [tilespmem:$0x70];
	_ =	sdelay $0x4  }
0x1b3: {  	v7 =	vshll.u32 v6, $0x3  }
0x1b4: {  	v6 =	vand.u32 $0x7, v6;
	v7 =	vand.u32 $0xFFFFFFC0, v7  }
0x1b5: {  	v6 =	vor.u32 v6, v7  }
0x1b6: {  	v7 =	vperm.xlane v6, v0;
	_ =	sdelay $0x1  }
0x1b7: {  	v7 =	vadd.s32 v1, v7;
	_ =	sdelay $0x4  }
0x1b8: {  	[tilespmem:s16], [sflag:$0x2] =	stream.indirect_vreg.gather [hbm4b:s0+s28], $0x80, v7, vm0, $0xb8;
	[tilespmem:$0x1A280] =	vst v63  }
0x1b9: {  	v6 =	vperm.xlane v6, v2  }
0x1ba: {  	[tilespmem:s17], [sflag:$0x2] =	stream.indirect_vreg.gather [hbm4b:s9+s28], $0x80, v7, vm0, $0xb8;
	[tilespmem:$0x1A280] =	vst v63  }
0x1bb: {  	v6 =	vadd.s32 v1, v6  }
0x1bc: {  	[tilespmem:s18], [sflag:$0x2] =	stream.indirect_vreg.gather [hbm4b:s10+s28], $0x80, v7, vm0, $0xb8;
	[tilespmem:$0x1A280] =	vst v63  }
0x1bd: {  	_ = 	snop  }
0x1be: {  	[tilespmem:s19], [sflag:$0x2] =	stream.indirect_vreg.gather [hbm4b:s11+s28], $0x80, v7, vm0, $0xb8;
	[tilespmem:$0x1A280] =	vst v63  }
0x1bf: {  	_ = 	snop  }
0x1c0: {  	[tilespmem:s20], [sflag:$0x2] =	stream.indirect_vreg.gather [hbm4b:s0+s28], $0x80, v6, vm0, $0xb8;
	[tilespmem:$0x1A280] =	vst v63  }
0x1c1: {  	_ = 	snop  }
0x1c2: {  	[tilespmem:s21], [sflag:$0x2] =	stream.indirect_vreg.gather [hbm4b:s9+s28], $0x80, v6, vm0, $0xb8;
	[tilespmem:$0x1A280] =	vst v63  }
0x1c3: {  	_ = 	snop  }
0x1c4: {  	[tilespmem:s22], [sflag:$0x2] =	stream.indirect_vreg.gather [hbm4b:s10+s28], $0x80, v6, vm0, $0xb8;
	[tilespmem:$0x1A280] =	vst v63  }
0x1c5: {  	_ = 	snop  }
0x1c6: {  	[tilespmem:s23], [sflag:$0x2] =	stream.indirect_vreg.gather [hbm4b:s11+s28], $0x80, v6, vm0, $0xb8;
	[tilespmem:$0x1A280] =	vst v63  }
0x1c7: {  	s5 =	rddreg [dreg:$0x9]  }
0x1c8: {  	[hbm4b:s5+s28] =	stream.linear.scatter [tilespmem:s13], [sflag:$0x4], $0x8000, $0x38;
	[tilespmem:$0x1A280] =	vst v63  }
0x1c9: {  	_ =	swait.ge [sflag:s12], $0x8000  }
0x1ca: {  	[sflag:s12] =	ssyncset.done $0x0  }
0x1cb: {  	[sflag:s12] =	ssyncadd.s32 $0xFFFF8000  }
0x1cc: {  	_ =	swait.ge [sflag:s24], $0x8000  }
0x1cd: {  	[sflag:s24] =	ssyncset.done $0x0  }
0x1ce: {  	s29 =	simm.s32 $0x0;
	[sflag:s24] =	ssyncadd.s32 $0xFFFF8000  }
.LBB2_12:
0x1cf: {  	s4 =	sshll.u32 s29, $0xC;
	s5 =	sand.u32 $0x7, s28  }
0x1d0: {  	s4 =	sand.u32 $0xFFFF8000, s4;
	s5 =	sshll.u32 s5, $0x9  }
0x1d1: {  	s4 =	sor.u32 s5, s4  }
0x1d2: {  	s4 =	sshrl.u32 s4, $0x2  }
0x1d3: {  	s5 =	sadd.s32 $0x240, s4  }
0x1d4: {  	s4 =	sadd.s32 $0x10270, s4;
	v7 =	vmov s5  }
0x1d5: {  	v6 =	vmov s4;
	_ =	sdelay $0x2  }
0x1d6: {  	s5 =	simm.s32 $0x0  }
0x1d7: {  	v8 =	vld.idx.msk [tilespmem:v7+s5+$0xFFFFFFC0 ss:$0x1], $0xffff  }
0x1d8: {  	v9 =	vld.idx.msk [tilespmem:v6+s5+$0xFFFFFF90 ss:$0x1], $0xffff  }
0x1d9: {  	v10 =	vld.idx.msk [tilespmem:v7+s5+$0xFFFFFFD0 ss:$0x1], $0xffff  }
0x1da: {  	v11 =	vld.idx.msk [tilespmem:v6+s5+$0xFFFFFFA0 ss:$0x1], $0xffff  }
0x1db: {  	v12 =	vld.idx.msk [tilespmem:v7+s5+$0xFFFFFFE0 ss:$0x1], $0xffff  }
0x1dc: {  	v13 =	vld.idx.msk [tilespmem:v6+s5+$0xFFFFFFB0 ss:$0x1], $0xffff  }
0x1dd: {  	v14 =	vld.idx.msk [tilespmem:v7+s5+$0xFFFFFFF0 ss:$0x1], $0xffff  }
0x1de: {  	v15 =	vld.idx.msk [tilespmem:v6+s5+$0xFFFFFFC0 ss:$0x1], $0xffff;
	v8 =	vsub.f32 v8, v9  }
0x1df: {  	v16 =	vld.idx.msk [tilespmem:v7+s5+$0x0 ss:$0x1], $0xffff  }
0x1e0: {  	v17 =	vld.idx.msk [tilespmem:v6+s5+$0xFFFFFFD0 ss:$0x1], $0xffff;
	v11 =	vsub.f32 v10, v11;
	v9 =	vmul.f32 v8, v8  }
0x1e1: {  	v10 =	vld.idx.msk [tilespmem:v6+s5+$0xFFFFFFE0 ss:$0x1], $0xffff  }
0x1e2: {  	v12 =	vsub.f32 v12, v13;
	v8 =	vld.idx.msk [tilespmem:v7+s5+$0x10 ss:$0x1], $0xffff;
	v18 =	vmul.f32 v11, v11;
	v9 =	vadd.f32 v9, v5  }
0x1e3: {  	v11 =	vld.idx.msk [tilespmem:v6+s5+$0xFFFFFFF0 ss:$0x1], $0xffff  }
0x1e4: {  	v15 =	vsub.f32 v14, v15;
	v5 =	vld.idx.msk [tilespmem:v7+s5+$0x20 ss:$0x1], $0xffff;
	v13 =	vadd.f32 v18, v9;
	v18 =	vmul.f32 v12, v12  }
0x1e5: {  	v9 =	vld.idx.msk [tilespmem:v7+s5+$0x30 ss:$0x1], $0xffff  }
0x1e6: {  	s4 =	simm.s32 $0x400;
	v16 =	vsub.f32 v16, v17;
	v15 =	vmul.f32 v15, v15;
	v12 =	vld.idx.msk [tilespmem:v6+s5+$0x0 ss:$0x1], $0xffff;
	v14 =	vadd.f32 v18, v13  }
0x1e7: {  	s5 =	simm.s32 $0x2000;
	v13 =	vld.idx.msk [tilespmem:v7+s4+$0xFFFFFFC0 ss:$0x1], $0xffff  }
.LBB2_13:
0x1e8: {  	p0 =	sne.s32 s5, $0x7000;
	v17 =	vld.idx.msk [tilespmem:v6+s4+$0xFFFFFF90 ss:$0x1], $0xffff;
	v14 =	vadd.f32 v15, v14;
	v15 =	vmul.f32 v16, v16;
	v8 =	vsub.f32 v8, v10  }
0x1e9: {  	v10 =	vld.idx.msk [tilespmem:v7+s4+$0xFFFFFFD0 ss:$0x1], $0xffff  }
0x1ea: {  	v5 =	vsub.f32 v5, v11;
	v16 =	vld.idx.msk [tilespmem:v6+s4+$0xFFFFFFA0 ss:$0x1], $0xffff;
	v14 =	vadd.f32 v15, v14;
	v8 =	vmul.f32 v8, v8  }
0x1eb: {  	v11 =	vld.idx.msk [tilespmem:v7+s4+$0xFFFFFFE0 ss:$0x1], $0xffff  }
0x1ec: {  	v5 =	vmul.f32 v5, v5;
	v9 =	vsub.f32 v9, v12;
	v15 =	vld.idx.msk [tilespmem:v6+s4+$0xFFFFFFB0 ss:$0x1], $0xffff;
	v8 =	vadd.f32 v8, v14  }
0x1ed: {  	v12 =	vld.idx.msk [tilespmem:v7+s4+$0xFFFFFFF0 ss:$0x1], $0xffff  }
0x1ee: {  	v13 =	vsub.f32 v13, v17;
	v14 =	vld.idx.msk [tilespmem:v6+s4+$0xFFFFFFC0 ss:$0x1], $0xffff;
	v5 =	vadd.f32 v5, v8;
	v8 =	vmul.f32 v9, v9  }
0x1ef: {  	v17 =	vld.idx.msk [tilespmem:v7+s4+$0x0 ss:$0x1], $0xffff  }
0x1f0: {  	v9 =	vmul.f32 v13, v13;
	v10 =	vsub.f32 v10, v16;
	v13 =	vld.idx.msk [tilespmem:v6+s4+$0xFFFFFFD0 ss:$0x1], $0xffff;
	v5 =	vadd.f32 v8, v5  }
0x1f1: {  	v8 =	vld.idx.msk [tilespmem:v7+s4+$0x10 ss:$0x1], $0xffff  }
0x1f2: {  	v16 =	vmul.f32 v10, v10;
	v11 =	vsub.f32 v11, v15;
	v9 =	vadd.f32 v9, v5;
	v10 =	vld.idx.msk [tilespmem:v6+s4+$0xFFFFFFE0 ss:$0x1], $0xffff  }
.Ltmp5:
0x1f3: {  	v5 =	vld.idx.msk [tilespmem:v7+s4+$0x20 ss:$0x1], $0xffff;
	(pc) =	sbr.rel @p0 .LBB2_13-.Ltmp5, $4  }
0x1f4: {  	v12 =	vsub.f32 v12, v14;
	v15 =	vadd.f32 v16, v9;
	v16 =	vmul.f32 v11, v11;
	v11 =	vld.idx.msk [tilespmem:v6+s4+$0xFFFFFFF0 ss:$0x1], $0xffff  }
0x1f5: {  	v9 =	vld.idx.msk [tilespmem:v7+s4+$0x30 ss:$0x1], $0xffff  }
0x1f6: {  	v14 =	vadd.f32 v16, v15;
	v15 =	vmul.f32 v12, v12;
	v16 =	vsub.f32 v17, v13;
	v12 =	vld.idx.msk [tilespmem:v6+s4+$0x0 ss:$0x1], $0xffff;
	s4 =	sshra.s32 s5, $0x2  }
0x1f7: {  	s5 =	sadd.s32 $0x1000, s5;
	v13 =	vld.idx.msk [tilespmem:v7+s4+$0xFFFFFFC0 ss:$0x1], $0xffff  }
0x1f8: {  	_ =	sdelay $0x2  }
0x1f9: {  	v14 =	vadd.f32 v15, v14;
	v42 =	vmul.f32 v16, v16;
	v8 =	vsub.f32 v8, v10  }
0x1fa: {  	v43 =	vld.idx.msk [tilespmem:v6+s4+$0xFFFFFF90 ss:$0x1], $0xffff  }
0x1fb: {  	v44 =	vld.idx.msk [tilespmem:v7+s4+$0xFFFFFFD0 ss:$0x1], $0xffff;
	v5 =	vsub.f32 v5, v11;
	v14 =	vadd.f32 v42, v14;
	v8 =	vmul.f32 v8, v8  }
0x1fc: {  	v45 =	vld.idx.msk [tilespmem:v6+s4+$0xFFFFFFA0 ss:$0x1], $0xffff  }
0x1fd: {  	v46 =	vld.idx.msk [tilespmem:v7+s4+$0xFFFFFFE0 ss:$0x1], $0xffff;
	v5 =	vmul.f32 v5, v5;
	v9 =	vsub.f32 v9, v12;
	v8 =	vadd.f32 v8, v14  }
0x1fe: {  	v47 =	vld.idx.msk [tilespmem:v6+s4+$0xFFFFFFB0 ss:$0x1], $0xffff  }
0x1ff: {  	v48 =	vld.idx.msk [tilespmem:v7+s4+$0xFFFFFFF0 ss:$0x1], $0xffff;
	v10 =	vsub.f32 v13, v43;
	v49 =	vmul.f32 v9, v9;
	v5 =	vadd.f32 v5, v8  }
0x200: {  	v50 =	vld.idx.msk [tilespmem:v6+s4+$0xFFFFFFC0 ss:$0x1], $0xffff  }
0x201: {  	v51 =	vld.idx.msk [tilespmem:v7+s4+$0x0 ss:$0x1], $0xffff;
	v11 =	vsub.f32 v44, v45;
	v10 =	vmul.f32 v10, v10;
	v5 =	vadd.f32 v49, v5  }
0x202: {  	v52 =	vld.idx.msk [tilespmem:v6+s4+$0xFFFFFFD0 ss:$0x1], $0xffff  }
0x203: {  	v53 =	vld.idx.msk [tilespmem:v7+s4+$0x10 ss:$0x1], $0xffff;
	v55 =	vsub.f32 v46, v47;
	v54 =	vmul.f32 v11, v11;
	v5 =	vadd.f32 v10, v5  }
0x204: {  	v56 =	vld.idx.msk [tilespmem:v6+s4+$0xFFFFFFE0 ss:$0x1], $0xffff  }
0x205: {  	v57 =	vld.idx.msk [tilespmem:v7+s4+$0x20 ss:$0x1], $0xffff;
	v9 =	vsub.f32 v48, v50;
	v58 =	vmul.f32 v55, v55;
	v5 =	vadd.f32 v54, v5  }
0x206: {  	v59 =	vld.idx.msk [tilespmem:v6+s4+$0xFFFFFFF0 ss:$0x1], $0xffff  }
0x207: {  	v7 =	vld.idx.msk [tilespmem:v7+s4+$0x30 ss:$0x1], $0xffff;
	v8 =	vsub.f32 v51, v52;
	v9 =	vmul.f32 v9, v9;
	v5 =	vadd.f32 v58, v5  }
0x208: {  	v6 =	vld.idx.msk [tilespmem:v6+s4+$0x0 ss:$0x1], $0xffff  }
0x209: {  	v60 =	vsub.f32 v53, v56;
	v8 =	vmul.f32 v8, v8;
	v5 =	vadd.f32 v9, v5;
	_ =	sdelay $0x1  }
0x20a: {  	s29 =	sadd.s32 $0x1, s29;
	v62 =	vsub.f32 v57, v59;
	v61 =	vmul.f32 v60, v60;
	v5 =	vadd.f32 v8, v5  }
0x20b: {  	p0 =	sne.s32 s29, $0x20  }
.Ltmp6:
0x20c: {  	v6 =	vsub.f32 v7, v6;
	v63 =	vmul.f32 v62, v62;
	v5 =	vadd.f32 v61, v5;
	(pc) =	sbr.rel @p0 .LBB2_12-.Ltmp6, $3  }
0x20d: {  	_ = 	snop  }
0x20e: {  	v6 =	vmul.f32 v6, v6;
	v5 =	vadd.f32 v63, v5;
	_ =	sdelay $0x1  }
0x20f: {  	s28 =	sadd.s32 $0x1, s28;
	v5 =	vadd.f32 v6, v5  }
0x210: {  	s28 =	simm.s32 $0x0;
	s4 =	rddreg [dreg:$0xa]  }
0x211: {  	[tilespmem:s31], [sflag:$0x3] =	stream.linear.gather [hbm4b:s4+s28], $0x8000, $0x38;
	[tilespmem:$0x1A280] =	vst v63  }
0x212: {  	_ =	swait.ge [sflag:s25], $0x8000  }
0x213: {  	[sflag:s25] =	ssyncset.done $0x0  }
0x214: {  	[sflag:s25] =	ssyncadd.s32 $0xFFFF8000  }
0x215: {  	v6 =	vld [tilespmem:$0x80];
	_ =	sdelay $0x4  }
0x216: {  	v7 =	vshll.u32 v6, $0x3  }
0x217: {  	v6 =	vand.u32 $0x7, v6;
	v7 =	vand.u32 $0xFFFFFFC0, v7  }
0x218: {  	v6 =	vor.u32 v6, v7  }
0x219: {  	v7 =	vperm.xlane v6, v0;
	_ =	sdelay $0x1  }
0x21a: {  	v7 =	vadd.s32 v1, v7;
	_ =	sdelay $0x4  }
0x21b: {  	[tilespmem:s13], [sflag:$0x1] =	stream.indirect_vreg.gather [hbm4b:s0+s28], $0x80, v7, vm0, $0xb8;
	[tilespmem:$0x1A280] =	vst v63  }
0x21c: {  	s5 =	simm.s32 $0xA00;
	v6 =	vperm.xlane v6, v2  }
0x21d: {  	[tilespmem:s5], [sflag:$0x1] =	stream.indirect_vreg.gather [hbm4b:s9+s28], $0x80, v7, vm0, $0xb8;
	[tilespmem:$0x1A280] =	vst v63  }
0x21e: {  	v6 =	vadd.s32 v1, v6;
	s5 =	simm.s32 $0x1200  }
0x21f: {  	[tilespmem:s5], [sflag:$0x1] =	stream.indirect_vreg.gather [hbm4b:s10+s28], $0x80, v7, vm0, $0xb8;
	[tilespmem:$0x1A280] =	vst v63  }
0x220: {  	s5 =	simm.s32 $0x1A00  }
0x221: {  	[tilespmem:s5], [sflag:$0x1] =	stream.indirect_vreg.gather [hbm4b:s11+s28], $0x80, v7, vm0, $0xb8;
	[tilespmem:$0x1A280] =	vst v63  }
0x222: {  	s5 =	simm.s32 $0x2200  }
0x223: {  	[tilespmem:s5], [sflag:$0x1] =	stream.indirect_vreg.gather [hbm4b:s0+s28], $0x80, v6, vm0, $0xb8;
	[tilespmem:$0x1A280] =	vst v63  }
0x224: {  	s5 =	simm.s32 $0x2A00  }
0x225: {  	[tilespmem:s5], [sflag:$0x1] =	stream.indirect_vreg.gather [hbm4b:s9+s28], $0x80, v6, vm0, $0xb8;
	[tilespmem:$0x1A280] =	vst v63  }
0x226: {  	s5 =	simm.s32 $0x3200  }
0x227: {  	[tilespmem:s5], [sflag:$0x1] =	stream.indirect_vreg.gather [hbm4b:s10+s28], $0x80, v6, vm0, $0xb8;
	[tilespmem:$0x1A280] =	vst v63  }
0x228: {  	s5 =	simm.s32 $0x3A00  }
0x229: {  	[tilespmem:s5], [sflag:$0x1] =	stream.indirect_vreg.gather [hbm4b:s11+s28], $0x80, v6, vm0, $0xb8;
	[tilespmem:$0x1A280] =	vst v63  }
0x22a: {  	v6 =	vld [tilespmem:$0x90];
	_ =	sdelay $0x4  }
0x22b: {  	v7 =	vshll.u32 v6, $0x3  }
0x22c: {  	v6 =	vand.u32 $0x7, v6;
	v7 =	vand.u32 $0xFFFFFFC0, v7  }
0x22d: {  	v6 =	vor.u32 v6, v7  }
0x22e: {  	v7 =	vperm.xlane v6, v0;
	_ =	sdelay $0x1  }
0x22f: {  	v7 =	vadd.s32 v1, v7;
	_ =	sdelay $0x3  }
0x230: {  	s5 =	simm.s32 $0x4200  }
0x231: {  	[tilespmem:s5], [sflag:$0x1] =	stream.indirect_vreg.gather [hbm4b:s0+s28], $0x80, v7, vm0, $0xb8;
	[tilespmem:$0x1A280] =	vst v63  }
0x232: {  	v6 =	vperm.xlane v6, v2;
	s5 =	simm.s32 $0x4A00  }
0x233: {  	[tilespmem:s5], [sflag:$0x1] =	stream.indirect_vreg.gather [hbm4b:s9+s28], $0x80, v7, vm0, $0xb8;
	[tilespmem:$0x1A280] =	vst v63  }
0x234: {  	v6 =	vadd.s32 v1, v6;
	s5 =	simm.s32 $0x5200  }
0x235: {  	[tilespmem:s5], [sflag:$0x1] =	stream.indirect_vreg.gather [hbm4b:s10+s28], $0x80, v7, vm0, $0xb8;
	[tilespmem:$0x1A280] =	vst v63  }
0x236: {  	s5 =	simm.s32 $0x5A00  }
0x237: {  	[tilespmem:s5], [sflag:$0x1] =	stream.indirect_vreg.gather [hbm4b:s11+s28], $0x80, v7, vm0, $0xb8;
	[tilespmem:$0x1A280] =	vst v63  }
0x238: {  	s5 =	simm.s32 $0x6200  }
0x239: {  	[tilespmem:s5], [sflag:$0x1] =	stream.indirect_vreg.gather [hbm4b:s0+s28], $0x80, v6, vm0, $0xb8;
	[tilespmem:$0x1A280] =	vst v63  }
0x23a: {  	s5 =	simm.s32 $0x6A00  }
0x23b: {  	[tilespmem:s5], [sflag:$0x1] =	stream.indirect_vreg.gather [hbm4b:s9+s28], $0x80, v6, vm0, $0xb8;
	[tilespmem:$0x1A280] =	vst v63  }
0x23c: {  	s5 =	simm.s32 $0x7200  }
0x23d: {  	[tilespmem:s5], [sflag:$0x1] =	stream.indirect_vreg.gather [hbm4b:s10+s28], $0x80, v6, vm0, $0xb8;
	[tilespmem:$0x1A280] =	vst v63  }
0x23e: {  	s5 =	simm.s32 $0x7A00  }
0x23f: {  	[tilespmem:s5], [sflag:$0x1] =	stream.indirect_vreg.gather [hbm4b:s11+s28], $0x80, v6, vm0, $0xb8;
	[tilespmem:$0x1A280] =	vst v63  }
0x240: {  	s5 =	rddreg [dreg:$0xb]  }
0x241: {  	[hbm4b:s5+s28] =	stream.linear.scatter [tilespmem:s3], [sflag:$0x4], $0x8000, $0x38;
	[tilespmem:$0x1A280] =	vst v63  }
0x242: {  	_ =	swait.ge [sflag:s12], $0x8000  }
0x243: {  	[sflag:s12] =	ssyncset.done $0x0  }
0x244: {  	[sflag:s12] =	ssyncadd.s32 $0xFFFF8000  }
0x245: {  	_ =	swait.ge [sflag:s24], $0x8000  }
0x246: {  	[sflag:s24] =	ssyncset.done $0x0  }
0x247: {  	s29 =	simm.s32 $0x0;
	[sflag:s24] =	ssyncadd.s32 $0xFFFF8000  }
.LBB2_16:
0x248: {  	s4 =	sshll.u32 s29, $0xC;
	s5 =	sand.u32 $0x7, s28  }
0x249: {  	s4 =	sand.u32 $0xFFFF8000, s4;
	s5 =	sshll.u32 s5, $0x9  }
0x24a: {  	s4 =	sor.u32 s5, s4  }
0x24b: {  	s4 =	sshrl.u32 s4, $0x2  }
0x24c: {  	s5 =	sadd.s32 $0x8240, s4  }
0x24d: {  	s4 =	sadd.s32 $0x10270, s4;
	v7 =	vmov s5  }
0x24e: {  	v6 =	vmov s4;
	_ =	sdelay $0x2  }
0x24f: {  	s5 =	simm.s32 $0x0  }
0x250: {  	v8 =	vld.idx.msk [tilespmem:v7+s5+$0xFFFFFFC0 ss:$0x1], $0xffff  }
0x251: {  	v9 =	vld.idx.msk [tilespmem:v6+s5+$0xFFFFFF90 ss:$0x1], $0xffff  }
0x252: {  	v10 =	vld.idx.msk [tilespmem:v7+s5+$0xFFFFFFD0 ss:$0x1], $0xffff  }
0x253: {  	v11 =	vld.idx.msk [tilespmem:v6+s5+$0xFFFFFFA0 ss:$0x1], $0xffff  }
0x254: {  	v12 =	vld.idx.msk [tilespmem:v7+s5+$0xFFFFFFE0 ss:$0x1], $0xffff  }
0x255: {  	v13 =	vld.idx.msk [tilespmem:v6+s5+$0xFFFFFFB0 ss:$0x1], $0xffff  }
0x256: {  	v14 =	vld.idx.msk [tilespmem:v7+s5+$0xFFFFFFF0 ss:$0x1], $0xffff  }
0x257: {  	v15 =	vld.idx.msk [tilespmem:v6+s5+$0xFFFFFFC0 ss:$0x1], $0xffff;
	v8 =	vsub.f32 v8, v9  }
0x258: {  	v16 =	vld.idx.msk [tilespmem:v7+s5+$0x0 ss:$0x1], $0xffff  }
0x259: {  	v17 =	vld.idx.msk [tilespmem:v6+s5+$0xFFFFFFD0 ss:$0x1], $0xffff;
	v11 =	vsub.f32 v10, v11;
	v9 =	vmul.f32 v8, v8  }
0x25a: {  	v10 =	vld.idx.msk [tilespmem:v6+s5+$0xFFFFFFE0 ss:$0x1], $0xffff  }
0x25b: {  	v12 =	vsub.f32 v12, v13;
	v8 =	vld.idx.msk [tilespmem:v7+s5+$0x10 ss:$0x1], $0xffff;
	v18 =	vmul.f32 v11, v11;
	v9 =	vadd.f32 v9, v5  }
0x25c: {  	v11 =	vld.idx.msk [tilespmem:v6+s5+$0xFFFFFFF0 ss:$0x1], $0xffff  }
0x25d: {  	v15 =	vsub.f32 v14, v15;
	v5 =	vld.idx.msk [tilespmem:v7+s5+$0x20 ss:$0x1], $0xffff;
	v13 =	vadd.f32 v18, v9;
	v18 =	vmul.f32 v12, v12  }
0x25e: {  	v9 =	vld.idx.msk [tilespmem:v7+s5+$0x30 ss:$0x1], $0xffff  }
0x25f: {  	s4 =	simm.s32 $0x400;
	v16 =	vsub.f32 v16, v17;
	v15 =	vmul.f32 v15, v15;
	v12 =	vld.idx.msk [tilespmem:v6+s5+$0x0 ss:$0x1], $0xffff;
	v14 =	vadd.f32 v18, v13  }
0x260: {  	s5 =	simm.s32 $0x2000;
	v13 =	vld.idx.msk [tilespmem:v7+s4+$0xFFFFFFC0 ss:$0x1], $0xffff  }
.LBB2_17:
0x261: {  	p0 =	sne.s32 s5, $0x7000;
	v17 =	vld.idx.msk [tilespmem:v6+s4+$0xFFFFFF90 ss:$0x1], $0xffff;
	v14 =	vadd.f32 v15, v14;
	v15 =	vmul.f32 v16, v16;
	v8 =	vsub.f32 v8, v10  }
0x262: {  	v10 =	vld.idx.msk [tilespmem:v7+s4+$0xFFFFFFD0 ss:$0x1], $0xffff  }
0x263: {  	v5 =	vsub.f32 v5, v11;
	v16 =	vld.idx.msk [tilespmem:v6+s4+$0xFFFFFFA0 ss:$0x1], $0xffff;
	v14 =	vadd.f32 v15, v14;
	v8 =	vmul.f32 v8, v8  }
0x264: {  	v11 =	vld.idx.msk [tilespmem:v7+s4+$0xFFFFFFE0 ss:$0x1], $0xffff  }
0x265: {  	v5 =	vmul.f32 v5, v5;
	v9 =	vsub.f32 v9, v12;
	v15 =	vld.idx.msk [tilespmem:v6+s4+$0xFFFFFFB0 ss:$0x1], $0xffff;
	v8 =	vadd.f32 v8, v14  }
0x266: {  	v12 =	vld.idx.msk [tilespmem:v7+s4+$0xFFFFFFF0 ss:$0x1], $0xffff  }
0x267: {  	v13 =	vsub.f32 v13, v17;
	v14 =	vld.idx.msk [tilespmem:v6+s4+$0xFFFFFFC0 ss:$0x1], $0xffff;
	v5 =	vadd.f32 v5, v8;
	v8 =	vmul.f32 v9, v9  }
0x268: {  	v17 =	vld.idx.msk [tilespmem:v7+s4+$0x0 ss:$0x1], $0xffff  }
0x269: {  	v9 =	vmul.f32 v13, v13;
	v10 =	vsub.f32 v10, v16;
	v13 =	vld.idx.msk [tilespmem:v6+s4+$0xFFFFFFD0 ss:$0x1], $0xffff;
	v5 =	vadd.f32 v8, v5  }
0x26a: {  	v8 =	vld.idx.msk [tilespmem:v7+s4+$0x10 ss:$0x1], $0xffff  }
0x26b: {  	v16 =	vmul.f32 v10, v10;
	v11 =	vsub.f32 v11, v15;
	v9 =	vadd.f32 v9, v5;
	v10 =	vld.idx.msk [tilespmem:v6+s4+$0xFFFFFFE0 ss:$0x1], $0xffff  }
.Ltmp7:
0x26c: {  	v5 =	vld.idx.msk [tilespmem:v7+s4+$0x20 ss:$0x1], $0xffff;
	(pc) =	sbr.rel @p0 .LBB2_17-.Ltmp7, $4  }
0x26d: {  	v12 =	vsub.f32 v12, v14;
	v15 =	vadd.f32 v16, v9;
	v16 =	vmul.f32 v11, v11;
	v11 =	vld.idx.msk [tilespmem:v6+s4+$0xFFFFFFF0 ss:$0x1], $0xffff  }
0x26e: {  	v9 =	vld.idx.msk [tilespmem:v7+s4+$0x30 ss:$0x1], $0xffff  }
0x26f: {  	v14 =	vadd.f32 v16, v15;
	v15 =	vmul.f32 v12, v12;
	v16 =	vsub.f32 v17, v13;
	v12 =	vld.idx.msk [tilespmem:v6+s4+$0x0 ss:$0x1], $0xffff;
	s4 =	sshra.s32 s5, $0x2  }
0x270: {  	s5 =	sadd.s32 $0x1000, s5;
	v13 =	vld.idx.msk [tilespmem:v7+s4+$0xFFFFFFC0 ss:$0x1], $0xffff  }
0x271: {  	_ =	sdelay $0x2  }
0x272: {  	v14 =	vadd.f32 v15, v14;
	v42 =	vmul.f32 v16, v16;
	v8 =	vsub.f32 v8, v10  }
0x273: {  	v43 =	vld.idx.msk [tilespmem:v6+s4+$0xFFFFFF90 ss:$0x1], $0xffff  }
0x274: {  	v44 =	vld.idx.msk [tilespmem:v7+s4+$0xFFFFFFD0 ss:$0x1], $0xffff;
	v5 =	vsub.f32 v5, v11;
	v14 =	vadd.f32 v42, v14;
	v8 =	vmul.f32 v8, v8  }
0x275: {  	v45 =	vld.idx.msk [tilespmem:v6+s4+$0xFFFFFFA0 ss:$0x1], $0xffff  }
0x276: {  	v46 =	vld.idx.msk [tilespmem:v7+s4+$0xFFFFFFE0 ss:$0x1], $0xffff;
	v5 =	vmul.f32 v5, v5;
	v9 =	vsub.f32 v9, v12;
	v8 =	vadd.f32 v8, v14  }
0x277: {  	v47 =	vld.idx.msk [tilespmem:v6+s4+$0xFFFFFFB0 ss:$0x1], $0xffff  }
0x278: {  	v48 =	vld.idx.msk [tilespmem:v7+s4+$0xFFFFFFF0 ss:$0x1], $0xffff;
	v10 =	vsub.f32 v13, v43;
	v49 =	vmul.f32 v9, v9;
	v5 =	vadd.f32 v5, v8  }
0x279: {  	v50 =	vld.idx.msk [tilespmem:v6+s4+$0xFFFFFFC0 ss:$0x1], $0xffff  }
0x27a: {  	v51 =	vld.idx.msk [tilespmem:v7+s4+$0x0 ss:$0x1], $0xffff;
	v11 =	vsub.f32 v44, v45;
	v10 =	vmul.f32 v10, v10;
	v5 =	vadd.f32 v49, v5  }
0x27b: {  	v52 =	vld.idx.msk [tilespmem:v6+s4+$0xFFFFFFD0 ss:$0x1], $0xffff  }
0x27c: {  	v53 =	vld.idx.msk [tilespmem:v7+s4+$0x10 ss:$0x1], $0xffff;
	v55 =	vsub.f32 v46, v47;
	v54 =	vmul.f32 v11, v11;
	v5 =	vadd.f32 v10, v5  }
0x27d: {  	v56 =	vld.idx.msk [tilespmem:v6+s4+$0xFFFFFFE0 ss:$0x1], $0xffff  }
0x27e: {  	v57 =	vld.idx.msk [tilespmem:v7+s4+$0x20 ss:$0x1], $0xffff;
	v9 =	vsub.f32 v48, v50;
	v58 =	vmul.f32 v55, v55;
	v5 =	vadd.f32 v54, v5  }
0x27f: {  	v59 =	vld.idx.msk [tilespmem:v6+s4+$0xFFFFFFF0 ss:$0x1], $0xffff  }
0x280: {  	v7 =	vld.idx.msk [tilespmem:v7+s4+$0x30 ss:$0x1], $0xffff;
	v8 =	vsub.f32 v51, v52;
	v9 =	vmul.f32 v9, v9;
	v5 =	vadd.f32 v58, v5  }
0x281: {  	v6 =	vld.idx.msk [tilespmem:v6+s4+$0x0 ss:$0x1], $0xffff  }
0x282: {  	v60 =	vsub.f32 v53, v56;
	v8 =	vmul.f32 v8, v8;
	v5 =	vadd.f32 v9, v5;
	_ =	sdelay $0x1  }
0x283: {  	s29 =	sadd.s32 $0x1, s29;
	v62 =	vsub.f32 v57, v59;
	v61 =	vmul.f32 v60, v60;
	v5 =	vadd.f32 v8, v5  }
0x284: {  	p0 =	sne.s32 s29, $0x20  }
.Ltmp8:
0x285: {  	v6 =	vsub.f32 v7, v6;
	v63 =	vmul.f32 v62, v62;
	v5 =	vadd.f32 v61, v5;
	(pc) =	sbr.rel @p0 .LBB2_16-.Ltmp8, $3  }
0x286: {  	_ = 	snop  }
0x287: {  	v6 =	vmul.f32 v6, v6;
	v5 =	vadd.f32 v63, v5;
	_ =	sdelay $0x1  }
0x288: {  	s28 =	sadd.s32 $0x1, s28;
	v5 =	vadd.f32 v6, v5  }
0x289: {  	s28 =	simm.s32 $0x0;
	s4 =	rddreg [dreg:$0xc]  }
0x28a: {  	[tilespmem:s31], [sflag:$0x3] =	stream.linear.gather [hbm4b:s4+s28], $0x8000, $0x38;
	[tilespmem:$0x1A280] =	vst v63  }
0x28b: {  	_ =	swait.ge [sflag:s2], $0x8000  }
0x28c: {  	[sflag:s2] =	ssyncset.done $0x0  }
0x28d: {  	[sflag:s2] =	ssyncadd.s32 $0xFFFF8000  }
0x28e: {  	v6 =	vld [tilespmem:$0xA0];
	_ =	sdelay $0x4  }
0x28f: {  	v7 =	vshll.u32 v6, $0x3  }
0x290: {  	v6 =	vand.u32 $0x7, v6;
	v7 =	vand.u32 $0xFFFFFFC0, v7  }
0x291: {  	v6 =	vor.u32 v6, v7  }
0x292: {  	v7 =	vperm.xlane v6, v0;
	_ =	sdelay $0x1  }
0x293: {  	v7 =	vadd.s32 v1, v7;
	_ =	sdelay $0x4  }
0x294: {  	[tilespmem:s3], [sflag:$0x2] =	stream.indirect_vreg.gather [hbm4b:s0+s28], $0x80, v7, vm0, $0xb8;
	[tilespmem:$0x1A280] =	vst v63  }
0x295: {  	s5 =	simm.s32 $0x8A00;
	v6 =	vperm.xlane v6, v2  }
0x296: {  	[tilespmem:s5], [sflag:$0x2] =	stream.indirect_vreg.gather [hbm4b:s9+s28], $0x80, v7, vm0, $0xb8;
	[tilespmem:$0x1A280] =	vst v63  }
0x297: {  	v6 =	vadd.s32 v1, v6;
	s5 =	simm.s32 $0x9200  }
0x298: {  	[tilespmem:s5], [sflag:$0x2] =	stream.indirect_vreg.gather [hbm4b:s10+s28], $0x80, v7, vm0, $0xb8;
	[tilespmem:$0x1A280] =	vst v63  }
0x299: {  	_ = 	snop  }
0x29a: {  	[tilespmem:s6], [sflag:$0x2] =	stream.indirect_vreg.gather [hbm4b:s11+s28], $0x80, v7, vm0, $0xb8;
	[tilespmem:$0x1A280] =	vst v63  }
0x29b: {  	_ = 	snop  }
0x29c: {  	[tilespmem:s7], [sflag:$0x2] =	stream.indirect_vreg.gather [hbm4b:s0+s28], $0x80, v6, vm0, $0xb8;
	[tilespmem:$0x1A280] =	vst v63  }
0x29d: {  	_ = 	snop  }
0x29e: {  	[tilespmem:s8], [sflag:$0x2] =	stream.indirect_vreg.gather [hbm4b:s9+s28], $0x80, v6, vm0, $0xb8;
	[tilespmem:$0x1A280] =	vst v63  }
0x29f: {  	_ = 	snop  }
0x2a0: {  	[tilespmem:s14], [sflag:$0x2] =	stream.indirect_vreg.gather [hbm4b:s10+s28], $0x80, v6, vm0, $0xb8;
	[tilespmem:$0x1A280] =	vst v63  }
0x2a1: {  	_ = 	snop  }
0x2a2: {  	[tilespmem:s15], [sflag:$0x2] =	stream.indirect_vreg.gather [hbm4b:s11+s28], $0x80, v6, vm0, $0xb8;
	[tilespmem:$0x1A280] =	vst v63  }
0x2a3: {  	v6 =	vld [tilespmem:$0xB0];
	_ =	sdelay $0x4  }
0x2a4: {  	v7 =	vshll.u32 v6, $0x3  }
0x2a5: {  	v6 =	vand.u32 $0x7, v6;
	v7 =	vand.u32 $0xFFFFFFC0, v7  }
0x2a6: {  	v6 =	vor.u32 v6, v7  }
0x2a7: {  	v7 =	vperm.xlane v6, v0;
	_ =	sdelay $0x1  }
0x2a8: {  	v7 =	vadd.s32 v1, v7;
	_ =	sdelay $0x4  }
0x2a9: {  	[tilespmem:s16], [sflag:$0x2] =	stream.indirect_vreg.gather [hbm4b:s0+s28], $0x80, v7, vm0, $0xb8;
	[tilespmem:$0x1A280] =	vst v63  }
0x2aa: {  	v6 =	vperm.xlane v6, v2  }
0x2ab: {  	[tilespmem:s17], [sflag:$0x2] =	stream.indirect_vreg.gather [hbm4b:s9+s28], $0x80, v7, vm0, $0xb8;
	[tilespmem:$0x1A280] =	vst v63  }
0x2ac: {  	v6 =	vadd.s32 v1, v6  }
0x2ad: {  	[tilespmem:s18], [sflag:$0x2] =	stream.indirect_vreg.gather [hbm4b:s10+s28], $0x80, v7, vm0, $0xb8;
	[tilespmem:$0x1A280] =	vst v63  }
0x2ae: {  	_ = 	snop  }
0x2af: {  	[tilespmem:s19], [sflag:$0x2] =	stream.indirect_vreg.gather [hbm4b:s11+s28], $0x80, v7, vm0, $0xb8;
	[tilespmem:$0x1A280] =	vst v63  }
0x2b0: {  	_ = 	snop  }
0x2b1: {  	[tilespmem:s20], [sflag:$0x2] =	stream.indirect_vreg.gather [hbm4b:s0+s28], $0x80, v6, vm0, $0xb8;
	[tilespmem:$0x1A280] =	vst v63  }
0x2b2: {  	_ = 	snop  }
0x2b3: {  	[tilespmem:s21], [sflag:$0x2] =	stream.indirect_vreg.gather [hbm4b:s9+s28], $0x80, v6, vm0, $0xb8;
	[tilespmem:$0x1A280] =	vst v63  }
0x2b4: {  	_ = 	snop  }
0x2b5: {  	[tilespmem:s22], [sflag:$0x2] =	stream.indirect_vreg.gather [hbm4b:s10+s28], $0x80, v6, vm0, $0xb8;
	[tilespmem:$0x1A280] =	vst v63  }
0x2b6: {  	_ = 	snop  }
0x2b7: {  	[tilespmem:s23], [sflag:$0x2] =	stream.indirect_vreg.gather [hbm4b:s11+s28], $0x80, v6, vm0, $0xb8;
	[tilespmem:$0x1A280] =	vst v63  }
0x2b8: {  	s5 =	rddreg [dreg:$0xd]  }
0x2b9: {  	[hbm4b:s5+s28] =	stream.linear.scatter [tilespmem:s13], [sflag:$0x4], $0x8000, $0x38;
	[tilespmem:$0x1A280] =	vst v63  }
0x2ba: {  	_ =	swait.ge [sflag:s12], $0x8000  }
0x2bb: {  	[sflag:s12] =	ssyncset.done $0x0  }
0x2bc: {  	[sflag:s12] =	ssyncadd.s32 $0xFFFF8000  }
0x2bd: {  	_ =	swait.ge [sflag:s24], $0x8000  }
0x2be: {  	[sflag:s24] =	ssyncset.done $0x0  }
0x2bf: {  	s29 =	simm.s32 $0x0;
	[sflag:s24] =	ssyncadd.s32 $0xFFFF8000  }
.LBB2_20:
0x2c0: {  	s4 =	sshll.u32 s29, $0xC;
	s5 =	sand.u32 $0x7, s28  }
0x2c1: {  	s4 =	sand.u32 $0xFFFF8000, s4;
	s5 =	sshll.u32 s5, $0x9  }
0x2c2: {  	s4 =	sor.u32 s5, s4  }
0x2c3: {  	s4 =	sshrl.u32 s4, $0x2  }
0x2c4: {  	s5 =	sadd.s32 $0x240, s4  }
0x2c5: {  	s4 =	sadd.s32 $0x10270, s4;
	v7 =	vmov s5  }
0x2c6: {  	v6 =	vmov s4;
	_ =	sdelay $0x2  }
0x2c7: {  	s5 =	simm.s32 $0x0  }
0x2c8: {  	v8 =	vld.idx.msk [tilespmem:v7+s5+$0xFFFFFFC0 ss:$0x1], $0xffff  }
0x2c9: {  	v9 =	vld.idx.msk [tilespmem:v6+s5+$0xFFFFFF90 ss:$0x1], $0xffff  }
0x2ca: {  	v10 =	vld.idx.msk [tilespmem:v7+s5+$0xFFFFFFD0 ss:$0x1], $0xffff  }
0x2cb: {  	v11 =	vld.idx.msk [tilespmem:v6+s5+$0xFFFFFFA0 ss:$0x1], $0xffff  }
0x2cc: {  	v12 =	vld.idx.msk [tilespmem:v7+s5+$0xFFFFFFE0 ss:$0x1], $0xffff  }
0x2cd: {  	v13 =	vld.idx.msk [tilespmem:v6+s5+$0xFFFFFFB0 ss:$0x1], $0xffff  }
0x2ce: {  	v14 =	vld.idx.msk [tilespmem:v7+s5+$0xFFFFFFF0 ss:$0x1], $0xffff  }
0x2cf: {  	v15 =	vld.idx.msk [tilespmem:v6+s5+$0xFFFFFFC0 ss:$0x1], $0xffff;
	v8 =	vsub.f32 v8, v9  }
0x2d0: {  	v16 =	vld.idx.msk [tilespmem:v7+s5+$0x0 ss:$0x1], $0xffff  }
0x2d1: {  	v17 =	vld.idx.msk [tilespmem:v6+s5+$0xFFFFFFD0 ss:$0x1], $0xffff;
	v11 =	vsub.f32 v10, v11;
	v9 =	vmul.f32 v8, v8  }
0x2d2: {  	v10 =	vld.idx.msk [tilespmem:v6+s5+$0xFFFFFFE0 ss:$0x1], $0xffff  }
0x2d3: {  	v12 =	vsub.f32 v12, v13;
	v8 =	vld.idx.msk [tilespmem:v7+s5+$0x10 ss:$0x1], $0xffff;
	v18 =	vmul.f32 v11, v11;
	v9 =	vadd.f32 v9, v5  }
0x2d4: {  	v11 =	vld.idx.msk [tilespmem:v6+s5+$0xFFFFFFF0 ss:$0x1], $0xffff  }
0x2d5: {  	v15 =	vsub.f32 v14, v15;
	v5 =	vld.idx.msk [tilespmem:v7+s5+$0x20 ss:$0x1], $0xffff;
	v13 =	vadd.f32 v18, v9;
	v18 =	vmul.f32 v12, v12  }
0x2d6: {  	v9 =	vld.idx.msk [tilespmem:v7+s5+$0x30 ss:$0x1], $0xffff  }
0x2d7: {  	s4 =	simm.s32 $0x400;
	v16 =	vsub.f32 v16, v17;
	v15 =	vmul.f32 v15, v15;
	v12 =	vld.idx.msk [tilespmem:v6+s5+$0x0 ss:$0x1], $0xffff;
	v14 =	vadd.f32 v18, v13  }
0x2d8: {  	s5 =	simm.s32 $0x2000;
	v13 =	vld.idx.msk [tilespmem:v7+s4+$0xFFFFFFC0 ss:$0x1], $0xffff  }
.LBB2_21:
0x2d9: {  	p0 =	sne.s32 s5, $0x7000;
	v17 =	vld.idx.msk [tilespmem:v6+s4+$0xFFFFFF90 ss:$0x1], $0xffff;
	v14 =	vadd.f32 v15, v14;
	v15 =	vmul.f32 v16, v16;
	v8 =	vsub.f32 v8, v10  }
0x2da: {  	v10 =	vld.idx.msk [tilespmem:v7+s4+$0xFFFFFFD0 ss:$0x1], $0xffff  }
0x2db: {  	v5 =	vsub.f32 v5, v11;
	v16 =	vld.idx.msk [tilespmem:v6+s4+$0xFFFFFFA0 ss:$0x1], $0xffff;
	v14 =	vadd.f32 v15, v14;
	v8 =	vmul.f32 v8, v8  }
0x2dc: {  	v11 =	vld.idx.msk [tilespmem:v7+s4+$0xFFFFFFE0 ss:$0x1], $0xffff  }
0x2dd: {  	v5 =	vmul.f32 v5, v5;
	v9 =	vsub.f32 v9, v12;
	v15 =	vld.idx.msk [tilespmem:v6+s4+$0xFFFFFFB0 ss:$0x1], $0xffff;
	v8 =	vadd.f32 v8, v14  }
0x2de: {  	v12 =	vld.idx.msk [tilespmem:v7+s4+$0xFFFFFFF0 ss:$0x1], $0xffff  }
0x2df: {  	v13 =	vsub.f32 v13, v17;
	v14 =	vld.idx.msk [tilespmem:v6+s4+$0xFFFFFFC0 ss:$0x1], $0xffff;
	v5 =	vadd.f32 v5, v8;
	v8 =	vmul.f32 v9, v9  }
0x2e0: {  	v17 =	vld.idx.msk [tilespmem:v7+s4+$0x0 ss:$0x1], $0xffff  }
0x2e1: {  	v9 =	vmul.f32 v13, v13;
	v10 =	vsub.f32 v10, v16;
	v13 =	vld.idx.msk [tilespmem:v6+s4+$0xFFFFFFD0 ss:$0x1], $0xffff;
	v5 =	vadd.f32 v8, v5  }
0x2e2: {  	v8 =	vld.idx.msk [tilespmem:v7+s4+$0x10 ss:$0x1], $0xffff  }
0x2e3: {  	v16 =	vmul.f32 v10, v10;
	v11 =	vsub.f32 v11, v15;
	v9 =	vadd.f32 v9, v5;
	v10 =	vld.idx.msk [tilespmem:v6+s4+$0xFFFFFFE0 ss:$0x1], $0xffff  }
.Ltmp9:
0x2e4: {  	v5 =	vld.idx.msk [tilespmem:v7+s4+$0x20 ss:$0x1], $0xffff;
	(pc) =	sbr.rel @p0 .LBB2_21-.Ltmp9, $4  }
0x2e5: {  	v12 =	vsub.f32 v12, v14;
	v15 =	vadd.f32 v16, v9;
	v16 =	vmul.f32 v11, v11;
	v11 =	vld.idx.msk [tilespmem:v6+s4+$0xFFFFFFF0 ss:$0x1], $0xffff  }
0x2e6: {  	v9 =	vld.idx.msk [tilespmem:v7+s4+$0x30 ss:$0x1], $0xffff  }
0x2e7: {  	v14 =	vadd.f32 v16, v15;
	v15 =	vmul.f32 v12, v12;
	v16 =	vsub.f32 v17, v13;
	v12 =	vld.idx.msk [tilespmem:v6+s4+$0x0 ss:$0x1], $0xffff;
	s4 =	sshra.s32 s5, $0x2  }
0x2e8: {  	s5 =	sadd.s32 $0x1000, s5;
	v13 =	vld.idx.msk [tilespmem:v7+s4+$0xFFFFFFC0 ss:$0x1], $0xffff  }
0x2e9: {  	_ =	sdelay $0x2  }
0x2ea: {  	v14 =	vadd.f32 v15, v14;
	v42 =	vmul.f32 v16, v16;
	v8 =	vsub.f32 v8, v10  }
0x2eb: {  	v43 =	vld.idx.msk [tilespmem:v6+s4+$0xFFFFFF90 ss:$0x1], $0xffff  }
0x2ec: {  	v44 =	vld.idx.msk [tilespmem:v7+s4+$0xFFFFFFD0 ss:$0x1], $0xffff;
	v5 =	vsub.f32 v5, v11;
	v14 =	vadd.f32 v42, v14;
	v8 =	vmul.f32 v8, v8  }
0x2ed: {  	v45 =	vld.idx.msk [tilespmem:v6+s4+$0xFFFFFFA0 ss:$0x1], $0xffff  }
0x2ee: {  	v46 =	vld.idx.msk [tilespmem:v7+s4+$0xFFFFFFE0 ss:$0x1], $0xffff;
	v5 =	vmul.f32 v5, v5;
	v9 =	vsub.f32 v9, v12;
	v8 =	vadd.f32 v8, v14  }
0x2ef: {  	v47 =	vld.idx.msk [tilespmem:v6+s4+$0xFFFFFFB0 ss:$0x1], $0xffff  }
0x2f0: {  	v48 =	vld.idx.msk [tilespmem:v7+s4+$0xFFFFFFF0 ss:$0x1], $0xffff;
	v10 =	vsub.f32 v13, v43;
	v49 =	vmul.f32 v9, v9;
	v5 =	vadd.f32 v5, v8  }
0x2f1: {  	v50 =	vld.idx.msk [tilespmem:v6+s4+$0xFFFFFFC0 ss:$0x1], $0xffff  }
0x2f2: {  	v51 =	vld.idx.msk [tilespmem:v7+s4+$0x0 ss:$0x1], $0xffff;
	v11 =	vsub.f32 v44, v45;
	v10 =	vmul.f32 v10, v10;
	v5 =	vadd.f32 v49, v5  }
0x2f3: {  	v52 =	vld.idx.msk [tilespmem:v6+s4+$0xFFFFFFD0 ss:$0x1], $0xffff  }
0x2f4: {  	v53 =	vld.idx.msk [tilespmem:v7+s4+$0x10 ss:$0x1], $0xffff;
	v55 =	vsub.f32 v46, v47;
	v54 =	vmul.f32 v11, v11;
	v5 =	vadd.f32 v10, v5  }
0x2f5: {  	v56 =	vld.idx.msk [tilespmem:v6+s4+$0xFFFFFFE0 ss:$0x1], $0xffff  }
0x2f6: {  	v57 =	vld.idx.msk [tilespmem:v7+s4+$0x20 ss:$0x1], $0xffff;
	v9 =	vsub.f32 v48, v50;
	v58 =	vmul.f32 v55, v55;
	v5 =	vadd.f32 v54, v5  }
0x2f7: {  	v59 =	vld.idx.msk [tilespmem:v6+s4+$0xFFFFFFF0 ss:$0x1], $0xffff  }
0x2f8: {  	v7 =	vld.idx.msk [tilespmem:v7+s4+$0x30 ss:$0x1], $0xffff;
	v8 =	vsub.f32 v51, v52;
	v9 =	vmul.f32 v9, v9;
	v5 =	vadd.f32 v58, v5  }
0x2f9: {  	v6 =	vld.idx.msk [tilespmem:v6+s4+$0x0 ss:$0x1], $0xffff  }
0x2fa: {  	v60 =	vsub.f32 v53, v56;
	v8 =	vmul.f32 v8, v8;
	v5 =	vadd.f32 v9, v5;
	_ =	sdelay $0x1  }
0x2fb: {  	s29 =	sadd.s32 $0x1, s29;
	v62 =	vsub.f32 v57, v59;
	v61 =	vmul.f32 v60, v60;
	v5 =	vadd.f32 v8, v5  }
0x2fc: {  	p0 =	sne.s32 s29, $0x20  }
.Ltmp10:
0x2fd: {  	v6 =	vsub.f32 v7, v6;
	v63 =	vmul.f32 v62, v62;
	v5 =	vadd.f32 v61, v5;
	(pc) =	sbr.rel @p0 .LBB2_20-.Ltmp10, $3  }
0x2fe: {  	_ = 	snop  }
0x2ff: {  	v6 =	vmul.f32 v6, v6;
	v5 =	vadd.f32 v63, v5;
	_ =	sdelay $0x1  }
0x300: {  	s28 =	sadd.s32 $0x1, s28;
	v5 =	vadd.f32 v6, v5  }
0x301: {  	s28 =	simm.s32 $0x0;
	s4 =	rddreg [dreg:$0xe]  }
0x302: {  	[tilespmem:s31], [sflag:$0x3] =	stream.linear.gather [hbm4b:s4+s28], $0x8000, $0x38;
	[tilespmem:$0x1A280] =	vst v63  }
0x303: {  	_ =	swait.ge [sflag:s25], $0x8000  }
0x304: {  	[sflag:s25] =	ssyncset.done $0x0  }
0x305: {  	[sflag:s25] =	ssyncadd.s32 $0xFFFF8000  }
0x306: {  	v6 =	vld [tilespmem:$0xC0];
	_ =	sdelay $0x4  }
0x307: {  	v7 =	vshll.u32 v6, $0x3  }
0x308: {  	v6 =	vand.u32 $0x7, v6;
	v7 =	vand.u32 $0xFFFFFFC0, v7  }
0x309: {  	v6 =	vor.u32 v6, v7  }
0x30a: {  	v7 =	vperm.xlane v6, v0;
	_ =	sdelay $0x1  }
0x30b: {  	v7 =	vadd.s32 v1, v7;
	_ =	sdelay $0x4  }
0x30c: {  	[tilespmem:s13], [sflag:$0x1] =	stream.indirect_vreg.gather [hbm4b:s0+s28], $0x80, v7, vm0, $0xb8;
	[tilespmem:$0x1A280] =	vst v63  }
0x30d: {  	s5 =	simm.s32 $0xA00;
	v6 =	vperm.xlane v6, v2  }
0x30e: {  	[tilespmem:s5], [sflag:$0x1] =	stream.indirect_vreg.gather [hbm4b:s9+s28], $0x80, v7, vm0, $0xb8;
	[tilespmem:$0x1A280] =	vst v63  }
0x30f: {  	v6 =	vadd.s32 v1, v6;
	s5 =	simm.s32 $0x1200  }
0x310: {  	[tilespmem:s5], [sflag:$0x1] =	stream.indirect_vreg.gather [hbm4b:s10+s28], $0x80, v7, vm0, $0xb8;
	[tilespmem:$0x1A280] =	vst v63  }
0x311: {  	s5 =	simm.s32 $0x1A00  }
0x312: {  	[tilespmem:s5], [sflag:$0x1] =	stream.indirect_vreg.gather [hbm4b:s11+s28], $0x80, v7, vm0, $0xb8;
	[tilespmem:$0x1A280] =	vst v63  }
0x313: {  	s5 =	simm.s32 $0x2200  }
0x314: {  	[tilespmem:s5], [sflag:$0x1] =	stream.indirect_vreg.gather [hbm4b:s0+s28], $0x80, v6, vm0, $0xb8;
	[tilespmem:$0x1A280] =	vst v63  }
0x315: {  	s5 =	simm.s32 $0x2A00  }
0x316: {  	[tilespmem:s5], [sflag:$0x1] =	stream.indirect_vreg.gather [hbm4b:s9+s28], $0x80, v6, vm0, $0xb8;
	[tilespmem:$0x1A280] =	vst v63  }
0x317: {  	s5 =	simm.s32 $0x3200  }
0x318: {  	[tilespmem:s5], [sflag:$0x1] =	stream.indirect_vreg.gather [hbm4b:s10+s28], $0x80, v6, vm0, $0xb8;
	[tilespmem:$0x1A280] =	vst v63  }
0x319: {  	s5 =	simm.s32 $0x3A00  }
0x31a: {  	[tilespmem:s5], [sflag:$0x1] =	stream.indirect_vreg.gather [hbm4b:s11+s28], $0x80, v6, vm0, $0xb8;
	[tilespmem:$0x1A280] =	vst v63  }
0x31b: {  	v6 =	vld [tilespmem:$0xD0];
	_ =	sdelay $0x4  }
0x31c: {  	v7 =	vshll.u32 v6, $0x3  }
0x31d: {  	v6 =	vand.u32 $0x7, v6;
	v7 =	vand.u32 $0xFFFFFFC0, v7  }
0x31e: {  	v6 =	vor.u32 v6, v7  }
0x31f: {  	v7 =	vperm.xlane v6, v0;
	_ =	sdelay $0x1  }
0x320: {  	v7 =	vadd.s32 v1, v7;
	_ =	sdelay $0x3  }
0x321: {  	s5 =	simm.s32 $0x4200  }
0x322: {  	[tilespmem:s5], [sflag:$0x1] =	stream.indirect_vreg.gather [hbm4b:s0+s28], $0x80, v7, vm0, $0xb8;
	[tilespmem:$0x1A280] =	vst v63  }
0x323: {  	v6 =	vperm.xlane v6, v2;
	s5 =	simm.s32 $0x4A00  }
0x324: {  	[tilespmem:s5], [sflag:$0x1] =	stream.indirect_vreg.gather [hbm4b:s9+s28], $0x80, v7, vm0, $0xb8;
	[tilespmem:$0x1A280] =	vst v63  }
0x325: {  	v6 =	vadd.s32 v1, v6;
	s5 =	simm.s32 $0x5200  }
0x326: {  	[tilespmem:s5], [sflag:$0x1] =	stream.indirect_vreg.gather [hbm4b:s10+s28], $0x80, v7, vm0, $0xb8;
	[tilespmem:$0x1A280] =	vst v63  }
0x327: {  	s5 =	simm.s32 $0x5A00  }
0x328: {  	[tilespmem:s5], [sflag:$0x1] =	stream.indirect_vreg.gather [hbm4b:s11+s28], $0x80, v7, vm0, $0xb8;
	[tilespmem:$0x1A280] =	vst v63  }
0x329: {  	s5 =	simm.s32 $0x6200  }
0x32a: {  	[tilespmem:s5], [sflag:$0x1] =	stream.indirect_vreg.gather [hbm4b:s0+s28], $0x80, v6, vm0, $0xb8;
	[tilespmem:$0x1A280] =	vst v63  }
0x32b: {  	s5 =	simm.s32 $0x6A00  }
0x32c: {  	[tilespmem:s5], [sflag:$0x1] =	stream.indirect_vreg.gather [hbm4b:s9+s28], $0x80, v6, vm0, $0xb8;
	[tilespmem:$0x1A280] =	vst v63  }
0x32d: {  	s5 =	simm.s32 $0x7200  }
0x32e: {  	[tilespmem:s5], [sflag:$0x1] =	stream.indirect_vreg.gather [hbm4b:s10+s28], $0x80, v6, vm0, $0xb8;
	[tilespmem:$0x1A280] =	vst v63  }
0x32f: {  	s5 =	simm.s32 $0x7A00  }
0x330: {  	[tilespmem:s5], [sflag:$0x1] =	stream.indirect_vreg.gather [hbm4b:s11+s28], $0x80, v6, vm0, $0xb8;
	[tilespmem:$0x1A280] =	vst v63  }
0x331: {  	s5 =	rddreg [dreg:$0xf]  }
0x332: {  	[hbm4b:s5+s28] =	stream.linear.scatter [tilespmem:s3], [sflag:$0x4], $0x8000, $0x38;
	[tilespmem:$0x1A280] =	vst v63  }
0x333: {  	_ =	swait.ge [sflag:s12], $0x8000  }
0x334: {  	[sflag:s12] =	ssyncset.done $0x0  }
0x335: {  	[sflag:s12] =	ssyncadd.s32 $0xFFFF8000  }
0x336: {  	_ =	swait.ge [sflag:s24], $0x8000  }
0x337: {  	[sflag:s24] =	ssyncset.done $0x0  }
0x338: {  	s29 =	simm.s32 $0x0;
	[sflag:s24] =	ssyncadd.s32 $0xFFFF8000  }
.LBB2_24:
0x339: {  	s4 =	sshll.u32 s29, $0xC;
	s5 =	sand.u32 $0x7, s28  }
0x33a: {  	s4 =	sand.u32 $0xFFFF8000, s4;
	s5 =	sshll.u32 s5, $0x9  }
0x33b: {  	s4 =	sor.u32 s5, s4  }
0x33c: {  	s4 =	sshrl.u32 s4, $0x2  }
0x33d: {  	s5 =	sadd.s32 $0x8240, s4  }
0x33e: {  	s4 =	sadd.s32 $0x10270, s4;
	v7 =	vmov s5  }
0x33f: {  	v6 =	vmov s4;
	_ =	sdelay $0x2  }
0x340: {  	s5 =	simm.s32 $0x0  }
0x341: {  	v8 =	vld.idx.msk [tilespmem:v7+s5+$0xFFFFFFC0 ss:$0x1], $0xffff  }
0x342: {  	v9 =	vld.idx.msk [tilespmem:v6+s5+$0xFFFFFF90 ss:$0x1], $0xffff  }
0x343: {  	v10 =	vld.idx.msk [tilespmem:v7+s5+$0xFFFFFFD0 ss:$0x1], $0xffff  }
0x344: {  	v11 =	vld.idx.msk [tilespmem:v6+s5+$0xFFFFFFA0 ss:$0x1], $0xffff  }
0x345: {  	v12 =	vld.idx.msk [tilespmem:v7+s5+$0xFFFFFFE0 ss:$0x1], $0xffff  }
0x346: {  	v13 =	vld.idx.msk [tilespmem:v6+s5+$0xFFFFFFB0 ss:$0x1], $0xffff  }
0x347: {  	v14 =	vld.idx.msk [tilespmem:v7+s5+$0xFFFFFFF0 ss:$0x1], $0xffff  }
0x348: {  	v15 =	vld.idx.msk [tilespmem:v6+s5+$0xFFFFFFC0 ss:$0x1], $0xffff;
	v8 =	vsub.f32 v8, v9  }
0x349: {  	v16 =	vld.idx.msk [tilespmem:v7+s5+$0x0 ss:$0x1], $0xffff  }
0x34a: {  	v17 =	vld.idx.msk [tilespmem:v6+s5+$0xFFFFFFD0 ss:$0x1], $0xffff;
	v11 =	vsub.f32 v10, v11;
	v9 =	vmul.f32 v8, v8  }
0x34b: {  	v10 =	vld.idx.msk [tilespmem:v6+s5+$0xFFFFFFE0 ss:$0x1], $0xffff  }
0x34c: {  	v12 =	vsub.f32 v12, v13;
	v8 =	vld.idx.msk [tilespmem:v7+s5+$0x10 ss:$0x1], $0xffff;
	v18 =	vmul.f32 v11, v11;
	v9 =	vadd.f32 v9, v5  }
0x34d: {  	v11 =	vld.idx.msk [tilespmem:v6+s5+$0xFFFFFFF0 ss:$0x1], $0xffff  }
0x34e: {  	v15 =	vsub.f32 v14, v15;
	v5 =	vld.idx.msk [tilespmem:v7+s5+$0x20 ss:$0x1], $0xffff;
	v13 =	vadd.f32 v18, v9;
	v18 =	vmul.f32 v12, v12  }
0x34f: {  	v9 =	vld.idx.msk [tilespmem:v7+s5+$0x30 ss:$0x1], $0xffff  }
0x350: {  	s4 =	simm.s32 $0x400;
	v16 =	vsub.f32 v16, v17;
	v15 =	vmul.f32 v15, v15;
	v12 =	vld.idx.msk [tilespmem:v6+s5+$0x0 ss:$0x1], $0xffff;
	v14 =	vadd.f32 v18, v13  }
0x351: {  	s5 =	simm.s32 $0x2000;
	v13 =	vld.idx.msk [tilespmem:v7+s4+$0xFFFFFFC0 ss:$0x1], $0xffff  }
.LBB2_25:
0x352: {  	p0 =	sne.s32 s5, $0x7000;
	v17 =	vld.idx.msk [tilespmem:v6+s4+$0xFFFFFF90 ss:$0x1], $0xffff;
	v14 =	vadd.f32 v15, v14;
	v15 =	vmul.f32 v16, v16;
	v8 =	vsub.f32 v8, v10  }
0x353: {  	v10 =	vld.idx.msk [tilespmem:v7+s4+$0xFFFFFFD0 ss:$0x1], $0xffff  }
0x354: {  	v5 =	vsub.f32 v5, v11;
	v16 =	vld.idx.msk [tilespmem:v6+s4+$0xFFFFFFA0 ss:$0x1], $0xffff;
	v14 =	vadd.f32 v15, v14;
	v8 =	vmul.f32 v8, v8  }
0x355: {  	v11 =	vld.idx.msk [tilespmem:v7+s4+$0xFFFFFFE0 ss:$0x1], $0xffff  }
0x356: {  	v5 =	vmul.f32 v5, v5;
	v9 =	vsub.f32 v9, v12;
	v15 =	vld.idx.msk [tilespmem:v6+s4+$0xFFFFFFB0 ss:$0x1], $0xffff;
	v8 =	vadd.f32 v8, v14  }
0x357: {  	v12 =	vld.idx.msk [tilespmem:v7+s4+$0xFFFFFFF0 ss:$0x1], $0xffff  }
0x358: {  	v13 =	vsub.f32 v13, v17;
	v14 =	vld.idx.msk [tilespmem:v6+s4+$0xFFFFFFC0 ss:$0x1], $0xffff;
	v5 =	vadd.f32 v5, v8;
	v8 =	vmul.f32 v9, v9  }
0x359: {  	v17 =	vld.idx.msk [tilespmem:v7+s4+$0x0 ss:$0x1], $0xffff  }
0x35a: {  	v9 =	vmul.f32 v13, v13;
	v10 =	vsub.f32 v10, v16;
	v13 =	vld.idx.msk [tilespmem:v6+s4+$0xFFFFFFD0 ss:$0x1], $0xffff;
	v5 =	vadd.f32 v8, v5  }
0x35b: {  	v8 =	vld.idx.msk [tilespmem:v7+s4+$0x10 ss:$0x1], $0xffff  }
0x35c: {  	v16 =	vmul.f32 v10, v10;
	v11 =	vsub.f32 v11, v15;
	v9 =	vadd.f32 v9, v5;
	v10 =	vld.idx.msk [tilespmem:v6+s4+$0xFFFFFFE0 ss:$0x1], $0xffff  }
.Ltmp11:
0x35d: {  	v5 =	vld.idx.msk [tilespmem:v7+s4+$0x20 ss:$0x1], $0xffff;
	(pc) =	sbr.rel @p0 .LBB2_25-.Ltmp11, $4  }
0x35e: {  	v12 =	vsub.f32 v12, v14;
	v15 =	vadd.f32 v16, v9;
	v16 =	vmul.f32 v11, v11;
	v11 =	vld.idx.msk [tilespmem:v6+s4+$0xFFFFFFF0 ss:$0x1], $0xffff  }
0x35f: {  	v9 =	vld.idx.msk [tilespmem:v7+s4+$0x30 ss:$0x1], $0xffff  }
0x360: {  	v14 =	vadd.f32 v16, v15;
	v15 =	vmul.f32 v12, v12;
	v16 =	vsub.f32 v17, v13;
	v12 =	vld.idx.msk [tilespmem:v6+s4+$0x0 ss:$0x1], $0xffff;
	s4 =	sshra.s32 s5, $0x2  }
0x361: {  	s5 =	sadd.s32 $0x1000, s5;
	v13 =	vld.idx.msk [tilespmem:v7+s4+$0xFFFFFFC0 ss:$0x1], $0xffff  }
0x362: {  	_ =	sdelay $0x2  }
0x363: {  	v14 =	vadd.f32 v15, v14;
	v42 =	vmul.f32 v16, v16;
	v8 =	vsub.f32 v8, v10  }
0x364: {  	v43 =	vld.idx.msk [tilespmem:v6+s4+$0xFFFFFF90 ss:$0x1], $0xffff  }
0x365: {  	v44 =	vld.idx.msk [tilespmem:v7+s4+$0xFFFFFFD0 ss:$0x1], $0xffff;
	v5 =	vsub.f32 v5, v11;
	v14 =	vadd.f32 v42, v14;
	v8 =	vmul.f32 v8, v8  }
0x366: {  	v45 =	vld.idx.msk [tilespmem:v6+s4+$0xFFFFFFA0 ss:$0x1], $0xffff  }
0x367: {  	v46 =	vld.idx.msk [tilespmem:v7+s4+$0xFFFFFFE0 ss:$0x1], $0xffff;
	v5 =	vmul.f32 v5, v5;
	v9 =	vsub.f32 v9, v12;
	v8 =	vadd.f32 v8, v14  }
0x368: {  	v47 =	vld.idx.msk [tilespmem:v6+s4+$0xFFFFFFB0 ss:$0x1], $0xffff  }
0x369: {  	v48 =	vld.idx.msk [tilespmem:v7+s4+$0xFFFFFFF0 ss:$0x1], $0xffff;
	v10 =	vsub.f32 v13, v43;
	v49 =	vmul.f32 v9, v9;
	v5 =	vadd.f32 v5, v8  }
0x36a: {  	v50 =	vld.idx.msk [tilespmem:v6+s4+$0xFFFFFFC0 ss:$0x1], $0xffff  }
0x36b: {  	v51 =	vld.idx.msk [tilespmem:v7+s4+$0x0 ss:$0x1], $0xffff;
	v11 =	vsub.f32 v44, v45;
	v10 =	vmul.f32 v10, v10;
	v5 =	vadd.f32 v49, v5  }
0x36c: {  	v52 =	vld.idx.msk [tilespmem:v6+s4+$0xFFFFFFD0 ss:$0x1], $0xffff  }
0x36d: {  	v53 =	vld.idx.msk [tilespmem:v7+s4+$0x10 ss:$0x1], $0xffff;
	v55 =	vsub.f32 v46, v47;
	v54 =	vmul.f32 v11, v11;
	v5 =	vadd.f32 v10, v5  }
0x36e: {  	v56 =	vld.idx.msk [tilespmem:v6+s4+$0xFFFFFFE0 ss:$0x1], $0xffff  }
0x36f: {  	v57 =	vld.idx.msk [tilespmem:v7+s4+$0x20 ss:$0x1], $0xffff;
	v9 =	vsub.f32 v48, v50;
	v58 =	vmul.f32 v55, v55;
	v5 =	vadd.f32 v54, v5  }
0x370: {  	v59 =	vld.idx.msk [tilespmem:v6+s4+$0xFFFFFFF0 ss:$0x1], $0xffff  }
0x371: {  	v7 =	vld.idx.msk [tilespmem:v7+s4+$0x30 ss:$0x1], $0xffff;
	v8 =	vsub.f32 v51, v52;
	v9 =	vmul.f32 v9, v9;
	v5 =	vadd.f32 v58, v5  }
0x372: {  	v6 =	vld.idx.msk [tilespmem:v6+s4+$0x0 ss:$0x1], $0xffff  }
0x373: {  	v60 =	vsub.f32 v53, v56;
	v8 =	vmul.f32 v8, v8;
	v5 =	vadd.f32 v9, v5;
	_ =	sdelay $0x1  }
0x374: {  	s29 =	sadd.s32 $0x1, s29;
	v62 =	vsub.f32 v57, v59;
	v61 =	vmul.f32 v60, v60;
	v5 =	vadd.f32 v8, v5  }
0x375: {  	p0 =	sne.s32 s29, $0x20  }
.Ltmp12:
0x376: {  	v6 =	vsub.f32 v7, v6;
	v63 =	vmul.f32 v62, v62;
	v5 =	vadd.f32 v61, v5;
	(pc) =	sbr.rel @p0 .LBB2_24-.Ltmp12, $3  }
0x377: {  	_ = 	snop  }
0x378: {  	v6 =	vmul.f32 v6, v6;
	v5 =	vadd.f32 v63, v5;
	_ =	sdelay $0x1  }
0x379: {  	s28 =	sadd.s32 $0x1, s28;
	v5 =	vadd.f32 v6, v5  }
0x37a: {  	s28 =	simm.s32 $0x0;
	s4 =	rddreg [dreg:$0x10]  }
0x37b: {  	[tilespmem:s31], [sflag:$0x3] =	stream.linear.gather [hbm4b:s4+s28], $0x8000, $0x38;
	[tilespmem:$0x1A280] =	vst v63  }
0x37c: {  	_ =	swait.ge [sflag:s2], $0x8000  }
0x37d: {  	[sflag:s2] =	ssyncset.done $0x0  }
0x37e: {  	[sflag:s2] =	ssyncadd.s32 $0xFFFF8000  }
0x37f: {  	v6 =	vld [tilespmem:$0xE0];
	_ =	sdelay $0x4  }
0x380: {  	v7 =	vshll.u32 v6, $0x3  }
0x381: {  	v6 =	vand.u32 $0x7, v6;
	v7 =	vand.u32 $0xFFFFFFC0, v7  }
0x382: {  	v6 =	vor.u32 v6, v7  }
0x383: {  	v7 =	vperm.xlane v6, v0;
	_ =	sdelay $0x1  }
0x384: {  	v7 =	vadd.s32 v1, v7;
	_ =	sdelay $0x4  }
0x385: {  	[tilespmem:s3], [sflag:$0x2] =	stream.indirect_vreg.gather [hbm4b:s0+s28], $0x80, v7, vm0, $0xb8;
	[tilespmem:$0x1A280] =	vst v63  }
0x386: {  	s5 =	simm.s32 $0x8A00;
	v6 =	vperm.xlane v6, v2  }
0x387: {  	[tilespmem:s5], [sflag:$0x2] =	stream.indirect_vreg.gather [hbm4b:s9+s28], $0x80, v7, vm0, $0xb8;
	[tilespmem:$0x1A280] =	vst v63  }
0x388: {  	v6 =	vadd.s32 v1, v6;
	s5 =	simm.s32 $0x9200  }
0x389: {  	[tilespmem:s5], [sflag:$0x2] =	stream.indirect_vreg.gather [hbm4b:s10+s28], $0x80, v7, vm0, $0xb8;
	[tilespmem:$0x1A280] =	vst v63  }
0x38a: {  	_ = 	snop  }
0x38b: {  	[tilespmem:s6], [sflag:$0x2] =	stream.indirect_vreg.gather [hbm4b:s11+s28], $0x80, v7, vm0, $0xb8;
	[tilespmem:$0x1A280] =	vst v63  }
0x38c: {  	_ = 	snop  }
0x38d: {  	[tilespmem:s7], [sflag:$0x2] =	stream.indirect_vreg.gather [hbm4b:s0+s28], $0x80, v6, vm0, $0xb8;
	[tilespmem:$0x1A280] =	vst v63  }
0x38e: {  	_ = 	snop  }
0x38f: {  	[tilespmem:s8], [sflag:$0x2] =	stream.indirect_vreg.gather [hbm4b:s9+s28], $0x80, v6, vm0, $0xb8;
	[tilespmem:$0x1A280] =	vst v63  }
0x390: {  	_ = 	snop  }
0x391: {  	[tilespmem:s14], [sflag:$0x2] =	stream.indirect_vreg.gather [hbm4b:s10+s28], $0x80, v6, vm0, $0xb8;
	[tilespmem:$0x1A280] =	vst v63  }
0x392: {  	_ = 	snop  }
0x393: {  	[tilespmem:s15], [sflag:$0x2] =	stream.indirect_vreg.gather [hbm4b:s11+s28], $0x80, v6, vm0, $0xb8;
	[tilespmem:$0x1A280] =	vst v63  }
0x394: {  	v6 =	vld [tilespmem:$0xF0];
	_ =	sdelay $0x4  }
0x395: {  	v7 =	vshll.u32 v6, $0x3  }
0x396: {  	v6 =	vand.u32 $0x7, v6;
	v7 =	vand.u32 $0xFFFFFFC0, v7  }
0x397: {  	v6 =	vor.u32 v6, v7  }
0x398: {  	v7 =	vperm.xlane v6, v0;
	_ =	sdelay $0x1  }
0x399: {  	v7 =	vadd.s32 v1, v7;
	_ =	sdelay $0x4  }
0x39a: {  	[tilespmem:s16], [sflag:$0x2] =	stream.indirect_vreg.gather [hbm4b:s0+s28], $0x80, v7, vm0, $0xb8;
	[tilespmem:$0x1A280] =	vst v63  }
0x39b: {  	v6 =	vperm.xlane v6, v2  }
0x39c: {  	[tilespmem:s17], [sflag:$0x2] =	stream.indirect_vreg.gather [hbm4b:s9+s28], $0x80, v7, vm0, $0xb8;
	[tilespmem:$0x1A280] =	vst v63  }
0x39d: {  	v6 =	vadd.s32 v1, v6  }
0x39e: {  	[tilespmem:s18], [sflag:$0x2] =	stream.indirect_vreg.gather [hbm4b:s10+s28], $0x80, v7, vm0, $0xb8;
	[tilespmem:$0x1A280] =	vst v63  }
0x39f: {  	_ = 	snop  }
0x3a0: {  	[tilespmem:s19], [sflag:$0x2] =	stream.indirect_vreg.gather [hbm4b:s11+s28], $0x80, v7, vm0, $0xb8;
	[tilespmem:$0x1A280] =	vst v63  }
0x3a1: {  	_ = 	snop  }
0x3a2: {  	[tilespmem:s20], [sflag:$0x2] =	stream.indirect_vreg.gather [hbm4b:s0+s28], $0x80, v6, vm0, $0xb8;
	[tilespmem:$0x1A280] =	vst v63  }
0x3a3: {  	_ = 	snop  }
0x3a4: {  	[tilespmem:s21], [sflag:$0x2] =	stream.indirect_vreg.gather [hbm4b:s9+s28], $0x80, v6, vm0, $0xb8;
	[tilespmem:$0x1A280] =	vst v63  }
0x3a5: {  	_ = 	snop  }
0x3a6: {  	[tilespmem:s22], [sflag:$0x2] =	stream.indirect_vreg.gather [hbm4b:s10+s28], $0x80, v6, vm0, $0xb8;
	[tilespmem:$0x1A280] =	vst v63  }
0x3a7: {  	_ = 	snop  }
0x3a8: {  	[tilespmem:s23], [sflag:$0x2] =	stream.indirect_vreg.gather [hbm4b:s11+s28], $0x80, v6, vm0, $0xb8;
	[tilespmem:$0x1A280] =	vst v63  }
0x3a9: {  	s5 =	rddreg [dreg:$0x11]  }
0x3aa: {  	[hbm4b:s5+s28] =	stream.linear.scatter [tilespmem:s13], [sflag:$0x4], $0x8000, $0x38;
	[tilespmem:$0x1A280] =	vst v63  }
0x3ab: {  	_ =	swait.ge [sflag:s12], $0x8000  }
0x3ac: {  	[sflag:s12] =	ssyncset.done $0x0  }
0x3ad: {  	[sflag:s12] =	ssyncadd.s32 $0xFFFF8000  }
0x3ae: {  	_ =	swait.ge [sflag:s24], $0x8000  }
0x3af: {  	[sflag:s24] =	ssyncset.done $0x0  }
0x3b0: {  	s29 =	simm.s32 $0x0;
	[sflag:s24] =	ssyncadd.s32 $0xFFFF8000  }
.LBB2_28:
0x3b1: {  	s4 =	sshll.u32 s29, $0xC;
	s5 =	sand.u32 $0x7, s28  }
0x3b2: {  	s4 =	sand.u32 $0xFFFF8000, s4;
	s5 =	sshll.u32 s5, $0x9  }
0x3b3: {  	s4 =	sor.u32 s5, s4  }
0x3b4: {  	s4 =	sshrl.u32 s4, $0x2  }
0x3b5: {  	s5 =	sadd.s32 $0x240, s4  }
0x3b6: {  	s4 =	sadd.s32 $0x10270, s4;
	v7 =	vmov s5  }
0x3b7: {  	v6 =	vmov s4;
	_ =	sdelay $0x2  }
0x3b8: {  	s5 =	simm.s32 $0x0  }
0x3b9: {  	v8 =	vld.idx.msk [tilespmem:v7+s5+$0xFFFFFFC0 ss:$0x1], $0xffff  }
0x3ba: {  	v9 =	vld.idx.msk [tilespmem:v6+s5+$0xFFFFFF90 ss:$0x1], $0xffff  }
0x3bb: {  	v10 =	vld.idx.msk [tilespmem:v7+s5+$0xFFFFFFD0 ss:$0x1], $0xffff  }
0x3bc: {  	v11 =	vld.idx.msk [tilespmem:v6+s5+$0xFFFFFFA0 ss:$0x1], $0xffff  }
0x3bd: {  	v12 =	vld.idx.msk [tilespmem:v7+s5+$0xFFFFFFE0 ss:$0x1], $0xffff  }
0x3be: {  	v13 =	vld.idx.msk [tilespmem:v6+s5+$0xFFFFFFB0 ss:$0x1], $0xffff  }
0x3bf: {  	v14 =	vld.idx.msk [tilespmem:v7+s5+$0xFFFFFFF0 ss:$0x1], $0xffff  }
0x3c0: {  	v15 =	vld.idx.msk [tilespmem:v6+s5+$0xFFFFFFC0 ss:$0x1], $0xffff;
	v8 =	vsub.f32 v8, v9  }
0x3c1: {  	v16 =	vld.idx.msk [tilespmem:v7+s5+$0x0 ss:$0x1], $0xffff  }
0x3c2: {  	v17 =	vld.idx.msk [tilespmem:v6+s5+$0xFFFFFFD0 ss:$0x1], $0xffff;
	v11 =	vsub.f32 v10, v11;
	v9 =	vmul.f32 v8, v8  }
0x3c3: {  	v10 =	vld.idx.msk [tilespmem:v6+s5+$0xFFFFFFE0 ss:$0x1], $0xffff  }
0x3c4: {  	v12 =	vsub.f32 v12, v13;
	v8 =	vld.idx.msk [tilespmem:v7+s5+$0x10 ss:$0x1], $0xffff;
	v18 =	vmul.f32 v11, v11;
	v9 =	vadd.f32 v9, v5  }
0x3c5: {  	v11 =	vld.idx.msk [tilespmem:v6+s5+$0xFFFFFFF0 ss:$0x1], $0xffff  }
0x3c6: {  	v15 =	vsub.f32 v14, v15;
	v5 =	vld.idx.msk [tilespmem:v7+s5+$0x20 ss:$0x1], $0xffff;
	v13 =	vadd.f32 v18, v9;
	v18 =	vmul.f32 v12, v12  }
0x3c7: {  	v9 =	vld.idx.msk [tilespmem:v7+s5+$0x30 ss:$0x1], $0xffff  }
0x3c8: {  	s4 =	simm.s32 $0x400;
	v16 =	vsub.f32 v16, v17;
	v15 =	vmul.f32 v15, v15;
	v12 =	vld.idx.msk [tilespmem:v6+s5+$0x0 ss:$0x1], $0xffff;
	v14 =	vadd.f32 v18, v13  }
0x3c9: {  	s5 =	simm.s32 $0x2000;
	v13 =	vld.idx.msk [tilespmem:v7+s4+$0xFFFFFFC0 ss:$0x1], $0xffff  }
.LBB2_29:
0x3ca: {  	p0 =	sne.s32 s5, $0x7000;
	v17 =	vld.idx.msk [tilespmem:v6+s4+$0xFFFFFF90 ss:$0x1], $0xffff;
	v14 =	vadd.f32 v15, v14;
	v15 =	vmul.f32 v16, v16;
	v8 =	vsub.f32 v8, v10  }
0x3cb: {  	v10 =	vld.idx.msk [tilespmem:v7+s4+$0xFFFFFFD0 ss:$0x1], $0xffff  }
0x3cc: {  	v5 =	vsub.f32 v5, v11;
	v16 =	vld.idx.msk [tilespmem:v6+s4+$0xFFFFFFA0 ss:$0x1], $0xffff;
	v14 =	vadd.f32 v15, v14;
	v8 =	vmul.f32 v8, v8  }
0x3cd: {  	v11 =	vld.idx.msk [tilespmem:v7+s4+$0xFFFFFFE0 ss:$0x1], $0xffff  }
0x3ce: {  	v5 =	vmul.f32 v5, v5;
	v9 =	vsub.f32 v9, v12;
	v15 =	vld.idx.msk [tilespmem:v6+s4+$0xFFFFFFB0 ss:$0x1], $0xffff;
	v8 =	vadd.f32 v8, v14  }
0x3cf: {  	v12 =	vld.idx.msk [tilespmem:v7+s4+$0xFFFFFFF0 ss:$0x1], $0xffff  }
0x3d0: {  	v13 =	vsub.f32 v13, v17;
	v14 =	vld.idx.msk [tilespmem:v6+s4+$0xFFFFFFC0 ss:$0x1], $0xffff;
	v5 =	vadd.f32 v5, v8;
	v8 =	vmul.f32 v9, v9  }
0x3d1: {  	v17 =	vld.idx.msk [tilespmem:v7+s4+$0x0 ss:$0x1], $0xffff  }
0x3d2: {  	v9 =	vmul.f32 v13, v13;
	v10 =	vsub.f32 v10, v16;
	v13 =	vld.idx.msk [tilespmem:v6+s4+$0xFFFFFFD0 ss:$0x1], $0xffff;
	v5 =	vadd.f32 v8, v5  }
0x3d3: {  	v8 =	vld.idx.msk [tilespmem:v7+s4+$0x10 ss:$0x1], $0xffff  }
0x3d4: {  	v16 =	vmul.f32 v10, v10;
	v11 =	vsub.f32 v11, v15;
	v9 =	vadd.f32 v9, v5;
	v10 =	vld.idx.msk [tilespmem:v6+s4+$0xFFFFFFE0 ss:$0x1], $0xffff  }
.Ltmp13:
0x3d5: {  	v5 =	vld.idx.msk [tilespmem:v7+s4+$0x20 ss:$0x1], $0xffff;
	(pc) =	sbr.rel @p0 .LBB2_29-.Ltmp13, $4  }
0x3d6: {  	v12 =	vsub.f32 v12, v14;
	v15 =	vadd.f32 v16, v9;
	v16 =	vmul.f32 v11, v11;
	v11 =	vld.idx.msk [tilespmem:v6+s4+$0xFFFFFFF0 ss:$0x1], $0xffff  }
0x3d7: {  	v9 =	vld.idx.msk [tilespmem:v7+s4+$0x30 ss:$0x1], $0xffff  }
0x3d8: {  	v14 =	vadd.f32 v16, v15;
	v15 =	vmul.f32 v12, v12;
	v16 =	vsub.f32 v17, v13;
	v12 =	vld.idx.msk [tilespmem:v6+s4+$0x0 ss:$0x1], $0xffff;
	s4 =	sshra.s32 s5, $0x2  }
0x3d9: {  	s5 =	sadd.s32 $0x1000, s5;
	v13 =	vld.idx.msk [tilespmem:v7+s4+$0xFFFFFFC0 ss:$0x1], $0xffff  }
0x3da: {  	_ =	sdelay $0x2  }
0x3db: {  	v14 =	vadd.f32 v15, v14;
	v42 =	vmul.f32 v16, v16;
	v8 =	vsub.f32 v8, v10  }
0x3dc: {  	v43 =	vld.idx.msk [tilespmem:v6+s4+$0xFFFFFF90 ss:$0x1], $0xffff  }
0x3dd: {  	v44 =	vld.idx.msk [tilespmem:v7+s4+$0xFFFFFFD0 ss:$0x1], $0xffff;
	v5 =	vsub.f32 v5, v11;
	v14 =	vadd.f32 v42, v14;
	v8 =	vmul.f32 v8, v8  }
0x3de: {  	v45 =	vld.idx.msk [tilespmem:v6+s4+$0xFFFFFFA0 ss:$0x1], $0xffff  }
0x3df: {  	v46 =	vld.idx.msk [tilespmem:v7+s4+$0xFFFFFFE0 ss:$0x1], $0xffff;
	v5 =	vmul.f32 v5, v5;
	v9 =	vsub.f32 v9, v12;
	v8 =	vadd.f32 v8, v14  }
0x3e0: {  	v47 =	vld.idx.msk [tilespmem:v6+s4+$0xFFFFFFB0 ss:$0x1], $0xffff  }
0x3e1: {  	v48 =	vld.idx.msk [tilespmem:v7+s4+$0xFFFFFFF0 ss:$0x1], $0xffff;
	v10 =	vsub.f32 v13, v43;
	v49 =	vmul.f32 v9, v9;
	v5 =	vadd.f32 v5, v8  }
0x3e2: {  	v50 =	vld.idx.msk [tilespmem:v6+s4+$0xFFFFFFC0 ss:$0x1], $0xffff  }
0x3e3: {  	v51 =	vld.idx.msk [tilespmem:v7+s4+$0x0 ss:$0x1], $0xffff;
	v11 =	vsub.f32 v44, v45;
	v10 =	vmul.f32 v10, v10;
	v5 =	vadd.f32 v49, v5  }
0x3e4: {  	v52 =	vld.idx.msk [tilespmem:v6+s4+$0xFFFFFFD0 ss:$0x1], $0xffff  }
0x3e5: {  	v53 =	vld.idx.msk [tilespmem:v7+s4+$0x10 ss:$0x1], $0xffff;
	v55 =	vsub.f32 v46, v47;
	v54 =	vmul.f32 v11, v11;
	v5 =	vadd.f32 v10, v5  }
0x3e6: {  	v56 =	vld.idx.msk [tilespmem:v6+s4+$0xFFFFFFE0 ss:$0x1], $0xffff  }
0x3e7: {  	v57 =	vld.idx.msk [tilespmem:v7+s4+$0x20 ss:$0x1], $0xffff;
	v9 =	vsub.f32 v48, v50;
	v58 =	vmul.f32 v55, v55;
	v5 =	vadd.f32 v54, v5  }
0x3e8: {  	v59 =	vld.idx.msk [tilespmem:v6+s4+$0xFFFFFFF0 ss:$0x1], $0xffff  }
0x3e9: {  	v7 =	vld.idx.msk [tilespmem:v7+s4+$0x30 ss:$0x1], $0xffff;
	v8 =	vsub.f32 v51, v52;
	v9 =	vmul.f32 v9, v9;
	v5 =	vadd.f32 v58, v5  }
0x3ea: {  	v6 =	vld.idx.msk [tilespmem:v6+s4+$0x0 ss:$0x1], $0xffff  }
0x3eb: {  	v60 =	vsub.f32 v53, v56;
	v8 =	vmul.f32 v8, v8;
	v5 =	vadd.f32 v9, v5;
	_ =	sdelay $0x1  }
0x3ec: {  	s29 =	sadd.s32 $0x1, s29;
	v62 =	vsub.f32 v57, v59;
	v61 =	vmul.f32 v60, v60;
	v5 =	vadd.f32 v8, v5  }
0x3ed: {  	p0 =	sne.s32 s29, $0x20  }
.Ltmp14:
0x3ee: {  	v6 =	vsub.f32 v7, v6;
	v63 =	vmul.f32 v62, v62;
	v5 =	vadd.f32 v61, v5;
	(pc) =	sbr.rel @p0 .LBB2_28-.Ltmp14, $3  }
0x3ef: {  	_ = 	snop  }
0x3f0: {  	v6 =	vmul.f32 v6, v6;
	v5 =	vadd.f32 v63, v5;
	_ =	sdelay $0x1  }
0x3f1: {  	s28 =	sadd.s32 $0x1, s28;
	v5 =	vadd.f32 v6, v5  }
0x3f2: {  	s28 =	simm.s32 $0x0;
	s4 =	rddreg [dreg:$0x12]  }
0x3f3: {  	[tilespmem:s31], [sflag:$0x3] =	stream.linear.gather [hbm4b:s4+s28], $0x8000, $0x38;
	[tilespmem:$0x1A280] =	vst v63  }
0x3f4: {  	_ =	swait.ge [sflag:s25], $0x8000  }
0x3f5: {  	[sflag:s25] =	ssyncset.done $0x0  }
0x3f6: {  	[sflag:s25] =	ssyncadd.s32 $0xFFFF8000  }
0x3f7: {  	v6 =	vld [tilespmem:$0x100];
	_ =	sdelay $0x4  }
0x3f8: {  	v7 =	vshll.u32 v6, $0x3  }
0x3f9: {  	v6 =	vand.u32 $0x7, v6;
	v7 =	vand.u32 $0xFFFFFFC0, v7  }
0x3fa: {  	v6 =	vor.u32 v6, v7  }
0x3fb: {  	v7 =	vperm.xlane v6, v0;
	_ =	sdelay $0x1  }
0x3fc: {  	v7 =	vadd.s32 v1, v7;
	_ =	sdelay $0x4  }
0x3fd: {  	[tilespmem:s13], [sflag:$0x1] =	stream.indirect_vreg.gather [hbm4b:s0+s28], $0x80, v7, vm0, $0xb8;
	[tilespmem:$0x1A280] =	vst v63  }
0x3fe: {  	s5 =	simm.s32 $0xA00;
	v6 =	vperm.xlane v6, v2  }
0x3ff: {  	[tilespmem:s5], [sflag:$0x1] =	stream.indirect_vreg.gather [hbm4b:s9+s28], $0x80, v7, vm0, $0xb8;
	[tilespmem:$0x1A280] =	vst v63  }
0x400: {  	v6 =	vadd.s32 v1, v6;
	s5 =	simm.s32 $0x1200  }
0x401: {  	[tilespmem:s5], [sflag:$0x1] =	stream.indirect_vreg.gather [hbm4b:s10+s28], $0x80, v7, vm0, $0xb8;
	[tilespmem:$0x1A280] =	vst v63  }
0x402: {  	s5 =	simm.s32 $0x1A00  }
0x403: {  	[tilespmem:s5], [sflag:$0x1] =	stream.indirect_vreg.gather [hbm4b:s11+s28], $0x80, v7, vm0, $0xb8;
	[tilespmem:$0x1A280] =	vst v63  }
0x404: {  	s5 =	simm.s32 $0x2200  }
0x405: {  	[tilespmem:s5], [sflag:$0x1] =	stream.indirect_vreg.gather [hbm4b:s0+s28], $0x80, v6, vm0, $0xb8;
	[tilespmem:$0x1A280] =	vst v63  }
0x406: {  	s5 =	simm.s32 $0x2A00  }
0x407: {  	[tilespmem:s5], [sflag:$0x1] =	stream.indirect_vreg.gather [hbm4b:s9+s28], $0x80, v6, vm0, $0xb8;
	[tilespmem:$0x1A280] =	vst v63  }
0x408: {  	s5 =	simm.s32 $0x3200  }
0x409: {  	[tilespmem:s5], [sflag:$0x1] =	stream.indirect_vreg.gather [hbm4b:s10+s28], $0x80, v6, vm0, $0xb8;
	[tilespmem:$0x1A280] =	vst v63  }
0x40a: {  	s5 =	simm.s32 $0x3A00  }
0x40b: {  	[tilespmem:s5], [sflag:$0x1] =	stream.indirect_vreg.gather [hbm4b:s11+s28], $0x80, v6, vm0, $0xb8;
	[tilespmem:$0x1A280] =	vst v63  }
0x40c: {  	v6 =	vld [tilespmem:$0x110];
	_ =	sdelay $0x4  }
0x40d: {  	v7 =	vshll.u32 v6, $0x3  }
0x40e: {  	v6 =	vand.u32 $0x7, v6;
	v7 =	vand.u32 $0xFFFFFFC0, v7  }
0x40f: {  	v6 =	vor.u32 v6, v7  }
0x410: {  	v7 =	vperm.xlane v6, v0;
	_ =	sdelay $0x1  }
0x411: {  	v7 =	vadd.s32 v1, v7;
	_ =	sdelay $0x3  }
0x412: {  	s5 =	simm.s32 $0x4200  }
0x413: {  	[tilespmem:s5], [sflag:$0x1] =	stream.indirect_vreg.gather [hbm4b:s0+s28], $0x80, v7, vm0, $0xb8;
	[tilespmem:$0x1A280] =	vst v63  }
0x414: {  	v6 =	vperm.xlane v6, v2;
	s5 =	simm.s32 $0x4A00  }
0x415: {  	[tilespmem:s5], [sflag:$0x1] =	stream.indirect_vreg.gather [hbm4b:s9+s28], $0x80, v7, vm0, $0xb8;
	[tilespmem:$0x1A280] =	vst v63  }
0x416: {  	v6 =	vadd.s32 v1, v6;
	s5 =	simm.s32 $0x5200  }
0x417: {  	[tilespmem:s5], [sflag:$0x1] =	stream.indirect_vreg.gather [hbm4b:s10+s28], $0x80, v7, vm0, $0xb8;
	[tilespmem:$0x1A280] =	vst v63  }
0x418: {  	s5 =	simm.s32 $0x5A00  }
0x419: {  	[tilespmem:s5], [sflag:$0x1] =	stream.indirect_vreg.gather [hbm4b:s11+s28], $0x80, v7, vm0, $0xb8;
	[tilespmem:$0x1A280] =	vst v63  }
0x41a: {  	s5 =	simm.s32 $0x6200  }
0x41b: {  	[tilespmem:s5], [sflag:$0x1] =	stream.indirect_vreg.gather [hbm4b:s0+s28], $0x80, v6, vm0, $0xb8;
	[tilespmem:$0x1A280] =	vst v63  }
0x41c: {  	s5 =	simm.s32 $0x6A00  }
0x41d: {  	[tilespmem:s5], [sflag:$0x1] =	stream.indirect_vreg.gather [hbm4b:s9+s28], $0x80, v6, vm0, $0xb8;
	[tilespmem:$0x1A280] =	vst v63  }
0x41e: {  	s5 =	simm.s32 $0x7200  }
0x41f: {  	[tilespmem:s5], [sflag:$0x1] =	stream.indirect_vreg.gather [hbm4b:s10+s28], $0x80, v6, vm0, $0xb8;
	[tilespmem:$0x1A280] =	vst v63  }
0x420: {  	s5 =	simm.s32 $0x7A00  }
0x421: {  	[tilespmem:s5], [sflag:$0x1] =	stream.indirect_vreg.gather [hbm4b:s11+s28], $0x80, v6, vm0, $0xb8;
	[tilespmem:$0x1A280] =	vst v63  }
0x422: {  	s5 =	rddreg [dreg:$0x13]  }
0x423: {  	[hbm4b:s5+s28] =	stream.linear.scatter [tilespmem:s3], [sflag:$0x4], $0x8000, $0x38;
	[tilespmem:$0x1A280] =	vst v63  }
0x424: {  	_ =	swait.ge [sflag:s12], $0x8000  }
0x425: {  	[sflag:s12] =	ssyncset.done $0x0  }
0x426: {  	[sflag:s12] =	ssyncadd.s32 $0xFFFF8000  }
0x427: {  	_ =	swait.ge [sflag:s24], $0x8000  }
0x428: {  	[sflag:s24] =	ssyncset.done $0x0  }
0x429: {  	s29 =	simm.s32 $0x0;
	[sflag:s24] =	ssyncadd.s32 $0xFFFF8000  }
.LBB2_32:
0x42a: {  	s4 =	sshll.u32 s29, $0xC;
	s5 =	sand.u32 $0x7, s28  }
0x42b: {  	s4 =	sand.u32 $0xFFFF8000, s4;
	s5 =	sshll.u32 s5, $0x9  }
0x42c: {  	s4 =	sor.u32 s5, s4  }
0x42d: {  	s4 =	sshrl.u32 s4, $0x2  }
0x42e: {  	s5 =	sadd.s32 $0x8240, s4  }
0x42f: {  	s4 =	sadd.s32 $0x10270, s4;
	v7 =	vmov s5  }
0x430: {  	v6 =	vmov s4;
	_ =	sdelay $0x2  }
0x431: {  	s5 =	simm.s32 $0x0  }
0x432: {  	v8 =	vld.idx.msk [tilespmem:v7+s5+$0xFFFFFFC0 ss:$0x1], $0xffff  }
0x433: {  	v9 =	vld.idx.msk [tilespmem:v6+s5+$0xFFFFFF90 ss:$0x1], $0xffff  }
0x434: {  	v10 =	vld.idx.msk [tilespmem:v7+s5+$0xFFFFFFD0 ss:$0x1], $0xffff  }
0x435: {  	v11 =	vld.idx.msk [tilespmem:v6+s5+$0xFFFFFFA0 ss:$0x1], $0xffff  }
0x436: {  	v12 =	vld.idx.msk [tilespmem:v7+s5+$0xFFFFFFE0 ss:$0x1], $0xffff  }
0x437: {  	v13 =	vld.idx.msk [tilespmem:v6+s5+$0xFFFFFFB0 ss:$0x1], $0xffff  }
0x438: {  	v14 =	vld.idx.msk [tilespmem:v7+s5+$0xFFFFFFF0 ss:$0x1], $0xffff  }
0x439: {  	v15 =	vld.idx.msk [tilespmem:v6+s5+$0xFFFFFFC0 ss:$0x1], $0xffff;
	v8 =	vsub.f32 v8, v9  }
0x43a: {  	v16 =	vld.idx.msk [tilespmem:v7+s5+$0x0 ss:$0x1], $0xffff  }
0x43b: {  	v17 =	vld.idx.msk [tilespmem:v6+s5+$0xFFFFFFD0 ss:$0x1], $0xffff;
	v11 =	vsub.f32 v10, v11;
	v9 =	vmul.f32 v8, v8  }
0x43c: {  	v10 =	vld.idx.msk [tilespmem:v6+s5+$0xFFFFFFE0 ss:$0x1], $0xffff  }
0x43d: {  	v12 =	vsub.f32 v12, v13;
	v8 =	vld.idx.msk [tilespmem:v7+s5+$0x10 ss:$0x1], $0xffff;
	v18 =	vmul.f32 v11, v11;
	v9 =	vadd.f32 v9, v5  }
0x43e: {  	v11 =	vld.idx.msk [tilespmem:v6+s5+$0xFFFFFFF0 ss:$0x1], $0xffff  }
0x43f: {  	v15 =	vsub.f32 v14, v15;
	v5 =	vld.idx.msk [tilespmem:v7+s5+$0x20 ss:$0x1], $0xffff;
	v13 =	vadd.f32 v18, v9;
	v18 =	vmul.f32 v12, v12  }
0x440: {  	v9 =	vld.idx.msk [tilespmem:v7+s5+$0x30 ss:$0x1], $0xffff  }
0x441: {  	s4 =	simm.s32 $0x400;
	v16 =	vsub.f32 v16, v17;
	v15 =	vmul.f32 v15, v15;
	v12 =	vld.idx.msk [tilespmem:v6+s5+$0x0 ss:$0x1], $0xffff;
	v14 =	vadd.f32 v18, v13  }
0x442: {  	s5 =	simm.s32 $0x2000;
	v13 =	vld.idx.msk [tilespmem:v7+s4+$0xFFFFFFC0 ss:$0x1], $0xffff  }
.LBB2_33:
0x443: {  	p0 =	sne.s32 s5, $0x7000;
	v17 =	vld.idx.msk [tilespmem:v6+s4+$0xFFFFFF90 ss:$0x1], $0xffff;
	v14 =	vadd.f32 v15, v14;
	v15 =	vmul.f32 v16, v16;
	v8 =	vsub.f32 v8, v10  }
0x444: {  	v10 =	vld.idx.msk [tilespmem:v7+s4+$0xFFFFFFD0 ss:$0x1], $0xffff  }
0x445: {  	v5 =	vsub.f32 v5, v11;
	v16 =	vld.idx.msk [tilespmem:v6+s4+$0xFFFFFFA0 ss:$0x1], $0xffff;
	v14 =	vadd.f32 v15, v14;
	v8 =	vmul.f32 v8, v8  }
0x446: {  	v11 =	vld.idx.msk [tilespmem:v7+s4+$0xFFFFFFE0 ss:$0x1], $0xffff  }
0x447: {  	v5 =	vmul.f32 v5, v5;
	v9 =	vsub.f32 v9, v12;
	v15 =	vld.idx.msk [tilespmem:v6+s4+$0xFFFFFFB0 ss:$0x1], $0xffff;
	v8 =	vadd.f32 v8, v14  }
0x448: {  	v12 =	vld.idx.msk [tilespmem:v7+s4+$0xFFFFFFF0 ss:$0x1], $0xffff  }
0x449: {  	v13 =	vsub.f32 v13, v17;
	v14 =	vld.idx.msk [tilespmem:v6+s4+$0xFFFFFFC0 ss:$0x1], $0xffff;
	v5 =	vadd.f32 v5, v8;
	v8 =	vmul.f32 v9, v9  }
0x44a: {  	v17 =	vld.idx.msk [tilespmem:v7+s4+$0x0 ss:$0x1], $0xffff  }
0x44b: {  	v9 =	vmul.f32 v13, v13;
	v10 =	vsub.f32 v10, v16;
	v13 =	vld.idx.msk [tilespmem:v6+s4+$0xFFFFFFD0 ss:$0x1], $0xffff;
	v5 =	vadd.f32 v8, v5  }
0x44c: {  	v8 =	vld.idx.msk [tilespmem:v7+s4+$0x10 ss:$0x1], $0xffff  }
0x44d: {  	v16 =	vmul.f32 v10, v10;
	v11 =	vsub.f32 v11, v15;
	v9 =	vadd.f32 v9, v5;
	v10 =	vld.idx.msk [tilespmem:v6+s4+$0xFFFFFFE0 ss:$0x1], $0xffff  }
.Ltmp15:
0x44e: {  	v5 =	vld.idx.msk [tilespmem:v7+s4+$0x20 ss:$0x1], $0xffff;
	(pc) =	sbr.rel @p0 .LBB2_33-.Ltmp15, $4  }
0x44f: {  	v12 =	vsub.f32 v12, v14;
	v15 =	vadd.f32 v16, v9;
	v16 =	vmul.f32 v11, v11;
	v11 =	vld.idx.msk [tilespmem:v6+s4+$0xFFFFFFF0 ss:$0x1], $0xffff  }
0x450: {  	v9 =	vld.idx.msk [tilespmem:v7+s4+$0x30 ss:$0x1], $0xffff  }
0x451: {  	v14 =	vadd.f32 v16, v15;
	v15 =	vmul.f32 v12, v12;
	v16 =	vsub.f32 v17, v13;
	v12 =	vld.idx.msk [tilespmem:v6+s4+$0x0 ss:$0x1], $0xffff;
	s4 =	sshra.s32 s5, $0x2  }
0x452: {  	s5 =	sadd.s32 $0x1000, s5;
	v13 =	vld.idx.msk [tilespmem:v7+s4+$0xFFFFFFC0 ss:$0x1], $0xffff  }
0x453: {  	_ =	sdelay $0x2  }
0x454: {  	v14 =	vadd.f32 v15, v14;
	v42 =	vmul.f32 v16, v16;
	v8 =	vsub.f32 v8, v10  }
0x455: {  	v43 =	vld.idx.msk [tilespmem:v6+s4+$0xFFFFFF90 ss:$0x1], $0xffff  }
0x456: {  	v44 =	vld.idx.msk [tilespmem:v7+s4+$0xFFFFFFD0 ss:$0x1], $0xffff;
	v5 =	vsub.f32 v5, v11;
	v14 =	vadd.f32 v42, v14;
	v8 =	vmul.f32 v8, v8  }
0x457: {  	v45 =	vld.idx.msk [tilespmem:v6+s4+$0xFFFFFFA0 ss:$0x1], $0xffff  }
0x458: {  	v46 =	vld.idx.msk [tilespmem:v7+s4+$0xFFFFFFE0 ss:$0x1], $0xffff;
	v5 =	vmul.f32 v5, v5;
	v9 =	vsub.f32 v9, v12;
	v8 =	vadd.f32 v8, v14  }
0x459: {  	v47 =	vld.idx.msk [tilespmem:v6+s4+$0xFFFFFFB0 ss:$0x1], $0xffff  }
0x45a: {  	v48 =	vld.idx.msk [tilespmem:v7+s4+$0xFFFFFFF0 ss:$0x1], $0xffff;
	v10 =	vsub.f32 v13, v43;
	v49 =	vmul.f32 v9, v9;
	v5 =	vadd.f32 v5, v8  }
0x45b: {  	v50 =	vld.idx.msk [tilespmem:v6+s4+$0xFFFFFFC0 ss:$0x1], $0xffff  }
0x45c: {  	v51 =	vld.idx.msk [tilespmem:v7+s4+$0x0 ss:$0x1], $0xffff;
	v11 =	vsub.f32 v44, v45;
	v10 =	vmul.f32 v10, v10;
	v5 =	vadd.f32 v49, v5  }
0x45d: {  	v52 =	vld.idx.msk [tilespmem:v6+s4+$0xFFFFFFD0 ss:$0x1], $0xffff  }
0x45e: {  	v53 =	vld.idx.msk [tilespmem:v7+s4+$0x10 ss:$0x1], $0xffff;
	v55 =	vsub.f32 v46, v47;
	v54 =	vmul.f32 v11, v11;
	v5 =	vadd.f32 v10, v5  }
0x45f: {  	v56 =	vld.idx.msk [tilespmem:v6+s4+$0xFFFFFFE0 ss:$0x1], $0xffff  }
0x460: {  	v57 =	vld.idx.msk [tilespmem:v7+s4+$0x20 ss:$0x1], $0xffff;
	v9 =	vsub.f32 v48, v50;
	v58 =	vmul.f32 v55, v55;
	v5 =	vadd.f32 v54, v5  }
0x461: {  	v59 =	vld.idx.msk [tilespmem:v6+s4+$0xFFFFFFF0 ss:$0x1], $0xffff  }
0x462: {  	v7 =	vld.idx.msk [tilespmem:v7+s4+$0x30 ss:$0x1], $0xffff;
	v8 =	vsub.f32 v51, v52;
	v9 =	vmul.f32 v9, v9;
	v5 =	vadd.f32 v58, v5  }
0x463: {  	v6 =	vld.idx.msk [tilespmem:v6+s4+$0x0 ss:$0x1], $0xffff  }
0x464: {  	v60 =	vsub.f32 v53, v56;
	v8 =	vmul.f32 v8, v8;
	v5 =	vadd.f32 v9, v5;
	_ =	sdelay $0x1  }
0x465: {  	s29 =	sadd.s32 $0x1, s29;
	v62 =	vsub.f32 v57, v59;
	v61 =	vmul.f32 v60, v60;
	v5 =	vadd.f32 v8, v5  }
0x466: {  	p0 =	sne.s32 s29, $0x20  }
.Ltmp16:
0x467: {  	v6 =	vsub.f32 v7, v6;
	v63 =	vmul.f32 v62, v62;
	v5 =	vadd.f32 v61, v5;
	(pc) =	sbr.rel @p0 .LBB2_32-.Ltmp16, $3  }
0x468: {  	_ = 	snop  }
0x469: {  	v6 =	vmul.f32 v6, v6;
	v5 =	vadd.f32 v63, v5;
	_ =	sdelay $0x1  }
0x46a: {  	s28 =	sadd.s32 $0x1, s28;
	v5 =	vadd.f32 v6, v5  }
0x46b: {  	s28 =	simm.s32 $0x0;
	s4 =	rddreg [dreg:$0x14]  }
0x46c: {  	[tilespmem:s31], [sflag:$0x3] =	stream.linear.gather [hbm4b:s4+s28], $0x8000, $0x38;
	[tilespmem:$0x1A280] =	vst v63  }
0x46d: {  	_ =	swait.ge [sflag:s2], $0x8000  }
0x46e: {  	[sflag:s2] =	ssyncset.done $0x0  }
0x46f: {  	[sflag:s2] =	ssyncadd.s32 $0xFFFF8000  }
0x470: {  	v6 =	vld [tilespmem:$0x120];
	_ =	sdelay $0x4  }
0x471: {  	v7 =	vshll.u32 v6, $0x3  }
0x472: {  	v6 =	vand.u32 $0x7, v6;
	v7 =	vand.u32 $0xFFFFFFC0, v7  }
0x473: {  	v6 =	vor.u32 v6, v7  }
0x474: {  	v7 =	vperm.xlane v6, v0;
	_ =	sdelay $0x1  }
0x475: {  	v7 =	vadd.s32 v1, v7;
	_ =	sdelay $0x4  }
0x476: {  	[tilespmem:s3], [sflag:$0x2] =	stream.indirect_vreg.gather [hbm4b:s0+s28], $0x80, v7, vm0, $0xb8;
	[tilespmem:$0x1A280] =	vst v63  }
0x477: {  	s5 =	simm.s32 $0x8A00;
	v6 =	vperm.xlane v6, v2  }
0x478: {  	[tilespmem:s5], [sflag:$0x2] =	stream.indirect_vreg.gather [hbm4b:s9+s28], $0x80, v7, vm0, $0xb8;
	[tilespmem:$0x1A280] =	vst v63  }
0x479: {  	v6 =	vadd.s32 v1, v6;
	s5 =	simm.s32 $0x9200  }
0x47a: {  	[tilespmem:s5], [sflag:$0x2] =	stream.indirect_vreg.gather [hbm4b:s10+s28], $0x80, v7, vm0, $0xb8;
	[tilespmem:$0x1A280] =	vst v63  }
0x47b: {  	_ = 	snop  }
0x47c: {  	[tilespmem:s6], [sflag:$0x2] =	stream.indirect_vreg.gather [hbm4b:s11+s28], $0x80, v7, vm0, $0xb8;
	[tilespmem:$0x1A280] =	vst v63  }
0x47d: {  	_ = 	snop  }
0x47e: {  	[tilespmem:s7], [sflag:$0x2] =	stream.indirect_vreg.gather [hbm4b:s0+s28], $0x80, v6, vm0, $0xb8;
	[tilespmem:$0x1A280] =	vst v63  }
0x47f: {  	_ = 	snop  }
0x480: {  	[tilespmem:s8], [sflag:$0x2] =	stream.indirect_vreg.gather [hbm4b:s9+s28], $0x80, v6, vm0, $0xb8;
	[tilespmem:$0x1A280] =	vst v63  }
0x481: {  	_ = 	snop  }
0x482: {  	[tilespmem:s14], [sflag:$0x2] =	stream.indirect_vreg.gather [hbm4b:s10+s28], $0x80, v6, vm0, $0xb8;
	[tilespmem:$0x1A280] =	vst v63  }
0x483: {  	_ = 	snop  }
0x484: {  	[tilespmem:s15], [sflag:$0x2] =	stream.indirect_vreg.gather [hbm4b:s11+s28], $0x80, v6, vm0, $0xb8;
	[tilespmem:$0x1A280] =	vst v63  }
0x485: {  	v6 =	vld [tilespmem:$0x130];
	_ =	sdelay $0x4  }
0x486: {  	v7 =	vshll.u32 v6, $0x3  }
0x487: {  	v6 =	vand.u32 $0x7, v6;
	v7 =	vand.u32 $0xFFFFFFC0, v7  }
0x488: {  	v6 =	vor.u32 v6, v7  }
0x489: {  	v7 =	vperm.xlane v6, v0;
	_ =	sdelay $0x1  }
0x48a: {  	v7 =	vadd.s32 v1, v7;
	_ =	sdelay $0x4  }
0x48b: {  	[tilespmem:s16], [sflag:$0x2] =	stream.indirect_vreg.gather [hbm4b:s0+s28], $0x80, v7, vm0, $0xb8;
	[tilespmem:$0x1A280] =	vst v63  }
0x48c: {  	v6 =	vperm.xlane v6, v2  }
0x48d: {  	[tilespmem:s17], [sflag:$0x2] =	stream.indirect_vreg.gather [hbm4b:s9+s28], $0x80, v7, vm0, $0xb8;
	[tilespmem:$0x1A280] =	vst v63  }
0x48e: {  	v6 =	vadd.s32 v1, v6  }
0x48f: {  	[tilespmem:s18], [sflag:$0x2] =	stream.indirect_vreg.gather [hbm4b:s10+s28], $0x80, v7, vm0, $0xb8;
	[tilespmem:$0x1A280] =	vst v63  }
0x490: {  	_ = 	snop  }
0x491: {  	[tilespmem:s19], [sflag:$0x2] =	stream.indirect_vreg.gather [hbm4b:s11+s28], $0x80, v7, vm0, $0xb8;
	[tilespmem:$0x1A280] =	vst v63  }
0x492: {  	_ = 	snop  }
0x493: {  	[tilespmem:s20], [sflag:$0x2] =	stream.indirect_vreg.gather [hbm4b:s0+s28], $0x80, v6, vm0, $0xb8;
	[tilespmem:$0x1A280] =	vst v63  }
0x494: {  	_ = 	snop  }
0x495: {  	[tilespmem:s21], [sflag:$0x2] =	stream.indirect_vreg.gather [hbm4b:s9+s28], $0x80, v6, vm0, $0xb8;
	[tilespmem:$0x1A280] =	vst v63  }
0x496: {  	_ = 	snop  }
0x497: {  	[tilespmem:s22], [sflag:$0x2] =	stream.indirect_vreg.gather [hbm4b:s10+s28], $0x80, v6, vm0, $0xb8;
	[tilespmem:$0x1A280] =	vst v63  }
0x498: {  	_ = 	snop  }
0x499: {  	[tilespmem:s23], [sflag:$0x2] =	stream.indirect_vreg.gather [hbm4b:s11+s28], $0x80, v6, vm0, $0xb8;
	[tilespmem:$0x1A280] =	vst v63  }
0x49a: {  	s5 =	rddreg [dreg:$0x15]  }
0x49b: {  	[hbm4b:s5+s28] =	stream.linear.scatter [tilespmem:s13], [sflag:$0x4], $0x8000, $0x38;
	[tilespmem:$0x1A280] =	vst v63  }
0x49c: {  	_ =	swait.ge [sflag:s12], $0x8000  }
0x49d: {  	[sflag:s12] =	ssyncset.done $0x0  }
0x49e: {  	[sflag:s12] =	ssyncadd.s32 $0xFFFF8000  }
0x49f: {  	_ =	swait.ge [sflag:s24], $0x8000  }
0x4a0: {  	[sflag:s24] =	ssyncset.done $0x0  }
0x4a1: {  	s29 =	simm.s32 $0x0;
	[sflag:s24] =	ssyncadd.s32 $0xFFFF8000  }
.LBB2_36:
0x4a2: {  	s4 =	sshll.u32 s29, $0xC;
	s5 =	sand.u32 $0x7, s28  }
0x4a3: {  	s4 =	sand.u32 $0xFFFF8000, s4;
	s5 =	sshll.u32 s5, $0x9  }
0x4a4: {  	s4 =	sor.u32 s5, s4  }
0x4a5: {  	s4 =	sshrl.u32 s4, $0x2  }
0x4a6: {  	s5 =	sadd.s32 $0x240, s4  }
0x4a7: {  	s4 =	sadd.s32 $0x10270, s4;
	v7 =	vmov s5  }
0x4a8: {  	v6 =	vmov s4;
	_ =	sdelay $0x2  }
0x4a9: {  	s5 =	simm.s32 $0x0  }
0x4aa: {  	v8 =	vld.idx.msk [tilespmem:v7+s5+$0xFFFFFFC0 ss:$0x1], $0xffff  }
0x4ab: {  	v9 =	vld.idx.msk [tilespmem:v6+s5+$0xFFFFFF90 ss:$0x1], $0xffff  }
0x4ac: {  	v10 =	vld.idx.msk [tilespmem:v7+s5+$0xFFFFFFD0 ss:$0x1], $0xffff  }
0x4ad: {  	v11 =	vld.idx.msk [tilespmem:v6+s5+$0xFFFFFFA0 ss:$0x1], $0xffff  }
0x4ae: {  	v12 =	vld.idx.msk [tilespmem:v7+s5+$0xFFFFFFE0 ss:$0x1], $0xffff  }
0x4af: {  	v13 =	vld.idx.msk [tilespmem:v6+s5+$0xFFFFFFB0 ss:$0x1], $0xffff  }
0x4b0: {  	v14 =	vld.idx.msk [tilespmem:v7+s5+$0xFFFFFFF0 ss:$0x1], $0xffff  }
0x4b1: {  	v15 =	vld.idx.msk [tilespmem:v6+s5+$0xFFFFFFC0 ss:$0x1], $0xffff;
	v8 =	vsub.f32 v8, v9  }
0x4b2: {  	v16 =	vld.idx.msk [tilespmem:v7+s5+$0x0 ss:$0x1], $0xffff  }
0x4b3: {  	v17 =	vld.idx.msk [tilespmem:v6+s5+$0xFFFFFFD0 ss:$0x1], $0xffff;
	v11 =	vsub.f32 v10, v11;
	v9 =	vmul.f32 v8, v8  }
0x4b4: {  	v10 =	vld.idx.msk [tilespmem:v6+s5+$0xFFFFFFE0 ss:$0x1], $0xffff  }
0x4b5: {  	v12 =	vsub.f32 v12, v13;
	v8 =	vld.idx.msk [tilespmem:v7+s5+$0x10 ss:$0x1], $0xffff;
	v18 =	vmul.f32 v11, v11;
	v9 =	vadd.f32 v9, v5  }
0x4b6: {  	v11 =	vld.idx.msk [tilespmem:v6+s5+$0xFFFFFFF0 ss:$0x1], $0xffff  }
0x4b7: {  	v15 =	vsub.f32 v14, v15;
	v5 =	vld.idx.msk [tilespmem:v7+s5+$0x20 ss:$0x1], $0xffff;
	v13 =	vadd.f32 v18, v9;
	v18 =	vmul.f32 v12, v12  }
0x4b8: {  	v9 =	vld.idx.msk [tilespmem:v7+s5+$0x30 ss:$0x1], $0xffff  }
0x4b9: {  	s4 =	simm.s32 $0x400;
	v16 =	vsub.f32 v16, v17;
	v15 =	vmul.f32 v15, v15;
	v12 =	vld.idx.msk [tilespmem:v6+s5+$0x0 ss:$0x1], $0xffff;
	v14 =	vadd.f32 v18, v13  }
0x4ba: {  	s5 =	simm.s32 $0x2000;
	v13 =	vld.idx.msk [tilespmem:v7+s4+$0xFFFFFFC0 ss:$0x1], $0xffff  }
.LBB2_37:
0x4bb: {  	p0 =	sne.s32 s5, $0x7000;
	v17 =	vld.idx.msk [tilespmem:v6+s4+$0xFFFFFF90 ss:$0x1], $0xffff;
	v14 =	vadd.f32 v15, v14;
	v15 =	vmul.f32 v16, v16;
	v8 =	vsub.f32 v8, v10  }
0x4bc: {  	v10 =	vld.idx.msk [tilespmem:v7+s4+$0xFFFFFFD0 ss:$0x1], $0xffff  }
0x4bd: {  	v5 =	vsub.f32 v5, v11;
	v16 =	vld.idx.msk [tilespmem:v6+s4+$0xFFFFFFA0 ss:$0x1], $0xffff;
	v14 =	vadd.f32 v15, v14;
	v8 =	vmul.f32 v8, v8  }
0x4be: {  	v11 =	vld.idx.msk [tilespmem:v7+s4+$0xFFFFFFE0 ss:$0x1], $0xffff  }
0x4bf: {  	v5 =	vmul.f32 v5, v5;
	v9 =	vsub.f32 v9, v12;
	v15 =	vld.idx.msk [tilespmem:v6+s4+$0xFFFFFFB0 ss:$0x1], $0xffff;
	v8 =	vadd.f32 v8, v14  }
0x4c0: {  	v12 =	vld.idx.msk [tilespmem:v7+s4+$0xFFFFFFF0 ss:$0x1], $0xffff  }
0x4c1: {  	v13 =	vsub.f32 v13, v17;
	v14 =	vld.idx.msk [tilespmem:v6+s4+$0xFFFFFFC0 ss:$0x1], $0xffff;
	v5 =	vadd.f32 v5, v8;
	v8 =	vmul.f32 v9, v9  }
0x4c2: {  	v17 =	vld.idx.msk [tilespmem:v7+s4+$0x0 ss:$0x1], $0xffff  }
0x4c3: {  	v9 =	vmul.f32 v13, v13;
	v10 =	vsub.f32 v10, v16;
	v13 =	vld.idx.msk [tilespmem:v6+s4+$0xFFFFFFD0 ss:$0x1], $0xffff;
	v5 =	vadd.f32 v8, v5  }
0x4c4: {  	v8 =	vld.idx.msk [tilespmem:v7+s4+$0x10 ss:$0x1], $0xffff  }
0x4c5: {  	v16 =	vmul.f32 v10, v10;
	v11 =	vsub.f32 v11, v15;
	v9 =	vadd.f32 v9, v5;
	v10 =	vld.idx.msk [tilespmem:v6+s4+$0xFFFFFFE0 ss:$0x1], $0xffff  }
.Ltmp17:
0x4c6: {  	v5 =	vld.idx.msk [tilespmem:v7+s4+$0x20 ss:$0x1], $0xffff;
	(pc) =	sbr.rel @p0 .LBB2_37-.Ltmp17, $4  }
0x4c7: {  	v12 =	vsub.f32 v12, v14;
	v15 =	vadd.f32 v16, v9;
	v16 =	vmul.f32 v11, v11;
	v11 =	vld.idx.msk [tilespmem:v6+s4+$0xFFFFFFF0 ss:$0x1], $0xffff  }
0x4c8: {  	v9 =	vld.idx.msk [tilespmem:v7+s4+$0x30 ss:$0x1], $0xffff  }
0x4c9: {  	v14 =	vadd.f32 v16, v15;
	v15 =	vmul.f32 v12, v12;
	v16 =	vsub.f32 v17, v13;
	v12 =	vld.idx.msk [tilespmem:v6+s4+$0x0 ss:$0x1], $0xffff;
	s4 =	sshra.s32 s5, $0x2  }
0x4ca: {  	s5 =	sadd.s32 $0x1000, s5;
	v13 =	vld.idx.msk [tilespmem:v7+s4+$0xFFFFFFC0 ss:$0x1], $0xffff  }
0x4cb: {  	_ =	sdelay $0x2  }
0x4cc: {  	v14 =	vadd.f32 v15, v14;
	v42 =	vmul.f32 v16, v16;
	v8 =	vsub.f32 v8, v10  }
0x4cd: {  	v43 =	vld.idx.msk [tilespmem:v6+s4+$0xFFFFFF90 ss:$0x1], $0xffff  }
0x4ce: {  	v44 =	vld.idx.msk [tilespmem:v7+s4+$0xFFFFFFD0 ss:$0x1], $0xffff;
	v5 =	vsub.f32 v5, v11;
	v14 =	vadd.f32 v42, v14;
	v8 =	vmul.f32 v8, v8  }
0x4cf: {  	v45 =	vld.idx.msk [tilespmem:v6+s4+$0xFFFFFFA0 ss:$0x1], $0xffff  }
0x4d0: {  	v46 =	vld.idx.msk [tilespmem:v7+s4+$0xFFFFFFE0 ss:$0x1], $0xffff;
	v5 =	vmul.f32 v5, v5;
	v9 =	vsub.f32 v9, v12;
	v8 =	vadd.f32 v8, v14  }
0x4d1: {  	v47 =	vld.idx.msk [tilespmem:v6+s4+$0xFFFFFFB0 ss:$0x1], $0xffff  }
0x4d2: {  	v48 =	vld.idx.msk [tilespmem:v7+s4+$0xFFFFFFF0 ss:$0x1], $0xffff;
	v10 =	vsub.f32 v13, v43;
	v49 =	vmul.f32 v9, v9;
	v5 =	vadd.f32 v5, v8  }
0x4d3: {  	v50 =	vld.idx.msk [tilespmem:v6+s4+$0xFFFFFFC0 ss:$0x1], $0xffff  }
0x4d4: {  	v51 =	vld.idx.msk [tilespmem:v7+s4+$0x0 ss:$0x1], $0xffff;
	v11 =	vsub.f32 v44, v45;
	v10 =	vmul.f32 v10, v10;
	v5 =	vadd.f32 v49, v5  }
0x4d5: {  	v52 =	vld.idx.msk [tilespmem:v6+s4+$0xFFFFFFD0 ss:$0x1], $0xffff  }
0x4d6: {  	v53 =	vld.idx.msk [tilespmem:v7+s4+$0x10 ss:$0x1], $0xffff;
	v55 =	vsub.f32 v46, v47;
	v54 =	vmul.f32 v11, v11;
	v5 =	vadd.f32 v10, v5  }
0x4d7: {  	v56 =	vld.idx.msk [tilespmem:v6+s4+$0xFFFFFFE0 ss:$0x1], $0xffff  }
0x4d8: {  	v57 =	vld.idx.msk [tilespmem:v7+s4+$0x20 ss:$0x1], $0xffff;
	v9 =	vsub.f32 v48, v50;
	v58 =	vmul.f32 v55, v55;
	v5 =	vadd.f32 v54, v5  }
0x4d9: {  	v59 =	vld.idx.msk [tilespmem:v6+s4+$0xFFFFFFF0 ss:$0x1], $0xffff  }
0x4da: {  	v7 =	vld.idx.msk [tilespmem:v7+s4+$0x30 ss:$0x1], $0xffff;
	v8 =	vsub.f32 v51, v52;
	v9 =	vmul.f32 v9, v9;
	v5 =	vadd.f32 v58, v5  }
0x4db: {  	v6 =	vld.idx.msk [tilespmem:v6+s4+$0x0 ss:$0x1], $0xffff  }
0x4dc: {  	v60 =	vsub.f32 v53, v56;
	v8 =	vmul.f32 v8, v8;
	v5 =	vadd.f32 v9, v5;
	_ =	sdelay $0x1  }
0x4dd: {  	s29 =	sadd.s32 $0x1, s29;
	v62 =	vsub.f32 v57, v59;
	v61 =	vmul.f32 v60, v60;
	v5 =	vadd.f32 v8, v5  }
0x4de: {  	p0 =	sne.s32 s29, $0x20  }
.Ltmp18:
0x4df: {  	v6 =	vsub.f32 v7, v6;
	v63 =	vmul.f32 v62, v62;
	v5 =	vadd.f32 v61, v5;
	(pc) =	sbr.rel @p0 .LBB2_36-.Ltmp18, $3  }
0x4e0: {  	_ = 	snop  }
0x4e1: {  	v6 =	vmul.f32 v6, v6;
	v5 =	vadd.f32 v63, v5;
	_ =	sdelay $0x1  }
0x4e2: {  	s28 =	sadd.s32 $0x1, s28;
	v5 =	vadd.f32 v6, v5  }
0x4e3: {  	s28 =	simm.s32 $0x0;
	s4 =	rddreg [dreg:$0x16]  }
0x4e4: {  	[tilespmem:s31], [sflag:$0x3] =	stream.linear.gather [hbm4b:s4+s28], $0x8000, $0x38;
	[tilespmem:$0x1A280] =	vst v63  }
0x4e5: {  	_ =	swait.ge [sflag:s25], $0x8000  }
0x4e6: {  	[sflag:s25] =	ssyncset.done $0x0  }
0x4e7: {  	[sflag:s25] =	ssyncadd.s32 $0xFFFF8000  }
0x4e8: {  	v6 =	vld [tilespmem:$0x140];
	_ =	sdelay $0x4  }
0x4e9: {  	v7 =	vshll.u32 v6, $0x3  }
0x4ea: {  	v6 =	vand.u32 $0x7, v6;
	v7 =	vand.u32 $0xFFFFFFC0, v7  }
0x4eb: {  	v6 =	vor.u32 v6, v7  }
0x4ec: {  	v7 =	vperm.xlane v6, v0;
	_ =	sdelay $0x1  }
0x4ed: {  	v7 =	vadd.s32 v1, v7;
	_ =	sdelay $0x4  }
0x4ee: {  	[tilespmem:s13], [sflag:$0x1] =	stream.indirect_vreg.gather [hbm4b:s0+s28], $0x80, v7, vm0, $0xb8;
	[tilespmem:$0x1A280] =	vst v63  }
0x4ef: {  	s5 =	simm.s32 $0xA00;
	v6 =	vperm.xlane v6, v2  }
0x4f0: {  	[tilespmem:s5], [sflag:$0x1] =	stream.indirect_vreg.gather [hbm4b:s9+s28], $0x80, v7, vm0, $0xb8;
	[tilespmem:$0x1A280] =	vst v63  }
0x4f1: {  	v6 =	vadd.s32 v1, v6;
	s5 =	simm.s32 $0x1200  }
0x4f2: {  	[tilespmem:s5], [sflag:$0x1] =	stream.indirect_vreg.gather [hbm4b:s10+s28], $0x80, v7, vm0, $0xb8;
	[tilespmem:$0x1A280] =	vst v63  }
0x4f3: {  	s5 =	simm.s32 $0x1A00  }
0x4f4: {  	[tilespmem:s5], [sflag:$0x1] =	stream.indirect_vreg.gather [hbm4b:s11+s28], $0x80, v7, vm0, $0xb8;
	[tilespmem:$0x1A280] =	vst v63  }
0x4f5: {  	s5 =	simm.s32 $0x2200  }
0x4f6: {  	[tilespmem:s5], [sflag:$0x1] =	stream.indirect_vreg.gather [hbm4b:s0+s28], $0x80, v6, vm0, $0xb8;
	[tilespmem:$0x1A280] =	vst v63  }
0x4f7: {  	s5 =	simm.s32 $0x2A00  }
0x4f8: {  	[tilespmem:s5], [sflag:$0x1] =	stream.indirect_vreg.gather [hbm4b:s9+s28], $0x80, v6, vm0, $0xb8;
	[tilespmem:$0x1A280] =	vst v63  }
0x4f9: {  	s5 =	simm.s32 $0x3200  }
0x4fa: {  	[tilespmem:s5], [sflag:$0x1] =	stream.indirect_vreg.gather [hbm4b:s10+s28], $0x80, v6, vm0, $0xb8;
	[tilespmem:$0x1A280] =	vst v63  }
0x4fb: {  	s5 =	simm.s32 $0x3A00  }
0x4fc: {  	[tilespmem:s5], [sflag:$0x1] =	stream.indirect_vreg.gather [hbm4b:s11+s28], $0x80, v6, vm0, $0xb8;
	[tilespmem:$0x1A280] =	vst v63  }
0x4fd: {  	v6 =	vld [tilespmem:$0x150];
	_ =	sdelay $0x4  }
0x4fe: {  	v7 =	vshll.u32 v6, $0x3  }
0x4ff: {  	v6 =	vand.u32 $0x7, v6;
	v7 =	vand.u32 $0xFFFFFFC0, v7  }
0x500: {  	v6 =	vor.u32 v6, v7  }
0x501: {  	v7 =	vperm.xlane v6, v0;
	_ =	sdelay $0x1  }
0x502: {  	v7 =	vadd.s32 v1, v7;
	_ =	sdelay $0x3  }
0x503: {  	s5 =	simm.s32 $0x4200  }
0x504: {  	[tilespmem:s5], [sflag:$0x1] =	stream.indirect_vreg.gather [hbm4b:s0+s28], $0x80, v7, vm0, $0xb8;
	[tilespmem:$0x1A280] =	vst v63  }
0x505: {  	v6 =	vperm.xlane v6, v2;
	s5 =	simm.s32 $0x4A00  }
0x506: {  	[tilespmem:s5], [sflag:$0x1] =	stream.indirect_vreg.gather [hbm4b:s9+s28], $0x80, v7, vm0, $0xb8;
	[tilespmem:$0x1A280] =	vst v63  }
0x507: {  	v6 =	vadd.s32 v1, v6;
	s5 =	simm.s32 $0x5200  }
0x508: {  	[tilespmem:s5], [sflag:$0x1] =	stream.indirect_vreg.gather [hbm4b:s10+s28], $0x80, v7, vm0, $0xb8;
	[tilespmem:$0x1A280] =	vst v63  }
0x509: {  	s5 =	simm.s32 $0x5A00  }
0x50a: {  	[tilespmem:s5], [sflag:$0x1] =	stream.indirect_vreg.gather [hbm4b:s11+s28], $0x80, v7, vm0, $0xb8;
	[tilespmem:$0x1A280] =	vst v63  }
0x50b: {  	s5 =	simm.s32 $0x6200  }
0x50c: {  	[tilespmem:s5], [sflag:$0x1] =	stream.indirect_vreg.gather [hbm4b:s0+s28], $0x80, v6, vm0, $0xb8;
	[tilespmem:$0x1A280] =	vst v63  }
0x50d: {  	s5 =	simm.s32 $0x6A00  }
0x50e: {  	[tilespmem:s5], [sflag:$0x1] =	stream.indirect_vreg.gather [hbm4b:s9+s28], $0x80, v6, vm0, $0xb8;
	[tilespmem:$0x1A280] =	vst v63  }
0x50f: {  	s5 =	simm.s32 $0x7200  }
0x510: {  	[tilespmem:s5], [sflag:$0x1] =	stream.indirect_vreg.gather [hbm4b:s10+s28], $0x80, v6, vm0, $0xb8;
	[tilespmem:$0x1A280] =	vst v63  }
0x511: {  	s5 =	simm.s32 $0x7A00  }
0x512: {  	[tilespmem:s5], [sflag:$0x1] =	stream.indirect_vreg.gather [hbm4b:s11+s28], $0x80, v6, vm0, $0xb8;
	[tilespmem:$0x1A280] =	vst v63  }
0x513: {  	s5 =	rddreg [dreg:$0x17]  }
0x514: {  	[hbm4b:s5+s28] =	stream.linear.scatter [tilespmem:s3], [sflag:$0x4], $0x8000, $0x38;
	[tilespmem:$0x1A280] =	vst v63  }
0x515: {  	_ =	swait.ge [sflag:s12], $0x8000  }
0x516: {  	[sflag:s12] =	ssyncset.done $0x0  }
0x517: {  	[sflag:s12] =	ssyncadd.s32 $0xFFFF8000  }
0x518: {  	_ =	swait.ge [sflag:s24], $0x8000  }
0x519: {  	[sflag:s24] =	ssyncset.done $0x0  }
0x51a: {  	s29 =	simm.s32 $0x0;
	[sflag:s24] =	ssyncadd.s32 $0xFFFF8000  }
.LBB2_40:
0x51b: {  	s4 =	sshll.u32 s29, $0xC;
	s5 =	sand.u32 $0x7, s28  }
0x51c: {  	s4 =	sand.u32 $0xFFFF8000, s4;
	s5 =	sshll.u32 s5, $0x9  }
0x51d: {  	s4 =	sor.u32 s5, s4  }
0x51e: {  	s4 =	sshrl.u32 s4, $0x2  }
0x51f: {  	s5 =	sadd.s32 $0x8240, s4  }
0x520: {  	s4 =	sadd.s32 $0x10270, s4;
	v7 =	vmov s5  }
0x521: {  	v6 =	vmov s4;
	_ =	sdelay $0x2  }
0x522: {  	s5 =	simm.s32 $0x0  }
0x523: {  	v8 =	vld.idx.msk [tilespmem:v7+s5+$0xFFFFFFC0 ss:$0x1], $0xffff  }
0x524: {  	v9 =	vld.idx.msk [tilespmem:v6+s5+$0xFFFFFF90 ss:$0x1], $0xffff  }
0x525: {  	v10 =	vld.idx.msk [tilespmem:v7+s5+$0xFFFFFFD0 ss:$0x1], $0xffff  }
0x526: {  	v11 =	vld.idx.msk [tilespmem:v6+s5+$0xFFFFFFA0 ss:$0x1], $0xffff  }
0x527: {  	v12 =	vld.idx.msk [tilespmem:v7+s5+$0xFFFFFFE0 ss:$0x1], $0xffff  }
0x528: {  	v13 =	vld.idx.msk [tilespmem:v6+s5+$0xFFFFFFB0 ss:$0x1], $0xffff  }
0x529: {  	v14 =	vld.idx.msk [tilespmem:v7+s5+$0xFFFFFFF0 ss:$0x1], $0xffff  }
0x52a: {  	v15 =	vld.idx.msk [tilespmem:v6+s5+$0xFFFFFFC0 ss:$0x1], $0xffff;
	v8 =	vsub.f32 v8, v9  }
0x52b: {  	v16 =	vld.idx.msk [tilespmem:v7+s5+$0x0 ss:$0x1], $0xffff  }
0x52c: {  	v17 =	vld.idx.msk [tilespmem:v6+s5+$0xFFFFFFD0 ss:$0x1], $0xffff;
	v11 =	vsub.f32 v10, v11;
	v9 =	vmul.f32 v8, v8  }
0x52d: {  	v10 =	vld.idx.msk [tilespmem:v6+s5+$0xFFFFFFE0 ss:$0x1], $0xffff  }
0x52e: {  	v12 =	vsub.f32 v12, v13;
	v8 =	vld.idx.msk [tilespmem:v7+s5+$0x10 ss:$0x1], $0xffff;
	v18 =	vmul.f32 v11, v11;
	v9 =	vadd.f32 v9, v5  }
0x52f: {  	v11 =	vld.idx.msk [tilespmem:v6+s5+$0xFFFFFFF0 ss:$0x1], $0xffff  }
0x530: {  	v15 =	vsub.f32 v14, v15;
	v5 =	vld.idx.msk [tilespmem:v7+s5+$0x20 ss:$0x1], $0xffff;
	v13 =	vadd.f32 v18, v9;
	v18 =	vmul.f32 v12, v12  }
0x531: {  	v9 =	vld.idx.msk [tilespmem:v7+s5+$0x30 ss:$0x1], $0xffff  }
0x532: {  	s4 =	simm.s32 $0x400;
	v16 =	vsub.f32 v16, v17;
	v15 =	vmul.f32 v15, v15;
	v12 =	vld.idx.msk [tilespmem:v6+s5+$0x0 ss:$0x1], $0xffff;
	v14 =	vadd.f32 v18, v13  }
0x533: {  	s5 =	simm.s32 $0x2000;
	v13 =	vld.idx.msk [tilespmem:v7+s4+$0xFFFFFFC0 ss:$0x1], $0xffff  }
.LBB2_41:
0x534: {  	p0 =	sne.s32 s5, $0x7000;
	v17 =	vld.idx.msk [tilespmem:v6+s4+$0xFFFFFF90 ss:$0x1], $0xffff;
	v14 =	vadd.f32 v15, v14;
	v15 =	vmul.f32 v16, v16;
	v8 =	vsub.f32 v8, v10  }
0x535: {  	v10 =	vld.idx.msk [tilespmem:v7+s4+$0xFFFFFFD0 ss:$0x1], $0xffff  }
0x536: {  	v5 =	vsub.f32 v5, v11;
	v16 =	vld.idx.msk [tilespmem:v6+s4+$0xFFFFFFA0 ss:$0x1], $0xffff;
	v14 =	vadd.f32 v15, v14;
	v8 =	vmul.f32 v8, v8  }
0x537: {  	v11 =	vld.idx.msk [tilespmem:v7+s4+$0xFFFFFFE0 ss:$0x1], $0xffff  }
0x538: {  	v5 =	vmul.f32 v5, v5;
	v9 =	vsub.f32 v9, v12;
	v15 =	vld.idx.msk [tilespmem:v6+s4+$0xFFFFFFB0 ss:$0x1], $0xffff;
	v8 =	vadd.f32 v8, v14  }
0x539: {  	v12 =	vld.idx.msk [tilespmem:v7+s4+$0xFFFFFFF0 ss:$0x1], $0xffff  }
0x53a: {  	v13 =	vsub.f32 v13, v17;
	v14 =	vld.idx.msk [tilespmem:v6+s4+$0xFFFFFFC0 ss:$0x1], $0xffff;
	v5 =	vadd.f32 v5, v8;
	v8 =	vmul.f32 v9, v9  }
0x53b: {  	v17 =	vld.idx.msk [tilespmem:v7+s4+$0x0 ss:$0x1], $0xffff  }
0x53c: {  	v9 =	vmul.f32 v13, v13;
	v10 =	vsub.f32 v10, v16;
	v13 =	vld.idx.msk [tilespmem:v6+s4+$0xFFFFFFD0 ss:$0x1], $0xffff;
	v5 =	vadd.f32 v8, v5  }
0x53d: {  	v8 =	vld.idx.msk [tilespmem:v7+s4+$0x10 ss:$0x1], $0xffff  }
0x53e: {  	v16 =	vmul.f32 v10, v10;
	v11 =	vsub.f32 v11, v15;
	v9 =	vadd.f32 v9, v5;
	v10 =	vld.idx.msk [tilespmem:v6+s4+$0xFFFFFFE0 ss:$0x1], $0xffff  }
.Ltmp19:
0x53f: {  	v5 =	vld.idx.msk [tilespmem:v7+s4+$0x20 ss:$0x1], $0xffff;
	(pc) =	sbr.rel @p0 .LBB2_41-.Ltmp19, $4  }
0x540: {  	v12 =	vsub.f32 v12, v14;
	v15 =	vadd.f32 v16, v9;
	v16 =	vmul.f32 v11, v11;
	v11 =	vld.idx.msk [tilespmem:v6+s4+$0xFFFFFFF0 ss:$0x1], $0xffff  }
0x541: {  	v9 =	vld.idx.msk [tilespmem:v7+s4+$0x30 ss:$0x1], $0xffff  }
0x542: {  	v14 =	vadd.f32 v16, v15;
	v15 =	vmul.f32 v12, v12;
	v16 =	vsub.f32 v17, v13;
	v12 =	vld.idx.msk [tilespmem:v6+s4+$0x0 ss:$0x1], $0xffff;
	s4 =	sshra.s32 s5, $0x2  }
0x543: {  	s5 =	sadd.s32 $0x1000, s5;
	v13 =	vld.idx.msk [tilespmem:v7+s4+$0xFFFFFFC0 ss:$0x1], $0xffff  }
0x544: {  	_ =	sdelay $0x2  }
0x545: {  	v14 =	vadd.f32 v15, v14;
	v42 =	vmul.f32 v16, v16;
	v8 =	vsub.f32 v8, v10  }
0x546: {  	v43 =	vld.idx.msk [tilespmem:v6+s4+$0xFFFFFF90 ss:$0x1], $0xffff  }
0x547: {  	v44 =	vld.idx.msk [tilespmem:v7+s4+$0xFFFFFFD0 ss:$0x1], $0xffff;
	v5 =	vsub.f32 v5, v11;
	v14 =	vadd.f32 v42, v14;
	v8 =	vmul.f32 v8, v8  }
0x548: {  	v45 =	vld.idx.msk [tilespmem:v6+s4+$0xFFFFFFA0 ss:$0x1], $0xffff  }
0x549: {  	v46 =	vld.idx.msk [tilespmem:v7+s4+$0xFFFFFFE0 ss:$0x1], $0xffff;
	v5 =	vmul.f32 v5, v5;
	v9 =	vsub.f32 v9, v12;
	v8 =	vadd.f32 v8, v14  }
0x54a: {  	v47 =	vld.idx.msk [tilespmem:v6+s4+$0xFFFFFFB0 ss:$0x1], $0xffff  }
0x54b: {  	v48 =	vld.idx.msk [tilespmem:v7+s4+$0xFFFFFFF0 ss:$0x1], $0xffff;
	v10 =	vsub.f32 v13, v43;
	v49 =	vmul.f32 v9, v9;
	v5 =	vadd.f32 v5, v8  }
0x54c: {  	v50 =	vld.idx.msk [tilespmem:v6+s4+$0xFFFFFFC0 ss:$0x1], $0xffff  }
0x54d: {  	v51 =	vld.idx.msk [tilespmem:v7+s4+$0x0 ss:$0x1], $0xffff;
	v11 =	vsub.f32 v44, v45;
	v10 =	vmul.f32 v10, v10;
	v5 =	vadd.f32 v49, v5  }
0x54e: {  	v52 =	vld.idx.msk [tilespmem:v6+s4+$0xFFFFFFD0 ss:$0x1], $0xffff  }
0x54f: {  	v53 =	vld.idx.msk [tilespmem:v7+s4+$0x10 ss:$0x1], $0xffff;
	v55 =	vsub.f32 v46, v47;
	v54 =	vmul.f32 v11, v11;
	v5 =	vadd.f32 v10, v5  }
0x550: {  	v56 =	vld.idx.msk [tilespmem:v6+s4+$0xFFFFFFE0 ss:$0x1], $0xffff  }
0x551: {  	v57 =	vld.idx.msk [tilespmem:v7+s4+$0x20 ss:$0x1], $0xffff;
	v9 =	vsub.f32 v48, v50;
	v58 =	vmul.f32 v55, v55;
	v5 =	vadd.f32 v54, v5  }
0x552: {  	v59 =	vld.idx.msk [tilespmem:v6+s4+$0xFFFFFFF0 ss:$0x1], $0xffff  }
0x553: {  	v7 =	vld.idx.msk [tilespmem:v7+s4+$0x30 ss:$0x1], $0xffff;
	v8 =	vsub.f32 v51, v52;
	v9 =	vmul.f32 v9, v9;
	v5 =	vadd.f32 v58, v5  }
0x554: {  	v6 =	vld.idx.msk [tilespmem:v6+s4+$0x0 ss:$0x1], $0xffff  }
0x555: {  	v60 =	vsub.f32 v53, v56;
	v8 =	vmul.f32 v8, v8;
	v5 =	vadd.f32 v9, v5;
	_ =	sdelay $0x1  }
0x556: {  	s29 =	sadd.s32 $0x1, s29;
	v62 =	vsub.f32 v57, v59;
	v61 =	vmul.f32 v60, v60;
	v5 =	vadd.f32 v8, v5  }
0x557: {  	p0 =	sne.s32 s29, $0x20  }
.Ltmp20:
0x558: {  	v6 =	vsub.f32 v7, v6;
	v63 =	vmul.f32 v62, v62;
	v5 =	vadd.f32 v61, v5;
	(pc) =	sbr.rel @p0 .LBB2_40-.Ltmp20, $3  }
0x559: {  	_ = 	snop  }
0x55a: {  	v6 =	vmul.f32 v6, v6;
	v5 =	vadd.f32 v63, v5;
	_ =	sdelay $0x1  }
0x55b: {  	s28 =	sadd.s32 $0x1, s28;
	v5 =	vadd.f32 v6, v5  }
0x55c: {  	s28 =	simm.s32 $0x0;
	s4 =	rddreg [dreg:$0x18]  }
0x55d: {  	[tilespmem:s31], [sflag:$0x3] =	stream.linear.gather [hbm4b:s4+s28], $0x8000, $0x38;
	[tilespmem:$0x1A280] =	vst v63  }
0x55e: {  	_ =	swait.ge [sflag:s2], $0x8000  }
0x55f: {  	[sflag:s2] =	ssyncset.done $0x0  }
0x560: {  	[sflag:s2] =	ssyncadd.s32 $0xFFFF8000  }
0x561: {  	v6 =	vld [tilespmem:$0x160];
	_ =	sdelay $0x4  }
0x562: {  	v7 =	vshll.u32 v6, $0x3  }
0x563: {  	v6 =	vand.u32 $0x7, v6;
	v7 =	vand.u32 $0xFFFFFFC0, v7  }
0x564: {  	v6 =	vor.u32 v6, v7  }
0x565: {  	v7 =	vperm.xlane v6, v0;
	_ =	sdelay $0x1  }
0x566: {  	v7 =	vadd.s32 v1, v7;
	_ =	sdelay $0x4  }
0x567: {  	[tilespmem:s3], [sflag:$0x2] =	stream.indirect_vreg.gather [hbm4b:s0+s28], $0x80, v7, vm0, $0xb8;
	[tilespmem:$0x1A280] =	vst v63  }
0x568: {  	s5 =	simm.s32 $0x8A00;
	v6 =	vperm.xlane v6, v2  }
0x569: {  	[tilespmem:s5], [sflag:$0x2] =	stream.indirect_vreg.gather [hbm4b:s9+s28], $0x80, v7, vm0, $0xb8;
	[tilespmem:$0x1A280] =	vst v63  }
0x56a: {  	v6 =	vadd.s32 v1, v6;
	s5 =	simm.s32 $0x9200  }
0x56b: {  	[tilespmem:s5], [sflag:$0x2] =	stream.indirect_vreg.gather [hbm4b:s10+s28], $0x80, v7, vm0, $0xb8;
	[tilespmem:$0x1A280] =	vst v63  }
0x56c: {  	_ = 	snop  }
0x56d: {  	[tilespmem:s6], [sflag:$0x2] =	stream.indirect_vreg.gather [hbm4b:s11+s28], $0x80, v7, vm0, $0xb8;
	[tilespmem:$0x1A280] =	vst v63  }
0x56e: {  	_ = 	snop  }
0x56f: {  	[tilespmem:s7], [sflag:$0x2] =	stream.indirect_vreg.gather [hbm4b:s0+s28], $0x80, v6, vm0, $0xb8;
	[tilespmem:$0x1A280] =	vst v63  }
0x570: {  	_ = 	snop  }
0x571: {  	[tilespmem:s8], [sflag:$0x2] =	stream.indirect_vreg.gather [hbm4b:s9+s28], $0x80, v6, vm0, $0xb8;
	[tilespmem:$0x1A280] =	vst v63  }
0x572: {  	_ = 	snop  }
0x573: {  	[tilespmem:s14], [sflag:$0x2] =	stream.indirect_vreg.gather [hbm4b:s10+s28], $0x80, v6, vm0, $0xb8;
	[tilespmem:$0x1A280] =	vst v63  }
0x574: {  	_ = 	snop  }
0x575: {  	[tilespmem:s15], [sflag:$0x2] =	stream.indirect_vreg.gather [hbm4b:s11+s28], $0x80, v6, vm0, $0xb8;
	[tilespmem:$0x1A280] =	vst v63  }
0x576: {  	v6 =	vld [tilespmem:$0x170];
	_ =	sdelay $0x4  }
0x577: {  	v7 =	vshll.u32 v6, $0x3  }
0x578: {  	v6 =	vand.u32 $0x7, v6;
	v7 =	vand.u32 $0xFFFFFFC0, v7  }
0x579: {  	v6 =	vor.u32 v6, v7  }
0x57a: {  	v7 =	vperm.xlane v6, v0;
	_ =	sdelay $0x1  }
0x57b: {  	v7 =	vadd.s32 v1, v7;
	_ =	sdelay $0x4  }
0x57c: {  	[tilespmem:s16], [sflag:$0x2] =	stream.indirect_vreg.gather [hbm4b:s0+s28], $0x80, v7, vm0, $0xb8;
	[tilespmem:$0x1A280] =	vst v63  }
0x57d: {  	v6 =	vperm.xlane v6, v2  }
0x57e: {  	[tilespmem:s17], [sflag:$0x2] =	stream.indirect_vreg.gather [hbm4b:s9+s28], $0x80, v7, vm0, $0xb8;
	[tilespmem:$0x1A280] =	vst v63  }
0x57f: {  	v6 =	vadd.s32 v1, v6  }
0x580: {  	[tilespmem:s18], [sflag:$0x2] =	stream.indirect_vreg.gather [hbm4b:s10+s28], $0x80, v7, vm0, $0xb8;
	[tilespmem:$0x1A280] =	vst v63  }
0x581: {  	_ = 	snop  }
0x582: {  	[tilespmem:s19], [sflag:$0x2] =	stream.indirect_vreg.gather [hbm4b:s11+s28], $0x80, v7, vm0, $0xb8;
	[tilespmem:$0x1A280] =	vst v63  }
0x583: {  	_ = 	snop  }
0x584: {  	[tilespmem:s20], [sflag:$0x2] =	stream.indirect_vreg.gather [hbm4b:s0+s28], $0x80, v6, vm0, $0xb8;
	[tilespmem:$0x1A280] =	vst v63  }
0x585: {  	_ = 	snop  }
0x586: {  	[tilespmem:s21], [sflag:$0x2] =	stream.indirect_vreg.gather [hbm4b:s9+s28], $0x80, v6, vm0, $0xb8;
	[tilespmem:$0x1A280] =	vst v63  }
0x587: {  	_ = 	snop  }
0x588: {  	[tilespmem:s22], [sflag:$0x2] =	stream.indirect_vreg.gather [hbm4b:s10+s28], $0x80, v6, vm0, $0xb8;
	[tilespmem:$0x1A280] =	vst v63  }
0x589: {  	_ = 	snop  }
0x58a: {  	[tilespmem:s23], [sflag:$0x2] =	stream.indirect_vreg.gather [hbm4b:s11+s28], $0x80, v6, vm0, $0xb8;
	[tilespmem:$0x1A280] =	vst v63  }
0x58b: {  	s5 =	rddreg [dreg:$0x19]  }
0x58c: {  	[hbm4b:s5+s28] =	stream.linear.scatter [tilespmem:s13], [sflag:$0x4], $0x8000, $0x38;
	[tilespmem:$0x1A280] =	vst v63  }
0x58d: {  	_ =	swait.ge [sflag:s12], $0x8000  }
0x58e: {  	[sflag:s12] =	ssyncset.done $0x0  }
0x58f: {  	[sflag:s12] =	ssyncadd.s32 $0xFFFF8000  }
0x590: {  	_ =	swait.ge [sflag:s24], $0x8000  }
0x591: {  	[sflag:s24] =	ssyncset.done $0x0  }
0x592: {  	s29 =	simm.s32 $0x0;
	[sflag:s24] =	ssyncadd.s32 $0xFFFF8000  }
.LBB2_44:
0x593: {  	s4 =	sshll.u32 s29, $0xC;
	s5 =	sand.u32 $0x7, s28  }
0x594: {  	s4 =	sand.u32 $0xFFFF8000, s4;
	s5 =	sshll.u32 s5, $0x9  }
0x595: {  	s4 =	sor.u32 s5, s4  }
0x596: {  	s4 =	sshrl.u32 s4, $0x2  }
0x597: {  	s5 =	sadd.s32 $0x240, s4  }
0x598: {  	s4 =	sadd.s32 $0x10270, s4;
	v7 =	vmov s5  }
0x599: {  	v6 =	vmov s4;
	_ =	sdelay $0x2  }
0x59a: {  	s5 =	simm.s32 $0x0  }
0x59b: {  	v8 =	vld.idx.msk [tilespmem:v7+s5+$0xFFFFFFC0 ss:$0x1], $0xffff  }
0x59c: {  	v9 =	vld.idx.msk [tilespmem:v6+s5+$0xFFFFFF90 ss:$0x1], $0xffff  }
0x59d: {  	v10 =	vld.idx.msk [tilespmem:v7+s5+$0xFFFFFFD0 ss:$0x1], $0xffff  }
0x59e: {  	v11 =	vld.idx.msk [tilespmem:v6+s5+$0xFFFFFFA0 ss:$0x1], $0xffff  }
0x59f: {  	v12 =	vld.idx.msk [tilespmem:v7+s5+$0xFFFFFFE0 ss:$0x1], $0xffff  }
0x5a0: {  	v13 =	vld.idx.msk [tilespmem:v6+s5+$0xFFFFFFB0 ss:$0x1], $0xffff  }
0x5a1: {  	v14 =	vld.idx.msk [tilespmem:v7+s5+$0xFFFFFFF0 ss:$0x1], $0xffff  }
0x5a2: {  	v15 =	vld.idx.msk [tilespmem:v6+s5+$0xFFFFFFC0 ss:$0x1], $0xffff;
	v8 =	vsub.f32 v8, v9  }
0x5a3: {  	v16 =	vld.idx.msk [tilespmem:v7+s5+$0x0 ss:$0x1], $0xffff  }
0x5a4: {  	v17 =	vld.idx.msk [tilespmem:v6+s5+$0xFFFFFFD0 ss:$0x1], $0xffff;
	v11 =	vsub.f32 v10, v11;
	v9 =	vmul.f32 v8, v8  }
0x5a5: {  	v10 =	vld.idx.msk [tilespmem:v6+s5+$0xFFFFFFE0 ss:$0x1], $0xffff  }
0x5a6: {  	v12 =	vsub.f32 v12, v13;
	v8 =	vld.idx.msk [tilespmem:v7+s5+$0x10 ss:$0x1], $0xffff;
	v18 =	vmul.f32 v11, v11;
	v9 =	vadd.f32 v9, v5  }
0x5a7: {  	v11 =	vld.idx.msk [tilespmem:v6+s5+$0xFFFFFFF0 ss:$0x1], $0xffff  }
0x5a8: {  	v15 =	vsub.f32 v14, v15;
	v5 =	vld.idx.msk [tilespmem:v7+s5+$0x20 ss:$0x1], $0xffff;
	v13 =	vadd.f32 v18, v9;
	v18 =	vmul.f32 v12, v12  }
0x5a9: {  	v9 =	vld.idx.msk [tilespmem:v7+s5+$0x30 ss:$0x1], $0xffff  }
0x5aa: {  	s4 =	simm.s32 $0x400;
	v16 =	vsub.f32 v16, v17;
	v15 =	vmul.f32 v15, v15;
	v12 =	vld.idx.msk [tilespmem:v6+s5+$0x0 ss:$0x1], $0xffff;
	v14 =	vadd.f32 v18, v13  }
0x5ab: {  	s5 =	simm.s32 $0x2000;
	v13 =	vld.idx.msk [tilespmem:v7+s4+$0xFFFFFFC0 ss:$0x1], $0xffff  }
.LBB2_45:
0x5ac: {  	p0 =	sne.s32 s5, $0x7000;
	v17 =	vld.idx.msk [tilespmem:v6+s4+$0xFFFFFF90 ss:$0x1], $0xffff;
	v14 =	vadd.f32 v15, v14;
	v15 =	vmul.f32 v16, v16;
	v8 =	vsub.f32 v8, v10  }
0x5ad: {  	v10 =	vld.idx.msk [tilespmem:v7+s4+$0xFFFFFFD0 ss:$0x1], $0xffff  }
0x5ae: {  	v5 =	vsub.f32 v5, v11;
	v16 =	vld.idx.msk [tilespmem:v6+s4+$0xFFFFFFA0 ss:$0x1], $0xffff;
	v14 =	vadd.f32 v15, v14;
	v8 =	vmul.f32 v8, v8  }
0x5af: {  	v11 =	vld.idx.msk [tilespmem:v7+s4+$0xFFFFFFE0 ss:$0x1], $0xffff  }
0x5b0: {  	v5 =	vmul.f32 v5, v5;
	v9 =	vsub.f32 v9, v12;
	v15 =	vld.idx.msk [tilespmem:v6+s4+$0xFFFFFFB0 ss:$0x1], $0xffff;
	v8 =	vadd.f32 v8, v14  }
0x5b1: {  	v12 =	vld.idx.msk [tilespmem:v7+s4+$0xFFFFFFF0 ss:$0x1], $0xffff  }
0x5b2: {  	v13 =	vsub.f32 v13, v17;
	v14 =	vld.idx.msk [tilespmem:v6+s4+$0xFFFFFFC0 ss:$0x1], $0xffff;
	v5 =	vadd.f32 v5, v8;
	v8 =	vmul.f32 v9, v9  }
0x5b3: {  	v17 =	vld.idx.msk [tilespmem:v7+s4+$0x0 ss:$0x1], $0xffff  }
0x5b4: {  	v9 =	vmul.f32 v13, v13;
	v10 =	vsub.f32 v10, v16;
	v13 =	vld.idx.msk [tilespmem:v6+s4+$0xFFFFFFD0 ss:$0x1], $0xffff;
	v5 =	vadd.f32 v8, v5  }
0x5b5: {  	v8 =	vld.idx.msk [tilespmem:v7+s4+$0x10 ss:$0x1], $0xffff  }
0x5b6: {  	v16 =	vmul.f32 v10, v10;
	v11 =	vsub.f32 v11, v15;
	v9 =	vadd.f32 v9, v5;
	v10 =	vld.idx.msk [tilespmem:v6+s4+$0xFFFFFFE0 ss:$0x1], $0xffff  }
.Ltmp21:
0x5b7: {  	v5 =	vld.idx.msk [tilespmem:v7+s4+$0x20 ss:$0x1], $0xffff;
	(pc) =	sbr.rel @p0 .LBB2_45-.Ltmp21, $4  }
0x5b8: {  	v12 =	vsub.f32 v12, v14;
	v15 =	vadd.f32 v16, v9;
	v16 =	vmul.f32 v11, v11;
	v11 =	vld.idx.msk [tilespmem:v6+s4+$0xFFFFFFF0 ss:$0x1], $0xffff  }
0x5b9: {  	v9 =	vld.idx.msk [tilespmem:v7+s4+$0x30 ss:$0x1], $0xffff  }
0x5ba: {  	v14 =	vadd.f32 v16, v15;
	v15 =	vmul.f32 v12, v12;
	v16 =	vsub.f32 v17, v13;
	v12 =	vld.idx.msk [tilespmem:v6+s4+$0x0 ss:$0x1], $0xffff;
	s4 =	sshra.s32 s5, $0x2  }
0x5bb: {  	s5 =	sadd.s32 $0x1000, s5;
	v13 =	vld.idx.msk [tilespmem:v7+s4+$0xFFFFFFC0 ss:$0x1], $0xffff  }
0x5bc: {  	_ =	sdelay $0x2  }
0x5bd: {  	v14 =	vadd.f32 v15, v14;
	v42 =	vmul.f32 v16, v16;
	v8 =	vsub.f32 v8, v10  }
0x5be: {  	v43 =	vld.idx.msk [tilespmem:v6+s4+$0xFFFFFF90 ss:$0x1], $0xffff  }
0x5bf: {  	v44 =	vld.idx.msk [tilespmem:v7+s4+$0xFFFFFFD0 ss:$0x1], $0xffff;
	v5 =	vsub.f32 v5, v11;
	v14 =	vadd.f32 v42, v14;
	v8 =	vmul.f32 v8, v8  }
0x5c0: {  	v45 =	vld.idx.msk [tilespmem:v6+s4+$0xFFFFFFA0 ss:$0x1], $0xffff  }
0x5c1: {  	v46 =	vld.idx.msk [tilespmem:v7+s4+$0xFFFFFFE0 ss:$0x1], $0xffff;
	v5 =	vmul.f32 v5, v5;
	v9 =	vsub.f32 v9, v12;
	v8 =	vadd.f32 v8, v14  }
0x5c2: {  	v47 =	vld.idx.msk [tilespmem:v6+s4+$0xFFFFFFB0 ss:$0x1], $0xffff  }
0x5c3: {  	v48 =	vld.idx.msk [tilespmem:v7+s4+$0xFFFFFFF0 ss:$0x1], $0xffff;
	v10 =	vsub.f32 v13, v43;
	v49 =	vmul.f32 v9, v9;
	v5 =	vadd.f32 v5, v8  }
0x5c4: {  	v50 =	vld.idx.msk [tilespmem:v6+s4+$0xFFFFFFC0 ss:$0x1], $0xffff  }
0x5c5: {  	v51 =	vld.idx.msk [tilespmem:v7+s4+$0x0 ss:$0x1], $0xffff;
	v11 =	vsub.f32 v44, v45;
	v10 =	vmul.f32 v10, v10;
	v5 =	vadd.f32 v49, v5  }
0x5c6: {  	v52 =	vld.idx.msk [tilespmem:v6+s4+$0xFFFFFFD0 ss:$0x1], $0xffff  }
0x5c7: {  	v53 =	vld.idx.msk [tilespmem:v7+s4+$0x10 ss:$0x1], $0xffff;
	v55 =	vsub.f32 v46, v47;
	v54 =	vmul.f32 v11, v11;
	v5 =	vadd.f32 v10, v5  }
0x5c8: {  	v56 =	vld.idx.msk [tilespmem:v6+s4+$0xFFFFFFE0 ss:$0x1], $0xffff  }
0x5c9: {  	v57 =	vld.idx.msk [tilespmem:v7+s4+$0x20 ss:$0x1], $0xffff;
	v9 =	vsub.f32 v48, v50;
	v58 =	vmul.f32 v55, v55;
	v5 =	vadd.f32 v54, v5  }
0x5ca: {  	v59 =	vld.idx.msk [tilespmem:v6+s4+$0xFFFFFFF0 ss:$0x1], $0xffff  }
0x5cb: {  	v7 =	vld.idx.msk [tilespmem:v7+s4+$0x30 ss:$0x1], $0xffff;
	v8 =	vsub.f32 v51, v52;
	v9 =	vmul.f32 v9, v9;
	v5 =	vadd.f32 v58, v5  }
0x5cc: {  	v6 =	vld.idx.msk [tilespmem:v6+s4+$0x0 ss:$0x1], $0xffff  }
0x5cd: {  	v60 =	vsub.f32 v53, v56;
	v8 =	vmul.f32 v8, v8;
	v5 =	vadd.f32 v9, v5;
	_ =	sdelay $0x1  }
0x5ce: {  	s29 =	sadd.s32 $0x1, s29;
	v62 =	vsub.f32 v57, v59;
	v61 =	vmul.f32 v60, v60;
	v5 =	vadd.f32 v8, v5  }
0x5cf: {  	p0 =	sne.s32 s29, $0x20  }
.Ltmp22:
0x5d0: {  	v6 =	vsub.f32 v7, v6;
	v63 =	vmul.f32 v62, v62;
	v5 =	vadd.f32 v61, v5;
	(pc) =	sbr.rel @p0 .LBB2_44-.Ltmp22, $3  }
0x5d1: {  	_ = 	snop  }
0x5d2: {  	v6 =	vmul.f32 v6, v6;
	v5 =	vadd.f32 v63, v5;
	_ =	sdelay $0x1  }
0x5d3: {  	s28 =	sadd.s32 $0x1, s28;
	v5 =	vadd.f32 v6, v5  }
0x5d4: {  	s28 =	simm.s32 $0x0;
	s4 =	rddreg [dreg:$0x1a]  }
0x5d5: {  	[tilespmem:s31], [sflag:$0x3] =	stream.linear.gather [hbm4b:s4+s28], $0x8000, $0x38;
	[tilespmem:$0x1A280] =	vst v63  }
0x5d6: {  	_ =	swait.ge [sflag:s25], $0x8000  }
0x5d7: {  	[sflag:s25] =	ssyncset.done $0x0  }
0x5d8: {  	[sflag:s25] =	ssyncadd.s32 $0xFFFF8000  }
0x5d9: {  	v6 =	vld [tilespmem:$0x180];
	_ =	sdelay $0x4  }
0x5da: {  	v7 =	vshll.u32 v6, $0x3  }
0x5db: {  	v6 =	vand.u32 $0x7, v6;
	v7 =	vand.u32 $0xFFFFFFC0, v7  }
0x5dc: {  	v6 =	vor.u32 v6, v7  }
0x5dd: {  	v7 =	vperm.xlane v6, v0;
	_ =	sdelay $0x1  }
0x5de: {  	v7 =	vadd.s32 v1, v7;
	_ =	sdelay $0x4  }
0x5df: {  	[tilespmem:s13], [sflag:$0x1] =	stream.indirect_vreg.gather [hbm4b:s0+s28], $0x80, v7, vm0, $0xb8;
	[tilespmem:$0x1A280] =	vst v63  }
0x5e0: {  	s5 =	simm.s32 $0xA00;
	v6 =	vperm.xlane v6, v2  }
0x5e1: {  	[tilespmem:s5], [sflag:$0x1] =	stream.indirect_vreg.gather [hbm4b:s9+s28], $0x80, v7, vm0, $0xb8;
	[tilespmem:$0x1A280] =	vst v63  }
0x5e2: {  	v6 =	vadd.s32 v1, v6;
	s5 =	simm.s32 $0x1200  }
0x5e3: {  	[tilespmem:s5], [sflag:$0x1] =	stream.indirect_vreg.gather [hbm4b:s10+s28], $0x80, v7, vm0, $0xb8;
	[tilespmem:$0x1A280] =	vst v63  }
0x5e4: {  	s5 =	simm.s32 $0x1A00  }
0x5e5: {  	[tilespmem:s5], [sflag:$0x1] =	stream.indirect_vreg.gather [hbm4b:s11+s28], $0x80, v7, vm0, $0xb8;
	[tilespmem:$0x1A280] =	vst v63  }
0x5e6: {  	s5 =	simm.s32 $0x2200  }
0x5e7: {  	[tilespmem:s5], [sflag:$0x1] =	stream.indirect_vreg.gather [hbm4b:s0+s28], $0x80, v6, vm0, $0xb8;
	[tilespmem:$0x1A280] =	vst v63  }
0x5e8: {  	s5 =	simm.s32 $0x2A00  }
0x5e9: {  	[tilespmem:s5], [sflag:$0x1] =	stream.indirect_vreg.gather [hbm4b:s9+s28], $0x80, v6, vm0, $0xb8;
	[tilespmem:$0x1A280] =	vst v63  }
0x5ea: {  	s5 =	simm.s32 $0x3200  }
0x5eb: {  	[tilespmem:s5], [sflag:$0x1] =	stream.indirect_vreg.gather [hbm4b:s10+s28], $0x80, v6, vm0, $0xb8;
	[tilespmem:$0x1A280] =	vst v63  }
0x5ec: {  	s5 =	simm.s32 $0x3A00  }
0x5ed: {  	[tilespmem:s5], [sflag:$0x1] =	stream.indirect_vreg.gather [hbm4b:s11+s28], $0x80, v6, vm0, $0xb8;
	[tilespmem:$0x1A280] =	vst v63  }
0x5ee: {  	v6 =	vld [tilespmem:$0x190];
	_ =	sdelay $0x4  }
0x5ef: {  	v7 =	vshll.u32 v6, $0x3  }
0x5f0: {  	v6 =	vand.u32 $0x7, v6;
	v7 =	vand.u32 $0xFFFFFFC0, v7  }
0x5f1: {  	v6 =	vor.u32 v6, v7  }
0x5f2: {  	v7 =	vperm.xlane v6, v0;
	_ =	sdelay $0x1  }
0x5f3: {  	v7 =	vadd.s32 v1, v7;
	_ =	sdelay $0x3  }
0x5f4: {  	s5 =	simm.s32 $0x4200  }
0x5f5: {  	[tilespmem:s5], [sflag:$0x1] =	stream.indirect_vreg.gather [hbm4b:s0+s28], $0x80, v7, vm0, $0xb8;
	[tilespmem:$0x1A280] =	vst v63  }
0x5f6: {  	v6 =	vperm.xlane v6, v2;
	s5 =	simm.s32 $0x4A00  }
0x5f7: {  	[tilespmem:s5], [sflag:$0x1] =	stream.indirect_vreg.gather [hbm4b:s9+s28], $0x80, v7, vm0, $0xb8;
	[tilespmem:$0x1A280] =	vst v63  }
0x5f8: {  	v6 =	vadd.s32 v1, v6;
	s5 =	simm.s32 $0x5200  }
0x5f9: {  	[tilespmem:s5], [sflag:$0x1] =	stream.indirect_vreg.gather [hbm4b:s10+s28], $0x80, v7, vm0, $0xb8;
	[tilespmem:$0x1A280] =	vst v63  }
0x5fa: {  	s5 =	simm.s32 $0x5A00  }
0x5fb: {  	[tilespmem:s5], [sflag:$0x1] =	stream.indirect_vreg.gather [hbm4b:s11+s28], $0x80, v7, vm0, $0xb8;
	[tilespmem:$0x1A280] =	vst v63  }
0x5fc: {  	s5 =	simm.s32 $0x6200  }
0x5fd: {  	[tilespmem:s5], [sflag:$0x1] =	stream.indirect_vreg.gather [hbm4b:s0+s28], $0x80, v6, vm0, $0xb8;
	[tilespmem:$0x1A280] =	vst v63  }
0x5fe: {  	s5 =	simm.s32 $0x6A00  }
0x5ff: {  	[tilespmem:s5], [sflag:$0x1] =	stream.indirect_vreg.gather [hbm4b:s9+s28], $0x80, v6, vm0, $0xb8;
	[tilespmem:$0x1A280] =	vst v63  }
0x600: {  	s5 =	simm.s32 $0x7200  }
0x601: {  	[tilespmem:s5], [sflag:$0x1] =	stream.indirect_vreg.gather [hbm4b:s10+s28], $0x80, v6, vm0, $0xb8;
	[tilespmem:$0x1A280] =	vst v63  }
0x602: {  	s5 =	simm.s32 $0x7A00  }
0x603: {  	[tilespmem:s5], [sflag:$0x1] =	stream.indirect_vreg.gather [hbm4b:s11+s28], $0x80, v6, vm0, $0xb8;
	[tilespmem:$0x1A280] =	vst v63  }
0x604: {  	s5 =	rddreg [dreg:$0x1b]  }
0x605: {  	[hbm4b:s5+s28] =	stream.linear.scatter [tilespmem:s3], [sflag:$0x4], $0x8000, $0x38;
	[tilespmem:$0x1A280] =	vst v63  }
0x606: {  	_ =	swait.ge [sflag:s12], $0x8000  }
0x607: {  	[sflag:s12] =	ssyncset.done $0x0  }
0x608: {  	[sflag:s12] =	ssyncadd.s32 $0xFFFF8000  }
0x609: {  	_ =	swait.ge [sflag:s24], $0x8000  }
0x60a: {  	[sflag:s24] =	ssyncset.done $0x0  }
0x60b: {  	s29 =	simm.s32 $0x0;
	[sflag:s24] =	ssyncadd.s32 $0xFFFF8000  }
.LBB2_48:
0x60c: {  	s4 =	sshll.u32 s29, $0xC;
	s5 =	sand.u32 $0x7, s28  }
0x60d: {  	s4 =	sand.u32 $0xFFFF8000, s4;
	s5 =	sshll.u32 s5, $0x9  }
0x60e: {  	s4 =	sor.u32 s5, s4  }
0x60f: {  	s4 =	sshrl.u32 s4, $0x2  }
0x610: {  	s5 =	sadd.s32 $0x8240, s4  }
0x611: {  	s4 =	sadd.s32 $0x10270, s4;
	v7 =	vmov s5  }
0x612: {  	v6 =	vmov s4;
	_ =	sdelay $0x2  }
0x613: {  	s5 =	simm.s32 $0x0  }
0x614: {  	v8 =	vld.idx.msk [tilespmem:v7+s5+$0xFFFFFFC0 ss:$0x1], $0xffff  }
0x615: {  	v9 =	vld.idx.msk [tilespmem:v6+s5+$0xFFFFFF90 ss:$0x1], $0xffff  }
0x616: {  	v10 =	vld.idx.msk [tilespmem:v7+s5+$0xFFFFFFD0 ss:$0x1], $0xffff  }
0x617: {  	v11 =	vld.idx.msk [tilespmem:v6+s5+$0xFFFFFFA0 ss:$0x1], $0xffff  }
0x618: {  	v12 =	vld.idx.msk [tilespmem:v7+s5+$0xFFFFFFE0 ss:$0x1], $0xffff  }
0x619: {  	v13 =	vld.idx.msk [tilespmem:v6+s5+$0xFFFFFFB0 ss:$0x1], $0xffff  }
0x61a: {  	v14 =	vld.idx.msk [tilespmem:v7+s5+$0xFFFFFFF0 ss:$0x1], $0xffff  }
0x61b: {  	v15 =	vld.idx.msk [tilespmem:v6+s5+$0xFFFFFFC0 ss:$0x1], $0xffff;
	v8 =	vsub.f32 v8, v9  }
0x61c: {  	v16 =	vld.idx.msk [tilespmem:v7+s5+$0x0 ss:$0x1], $0xffff  }
0x61d: {  	v17 =	vld.idx.msk [tilespmem:v6+s5+$0xFFFFFFD0 ss:$0x1], $0xffff;
	v11 =	vsub.f32 v10, v11;
	v9 =	vmul.f32 v8, v8  }
0x61e: {  	v10 =	vld.idx.msk [tilespmem:v6+s5+$0xFFFFFFE0 ss:$0x1], $0xffff  }
0x61f: {  	v12 =	vsub.f32 v12, v13;
	v8 =	vld.idx.msk [tilespmem:v7+s5+$0x10 ss:$0x1], $0xffff;
	v18 =	vmul.f32 v11, v11;
	v9 =	vadd.f32 v9, v5  }
0x620: {  	v11 =	vld.idx.msk [tilespmem:v6+s5+$0xFFFFFFF0 ss:$0x1], $0xffff  }
0x621: {  	v15 =	vsub.f32 v14, v15;
	v5 =	vld.idx.msk [tilespmem:v7+s5+$0x20 ss:$0x1], $0xffff;
	v13 =	vadd.f32 v18, v9;
	v18 =	vmul.f32 v12, v12  }
0x622: {  	v9 =	vld.idx.msk [tilespmem:v7+s5+$0x30 ss:$0x1], $0xffff  }
0x623: {  	s4 =	simm.s32 $0x400;
	v16 =	vsub.f32 v16, v17;
	v15 =	vmul.f32 v15, v15;
	v12 =	vld.idx.msk [tilespmem:v6+s5+$0x0 ss:$0x1], $0xffff;
	v14 =	vadd.f32 v18, v13  }
0x624: {  	s5 =	simm.s32 $0x2000;
	v13 =	vld.idx.msk [tilespmem:v7+s4+$0xFFFFFFC0 ss:$0x1], $0xffff  }
.LBB2_49:
0x625: {  	p0 =	sne.s32 s5, $0x7000;
	v17 =	vld.idx.msk [tilespmem:v6+s4+$0xFFFFFF90 ss:$0x1], $0xffff;
	v14 =	vadd.f32 v15, v14;
	v15 =	vmul.f32 v16, v16;
	v8 =	vsub.f32 v8, v10  }
0x626: {  	v10 =	vld.idx.msk [tilespmem:v7+s4+$0xFFFFFFD0 ss:$0x1], $0xffff  }
0x627: {  	v5 =	vsub.f32 v5, v11;
	v16 =	vld.idx.msk [tilespmem:v6+s4+$0xFFFFFFA0 ss:$0x1], $0xffff;
	v14 =	vadd.f32 v15, v14;
	v8 =	vmul.f32 v8, v8  }
0x628: {  	v11 =	vld.idx.msk [tilespmem:v7+s4+$0xFFFFFFE0 ss:$0x1], $0xffff  }
0x629: {  	v5 =	vmul.f32 v5, v5;
	v9 =	vsub.f32 v9, v12;
	v15 =	vld.idx.msk [tilespmem:v6+s4+$0xFFFFFFB0 ss:$0x1], $0xffff;
	v8 =	vadd.f32 v8, v14  }
0x62a: {  	v12 =	vld.idx.msk [tilespmem:v7+s4+$0xFFFFFFF0 ss:$0x1], $0xffff  }
0x62b: {  	v13 =	vsub.f32 v13, v17;
	v14 =	vld.idx.msk [tilespmem:v6+s4+$0xFFFFFFC0 ss:$0x1], $0xffff;
	v5 =	vadd.f32 v5, v8;
	v8 =	vmul.f32 v9, v9  }
0x62c: {  	v17 =	vld.idx.msk [tilespmem:v7+s4+$0x0 ss:$0x1], $0xffff  }
0x62d: {  	v9 =	vmul.f32 v13, v13;
	v10 =	vsub.f32 v10, v16;
	v13 =	vld.idx.msk [tilespmem:v6+s4+$0xFFFFFFD0 ss:$0x1], $0xffff;
	v5 =	vadd.f32 v8, v5  }
0x62e: {  	v8 =	vld.idx.msk [tilespmem:v7+s4+$0x10 ss:$0x1], $0xffff  }
0x62f: {  	v16 =	vmul.f32 v10, v10;
	v11 =	vsub.f32 v11, v15;
	v9 =	vadd.f32 v9, v5;
	v10 =	vld.idx.msk [tilespmem:v6+s4+$0xFFFFFFE0 ss:$0x1], $0xffff  }
.Ltmp23:
0x630: {  	v5 =	vld.idx.msk [tilespmem:v7+s4+$0x20 ss:$0x1], $0xffff;
	(pc) =	sbr.rel @p0 .LBB2_49-.Ltmp23, $4  }
0x631: {  	v12 =	vsub.f32 v12, v14;
	v15 =	vadd.f32 v16, v9;
	v16 =	vmul.f32 v11, v11;
	v11 =	vld.idx.msk [tilespmem:v6+s4+$0xFFFFFFF0 ss:$0x1], $0xffff  }
0x632: {  	v9 =	vld.idx.msk [tilespmem:v7+s4+$0x30 ss:$0x1], $0xffff  }
0x633: {  	v14 =	vadd.f32 v16, v15;
	v15 =	vmul.f32 v12, v12;
	v16 =	vsub.f32 v17, v13;
	v12 =	vld.idx.msk [tilespmem:v6+s4+$0x0 ss:$0x1], $0xffff;
	s4 =	sshra.s32 s5, $0x2  }
0x634: {  	s5 =	sadd.s32 $0x1000, s5;
	v13 =	vld.idx.msk [tilespmem:v7+s4+$0xFFFFFFC0 ss:$0x1], $0xffff  }
0x635: {  	_ =	sdelay $0x2  }
0x636: {  	v14 =	vadd.f32 v15, v14;
	v42 =	vmul.f32 v16, v16;
	v8 =	vsub.f32 v8, v10  }
0x637: {  	v43 =	vld.idx.msk [tilespmem:v6+s4+$0xFFFFFF90 ss:$0x1], $0xffff  }
0x638: {  	v44 =	vld.idx.msk [tilespmem:v7+s4+$0xFFFFFFD0 ss:$0x1], $0xffff;
	v5 =	vsub.f32 v5, v11;
	v14 =	vadd.f32 v42, v14;
	v8 =	vmul.f32 v8, v8  }
0x639: {  	v45 =	vld.idx.msk [tilespmem:v6+s4+$0xFFFFFFA0 ss:$0x1], $0xffff  }
0x63a: {  	v46 =	vld.idx.msk [tilespmem:v7+s4+$0xFFFFFFE0 ss:$0x1], $0xffff;
	v5 =	vmul.f32 v5, v5;
	v9 =	vsub.f32 v9, v12;
	v8 =	vadd.f32 v8, v14  }
0x63b: {  	v47 =	vld.idx.msk [tilespmem:v6+s4+$0xFFFFFFB0 ss:$0x1], $0xffff  }
0x63c: {  	v48 =	vld.idx.msk [tilespmem:v7+s4+$0xFFFFFFF0 ss:$0x1], $0xffff;
	v10 =	vsub.f32 v13, v43;
	v49 =	vmul.f32 v9, v9;
	v5 =	vadd.f32 v5, v8  }
0x63d: {  	v50 =	vld.idx.msk [tilespmem:v6+s4+$0xFFFFFFC0 ss:$0x1], $0xffff  }
0x63e: {  	v51 =	vld.idx.msk [tilespmem:v7+s4+$0x0 ss:$0x1], $0xffff;
	v11 =	vsub.f32 v44, v45;
	v10 =	vmul.f32 v10, v10;
	v5 =	vadd.f32 v49, v5  }
0x63f: {  	v52 =	vld.idx.msk [tilespmem:v6+s4+$0xFFFFFFD0 ss:$0x1], $0xffff  }
0x640: {  	v53 =	vld.idx.msk [tilespmem:v7+s4+$0x10 ss:$0x1], $0xffff;
	v55 =	vsub.f32 v46, v47;
	v54 =	vmul.f32 v11, v11;
	v5 =	vadd.f32 v10, v5  }
0x641: {  	v56 =	vld.idx.msk [tilespmem:v6+s4+$0xFFFFFFE0 ss:$0x1], $0xffff  }
0x642: {  	v57 =	vld.idx.msk [tilespmem:v7+s4+$0x20 ss:$0x1], $0xffff;
	v9 =	vsub.f32 v48, v50;
	v58 =	vmul.f32 v55, v55;
	v5 =	vadd.f32 v54, v5  }
0x643: {  	v59 =	vld.idx.msk [tilespmem:v6+s4+$0xFFFFFFF0 ss:$0x1], $0xffff  }
0x644: {  	v7 =	vld.idx.msk [tilespmem:v7+s4+$0x30 ss:$0x1], $0xffff;
	v8 =	vsub.f32 v51, v52;
	v9 =	vmul.f32 v9, v9;
	v5 =	vadd.f32 v58, v5  }
0x645: {  	v6 =	vld.idx.msk [tilespmem:v6+s4+$0x0 ss:$0x1], $0xffff  }
0x646: {  	v60 =	vsub.f32 v53, v56;
	v8 =	vmul.f32 v8, v8;
	v5 =	vadd.f32 v9, v5;
	_ =	sdelay $0x1  }
0x647: {  	s29 =	sadd.s32 $0x1, s29;
	v62 =	vsub.f32 v57, v59;
	v61 =	vmul.f32 v60, v60;
	v5 =	vadd.f32 v8, v5  }
0x648: {  	p0 =	sne.s32 s29, $0x20  }
.Ltmp24:
0x649: {  	v6 =	vsub.f32 v7, v6;
	v63 =	vmul.f32 v62, v62;
	v5 =	vadd.f32 v61, v5;
	(pc) =	sbr.rel @p0 .LBB2_48-.Ltmp24, $3  }
0x64a: {  	_ = 	snop  }
0x64b: {  	v6 =	vmul.f32 v6, v6;
	v5 =	vadd.f32 v63, v5;
	_ =	sdelay $0x1  }
0x64c: {  	s28 =	sadd.s32 $0x1, s28;
	v5 =	vadd.f32 v6, v5  }
0x64d: {  	s28 =	simm.s32 $0x0;
	s4 =	rddreg [dreg:$0x1c]  }
0x64e: {  	[tilespmem:s31], [sflag:$0x3] =	stream.linear.gather [hbm4b:s4+s28], $0x8000, $0x38;
	[tilespmem:$0x1A280] =	vst v63  }
0x64f: {  	_ =	swait.ge [sflag:s2], $0x8000  }
0x650: {  	[sflag:s2] =	ssyncset.done $0x0  }
0x651: {  	[sflag:s2] =	ssyncadd.s32 $0xFFFF8000  }
0x652: {  	v6 =	vld [tilespmem:$0x1A0];
	_ =	sdelay $0x4  }
0x653: {  	v7 =	vshll.u32 v6, $0x3  }
0x654: {  	v6 =	vand.u32 $0x7, v6;
	v7 =	vand.u32 $0xFFFFFFC0, v7  }
0x655: {  	v6 =	vor.u32 v6, v7  }
0x656: {  	v7 =	vperm.xlane v6, v0;
	_ =	sdelay $0x1  }
0x657: {  	v7 =	vadd.s32 v1, v7;
	_ =	sdelay $0x4  }
0x658: {  	[tilespmem:s3], [sflag:$0x2] =	stream.indirect_vreg.gather [hbm4b:s0+s28], $0x80, v7, vm0, $0xb8;
	[tilespmem:$0x1A280] =	vst v63  }
0x659: {  	s5 =	simm.s32 $0x8A00;
	v6 =	vperm.xlane v6, v2  }
0x65a: {  	[tilespmem:s5], [sflag:$0x2] =	stream.indirect_vreg.gather [hbm4b:s9+s28], $0x80, v7, vm0, $0xb8;
	[tilespmem:$0x1A280] =	vst v63  }
0x65b: {  	v6 =	vadd.s32 v1, v6;
	s5 =	simm.s32 $0x9200  }
0x65c: {  	[tilespmem:s5], [sflag:$0x2] =	stream.indirect_vreg.gather [hbm4b:s10+s28], $0x80, v7, vm0, $0xb8;
	[tilespmem:$0x1A280] =	vst v63  }
0x65d: {  	_ = 	snop  }
0x65e: {  	[tilespmem:s6], [sflag:$0x2] =	stream.indirect_vreg.gather [hbm4b:s11+s28], $0x80, v7, vm0, $0xb8;
	[tilespmem:$0x1A280] =	vst v63  }
0x65f: {  	_ = 	snop  }
0x660: {  	[tilespmem:s7], [sflag:$0x2] =	stream.indirect_vreg.gather [hbm4b:s0+s28], $0x80, v6, vm0, $0xb8;
	[tilespmem:$0x1A280] =	vst v63  }
0x661: {  	_ = 	snop  }
0x662: {  	[tilespmem:s8], [sflag:$0x2] =	stream.indirect_vreg.gather [hbm4b:s9+s28], $0x80, v6, vm0, $0xb8;
	[tilespmem:$0x1A280] =	vst v63  }
0x663: {  	_ = 	snop  }
0x664: {  	[tilespmem:s14], [sflag:$0x2] =	stream.indirect_vreg.gather [hbm4b:s10+s28], $0x80, v6, vm0, $0xb8;
	[tilespmem:$0x1A280] =	vst v63  }
0x665: {  	_ = 	snop  }
0x666: {  	[tilespmem:s15], [sflag:$0x2] =	stream.indirect_vreg.gather [hbm4b:s11+s28], $0x80, v6, vm0, $0xb8;
	[tilespmem:$0x1A280] =	vst v63  }
0x667: {  	v6 =	vld [tilespmem:$0x1B0];
	_ =	sdelay $0x4  }
0x668: {  	v7 =	vshll.u32 v6, $0x3  }
0x669: {  	v6 =	vand.u32 $0x7, v6;
	v7 =	vand.u32 $0xFFFFFFC0, v7  }
0x66a: {  	v6 =	vor.u32 v6, v7  }
0x66b: {  	v7 =	vperm.xlane v6, v0;
	_ =	sdelay $0x1  }
0x66c: {  	v7 =	vadd.s32 v1, v7;
	_ =	sdelay $0x4  }
0x66d: {  	[tilespmem:s16], [sflag:$0x2] =	stream.indirect_vreg.gather [hbm4b:s0+s28], $0x80, v7, vm0, $0xb8;
	[tilespmem:$0x1A280] =	vst v63  }
0x66e: {  	v6 =	vperm.xlane v6, v2  }
0x66f: {  	[tilespmem:s17], [sflag:$0x2] =	stream.indirect_vreg.gather [hbm4b:s9+s28], $0x80, v7, vm0, $0xb8;
	[tilespmem:$0x1A280] =	vst v63  }
0x670: {  	v6 =	vadd.s32 v1, v6  }
0x671: {  	[tilespmem:s18], [sflag:$0x2] =	stream.indirect_vreg.gather [hbm4b:s10+s28], $0x80, v7, vm0, $0xb8;
	[tilespmem:$0x1A280] =	vst v63  }
0x672: {  	_ = 	snop  }
0x673: {  	[tilespmem:s19], [sflag:$0x2] =	stream.indirect_vreg.gather [hbm4b:s11+s28], $0x80, v7, vm0, $0xb8;
	[tilespmem:$0x1A280] =	vst v63  }
0x674: {  	_ = 	snop  }
0x675: {  	[tilespmem:s20], [sflag:$0x2] =	stream.indirect_vreg.gather [hbm4b:s0+s28], $0x80, v6, vm0, $0xb8;
	[tilespmem:$0x1A280] =	vst v63  }
0x676: {  	_ = 	snop  }
0x677: {  	[tilespmem:s21], [sflag:$0x2] =	stream.indirect_vreg.gather [hbm4b:s9+s28], $0x80, v6, vm0, $0xb8;
	[tilespmem:$0x1A280] =	vst v63  }
0x678: {  	_ = 	snop  }
0x679: {  	[tilespmem:s22], [sflag:$0x2] =	stream.indirect_vreg.gather [hbm4b:s10+s28], $0x80, v6, vm0, $0xb8;
	[tilespmem:$0x1A280] =	vst v63  }
0x67a: {  	_ = 	snop  }
0x67b: {  	[tilespmem:s23], [sflag:$0x2] =	stream.indirect_vreg.gather [hbm4b:s11+s28], $0x80, v6, vm0, $0xb8;
	[tilespmem:$0x1A280] =	vst v63  }
0x67c: {  	s5 =	rddreg [dreg:$0x1d]  }
0x67d: {  	[hbm4b:s5+s28] =	stream.linear.scatter [tilespmem:s13], [sflag:$0x4], $0x8000, $0x38;
	[tilespmem:$0x1A280] =	vst v63  }
0x67e: {  	_ =	swait.ge [sflag:s12], $0x8000  }
0x67f: {  	[sflag:s12] =	ssyncset.done $0x0  }
0x680: {  	[sflag:s12] =	ssyncadd.s32 $0xFFFF8000  }
0x681: {  	_ =	swait.ge [sflag:s24], $0x8000  }
0x682: {  	[sflag:s24] =	ssyncset.done $0x0  }
0x683: {  	s29 =	simm.s32 $0x0;
	[sflag:s24] =	ssyncadd.s32 $0xFFFF8000  }
.LBB2_52:
0x684: {  	s4 =	sshll.u32 s29, $0xC;
	s5 =	sand.u32 $0x7, s28  }
0x685: {  	s4 =	sand.u32 $0xFFFF8000, s4;
	s5 =	sshll.u32 s5, $0x9  }
0x686: {  	s4 =	sor.u32 s5, s4  }
0x687: {  	s4 =	sshrl.u32 s4, $0x2  }
0x688: {  	s5 =	sadd.s32 $0x240, s4  }
0x689: {  	s4 =	sadd.s32 $0x10270, s4;
	v7 =	vmov s5  }
0x68a: {  	v6 =	vmov s4;
	_ =	sdelay $0x2  }
0x68b: {  	s5 =	simm.s32 $0x0  }
0x68c: {  	v8 =	vld.idx.msk [tilespmem:v7+s5+$0xFFFFFFC0 ss:$0x1], $0xffff  }
0x68d: {  	v9 =	vld.idx.msk [tilespmem:v6+s5+$0xFFFFFF90 ss:$0x1], $0xffff  }
0x68e: {  	v10 =	vld.idx.msk [tilespmem:v7+s5+$0xFFFFFFD0 ss:$0x1], $0xffff  }
0x68f: {  	v11 =	vld.idx.msk [tilespmem:v6+s5+$0xFFFFFFA0 ss:$0x1], $0xffff  }
0x690: {  	v12 =	vld.idx.msk [tilespmem:v7+s5+$0xFFFFFFE0 ss:$0x1], $0xffff  }
0x691: {  	v13 =	vld.idx.msk [tilespmem:v6+s5+$0xFFFFFFB0 ss:$0x1], $0xffff  }
0x692: {  	v14 =	vld.idx.msk [tilespmem:v7+s5+$0xFFFFFFF0 ss:$0x1], $0xffff  }
0x693: {  	v15 =	vld.idx.msk [tilespmem:v6+s5+$0xFFFFFFC0 ss:$0x1], $0xffff;
	v8 =	vsub.f32 v8, v9  }
0x694: {  	v16 =	vld.idx.msk [tilespmem:v7+s5+$0x0 ss:$0x1], $0xffff  }
0x695: {  	v17 =	vld.idx.msk [tilespmem:v6+s5+$0xFFFFFFD0 ss:$0x1], $0xffff;
	v11 =	vsub.f32 v10, v11;
	v9 =	vmul.f32 v8, v8  }
0x696: {  	v10 =	vld.idx.msk [tilespmem:v6+s5+$0xFFFFFFE0 ss:$0x1], $0xffff  }
0x697: {  	v12 =	vsub.f32 v12, v13;
	v8 =	vld.idx.msk [tilespmem:v7+s5+$0x10 ss:$0x1], $0xffff;
	v18 =	vmul.f32 v11, v11;
	v9 =	vadd.f32 v9, v5  }
0x698: {  	v11 =	vld.idx.msk [tilespmem:v6+s5+$0xFFFFFFF0 ss:$0x1], $0xffff  }
0x699: {  	v15 =	vsub.f32 v14, v15;
	v5 =	vld.idx.msk [tilespmem:v7+s5+$0x20 ss:$0x1], $0xffff;
	v13 =	vadd.f32 v18, v9;
	v18 =	vmul.f32 v12, v12  }
0x69a: {  	v9 =	vld.idx.msk [tilespmem:v7+s5+$0x30 ss:$0x1], $0xffff  }
0x69b: {  	s4 =	simm.s32 $0x400;
	v16 =	vsub.f32 v16, v17;
	v15 =	vmul.f32 v15, v15;
	v12 =	vld.idx.msk [tilespmem:v6+s5+$0x0 ss:$0x1], $0xffff;
	v14 =	vadd.f32 v18, v13  }
0x69c: {  	s5 =	simm.s32 $0x2000;
	v13 =	vld.idx.msk [tilespmem:v7+s4+$0xFFFFFFC0 ss:$0x1], $0xffff  }
.LBB2_53:
0x69d: {  	p0 =	sne.s32 s5, $0x7000;
	v17 =	vld.idx.msk [tilespmem:v6+s4+$0xFFFFFF90 ss:$0x1], $0xffff;
	v14 =	vadd.f32 v15, v14;
	v15 =	vmul.f32 v16, v16;
	v8 =	vsub.f32 v8, v10  }
0x69e: {  	v10 =	vld.idx.msk [tilespmem:v7+s4+$0xFFFFFFD0 ss:$0x1], $0xffff  }
0x69f: {  	v5 =	vsub.f32 v5, v11;
	v16 =	vld.idx.msk [tilespmem:v6+s4+$0xFFFFFFA0 ss:$0x1], $0xffff;
	v14 =	vadd.f32 v15, v14;
	v8 =	vmul.f32 v8, v8  }
0x6a0: {  	v11 =	vld.idx.msk [tilespmem:v7+s4+$0xFFFFFFE0 ss:$0x1], $0xffff  }
0x6a1: {  	v5 =	vmul.f32 v5, v5;
	v9 =	vsub.f32 v9, v12;
	v15 =	vld.idx.msk [tilespmem:v6+s4+$0xFFFFFFB0 ss:$0x1], $0xffff;
	v8 =	vadd.f32 v8, v14  }
0x6a2: {  	v12 =	vld.idx.msk [tilespmem:v7+s4+$0xFFFFFFF0 ss:$0x1], $0xffff  }
0x6a3: {  	v13 =	vsub.f32 v13, v17;
	v14 =	vld.idx.msk [tilespmem:v6+s4+$0xFFFFFFC0 ss:$0x1], $0xffff;
	v5 =	vadd.f32 v5, v8;
	v8 =	vmul.f32 v9, v9  }
0x6a4: {  	v17 =	vld.idx.msk [tilespmem:v7+s4+$0x0 ss:$0x1], $0xffff  }
0x6a5: {  	v9 =	vmul.f32 v13, v13;
	v10 =	vsub.f32 v10, v16;
	v13 =	vld.idx.msk [tilespmem:v6+s4+$0xFFFFFFD0 ss:$0x1], $0xffff;
	v5 =	vadd.f32 v8, v5  }
0x6a6: {  	v8 =	vld.idx.msk [tilespmem:v7+s4+$0x10 ss:$0x1], $0xffff  }
0x6a7: {  	v16 =	vmul.f32 v10, v10;
	v11 =	vsub.f32 v11, v15;
	v9 =	vadd.f32 v9, v5;
	v10 =	vld.idx.msk [tilespmem:v6+s4+$0xFFFFFFE0 ss:$0x1], $0xffff  }
.Ltmp25:
0x6a8: {  	v5 =	vld.idx.msk [tilespmem:v7+s4+$0x20 ss:$0x1], $0xffff;
	(pc) =	sbr.rel @p0 .LBB2_53-.Ltmp25, $4  }
0x6a9: {  	v12 =	vsub.f32 v12, v14;
	v15 =	vadd.f32 v16, v9;
	v16 =	vmul.f32 v11, v11;
	v11 =	vld.idx.msk [tilespmem:v6+s4+$0xFFFFFFF0 ss:$0x1], $0xffff  }
0x6aa: {  	v9 =	vld.idx.msk [tilespmem:v7+s4+$0x30 ss:$0x1], $0xffff  }
0x6ab: {  	v14 =	vadd.f32 v16, v15;
	v15 =	vmul.f32 v12, v12;
	v16 =	vsub.f32 v17, v13;
	v12 =	vld.idx.msk [tilespmem:v6+s4+$0x0 ss:$0x1], $0xffff;
	s4 =	sshra.s32 s5, $0x2  }
0x6ac: {  	s5 =	sadd.s32 $0x1000, s5;
	v13 =	vld.idx.msk [tilespmem:v7+s4+$0xFFFFFFC0 ss:$0x1], $0xffff  }
0x6ad: {  	_ =	sdelay $0x2  }
0x6ae: {  	v14 =	vadd.f32 v15, v14;
	v42 =	vmul.f32 v16, v16;
	v8 =	vsub.f32 v8, v10  }
0x6af: {  	v43 =	vld.idx.msk [tilespmem:v6+s4+$0xFFFFFF90 ss:$0x1], $0xffff  }
0x6b0: {  	v44 =	vld.idx.msk [tilespmem:v7+s4+$0xFFFFFFD0 ss:$0x1], $0xffff;
	v5 =	vsub.f32 v5, v11;
	v14 =	vadd.f32 v42, v14;
	v8 =	vmul.f32 v8, v8  }
0x6b1: {  	v45 =	vld.idx.msk [tilespmem:v6+s4+$0xFFFFFFA0 ss:$0x1], $0xffff  }
0x6b2: {  	v46 =	vld.idx.msk [tilespmem:v7+s4+$0xFFFFFFE0 ss:$0x1], $0xffff;
	v5 =	vmul.f32 v5, v5;
	v9 =	vsub.f32 v9, v12;
	v8 =	vadd.f32 v8, v14  }
0x6b3: {  	v47 =	vld.idx.msk [tilespmem:v6+s4+$0xFFFFFFB0 ss:$0x1], $0xffff  }
0x6b4: {  	v48 =	vld.idx.msk [tilespmem:v7+s4+$0xFFFFFFF0 ss:$0x1], $0xffff;
	v10 =	vsub.f32 v13, v43;
	v49 =	vmul.f32 v9, v9;
	v5 =	vadd.f32 v5, v8  }
0x6b5: {  	v50 =	vld.idx.msk [tilespmem:v6+s4+$0xFFFFFFC0 ss:$0x1], $0xffff  }
0x6b6: {  	v51 =	vld.idx.msk [tilespmem:v7+s4+$0x0 ss:$0x1], $0xffff;
	v11 =	vsub.f32 v44, v45;
	v10 =	vmul.f32 v10, v10;
	v5 =	vadd.f32 v49, v5  }
0x6b7: {  	v52 =	vld.idx.msk [tilespmem:v6+s4+$0xFFFFFFD0 ss:$0x1], $0xffff  }
0x6b8: {  	v53 =	vld.idx.msk [tilespmem:v7+s4+$0x10 ss:$0x1], $0xffff;
	v55 =	vsub.f32 v46, v47;
	v54 =	vmul.f32 v11, v11;
	v5 =	vadd.f32 v10, v5  }
0x6b9: {  	v56 =	vld.idx.msk [tilespmem:v6+s4+$0xFFFFFFE0 ss:$0x1], $0xffff  }
0x6ba: {  	v57 =	vld.idx.msk [tilespmem:v7+s4+$0x20 ss:$0x1], $0xffff;
	v9 =	vsub.f32 v48, v50;
	v58 =	vmul.f32 v55, v55;
	v5 =	vadd.f32 v54, v5  }
0x6bb: {  	v59 =	vld.idx.msk [tilespmem:v6+s4+$0xFFFFFFF0 ss:$0x1], $0xffff  }
0x6bc: {  	v7 =	vld.idx.msk [tilespmem:v7+s4+$0x30 ss:$0x1], $0xffff;
	v8 =	vsub.f32 v51, v52;
	v9 =	vmul.f32 v9, v9;
	v5 =	vadd.f32 v58, v5  }
0x6bd: {  	v6 =	vld.idx.msk [tilespmem:v6+s4+$0x0 ss:$0x1], $0xffff  }
0x6be: {  	v60 =	vsub.f32 v53, v56;
	v8 =	vmul.f32 v8, v8;
	v5 =	vadd.f32 v9, v5;
	_ =	sdelay $0x1  }
0x6bf: {  	s29 =	sadd.s32 $0x1, s29;
	v62 =	vsub.f32 v57, v59;
	v61 =	vmul.f32 v60, v60;
	v5 =	vadd.f32 v8, v5  }
0x6c0: {  	p0 =	sne.s32 s29, $0x20  }
.Ltmp26:
0x6c1: {  	v6 =	vsub.f32 v7, v6;
	v63 =	vmul.f32 v62, v62;
	v5 =	vadd.f32 v61, v5;
	(pc) =	sbr.rel @p0 .LBB2_52-.Ltmp26, $3  }
0x6c2: {  	_ = 	snop  }
0x6c3: {  	v6 =	vmul.f32 v6, v6;
	v5 =	vadd.f32 v63, v5;
	_ =	sdelay $0x1  }
0x6c4: {  	s28 =	sadd.s32 $0x1, s28;
	v5 =	vadd.f32 v6, v5  }
0x6c5: {  	s28 =	simm.s32 $0x0;
	s4 =	rddreg [dreg:$0x1e]  }
0x6c6: {  	[tilespmem:s31], [sflag:$0x3] =	stream.linear.gather [hbm4b:s4+s28], $0x8000, $0x38;
	[tilespmem:$0x1A280] =	vst v63  }
0x6c7: {  	_ =	swait.ge [sflag:s25], $0x8000  }
0x6c8: {  	[sflag:s25] =	ssyncset.done $0x0  }
0x6c9: {  	[sflag:s25] =	ssyncadd.s32 $0xFFFF8000  }
0x6ca: {  	v6 =	vld [tilespmem:$0x1C0];
	_ =	sdelay $0x4  }
0x6cb: {  	v7 =	vshll.u32 v6, $0x3  }
0x6cc: {  	v6 =	vand.u32 $0x7, v6;
	v7 =	vand.u32 $0xFFFFFFC0, v7  }
0x6cd: {  	v6 =	vor.u32 v6, v7  }
0x6ce: {  	v7 =	vperm.xlane v6, v0;
	_ =	sdelay $0x1  }
0x6cf: {  	v7 =	vadd.s32 v1, v7;
	_ =	sdelay $0x4  }
0x6d0: {  	[tilespmem:s13], [sflag:$0x1] =	stream.indirect_vreg.gather [hbm4b:s0+s28], $0x80, v7, vm0, $0xb8;
	[tilespmem:$0x1A280] =	vst v63  }
0x6d1: {  	s5 =	simm.s32 $0xA00;
	v6 =	vperm.xlane v6, v2  }
0x6d2: {  	[tilespmem:s5], [sflag:$0x1] =	stream.indirect_vreg.gather [hbm4b:s9+s28], $0x80, v7, vm0, $0xb8;
	[tilespmem:$0x1A280] =	vst v63  }
0x6d3: {  	v6 =	vadd.s32 v1, v6;
	s5 =	simm.s32 $0x1200  }
0x6d4: {  	[tilespmem:s5], [sflag:$0x1] =	stream.indirect_vreg.gather [hbm4b:s10+s28], $0x80, v7, vm0, $0xb8;
	[tilespmem:$0x1A280] =	vst v63  }
0x6d5: {  	s5 =	simm.s32 $0x1A00  }
0x6d6: {  	[tilespmem:s5], [sflag:$0x1] =	stream.indirect_vreg.gather [hbm4b:s11+s28], $0x80, v7, vm0, $0xb8;
	[tilespmem:$0x1A280] =	vst v63  }
0x6d7: {  	s5 =	simm.s32 $0x2200  }
0x6d8: {  	[tilespmem:s5], [sflag:$0x1] =	stream.indirect_vreg.gather [hbm4b:s0+s28], $0x80, v6, vm0, $0xb8;
	[tilespmem:$0x1A280] =	vst v63  }
0x6d9: {  	s5 =	simm.s32 $0x2A00  }
0x6da: {  	[tilespmem:s5], [sflag:$0x1] =	stream.indirect_vreg.gather [hbm4b:s9+s28], $0x80, v6, vm0, $0xb8;
	[tilespmem:$0x1A280] =	vst v63  }
0x6db: {  	s5 =	simm.s32 $0x3200  }
0x6dc: {  	[tilespmem:s5], [sflag:$0x1] =	stream.indirect_vreg.gather [hbm4b:s10+s28], $0x80, v6, vm0, $0xb8;
	[tilespmem:$0x1A280] =	vst v63  }
0x6dd: {  	s5 =	simm.s32 $0x3A00  }
0x6de: {  	[tilespmem:s5], [sflag:$0x1] =	stream.indirect_vreg.gather [hbm4b:s11+s28], $0x80, v6, vm0, $0xb8;
	[tilespmem:$0x1A280] =	vst v63  }
0x6df: {  	v6 =	vld [tilespmem:$0x1D0];
	_ =	sdelay $0x4  }
0x6e0: {  	v7 =	vshll.u32 v6, $0x3  }
0x6e1: {  	v6 =	vand.u32 $0x7, v6;
	v7 =	vand.u32 $0xFFFFFFC0, v7  }
0x6e2: {  	v6 =	vor.u32 v6, v7  }
0x6e3: {  	v7 =	vperm.xlane v6, v0;
	_ =	sdelay $0x1  }
0x6e4: {  	v7 =	vadd.s32 v1, v7;
	_ =	sdelay $0x3  }
0x6e5: {  	s5 =	simm.s32 $0x4200  }
0x6e6: {  	[tilespmem:s5], [sflag:$0x1] =	stream.indirect_vreg.gather [hbm4b:s0+s28], $0x80, v7, vm0, $0xb8;
	[tilespmem:$0x1A280] =	vst v63  }
0x6e7: {  	v6 =	vperm.xlane v6, v2;
	s5 =	simm.s32 $0x4A00  }
0x6e8: {  	[tilespmem:s5], [sflag:$0x1] =	stream.indirect_vreg.gather [hbm4b:s9+s28], $0x80, v7, vm0, $0xb8;
	[tilespmem:$0x1A280] =	vst v63  }
0x6e9: {  	v6 =	vadd.s32 v1, v6;
	s5 =	simm.s32 $0x5200  }
0x6ea: {  	[tilespmem:s5], [sflag:$0x1] =	stream.indirect_vreg.gather [hbm4b:s10+s28], $0x80, v7, vm0, $0xb8;
	[tilespmem:$0x1A280] =	vst v63  }
0x6eb: {  	s5 =	simm.s32 $0x5A00  }
0x6ec: {  	[tilespmem:s5], [sflag:$0x1] =	stream.indirect_vreg.gather [hbm4b:s11+s28], $0x80, v7, vm0, $0xb8;
	[tilespmem:$0x1A280] =	vst v63  }
0x6ed: {  	s5 =	simm.s32 $0x6200  }
0x6ee: {  	[tilespmem:s5], [sflag:$0x1] =	stream.indirect_vreg.gather [hbm4b:s0+s28], $0x80, v6, vm0, $0xb8;
	[tilespmem:$0x1A280] =	vst v63  }
0x6ef: {  	s5 =	simm.s32 $0x6A00  }
0x6f0: {  	[tilespmem:s5], [sflag:$0x1] =	stream.indirect_vreg.gather [hbm4b:s9+s28], $0x80, v6, vm0, $0xb8;
	[tilespmem:$0x1A280] =	vst v63  }
0x6f1: {  	s5 =	simm.s32 $0x7200  }
0x6f2: {  	[tilespmem:s5], [sflag:$0x1] =	stream.indirect_vreg.gather [hbm4b:s10+s28], $0x80, v6, vm0, $0xb8;
	[tilespmem:$0x1A280] =	vst v63  }
0x6f3: {  	s5 =	simm.s32 $0x7A00  }
0x6f4: {  	[tilespmem:s5], [sflag:$0x1] =	stream.indirect_vreg.gather [hbm4b:s11+s28], $0x80, v6, vm0, $0xb8;
	[tilespmem:$0x1A280] =	vst v63  }
0x6f5: {  	s5 =	rddreg [dreg:$0x1f]  }
0x6f6: {  	[hbm4b:s5+s28] =	stream.linear.scatter [tilespmem:s3], [sflag:$0x4], $0x8000, $0x38;
	[tilespmem:$0x1A280] =	vst v63  }
0x6f7: {  	_ =	swait.ge [sflag:s12], $0x8000  }
0x6f8: {  	[sflag:s12] =	ssyncset.done $0x0  }
0x6f9: {  	[sflag:s12] =	ssyncadd.s32 $0xFFFF8000  }
0x6fa: {  	_ =	swait.ge [sflag:s24], $0x8000  }
0x6fb: {  	[sflag:s24] =	ssyncset.done $0x0  }
0x6fc: {  	s29 =	simm.s32 $0x0;
	[sflag:s24] =	ssyncadd.s32 $0xFFFF8000  }
.LBB2_56:
0x6fd: {  	s4 =	sshll.u32 s29, $0xC;
	s5 =	sand.u32 $0x7, s28  }
0x6fe: {  	s4 =	sand.u32 $0xFFFF8000, s4;
	s5 =	sshll.u32 s5, $0x9  }
0x6ff: {  	s4 =	sor.u32 s5, s4  }
0x700: {  	s4 =	sshrl.u32 s4, $0x2  }
0x701: {  	s5 =	sadd.s32 $0x8240, s4  }
0x702: {  	s4 =	sadd.s32 $0x10270, s4;
	v7 =	vmov s5  }
0x703: {  	v6 =	vmov s4;
	_ =	sdelay $0x2  }
0x704: {  	s5 =	simm.s32 $0x0  }
0x705: {  	v8 =	vld.idx.msk [tilespmem:v7+s5+$0xFFFFFFC0 ss:$0x1], $0xffff  }
0x706: {  	v9 =	vld.idx.msk [tilespmem:v6+s5+$0xFFFFFF90 ss:$0x1], $0xffff  }
0x707: {  	v10 =	vld.idx.msk [tilespmem:v7+s5+$0xFFFFFFD0 ss:$0x1], $0xffff  }
0x708: {  	v11 =	vld.idx.msk [tilespmem:v6+s5+$0xFFFFFFA0 ss:$0x1], $0xffff  }
0x709: {  	v12 =	vld.idx.msk [tilespmem:v7+s5+$0xFFFFFFE0 ss:$0x1], $0xffff  }
0x70a: {  	v13 =	vld.idx.msk [tilespmem:v6+s5+$0xFFFFFFB0 ss:$0x1], $0xffff  }
0x70b: {  	v14 =	vld.idx.msk [tilespmem:v7+s5+$0xFFFFFFF0 ss:$0x1], $0xffff  }
0x70c: {  	v15 =	vld.idx.msk [tilespmem:v6+s5+$0xFFFFFFC0 ss:$0x1], $0xffff;
	v8 =	vsub.f32 v8, v9  }
0x70d: {  	v16 =	vld.idx.msk [tilespmem:v7+s5+$0x0 ss:$0x1], $0xffff  }
0x70e: {  	v17 =	vld.idx.msk [tilespmem:v6+s5+$0xFFFFFFD0 ss:$0x1], $0xffff;
	v11 =	vsub.f32 v10, v11;
	v9 =	vmul.f32 v8, v8  }
0x70f: {  	v10 =	vld.idx.msk [tilespmem:v6+s5+$0xFFFFFFE0 ss:$0x1], $0xffff  }
0x710: {  	v12 =	vsub.f32 v12, v13;
	v8 =	vld.idx.msk [tilespmem:v7+s5+$0x10 ss:$0x1], $0xffff;
	v18 =	vmul.f32 v11, v11;
	v9 =	vadd.f32 v9, v5  }
0x711: {  	v11 =	vld.idx.msk [tilespmem:v6+s5+$0xFFFFFFF0 ss:$0x1], $0xffff  }
0x712: {  	v15 =	vsub.f32 v14, v15;
	v5 =	vld.idx.msk [tilespmem:v7+s5+$0x20 ss:$0x1], $0xffff;
	v13 =	vadd.f32 v18, v9;
	v18 =	vmul.f32 v12, v12  }
0x713: {  	v9 =	vld.idx.msk [tilespmem:v7+s5+$0x30 ss:$0x1], $0xffff  }
0x714: {  	s4 =	simm.s32 $0x400;
	v16 =	vsub.f32 v16, v17;
	v15 =	vmul.f32 v15, v15;
	v12 =	vld.idx.msk [tilespmem:v6+s5+$0x0 ss:$0x1], $0xffff;
	v14 =	vadd.f32 v18, v13  }
0x715: {  	s5 =	simm.s32 $0x2000;
	v13 =	vld.idx.msk [tilespmem:v7+s4+$0xFFFFFFC0 ss:$0x1], $0xffff  }
.LBB2_57:
0x716: {  	p0 =	sne.s32 s5, $0x7000;
	v17 =	vld.idx.msk [tilespmem:v6+s4+$0xFFFFFF90 ss:$0x1], $0xffff;
	v14 =	vadd.f32 v15, v14;
	v15 =	vmul.f32 v16, v16;
	v8 =	vsub.f32 v8, v10  }
0x717: {  	v10 =	vld.idx.msk [tilespmem:v7+s4+$0xFFFFFFD0 ss:$0x1], $0xffff  }
0x718: {  	v5 =	vsub.f32 v5, v11;
	v16 =	vld.idx.msk [tilespmem:v6+s4+$0xFFFFFFA0 ss:$0x1], $0xffff;
	v14 =	vadd.f32 v15, v14;
	v8 =	vmul.f32 v8, v8  }
0x719: {  	v11 =	vld.idx.msk [tilespmem:v7+s4+$0xFFFFFFE0 ss:$0x1], $0xffff  }
0x71a: {  	v5 =	vmul.f32 v5, v5;
	v9 =	vsub.f32 v9, v12;
	v15 =	vld.idx.msk [tilespmem:v6+s4+$0xFFFFFFB0 ss:$0x1], $0xffff;
	v8 =	vadd.f32 v8, v14  }
0x71b: {  	v12 =	vld.idx.msk [tilespmem:v7+s4+$0xFFFFFFF0 ss:$0x1], $0xffff  }
0x71c: {  	v13 =	vsub.f32 v13, v17;
	v14 =	vld.idx.msk [tilespmem:v6+s4+$0xFFFFFFC0 ss:$0x1], $0xffff;
	v5 =	vadd.f32 v5, v8;
	v8 =	vmul.f32 v9, v9  }
0x71d: {  	v17 =	vld.idx.msk [tilespmem:v7+s4+$0x0 ss:$0x1], $0xffff  }
0x71e: {  	v9 =	vmul.f32 v13, v13;
	v10 =	vsub.f32 v10, v16;
	v13 =	vld.idx.msk [tilespmem:v6+s4+$0xFFFFFFD0 ss:$0x1], $0xffff;
	v5 =	vadd.f32 v8, v5  }
0x71f: {  	v8 =	vld.idx.msk [tilespmem:v7+s4+$0x10 ss:$0x1], $0xffff  }
0x720: {  	v16 =	vmul.f32 v10, v10;
	v11 =	vsub.f32 v11, v15;
	v9 =	vadd.f32 v9, v5;
	v10 =	vld.idx.msk [tilespmem:v6+s4+$0xFFFFFFE0 ss:$0x1], $0xffff  }
.Ltmp27:
0x721: {  	v5 =	vld.idx.msk [tilespmem:v7+s4+$0x20 ss:$0x1], $0xffff;
	(pc) =	sbr.rel @p0 .LBB2_57-.Ltmp27, $4  }
0x722: {  	v12 =	vsub.f32 v12, v14;
	v15 =	vadd.f32 v16, v9;
	v16 =	vmul.f32 v11, v11;
	v11 =	vld.idx.msk [tilespmem:v6+s4+$0xFFFFFFF0 ss:$0x1], $0xffff  }
0x723: {  	v9 =	vld.idx.msk [tilespmem:v7+s4+$0x30 ss:$0x1], $0xffff  }
0x724: {  	v14 =	vadd.f32 v16, v15;
	v15 =	vmul.f32 v12, v12;
	v16 =	vsub.f32 v17, v13;
	v12 =	vld.idx.msk [tilespmem:v6+s4+$0x0 ss:$0x1], $0xffff;
	s4 =	sshra.s32 s5, $0x2  }
0x725: {  	s5 =	sadd.s32 $0x1000, s5;
	v13 =	vld.idx.msk [tilespmem:v7+s4+$0xFFFFFFC0 ss:$0x1], $0xffff  }
0x726: {  	_ =	sdelay $0x2  }
0x727: {  	v14 =	vadd.f32 v15, v14;
	v42 =	vmul.f32 v16, v16;
	v8 =	vsub.f32 v8, v10  }
0x728: {  	v43 =	vld.idx.msk [tilespmem:v6+s4+$0xFFFFFF90 ss:$0x1], $0xffff  }
0x729: {  	v44 =	vld.idx.msk [tilespmem:v7+s4+$0xFFFFFFD0 ss:$0x1], $0xffff;
	v5 =	vsub.f32 v5, v11;
	v14 =	vadd.f32 v42, v14;
	v8 =	vmul.f32 v8, v8  }
0x72a: {  	v45 =	vld.idx.msk [tilespmem:v6+s4+$0xFFFFFFA0 ss:$0x1], $0xffff  }
0x72b: {  	v46 =	vld.idx.msk [tilespmem:v7+s4+$0xFFFFFFE0 ss:$0x1], $0xffff;
	v5 =	vmul.f32 v5, v5;
	v9 =	vsub.f32 v9, v12;
	v8 =	vadd.f32 v8, v14  }
0x72c: {  	v47 =	vld.idx.msk [tilespmem:v6+s4+$0xFFFFFFB0 ss:$0x1], $0xffff  }
0x72d: {  	v48 =	vld.idx.msk [tilespmem:v7+s4+$0xFFFFFFF0 ss:$0x1], $0xffff;
	v10 =	vsub.f32 v13, v43;
	v49 =	vmul.f32 v9, v9;
	v5 =	vadd.f32 v5, v8  }
0x72e: {  	v50 =	vld.idx.msk [tilespmem:v6+s4+$0xFFFFFFC0 ss:$0x1], $0xffff  }
0x72f: {  	v51 =	vld.idx.msk [tilespmem:v7+s4+$0x0 ss:$0x1], $0xffff;
	v11 =	vsub.f32 v44, v45;
	v10 =	vmul.f32 v10, v10;
	v5 =	vadd.f32 v49, v5  }
0x730: {  	v52 =	vld.idx.msk [tilespmem:v6+s4+$0xFFFFFFD0 ss:$0x1], $0xffff  }
0x731: {  	v53 =	vld.idx.msk [tilespmem:v7+s4+$0x10 ss:$0x1], $0xffff;
	v55 =	vsub.f32 v46, v47;
	v54 =	vmul.f32 v11, v11;
	v5 =	vadd.f32 v10, v5  }
0x732: {  	v56 =	vld.idx.msk [tilespmem:v6+s4+$0xFFFFFFE0 ss:$0x1], $0xffff  }
0x733: {  	v57 =	vld.idx.msk [tilespmem:v7+s4+$0x20 ss:$0x1], $0xffff;
	v9 =	vsub.f32 v48, v50;
	v58 =	vmul.f32 v55, v55;
	v5 =	vadd.f32 v54, v5  }
0x734: {  	v59 =	vld.idx.msk [tilespmem:v6+s4+$0xFFFFFFF0 ss:$0x1], $0xffff  }
0x735: {  	v7 =	vld.idx.msk [tilespmem:v7+s4+$0x30 ss:$0x1], $0xffff;
	v8 =	vsub.f32 v51, v52;
	v9 =	vmul.f32 v9, v9;
	v5 =	vadd.f32 v58, v5  }
0x736: {  	v6 =	vld.idx.msk [tilespmem:v6+s4+$0x0 ss:$0x1], $0xffff  }
0x737: {  	v60 =	vsub.f32 v53, v56;
	v8 =	vmul.f32 v8, v8;
	v5 =	vadd.f32 v9, v5;
	_ =	sdelay $0x1  }
0x738: {  	s29 =	sadd.s32 $0x1, s29;
	v62 =	vsub.f32 v57, v59;
	v61 =	vmul.f32 v60, v60;
	v5 =	vadd.f32 v8, v5  }
0x739: {  	p0 =	sne.s32 s29, $0x20  }
.Ltmp28:
0x73a: {  	v6 =	vsub.f32 v7, v6;
	v63 =	vmul.f32 v62, v62;
	v5 =	vadd.f32 v61, v5;
	(pc) =	sbr.rel @p0 .LBB2_56-.Ltmp28, $3  }
0x73b: {  	_ = 	snop  }
0x73c: {  	v6 =	vmul.f32 v6, v6;
	v5 =	vadd.f32 v63, v5;
	_ =	sdelay $0x1  }
0x73d: {  	s28 =	sadd.s32 $0x1, s28;
	v5 =	vadd.f32 v6, v5  }
0x73e: {  	s4 =	sld [smem:$0x7F5];
	_ =	sdelay $0x1  }
0x73f: {  	s28 =	simm.s32 $0x0  }
0x740: {  	[tilespmem:s31], [sflag:$0x3] =	stream.linear.gather [hbm4b:s4+s28], $0x8000, $0x38;
	[tilespmem:$0x1A280] =	vst v63  }
0x741: {  	_ =	swait.ge [sflag:s2], $0x8000  }
0x742: {  	[sflag:s2] =	ssyncset.done $0x0  }
0x743: {  	[sflag:s2] =	ssyncadd.s32 $0xFFFF8000  }
0x744: {  	v6 =	vld [tilespmem:$0x1E0];
	_ =	sdelay $0x4  }
0x745: {  	v7 =	vshll.u32 v6, $0x3  }
0x746: {  	v6 =	vand.u32 $0x7, v6;
	v7 =	vand.u32 $0xFFFFFFC0, v7  }
0x747: {  	v6 =	vor.u32 v6, v7  }
0x748: {  	v7 =	vperm.xlane v6, v0;
	_ =	sdelay $0x1  }
0x749: {  	v7 =	vadd.s32 v1, v7;
	_ =	sdelay $0x4  }
0x74a: {  	[tilespmem:s3], [sflag:$0x2] =	stream.indirect_vreg.gather [hbm4b:s0+s28], $0x80, v7, vm0, $0xb8;
	[tilespmem:$0x1A280] =	vst v63  }
0x74b: {  	s5 =	simm.s32 $0x8A00;
	v6 =	vperm.xlane v6, v2  }
0x74c: {  	[tilespmem:s5], [sflag:$0x2] =	stream.indirect_vreg.gather [hbm4b:s9+s28], $0x80, v7, vm0, $0xb8;
	[tilespmem:$0x1A280] =	vst v63  }
0x74d: {  	v6 =	vadd.s32 v1, v6;
	s5 =	simm.s32 $0x9200  }
0x74e: {  	[tilespmem:s5], [sflag:$0x2] =	stream.indirect_vreg.gather [hbm4b:s10+s28], $0x80, v7, vm0, $0xb8;
	[tilespmem:$0x1A280] =	vst v63  }
0x74f: {  	_ = 	snop  }
0x750: {  	[tilespmem:s6], [sflag:$0x2] =	stream.indirect_vreg.gather [hbm4b:s11+s28], $0x80, v7, vm0, $0xb8;
	[tilespmem:$0x1A280] =	vst v63  }
0x751: {  	_ = 	snop  }
0x752: {  	[tilespmem:s7], [sflag:$0x2] =	stream.indirect_vreg.gather [hbm4b:s0+s28], $0x80, v6, vm0, $0xb8;
	[tilespmem:$0x1A280] =	vst v63  }
0x753: {  	_ = 	snop  }
0x754: {  	[tilespmem:s8], [sflag:$0x2] =	stream.indirect_vreg.gather [hbm4b:s9+s28], $0x80, v6, vm0, $0xb8;
	[tilespmem:$0x1A280] =	vst v63  }
0x755: {  	_ = 	snop  }
0x756: {  	[tilespmem:s14], [sflag:$0x2] =	stream.indirect_vreg.gather [hbm4b:s10+s28], $0x80, v6, vm0, $0xb8;
	[tilespmem:$0x1A280] =	vst v63  }
0x757: {  	_ = 	snop  }
0x758: {  	[tilespmem:s15], [sflag:$0x2] =	stream.indirect_vreg.gather [hbm4b:s11+s28], $0x80, v6, vm0, $0xb8;
	[tilespmem:$0x1A280] =	vst v63  }
0x759: {  	v6 =	vld [tilespmem:$0x1F0];
	_ =	sdelay $0x4  }
0x75a: {  	v7 =	vshll.u32 v6, $0x3  }
0x75b: {  	v6 =	vand.u32 $0x7, v6;
	v7 =	vand.u32 $0xFFFFFFC0, v7  }
0x75c: {  	v6 =	vor.u32 v6, v7  }
0x75d: {  	v7 =	vperm.xlane v6, v0;
	_ =	sdelay $0x1  }
0x75e: {  	v7 =	vadd.s32 v1, v7;
	_ =	sdelay $0x4  }
0x75f: {  	[tilespmem:s16], [sflag:$0x2] =	stream.indirect_vreg.gather [hbm4b:s0+s28], $0x80, v7, vm0, $0xb8;
	[tilespmem:$0x1A280] =	vst v63  }
0x760: {  	v6 =	vperm.xlane v6, v2  }
0x761: {  	[tilespmem:s17], [sflag:$0x2] =	stream.indirect_vreg.gather [hbm4b:s9+s28], $0x80, v7, vm0, $0xb8;
	[tilespmem:$0x1A280] =	vst v63  }
0x762: {  	v6 =	vadd.s32 v1, v6  }
0x763: {  	[tilespmem:s18], [sflag:$0x2] =	stream.indirect_vreg.gather [hbm4b:s10+s28], $0x80, v7, vm0, $0xb8;
	[tilespmem:$0x1A280] =	vst v63  }
0x764: {  	_ = 	snop  }
0x765: {  	[tilespmem:s19], [sflag:$0x2] =	stream.indirect_vreg.gather [hbm4b:s11+s28], $0x80, v7, vm0, $0xb8;
	[tilespmem:$0x1A280] =	vst v63  }
0x766: {  	_ = 	snop  }
0x767: {  	[tilespmem:s20], [sflag:$0x2] =	stream.indirect_vreg.gather [hbm4b:s0+s28], $0x80, v6, vm0, $0xb8;
	[tilespmem:$0x1A280] =	vst v63  }
0x768: {  	_ = 	snop  }
0x769: {  	[tilespmem:s21], [sflag:$0x2] =	stream.indirect_vreg.gather [hbm4b:s9+s28], $0x80, v6, vm0, $0xb8;
	[tilespmem:$0x1A280] =	vst v63  }
0x76a: {  	_ = 	snop  }
0x76b: {  	[tilespmem:s22], [sflag:$0x2] =	stream.indirect_vreg.gather [hbm4b:s10+s28], $0x80, v6, vm0, $0xb8;
	[tilespmem:$0x1A280] =	vst v63  }
0x76c: {  	s5 =	sld [smem:$0x7F6]  }
0x76d: {  	[tilespmem:s23], [sflag:$0x2] =	stream.indirect_vreg.gather [hbm4b:s11+s28], $0x80, v6, vm0, $0xb8;
	[tilespmem:$0x1A280] =	vst v63  }
0x76e: {  	_ = 	snop  }
0x76f: {  	[hbm4b:s5+s28] =	stream.linear.scatter [tilespmem:s13], [sflag:$0x4], $0x8000, $0x38;
	[tilespmem:$0x1A280] =	vst v63  }
0x770: {  	_ =	swait.ge [sflag:s12], $0x8000  }
0x771: {  	[sflag:s12] =	ssyncset.done $0x0  }
0x772: {  	[sflag:s12] =	ssyncadd.s32 $0xFFFF8000  }
0x773: {  	_ =	swait.ge [sflag:s24], $0x8000  }
0x774: {  	[sflag:s24] =	ssyncset.done $0x0  }
0x775: {  	s29 =	simm.s32 $0x0;
	[sflag:s24] =	ssyncadd.s32 $0xFFFF8000  }
.LBB2_60:
0x776: {  	s4 =	sshll.u32 s29, $0xC;
	s5 =	sand.u32 $0x7, s28  }
0x777: {  	s4 =	sand.u32 $0xFFFF8000, s4;
	s5 =	sshll.u32 s5, $0x9  }
0x778: {  	s4 =	sor.u32 s5, s4  }
0x779: {  	s4 =	sshrl.u32 s4, $0x2  }
0x77a: {  	s5 =	sadd.s32 $0x240, s4  }
0x77b: {  	s4 =	sadd.s32 $0x10270, s4;
	v7 =	vmov s5  }
0x77c: {  	v6 =	vmov s4;
	_ =	sdelay $0x2  }
0x77d: {  	s5 =	simm.s32 $0x0  }
0x77e: {  	v8 =	vld.idx.msk [tilespmem:v7+s5+$0xFFFFFFC0 ss:$0x1], $0xffff  }
0x77f: {  	v9 =	vld.idx.msk [tilespmem:v6+s5+$0xFFFFFF90 ss:$0x1], $0xffff  }
0x780: {  	v10 =	vld.idx.msk [tilespmem:v7+s5+$0xFFFFFFD0 ss:$0x1], $0xffff  }
0x781: {  	v11 =	vld.idx.msk [tilespmem:v6+s5+$0xFFFFFFA0 ss:$0x1], $0xffff  }
0x782: {  	v12 =	vld.idx.msk [tilespmem:v7+s5+$0xFFFFFFE0 ss:$0x1], $0xffff  }
0x783: {  	v13 =	vld.idx.msk [tilespmem:v6+s5+$0xFFFFFFB0 ss:$0x1], $0xffff  }
0x784: {  	v14 =	vld.idx.msk [tilespmem:v7+s5+$0xFFFFFFF0 ss:$0x1], $0xffff  }
0x785: {  	v15 =	vld.idx.msk [tilespmem:v6+s5+$0xFFFFFFC0 ss:$0x1], $0xffff;
	v8 =	vsub.f32 v8, v9  }
0x786: {  	v16 =	vld.idx.msk [tilespmem:v7+s5+$0x0 ss:$0x1], $0xffff  }
0x787: {  	v17 =	vld.idx.msk [tilespmem:v6+s5+$0xFFFFFFD0 ss:$0x1], $0xffff;
	v11 =	vsub.f32 v10, v11;
	v9 =	vmul.f32 v8, v8  }
0x788: {  	v10 =	vld.idx.msk [tilespmem:v6+s5+$0xFFFFFFE0 ss:$0x1], $0xffff  }
0x789: {  	v12 =	vsub.f32 v12, v13;
	v8 =	vld.idx.msk [tilespmem:v7+s5+$0x10 ss:$0x1], $0xffff;
	v18 =	vmul.f32 v11, v11;
	v9 =	vadd.f32 v9, v5  }
0x78a: {  	v11 =	vld.idx.msk [tilespmem:v6+s5+$0xFFFFFFF0 ss:$0x1], $0xffff  }
0x78b: {  	v15 =	vsub.f32 v14, v15;
	v5 =	vld.idx.msk [tilespmem:v7+s5+$0x20 ss:$0x1], $0xffff;
	v13 =	vadd.f32 v18, v9;
	v18 =	vmul.f32 v12, v12  }
0x78c: {  	v9 =	vld.idx.msk [tilespmem:v7+s5+$0x30 ss:$0x1], $0xffff  }
0x78d: {  	s4 =	simm.s32 $0x400;
	v16 =	vsub.f32 v16, v17;
	v15 =	vmul.f32 v15, v15;
	v12 =	vld.idx.msk [tilespmem:v6+s5+$0x0 ss:$0x1], $0xffff;
	v14 =	vadd.f32 v18, v13  }
0x78e: {  	s5 =	simm.s32 $0x2000;
	v13 =	vld.idx.msk [tilespmem:v7+s4+$0xFFFFFFC0 ss:$0x1], $0xffff  }
.LBB2_61:
0x78f: {  	p0 =	sne.s32 s5, $0x7000;
	v17 =	vld.idx.msk [tilespmem:v6+s4+$0xFFFFFF90 ss:$0x1], $0xffff;
	v14 =	vadd.f32 v15, v14;
	v15 =	vmul.f32 v16, v16;
	v8 =	vsub.f32 v8, v10  }
0x790: {  	v10 =	vld.idx.msk [tilespmem:v7+s4+$0xFFFFFFD0 ss:$0x1], $0xffff  }
0x791: {  	v5 =	vsub.f32 v5, v11;
	v16 =	vld.idx.msk [tilespmem:v6+s4+$0xFFFFFFA0 ss:$0x1], $0xffff;
	v14 =	vadd.f32 v15, v14;
	v8 =	vmul.f32 v8, v8  }
0x792: {  	v11 =	vld.idx.msk [tilespmem:v7+s4+$0xFFFFFFE0 ss:$0x1], $0xffff  }
0x793: {  	v5 =	vmul.f32 v5, v5;
	v9 =	vsub.f32 v9, v12;
	v15 =	vld.idx.msk [tilespmem:v6+s4+$0xFFFFFFB0 ss:$0x1], $0xffff;
	v8 =	vadd.f32 v8, v14  }
0x794: {  	v12 =	vld.idx.msk [tilespmem:v7+s4+$0xFFFFFFF0 ss:$0x1], $0xffff  }
0x795: {  	v13 =	vsub.f32 v13, v17;
	v14 =	vld.idx.msk [tilespmem:v6+s4+$0xFFFFFFC0 ss:$0x1], $0xffff;
	v5 =	vadd.f32 v5, v8;
	v8 =	vmul.f32 v9, v9  }
0x796: {  	v17 =	vld.idx.msk [tilespmem:v7+s4+$0x0 ss:$0x1], $0xffff  }
0x797: {  	v9 =	vmul.f32 v13, v13;
	v10 =	vsub.f32 v10, v16;
	v13 =	vld.idx.msk [tilespmem:v6+s4+$0xFFFFFFD0 ss:$0x1], $0xffff;
	v5 =	vadd.f32 v8, v5  }
0x798: {  	v8 =	vld.idx.msk [tilespmem:v7+s4+$0x10 ss:$0x1], $0xffff  }
0x799: {  	v16 =	vmul.f32 v10, v10;
	v11 =	vsub.f32 v11, v15;
	v9 =	vadd.f32 v9, v5;
	v10 =	vld.idx.msk [tilespmem:v6+s4+$0xFFFFFFE0 ss:$0x1], $0xffff  }
.Ltmp29:
0x79a: {  	v5 =	vld.idx.msk [tilespmem:v7+s4+$0x20 ss:$0x1], $0xffff;
	(pc) =	sbr.rel @p0 .LBB2_61-.Ltmp29, $4  }
0x79b: {  	v12 =	vsub.f32 v12, v14;
	v15 =	vadd.f32 v16, v9;
	v16 =	vmul.f32 v11, v11;
	v11 =	vld.idx.msk [tilespmem:v6+s4+$0xFFFFFFF0 ss:$0x1], $0xffff  }
0x79c: {  	v9 =	vld.idx.msk [tilespmem:v7+s4+$0x30 ss:$0x1], $0xffff  }
0x79d: {  	v14 =	vadd.f32 v16, v15;
	v15 =	vmul.f32 v12, v12;
	v16 =	vsub.f32 v17, v13;
	v12 =	vld.idx.msk [tilespmem:v6+s4+$0x0 ss:$0x1], $0xffff;
	s4 =	sshra.s32 s5, $0x2  }
0x79e: {  	s5 =	sadd.s32 $0x1000, s5;
	v13 =	vld.idx.msk [tilespmem:v7+s4+$0xFFFFFFC0 ss:$0x1], $0xffff  }
0x79f: {  	_ =	sdelay $0x2  }
0x7a0: {  	v14 =	vadd.f32 v15, v14;
	v42 =	vmul.f32 v16, v16;
	v8 =	vsub.f32 v8, v10  }
0x7a1: {  	v43 =	vld.idx.msk [tilespmem:v6+s4+$0xFFFFFF90 ss:$0x1], $0xffff  }
0x7a2: {  	v44 =	vld.idx.msk [tilespmem:v7+s4+$0xFFFFFFD0 ss:$0x1], $0xffff;
	v5 =	vsub.f32 v5, v11;
	v14 =	vadd.f32 v42, v14;
	v8 =	vmul.f32 v8, v8  }
0x7a3: {  	v45 =	vld.idx.msk [tilespmem:v6+s4+$0xFFFFFFA0 ss:$0x1], $0xffff  }
0x7a4: {  	v46 =	vld.idx.msk [tilespmem:v7+s4+$0xFFFFFFE0 ss:$0x1], $0xffff;
	v5 =	vmul.f32 v5, v5;
	v9 =	vsub.f32 v9, v12;
	v8 =	vadd.f32 v8, v14  }
0x7a5: {  	v47 =	vld.idx.msk [tilespmem:v6+s4+$0xFFFFFFB0 ss:$0x1], $0xffff  }
0x7a6: {  	v48 =	vld.idx.msk [tilespmem:v7+s4+$0xFFFFFFF0 ss:$0x1], $0xffff;
	v10 =	vsub.f32 v13, v43;
	v49 =	vmul.f32 v9, v9;
	v5 =	vadd.f32 v5, v8  }
0x7a7: {  	v50 =	vld.idx.msk [tilespmem:v6+s4+$0xFFFFFFC0 ss:$0x1], $0xffff  }
0x7a8: {  	v51 =	vld.idx.msk [tilespmem:v7+s4+$0x0 ss:$0x1], $0xffff;
	v11 =	vsub.f32 v44, v45;
	v10 =	vmul.f32 v10, v10;
	v5 =	vadd.f32 v49, v5  }
0x7a9: {  	v52 =	vld.idx.msk [tilespmem:v6+s4+$0xFFFFFFD0 ss:$0x1], $0xffff  }
0x7aa: {  	v53 =	vld.idx.msk [tilespmem:v7+s4+$0x10 ss:$0x1], $0xffff;
	v55 =	vsub.f32 v46, v47;
	v54 =	vmul.f32 v11, v11;
	v5 =	vadd.f32 v10, v5  }
0x7ab: {  	v56 =	vld.idx.msk [tilespmem:v6+s4+$0xFFFFFFE0 ss:$0x1], $0xffff  }
0x7ac: {  	v57 =	vld.idx.msk [tilespmem:v7+s4+$0x20 ss:$0x1], $0xffff;
	v9 =	vsub.f32 v48, v50;
	v58 =	vmul.f32 v55, v55;
	v5 =	vadd.f32 v54, v5  }
0x7ad: {  	v59 =	vld.idx.msk [tilespmem:v6+s4+$0xFFFFFFF0 ss:$0x1], $0xffff  }
0x7ae: {  	v7 =	vld.idx.msk [tilespmem:v7+s4+$0x30 ss:$0x1], $0xffff;
	v8 =	vsub.f32 v51, v52;
	v9 =	vmul.f32 v9, v9;
	v5 =	vadd.f32 v58, v5  }
0x7af: {  	v6 =	vld.idx.msk [tilespmem:v6+s4+$0x0 ss:$0x1], $0xffff  }
0x7b0: {  	v60 =	vsub.f32 v53, v56;
	v8 =	vmul.f32 v8, v8;
	v5 =	vadd.f32 v9, v5;
	_ =	sdelay $0x1  }
0x7b1: {  	s29 =	sadd.s32 $0x1, s29;
	v62 =	vsub.f32 v57, v59;
	v61 =	vmul.f32 v60, v60;
	v5 =	vadd.f32 v8, v5  }
0x7b2: {  	p0 =	sne.s32 s29, $0x20  }
.Ltmp30:
0x7b3: {  	v6 =	vsub.f32 v7, v6;
	v63 =	vmul.f32 v62, v62;
	v5 =	vadd.f32 v61, v5;
	(pc) =	sbr.rel @p0 .LBB2_60-.Ltmp30, $3  }
0x7b4: {  	_ = 	snop  }
0x7b5: {  	v6 =	vmul.f32 v6, v6;
	v5 =	vadd.f32 v63, v5;
	_ =	sdelay $0x1  }
0x7b6: {  	s28 =	sadd.s32 $0x1, s28;
	v5 =	vadd.f32 v6, v5  }
0x7b7: {  	s4 =	sld [smem:$0x7F9];
	_ =	sdelay $0x1  }
0x7b8: {  	s28 =	simm.s32 $0x0  }
0x7b9: {  	[tilespmem:s31], [sflag:$0x3] =	stream.linear.gather [hbm4b:s4+s28], $0x8000, $0x38;
	[tilespmem:$0x1A280] =	vst v63  }
0x7ba: {  	_ =	swait.ge [sflag:s25], $0x8000  }
0x7bb: {  	s5 =	sld [smem:$0x7FA]  }
0x7bc: {  	[sflag:s25] =	ssyncset.done $0x0  }
0x7bd: {  	[sflag:s25] =	ssyncadd.s32 $0xFFFF8000  }
0x7be: {  	[hbm4b:s5+s28] =	stream.linear.scatter [tilespmem:s3], [sflag:$0x4], $0x8000, $0x38;
	[tilespmem:$0x1A280] =	vst v63  }
0x7bf: {  	_ =	swait.ge [sflag:s12], $0x8000  }
0x7c0: {  	[sflag:s12] =	ssyncset.done $0x0  }
0x7c1: {  	[sflag:s12] =	ssyncadd.s32 $0xFFFF8000  }
0x7c2: {  	_ =	swait.ge [sflag:s24], $0x8000  }
0x7c3: {  	[sflag:s24] =	ssyncset.done $0x0  }
0x7c4: {  	s29 =	simm.s32 $0x0;
	[sflag:s24] =	ssyncadd.s32 $0xFFFF8000  }
.LBB2_64:
0x7c5: {  	s4 =	sshll.u32 s29, $0xC;
	s5 =	sand.u32 $0x7, s28  }
0x7c6: {  	s4 =	sand.u32 $0xFFFF8000, s4;
	s5 =	sshll.u32 s5, $0x9  }
0x7c7: {  	s4 =	sor.u32 s5, s4  }
0x7c8: {  	s4 =	sshrl.u32 s4, $0x2  }
0x7c9: {  	s5 =	sadd.s32 $0x8240, s4  }
0x7ca: {  	s4 =	sadd.s32 $0x10270, s4;
	v7 =	vmov s5  }
0x7cb: {  	v6 =	vmov s4;
	_ =	sdelay $0x2  }
0x7cc: {  	s5 =	simm.s32 $0x0  }
0x7cd: {  	v8 =	vld.idx.msk [tilespmem:v7+s5+$0xFFFFFFC0 ss:$0x1], $0xffff  }
0x7ce: {  	v9 =	vld.idx.msk [tilespmem:v6+s5+$0xFFFFFF90 ss:$0x1], $0xffff  }
0x7cf: {  	v10 =	vld.idx.msk [tilespmem:v7+s5+$0xFFFFFFD0 ss:$0x1], $0xffff  }
0x7d0: {  	v11 =	vld.idx.msk [tilespmem:v6+s5+$0xFFFFFFA0 ss:$0x1], $0xffff  }
0x7d1: {  	v12 =	vld.idx.msk [tilespmem:v7+s5+$0xFFFFFFE0 ss:$0x1], $0xffff  }
0x7d2: {  	v13 =	vld.idx.msk [tilespmem:v6+s5+$0xFFFFFFB0 ss:$0x1], $0xffff  }
0x7d3: {  	v14 =	vld.idx.msk [tilespmem:v7+s5+$0xFFFFFFF0 ss:$0x1], $0xffff  }
0x7d4: {  	v15 =	vld.idx.msk [tilespmem:v6+s5+$0xFFFFFFC0 ss:$0x1], $0xffff;
	v8 =	vsub.f32 v8, v9  }
0x7d5: {  	v16 =	vld.idx.msk [tilespmem:v7+s5+$0x0 ss:$0x1], $0xffff  }
0x7d6: {  	v17 =	vld.idx.msk [tilespmem:v6+s5+$0xFFFFFFD0 ss:$0x1], $0xffff;
	v11 =	vsub.f32 v10, v11;
	v9 =	vmul.f32 v8, v8  }
0x7d7: {  	v10 =	vld.idx.msk [tilespmem:v6+s5+$0xFFFFFFE0 ss:$0x1], $0xffff  }
0x7d8: {  	v12 =	vsub.f32 v12, v13;
	v8 =	vld.idx.msk [tilespmem:v7+s5+$0x10 ss:$0x1], $0xffff;
	v18 =	vmul.f32 v11, v11;
	v9 =	vadd.f32 v9, v5  }
0x7d9: {  	v11 =	vld.idx.msk [tilespmem:v6+s5+$0xFFFFFFF0 ss:$0x1], $0xffff  }
0x7da: {  	v15 =	vsub.f32 v14, v15;
	v5 =	vld.idx.msk [tilespmem:v7+s5+$0x20 ss:$0x1], $0xffff;
	v13 =	vadd.f32 v18, v9;
	v18 =	vmul.f32 v12, v12  }
0x7db: {  	v9 =	vld.idx.msk [tilespmem:v7+s5+$0x30 ss:$0x1], $0xffff  }
0x7dc: {  	s4 =	simm.s32 $0x400;
	v16 =	vsub.f32 v16, v17;
	v15 =	vmul.f32 v15, v15;
	v12 =	vld.idx.msk [tilespmem:v6+s5+$0x0 ss:$0x1], $0xffff;
	v14 =	vadd.f32 v18, v13  }
0x7dd: {  	s5 =	simm.s32 $0x2000;
	v13 =	vld.idx.msk [tilespmem:v7+s4+$0xFFFFFFC0 ss:$0x1], $0xffff  }
.LBB2_65:
0x7de: {  	p0 =	sne.s32 s5, $0x7000;
	v17 =	vld.idx.msk [tilespmem:v6+s4+$0xFFFFFF90 ss:$0x1], $0xffff;
	v14 =	vadd.f32 v15, v14;
	v15 =	vmul.f32 v16, v16;
	v8 =	vsub.f32 v8, v10  }
0x7df: {  	v10 =	vld.idx.msk [tilespmem:v7+s4+$0xFFFFFFD0 ss:$0x1], $0xffff  }
0x7e0: {  	v5 =	vsub.f32 v5, v11;
	v16 =	vld.idx.msk [tilespmem:v6+s4+$0xFFFFFFA0 ss:$0x1], $0xffff;
	v14 =	vadd.f32 v15, v14;
	v8 =	vmul.f32 v8, v8  }
0x7e1: {  	v11 =	vld.idx.msk [tilespmem:v7+s4+$0xFFFFFFE0 ss:$0x1], $0xffff  }
0x7e2: {  	v5 =	vmul.f32 v5, v5;
	v9 =	vsub.f32 v9, v12;
	v15 =	vld.idx.msk [tilespmem:v6+s4+$0xFFFFFFB0 ss:$0x1], $0xffff;
	v8 =	vadd.f32 v8, v14  }
0x7e3: {  	v12 =	vld.idx.msk [tilespmem:v7+s4+$0xFFFFFFF0 ss:$0x1], $0xffff  }
0x7e4: {  	v13 =	vsub.f32 v13, v17;
	v14 =	vld.idx.msk [tilespmem:v6+s4+$0xFFFFFFC0 ss:$0x1], $0xffff;
	v5 =	vadd.f32 v5, v8;
	v8 =	vmul.f32 v9, v9  }
0x7e5: {  	v17 =	vld.idx.msk [tilespmem:v7+s4+$0x0 ss:$0x1], $0xffff  }
0x7e6: {  	v9 =	vmul.f32 v13, v13;
	v10 =	vsub.f32 v10, v16;
	v13 =	vld.idx.msk [tilespmem:v6+s4+$0xFFFFFFD0 ss:$0x1], $0xffff;
	v5 =	vadd.f32 v8, v5  }
0x7e7: {  	v8 =	vld.idx.msk [tilespmem:v7+s4+$0x10 ss:$0x1], $0xffff  }
0x7e8: {  	v16 =	vmul.f32 v10, v10;
	v11 =	vsub.f32 v11, v15;
	v9 =	vadd.f32 v9, v5;
	v10 =	vld.idx.msk [tilespmem:v6+s4+$0xFFFFFFE0 ss:$0x1], $0xffff  }
.Ltmp31:
0x7e9: {  	v5 =	vld.idx.msk [tilespmem:v7+s4+$0x20 ss:$0x1], $0xffff;
	(pc) =	sbr.rel @p0 .LBB2_65-.Ltmp31, $4  }
0x7ea: {  	v12 =	vsub.f32 v12, v14;
	v15 =	vadd.f32 v16, v9;
	v16 =	vmul.f32 v11, v11;
	v11 =	vld.idx.msk [tilespmem:v6+s4+$0xFFFFFFF0 ss:$0x1], $0xffff  }
0x7eb: {  	v9 =	vld.idx.msk [tilespmem:v7+s4+$0x30 ss:$0x1], $0xffff  }
0x7ec: {  	v14 =	vadd.f32 v16, v15;
	v15 =	vmul.f32 v12, v12;
	v16 =	vsub.f32 v17, v13;
	v12 =	vld.idx.msk [tilespmem:v6+s4+$0x0 ss:$0x1], $0xffff;
	s4 =	sshra.s32 s5, $0x2  }
0x7ed: {  	s5 =	sadd.s32 $0x1000, s5;
	v13 =	vld.idx.msk [tilespmem:v7+s4+$0xFFFFFFC0 ss:$0x1], $0xffff  }
0x7ee: {  	_ =	sdelay $0x2  }
0x7ef: {  	v14 =	vadd.f32 v15, v14;
	v42 =	vmul.f32 v16, v16;
	v8 =	vsub.f32 v8, v10  }
0x7f0: {  	v43 =	vld.idx.msk [tilespmem:v6+s4+$0xFFFFFF90 ss:$0x1], $0xffff  }
0x7f1: {  	v44 =	vld.idx.msk [tilespmem:v7+s4+$0xFFFFFFD0 ss:$0x1], $0xffff;
	v5 =	vsub.f32 v5, v11;
	v14 =	vadd.f32 v42, v14;
	v8 =	vmul.f32 v8, v8  }
0x7f2: {  	v45 =	vld.idx.msk [tilespmem:v6+s4+$0xFFFFFFA0 ss:$0x1], $0xffff  }
0x7f3: {  	v46 =	vld.idx.msk [tilespmem:v7+s4+$0xFFFFFFE0 ss:$0x1], $0xffff;
	v5 =	vmul.f32 v5, v5;
	v9 =	vsub.f32 v9, v12;
	v8 =	vadd.f32 v8, v14  }
0x7f4: {  	v47 =	vld.idx.msk [tilespmem:v6+s4+$0xFFFFFFB0 ss:$0x1], $0xffff  }
0x7f5: {  	v48 =	vld.idx.msk [tilespmem:v7+s4+$0xFFFFFFF0 ss:$0x1], $0xffff;
	v10 =	vsub.f32 v13, v43;
	v49 =	vmul.f32 v9, v9;
	v5 =	vadd.f32 v5, v8  }
0x7f6: {  	v50 =	vld.idx.msk [tilespmem:v6+s4+$0xFFFFFFC0 ss:$0x1], $0xffff  }
0x7f7: {  	v51 =	vld.idx.msk [tilespmem:v7+s4+$0x0 ss:$0x1], $0xffff;
	v11 =	vsub.f32 v44, v45;
	v10 =	vmul.f32 v10, v10;
	v5 =	vadd.f32 v49, v5  }
0x7f8: {  	v52 =	vld.idx.msk [tilespmem:v6+s4+$0xFFFFFFD0 ss:$0x1], $0xffff  }
0x7f9: {  	v53 =	vld.idx.msk [tilespmem:v7+s4+$0x10 ss:$0x1], $0xffff;
	v55 =	vsub.f32 v46, v47;
	v54 =	vmul.f32 v11, v11;
	v5 =	vadd.f32 v10, v5  }
0x7fa: {  	v56 =	vld.idx.msk [tilespmem:v6+s4+$0xFFFFFFE0 ss:$0x1], $0xffff  }
0x7fb: {  	v57 =	vld.idx.msk [tilespmem:v7+s4+$0x20 ss:$0x1], $0xffff;
	v9 =	vsub.f32 v48, v50;
	v58 =	vmul.f32 v55, v55;
	v5 =	vadd.f32 v54, v5  }
0x7fc: {  	v59 =	vld.idx.msk [tilespmem:v6+s4+$0xFFFFFFF0 ss:$0x1], $0xffff  }
0x7fd: {  	v7 =	vld.idx.msk [tilespmem:v7+s4+$0x30 ss:$0x1], $0xffff;
	v8 =	vsub.f32 v51, v52;
	v9 =	vmul.f32 v9, v9;
	v5 =	vadd.f32 v58, v5  }
0x7fe: {  	v6 =	vld.idx.msk [tilespmem:v6+s4+$0x0 ss:$0x1], $0xffff  }
0x7ff: {  	v60 =	vsub.f32 v53, v56;
	v8 =	vmul.f32 v8, v8;
	v5 =	vadd.f32 v9, v5;
	_ =	sdelay $0x1  }
0x800: {  	s29 =	sadd.s32 $0x1, s29;
	v62 =	vsub.f32 v57, v59;
	v61 =	vmul.f32 v60, v60;
	v5 =	vadd.f32 v8, v5  }
0x801: {  	p0 =	sne.s32 s29, $0x20  }
.Ltmp32:
0x802: {  	v6 =	vsub.f32 v7, v6;
	v63 =	vmul.f32 v62, v62;
	v5 =	vadd.f32 v61, v5;
	(pc) =	sbr.rel @p0 .LBB2_64-.Ltmp32, $3  }
0x803: {  	_ = 	snop  }
0x804: {  	v6 =	vmul.f32 v6, v6;
	v5 =	vadd.f32 v63, v5;
	_ =	sdelay $0x1  }
0x805: {  	s28 =	sadd.s32 $0x1, s28;
	v5 =	vadd.f32 v6, v5  }
0x806: {  	s4 =	sld [smem:$0x7FB];
	_ =	sdelay $0x1  }
0x807: {  	s5 =	simm.s32 $0x1A200;
	[tilespmem:$0x1A200] =	vst v5  }
0x808: {  	[hbm4b:s4+s1] =	stream.linear.scatter [tilespmem:s5], [sflag:$0x4], $0x80, $0x38;
	[tilespmem:$0x1A280] =	vst v63  }
0x809: {  	_ =	swait.ge [sflag:s12], $0x80  }
0x80a: {  	s5 =	sld [smem:$0x7FC]  }
0x80b: {  	[sflag:s12] =	ssyncset.done $0x0  }
0x80c: {  	s29 =	simm.s32 $0x80;
	s28 =	simm.s32 $0x400;
	[sflag:s12] =	ssyncadd.s32 $0xFFFFFF80  }
0x80d: {  	[hbm4b:s5+s29] =	stream.strided.scatter [tilespmem:s30], [sflag:$0x4], $0x2000, s28, s29, $0x38;
	[tilespmem:$0x1A280] =	vst v63  }
0x80e: {  	_ =	swait.ge [sflag:s12], $0x2000  }
0x80f: {  	s29 =	sld [smem:$0x7FD];
	_ =	sdelay $0x1  }
0x810: {  	s26 =	sadd.s32 $0x1, s26  }
0x811: {  	p0 =	sne.s32 s26, s29  }
.Ltmp33:
0x812: {  	_ = 	snop;
	(pc) =	sbr.rel @p0 .LBB2_1-.Ltmp33, $3  }
0x813: {  	_ =	sdelay $0x1  }
0x814: {  	[sflag:s12] =	ssyncset.done $0x0  }
0x815: {  	[sflag:s12] =	ssyncadd.s32 $0xFFFFE000  }
0x816: {  	_ =	sfence.sel $0x180000  }
0x817: {  	[bflag:$0x0] =	sbarrier.arrive $0xFFFF  }
0x818: {  	_ =	strace $0x90000047  }
0x819: {  	s0 =	stileid.u32;
	[bflag:$0x2] =	sbarrier.arrive $0xFFFF  }
0x81a: {  	p0 =	sne.s32 s0, $0x0;
	s0 =	rddreg [dreg:$0x4]  }
0x81b: {  	s0 =	sadd.s32 @!p0 $0x100000, s0  }
0x81c: {  	[sflag:s0] =	ssyncadd.tile.s32 @!p0 $0x1;
	_ =	shalt  }
.Lfunc_end2:
_tile_overlayer_lowered:
.L_overlay_start_2:
0x81d: {  	(tag) =	ssettag $0x2  }
0x81e: {  	s0 =	rddreg [dreg:$0x0];
	s2 =	stileid.u32  }
0x81f: {  	s1 =	rddreg [dreg:$0x1];
	p0 =	sne.s32 s2, $0x0  }
0x820: {  	s3 =	rddreg [dreg:$0x2];
	[bflag:$0x3] =	sbarrier.arrive $0xFFFF;
	s2 =	simm.s32 @!p0 $0x1C04  }
0x821: {  	[timem:s3], [sflag:s2] =	dma.local @!p0 [hbm:s0], s1  }
0x822: {  	s0 =	simm.s32 @!p0 $0x4  }
0x823: {  	_ =	swait.ge @!p0 [sflag:s0], s1  }
0x824: {  	s1 =	ssub.s32 @!p0 $0x0, s1;
	[sflag:s0] =	ssyncset.done @!p0 $0x0  }
0x825: {  	[sflag:s0] =	ssyncadd.s32 @!p0 s1  }
0x826: {  	[bflag:$0x3] =	sbarrier.arrive $0xFFFF  }
0x827: {  	_ =	shalt  }

</sc_bundles>
